<compile_context>
chip_gen: v7x
topology: tpu7x:2x2x1
jax: 0.10.2.dev20260603
libtpu: 0.0.44.dev20260713+nightly
codegen_flags: <defaults>
</compile_context>

<pallas_src>
import dataclasses
import functools

import jax
import jax.numpy as jnp
from jax import lax
from jax.experimental import pallas as pl
from jax.experimental.pallas import tpu as pltpu
from jax.experimental.pallas import tpu_sc as plsc

N = 10000
E = 320000
NUM_GRAPHS = 64
IN_CH = 128
HID = 64

NC = 2
NS = 16
NW = NC * NS
CHUNK = 128

NPAD = 10112
E_PAD = 327680
N_CHUNKS = E_PAD // (NW * CHUNK)

DEG_W = 16
DPAD = 10240
CNT_OFF = NPAD
DEG_LIST = 344064
DEG_CHUNKS = DEG_LIST // (NW * CHUNK)


def _mesh():
    return plsc.VectorSubcoreMesh(core_axis_name="c", subcore_axis_name="s")


def _no_layout_cp():
    cp = pltpu.CompilerParams()
    if "needs_layout_passes" in pltpu.CompilerParams.__dataclass_fields__:
        cp = dataclasses.replace(cp, needs_layout_passes=False)
    return cp



HALF = DPAD // 2


def _count_kernel(idx3d, zdeg):

    @functools.partial(
        pl.kernel,
        out_type=jax.ShapeDtypeStruct((NW, 2, 16, HALF), jnp.float32),
        mesh=_mesh(),
        compiler_params=_no_layout_cp(),
        scratch_types=[
            pltpu.VMEM((DEG_CHUNKS, CHUNK), jnp.int32),
            pltpu.VMEM((16, HALF), jnp.float32),
        ],
    )
    def k(idx_hbm, z_hbm, out_hbm, didx, hist):
        c = lax.axis_index("c")
        s = lax.axis_index("s")
        wid = c * NS + s
        pltpu.sync_copy(idx_hbm.at[wid], didx)
        lane = lax.broadcasted_iota(jnp.int32, (16,), 0)
        ones16 = jnp.ones((16,), jnp.float32)

        @pl.loop(0, 2)
        def _(half):
            base = half * HALF
            pltpu.sync_copy(z_hbm, hist)

            @pl.loop(0, DEG_CHUNKS)
            def _(j):
                @pl.loop(0, CHUNK // 16)
                def _(g):
                    idx = didx[j, pl.ds(g * 16, 16)]
                    local = idx - base
                    m = (idx >= base) & (idx < base + HALF)
                    plsc.addupdate_scatter(hist, [lane, local], ones16,
                                           mask=m)

            pltpu.sync_copy(hist, out_hbm.at[wid].at[half])

    return k(idx3d, zdeg)


TOT_CHUNKS = E_PAD // CHUNK
SEG0_LIST = (48, 48, 48, 8)
C0_CHUNKS = sum(SEG0_LIST)
SEG1_LIST = (8,)
C1_CHUNKS = sum(SEG1_LIST)
MAXSEG = max(max(SEG0_LIST), max(SEG1_LIST))
assert NS * (C0_CHUNKS + C1_CHUNKS) == TOT_CHUNKS


def _edge_pass(hs, src2d, dst2d, F):

    NBUF = 2

    @functools.partial(
        pl.kernel,
        out_type=jax.ShapeDtypeStruct((NC, NPAD, F), jnp.float32),
        mesh=_mesh(),
        scratch_types=(
            [pltpu.VMEM((MAXSEG, CHUNK), jnp.int32),
             pltpu.VMEM((MAXSEG, CHUNK), jnp.int32),
             pltpu.VMEM_SHARED((NPAD, F), jnp.float32)]
            + [pltpu.VMEM((CHUNK, F), jnp.float32)] * NBUF
            + [pltpu.SemaphoreType.DMA] * (2 * NBUF)
        ),
    )
    def k(hs_hbm, src_hbm, dst_hbm, out_hbm, sidx, didx, acc, *bufs):
        rows = bufs[:NBUF]
        gsem = bufs[NBUF:2 * NBUF]
        ssem = bufs[2 * NBUF:]
        c = lax.axis_index("c")
        s = lax.axis_index("s")
        rpt = NPAD // NS
        base = s * rpt

        def run_segment(off, seg_chunks):
            pltpu.sync_copy(src_hbm.at[pl.ds(off, seg_chunks)],
                            sidx.at[pl.ds(0, seg_chunks)])
            pltpu.sync_copy(dst_hbm.at[pl.ds(off, seg_chunks)],
                            didx.at[pl.ds(0, seg_chunks)])
            for b in range(NBUF):
                pltpu.async_copy(hs_hbm.at[sidx.at[b]], rows[b], gsem[b])

            @pl.loop(0, seg_chunks, step=NBUF)
            def _(j):
                scs = []
                for b in range(NBUF):
                    pltpu.make_async_copy(hs_hbm.at[sidx.at[j + b]],
                                          rows[b], gsem[b]).wait()
                    scs.append(
                        pltpu.async_copy(rows[b], acc.at[didx.at[j + b]],
                                         ssem[b], add=True))
                for b in range(NBUF):
                    scs[b].wait()

                    @pl.when(j + b + NBUF < seg_chunks)
                    def _(b=b):
                        pltpu.async_copy(hs_hbm.at[sidx.at[j + b + NBUF]],
                                         rows[b], gsem[b])

        z16 = jnp.zeros((16,), jnp.float32)
        zrow = rows[0]

        @pl.loop(0, CHUNK)
        def _(i):
            @pl.loop(0, F // 16)
            def _(g):
                zrow[i, pl.ds(g * 16, 16)] = z16

        nfull = rpt // CHUNK
        rem = rpt - nfull * CHUNK
        for kk in range(nfull):
            pltpu.sync_copy(zrow, acc.at[pl.ds(base + kk * CHUNK, CHUNK)])
        if rem:
            pltpu.sync_copy(zrow.at[pl.ds(0, rem)],
                            acc.at[pl.ds(base + nfull * CHUNK, rem)])
        plsc.subcore_barrier()

        @pl.when(c == 0)
        def _():
            off = s * C0_CHUNKS
            for seg in SEG0_LIST:
                run_segment(off, seg)
                off += seg

        @pl.when(c == 1)
        def _():
            off = NS * C0_CHUNKS + s * C1_CHUNKS
            for seg in SEG1_LIST:
                run_segment(off, seg)
                off += seg

        plsc.subcore_barrier()
        pltpu.sync_copy(acc.at[pl.ds(base, rpt)],
                        out_hbm.at[c].at[pl.ds(base, rpt)])

    return k(hs, src2d, dst2d)



def _tc(fn, out_shape, *args):
    return pl.pallas_call(fn, out_shape=out_shape)(*args)


def _mm1_body(x_ref, w_ref, o_ref):
    o_ref[...] = jnp.dot(x_ref[...], w_ref[...],
                         preferred_element_type=jnp.float32)


def _scale_body(h_ref, deg_ref, hs_ref, dis_ref, cnt_ref):
    d = jnp.sum(deg_ref[...], axis=0)
    ones161 = jnp.ones((16, 1), jnp.float32)
    col0 = lax.dot_general(d[0], ones161, (((0,), (0,)), ((), ())),
                           preferred_element_type=jnp.float32)
    col1 = lax.dot_general(d[1], ones161, (((0,), (0,)), ((), ())),
                           preferred_element_type=jnp.float32)
    deg = jnp.concatenate([col0, col1], axis=0)
    dis = lax.rsqrt(1.0 + deg[:N])
    dis_ref[...] = dis
    cnt_ref[...] = deg[CNT_OFF:CNT_OFF + NUM_GRAPHS]
    hs_ref[...] = jnp.concatenate(
        [h_ref[...] * dis, jnp.zeros((N, 2 * HID - HID), jnp.float32)], axis=1)


def _layer_body(nf, s_ref, hs_ref, dis_ref, b_ref, w_ref, o_ref):
    sarr = s_ref[...]
    agg = sarr[0, :N, :nf] + sarr[1, :N, :nf] + hs_ref[:, :nf]
    dis = dis_ref[...]
    a = jnp.maximum(dis * agg + b_ref[...], 0.0)
    o_ref[...] = jnp.dot(a, w_ref[...],
                         preferred_element_type=jnp.float32) * dis


def _final_body(s_ref, hs_ref, dis_ref, b_ref, cnt_ref, batch_ref,
                wf1_ref, bf1_ref, wf2_ref, bf2_ref, o_ref):
    sarr = s_ref[...]
    out3 = dis_ref[...] * (sarr[0, :N, :] + sarr[1, :N, :] + hs_ref[...]) \
        + b_ref[...]
    gids = lax.broadcasted_iota(jnp.int32, (1, NUM_GRAPHS), 1)
    onehot = (batch_ref[...] == gids).astype(jnp.float32)
    sums = lax.dot_general(onehot, out3, (((0,), (0,)), ((), ())),
                           preferred_element_type=jnp.float32,
                           precision=lax.Precision.HIGHEST)
    pooled = sums / jnp.maximum(cnt_ref[...], 1.0)
    z = jnp.maximum(jnp.dot(pooled, wf1_ref[...],
                            preferred_element_type=jnp.float32)
                    + bf1_ref[...], 0.0)
    o_ref[...] = jnp.dot(z, wf2_ref[...],
                         preferred_element_type=jnp.float32) + bf2_ref[...]



@jax.jit
def kernel(x, edge_index, batch, W1, b1, W2, b2, W3, b3, Wf1, bf1, Wf2, bf2):
    src = edge_index[0]
    dst = edge_index[1]

    pad_e = E_PAD - E
    src_p = jnp.concatenate([src, jnp.zeros((pad_e,), jnp.int32)])
    dst_p = jnp.concatenate([dst, jnp.full((pad_e,), N, jnp.int32)])
    src2d = src_p.reshape(TOT_CHUNKS, CHUNK)
    dst2d = dst_p.reshape(TOT_CHUNKS, CHUNK)

    pad_c = DEG_LIST - E - N
    cnt_idx = jnp.concatenate([
        dst, batch + CNT_OFF, jnp.full((pad_c,), N, jnp.int32)
    ]).reshape(NW, DEG_CHUNKS, CHUNK)

    zdeg = jnp.zeros((16, HALF), jnp.float32)
    batch2d = batch.reshape(N, 1)

    counts = _count_kernel(cnt_idx, zdeg)
    h1 = _tc(_mm1_body, jax.ShapeDtypeStruct((N, HID), jnp.float32), x, W1)

    hs1, dis, cnt = _tc(
        _scale_body,
        (jax.ShapeDtypeStruct((N, 2 * HID), jnp.float32),
         jax.ShapeDtypeStruct((N, 1), jnp.float32),
         jax.ShapeDtypeStruct((NUM_GRAPHS, 1), jnp.float32)),
        h1, counts)

    s1 = _edge_pass(hs1, src2d, dst2d, 2 * HID)
    hs2 = _tc(functools.partial(_layer_body, HID),
              jax.ShapeDtypeStruct((N, 2 * HID), jnp.float32),
              s1, hs1, dis, b1.reshape(1, HID), W2)

    s2 = _edge_pass(hs2, src2d, dst2d, 2 * HID)
    hs3 = _tc(functools.partial(_layer_body, 2 * HID),
              jax.ShapeDtypeStruct((N, 2 * HID), jnp.float32),
              s2, hs2, dis, b2.reshape(1, 2 * HID), W3)

    s3 = _edge_pass(hs3, src2d, dst2d, 2 * HID)
    out = _tc(_final_body, jax.ShapeDtypeStruct((NUM_GRAPHS, 1), jnp.float32),
              s3, hs3, dis, b3.reshape(1, 2 * HID), cnt, batch2d,
              Wf1, bf1.reshape(1, HID), Wf2, bf2.reshape(1, 1))
    return out

# --- scband reference (transcript-rebuilt; emitter-appended) ---
"""Pipeline reference for scband-betti-gcn-14456859918546 (READ-ONLY COPY).

The authoritative reference and input builder live on the scoring server;
editing this copy changes nothing except your own understanding.
"""

import jax, jax.numpy as jnp
import numpy as np

N = 10000
E = 320000
NUM_GRAPHS = 64
IN_CH = 128
HID = 64


def gcn_conv(x, src, dst, W, b, num_nodes):
    # GCNConv: add self-loops, symmetric normalization D^-1/2 (A+I) D^-1/2 X W + b
    loop = jnp.arange(num_nodes, dtype=src.dtype)
    s = jnp.concatenate([src, loop])
    d = jnp.concatenate([dst, loop])
    deg = jnp.zeros((num_nodes,), dtype=x.dtype).at[d].add(1.0)
    dis = jax.lax.rsqrt(jnp.clip(deg, 1.0))
    norm = dis[s] * dis[d]
    h = x @ W
    msg = jnp.take(h, s, axis=0) * norm[:, None]
    out = jnp.zeros((num_nodes, W.shape[1]), dtype=x.dtype).at[d].add(msg)
    return out + b


def setup_inputs(seed: int = 0) -> dict:
    key = jax.random.key(seed)
    ks = jax.random.split(key, 13)
    x = jax.random.normal(ks[0], (N, IN_CH), dtype=jnp.float32)
    edge_index = jax.random.randint(ks[1], (2, E), 0, N, dtype=jnp.int32)
    batch = jnp.sort(jax.random.randint(ks[2], (N,), 0, NUM_GRAPHS, dtype=jnp.int32))
    W1 = jax.random.normal(ks[3], (IN_CH, HID), dtype=jnp.float32) * (1.0 / np.sqrt(IN_CH))
    b1 = jnp.zeros((HID,), dtype=jnp.float32)
    W2 = jax.random.normal(ks[4], (HID, HID * 2), dtype=jnp.float32) * (1.0 / np.sqrt(HID))
    b2 = jnp.zeros((HID * 2,), dtype=jnp.float32)
    W3 = jax.random.normal(ks[5], (HID * 2, HID * 2), dtype=jnp.float32) * (1.0 / np.sqrt(HID * 2))
    b3 = jnp.zeros((HID * 2,), dtype=jnp.float32)
    Wf1 = jax.random.normal(ks[6], (HID * 2, HID), dtype=jnp.float32) * (1.0 / np.sqrt(HID * 2))
    bf1 = jnp.zeros((HID,), dtype=jnp.float32)
    Wf2 = jax.random.normal(ks[7], (HID, 1), dtype=jnp.float32) * (1.0 / np.sqrt(HID))
    bf2 = jnp.zeros((1,), dtype=jnp.float32)
    return {"x": x, "edge_index": edge_index, "batch": batch,
            "W1": W1, "b1": b1, "W2": W2, "b2": b2, "W3": W3, "b3": b3,
            "Wf1": Wf1, "bf1": bf1, "Wf2": Wf2, "bf2": bf2}


def reference(x, edge_index, batch, W1, b1, W2, b2, W3, b3, Wf1, bf1, Wf2, bf2):
    src = edge_index[0]
    dst = edge_index[1]
    h = jax.nn.relu(gcn_conv(x, src, dst, W1, b1, N))
    h = jax.nn.relu(gcn_conv(h, src, dst, W2, b2, N))
    h = gcn_conv(h, src, dst, W3, b3, N)
    sums = jax.ops.segment_sum(h, batch, num_segments=NUM_GRAPHS)
    cnt = jax.ops.segment_sum(jnp.ones((N,), dtype=h.dtype), batch, num_segments=NUM_GRAPHS)
    pooled = sums / jnp.clip(cnt, 1.0)[:, None]
    z = jax.nn.relu(pooled @ Wf1 + bf1)
    # dropout is identity in eval mode
    out = z @ Wf2 + bf2
    return out

if __name__ == "__main__":
    import jax
    _d = setup_inputs()
    print(jax.jit(kernel)(*tuple(_d.values())))

</pallas_src>

<mosaic_0001>
#map = affine_map<(d0, d1) -> (0, 0)>
#map1 = affine_map<(d0, d1) -> (0, 0, 0)>
module attributes {stable_mosaic.version = 14 : i64} {
  func.func @k(%arg0: i32, %arg1: i32, %arg2: memref<10000x128xf32, #tpu.memory_space<hbm>>, %arg3: memref<2560x128xi32, #tpu.memory_space<hbm>>, %arg4: memref<2560x128xi32, #tpu.memory_space<hbm>>, %arg5: memref<2x10112x128xf32, #tpu.memory_space<hbm>>, %arg6: memref<48x128xi32, #tpu.memory_space<vmem>>, %arg7: memref<48x128xi32, #tpu.memory_space<vmem>>, %arg8: memref<10112x128xf32, #tpu.memory_space<vmem_shared>>, %arg9: memref<128x128xf32, #tpu.memory_space<vmem>>, %arg10: memref<128x128xf32, #tpu.memory_space<vmem>>, %arg11: memref<!tpu.dma_semaphore, #tpu.memory_space<semaphore_mem>>, %arg12: memref<!tpu.dma_semaphore, #tpu.memory_space<semaphore_mem>>, %arg13: memref<!tpu.dma_semaphore, #tpu.memory_space<semaphore_mem>>, %arg14: memref<!tpu.dma_semaphore, #tpu.memory_space<semaphore_mem>>) attributes {dimension_semantics = [#tpu.dimension_semantics<core_parallel>, #tpu.dimension_semantics<subcore_parallel>], iteration_bounds = array<i64: 2, 16>, scalar_prefetch = 0 : i64, scratch_operands = 9 : i64, tpu.core_type = #tpu.core_type<sc_vector_subcore>, window_params = [{transform_indices = #map}, {transform_indices = #map}, {transform_indices = #map}, {transform_indices = #map1}]} {
    %mul3A = arith.constant 632 : i32
    %mul3A_0 = arith.muli %arg1, %mul3A : i32
    %broadcast_in_dim3A = arith.constant 0.000000e+00 : f32
    %broadcast_in_dim3A_1 = vector.broadcast %broadcast_in_dim3A : f32 to vector<16xf32>
    %scan3A = arith.constant 0 : i32
    %scan3A_2 = arith.constant 128 : i32
    %scan3A_3 = arith.addi %scan3A, %scan3A_2 : i32
    %scan3A_4 = arith.constant 1 : i32
    scf.for %scan3A_23 = %scan3A to %scan3A_3 step %scan3A_4  : i32 {
      %mul3A_24 = arith.constant 1 : i32
      %mul3A_25 = arith.muli %scan3A_23, %mul3A_24 : i32
      %add3A_26 = arith.constant 0 : i32
      %add3A_27 = arith.addi %add3A_26, %mul3A_25 : i32
      %scan3A_28 = arith.constant 0 : i32
      %scan3A_29 = arith.constant 8 : i32
      %scan3A_30 = arith.addi %scan3A_28, %scan3A_29 : i32
      %scan3A_31 = arith.constant 1 : i32
      scf.for %scan3A_33 = %scan3A_28 to %scan3A_30 step %scan3A_31  : i32 {
        %mul3A_34 = arith.constant 1 : i32
        %mul3A_35 = arith.muli %scan3A_33, %mul3A_34 : i32
        %add3A_36 = arith.constant 0 : i32
        %add3A_37 = arith.addi %add3A_36, %mul3A_35 : i32
        %mul3A_38 = arith.constant 16 : i32
        %mul3A_39 = arith.muli %add3A_37, %mul3A_38 : i32
        %swap3A = arith.index_cast %add3A_27 : i32 to index
        %swap3A_40 = arith.index_cast %mul3A_39 : i32 to index
        %swap3A_41 = tpu.vector_load %arg9[%swap3A, %swap3A_40] {strides = array<i32>} : memref<128x128xf32, #tpu.memory_space<vmem>>, vector<1x16xf32>,
        %swap3A_42 = vector.shape_cast %swap3A_41 : vector<1x16xf32> to vector<16xf32>
        %swap3A_43 = vector.shape_cast %broadcast_in_dim3A_1 : vector<16xf32> to vector<1x16xf32>
        tpu.vector_store %arg9[%swap3A, %swap3A_40], %swap3A_43 {strides = array<i32>} : memref<128x128xf32, #tpu.memory_space<vmem>>, vector<1x16xf32>,
      }
      %scan3A_32 = arith.constant 8 : i32
    }
    %scan3A_5 = arith.constant 128 : i32
    %add3A = arith.constant 0 : i32
    %add3A_6 = arith.addi %mul3A_0, %add3A : i32
    "tpu.region"() ({
      %run_scoped3A = tpu.sem_alloc : memref<!tpu.dma_semaphore, #tpu.memory_space<semaphore_mem>>
      %dma_start3A = arith.constant 0 : i32
      %dma_start3A_23 = tpu.memref_slice %arg8[%add3A_6, %dma_start3A] : memref<10112x128xf32, #tpu.memory_space<vmem_shared>> -> memref<128x128xf32, #tpu.memory_space<vmem_shared>>
      %dma_start3A_24 = arith.constant 0 : i32
      %dma_start3A_25 = tpu.memref_slice %arg8[%add3A_6, %dma_start3A_24] : memref<10112x128xf32, #tpu.memory_space<vmem_shared>> -> memref<128x128xf32, #tpu.memory_space<vmem_shared>>
      tpu.enqueue_dma source(%arg9 : memref<128x128xf32, #tpu.memory_space<vmem>>) target(%dma_start3A_25 : memref<128x128xf32, #tpu.memory_space<vmem_shared>>) target_semaphore(%run_scoped3A : memref<!tpu.dma_semaphore, #tpu.memory_space<semaphore_mem>>)
      %dma_wait3A = arith.constant 0 : i32
      %dma_wait3A_26 = tpu.memref_slice %arg8[%add3A_6, %dma_wait3A] : memref<10112x128xf32, #tpu.memory_space<vmem_shared>> -> memref<128x128xf32, #tpu.memory_space<vmem_shared>>
      %dma_wait3A_27 = arith.constant 0 : i32
      %dma_wait3A_28 = tpu.memref_slice %arg8[%add3A_6, %dma_wait3A_27] : memref<10112x128xf32, #tpu.memory_space<vmem_shared>> -> memref<128x128xf32, #tpu.memory_space<vmem_shared>>
      tpu.wait_dma2 semaphore(%run_scoped3A : memref<!tpu.dma_semaphore, #tpu.memory_space<semaphore_mem>>) src(%arg9 : memref<128x128xf32, #tpu.memory_space<vmem>>) dst(%dma_wait3A_28 : memref<128x128xf32, #tpu.memory_space<vmem_shared>>)
      tpu.yield
    }) : () -> ()
    %add3A_7 = arith.constant 128 : i32
    %add3A_8 = arith.addi %mul3A_0, %add3A_7 : i32
    "tpu.region"() ({
      %run_scoped3A = tpu.sem_alloc : memref<!tpu.dma_semaphore, #tpu.memory_space<semaphore_mem>>
      %dma_start3A = arith.constant 0 : i32
      %dma_start3A_23 = tpu.memref_slice %arg8[%add3A_8, %dma_start3A] : memref<10112x128xf32, #tpu.memory_space<vmem_shared>> -> memref<128x128xf32, #tpu.memory_space<vmem_shared>>
      %dma_start3A_24 = arith.constant 0 : i32
      %dma_start3A_25 = tpu.memref_slice %arg8[%add3A_8, %dma_start3A_24] : memref<10112x128xf32, #tpu.memory_space<vmem_shared>> -> memref<128x128xf32, #tpu.memory_space<vmem_shared>>
      tpu.enqueue_dma source(%arg9 : memref<128x128xf32, #tpu.memory_space<vmem>>) target(%dma_start3A_25 : memref<128x128xf32, #tpu.memory_space<vmem_shared>>) target_semaphore(%run_scoped3A : memref<!tpu.dma_semaphore, #tpu.memory_space<semaphore_mem>>)
      %dma_wait3A = arith.constant 0 : i32
      %dma_wait3A_26 = tpu.memref_slice %arg8[%add3A_8, %dma_wait3A] : memref<10112x128xf32, #tpu.memory_space<vmem_shared>> -> memref<128x128xf32, #tpu.memory_space<vmem_shared>>
      %dma_wait3A_27 = arith.constant 0 : i32
      %dma_wait3A_28 = tpu.memref_slice %arg8[%add3A_8, %dma_wait3A_27] : memref<10112x128xf32, #tpu.memory_space<vmem_shared>> -> memref<128x128xf32, #tpu.memory_space<vmem_shared>>
      tpu.wait_dma2 semaphore(%run_scoped3A : memref<!tpu.dma_semaphore, #tpu.memory_space<semaphore_mem>>) src(%arg9 : memref<128x128xf32, #tpu.memory_space<vmem>>) dst(%dma_wait3A_28 : memref<128x128xf32, #tpu.memory_space<vmem_shared>>)
      tpu.yield
    }) : () -> ()
    %add3A_9 = arith.constant 256 : i32
    %add3A_10 = arith.addi %mul3A_0, %add3A_9 : i32
    "tpu.region"() ({
      %run_scoped3A = tpu.sem_alloc : memref<!tpu.dma_semaphore, #tpu.memory_space<semaphore_mem>>
      %dma_start3A = arith.constant 0 : i32
      %dma_start3A_23 = tpu.memref_slice %arg8[%add3A_10, %dma_start3A] : memref<10112x128xf32, #tpu.memory_space<vmem_shared>> -> memref<128x128xf32, #tpu.memory_space<vmem_shared>>
      %dma_start3A_24 = arith.constant 0 : i32
      %dma_start3A_25 = tpu.memref_slice %arg8[%add3A_10, %dma_start3A_24] : memref<10112x128xf32, #tpu.memory_space<vmem_shared>> -> memref<128x128xf32, #tpu.memory_space<vmem_shared>>
      tpu.enqueue_dma source(%arg9 : memref<128x128xf32, #tpu.memory_space<vmem>>) target(%dma_start3A_25 : memref<128x128xf32, #tpu.memory_space<vmem_shared>>) target_semaphore(%run_scoped3A : memref<!tpu.dma_semaphore, #tpu.memory_space<semaphore_mem>>)
      %dma_wait3A = arith.constant 0 : i32
      %dma_wait3A_26 = tpu.memref_slice %arg8[%add3A_10, %dma_wait3A] : memref<10112x128xf32, #tpu.memory_space<vmem_shared>> -> memref<128x128xf32, #tpu.memory_space<vmem_shared>>
      %dma_wait3A_27 = arith.constant 0 : i32
      %dma_wait3A_28 = tpu.memref_slice %arg8[%add3A_10, %dma_wait3A_27] : memref<10112x128xf32, #tpu.memory_space<vmem_shared>> -> memref<128x128xf32, #tpu.memory_space<vmem_shared>>
      tpu.wait_dma2 semaphore(%run_scoped3A : memref<!tpu.dma_semaphore, #tpu.memory_space<semaphore_mem>>) src(%arg9 : memref<128x128xf32, #tpu.memory_space<vmem>>) dst(%dma_wait3A_28 : memref<128x128xf32, #tpu.memory_space<vmem_shared>>)
      tpu.yield
    }) : () -> ()
    %add3A_11 = arith.constant 384 : i32
    %add3A_12 = arith.addi %mul3A_0, %add3A_11 : i32
    "tpu.region"() ({
      %run_scoped3A = tpu.sem_alloc : memref<!tpu.dma_semaphore, #tpu.memory_space<semaphore_mem>>
      %dma_start3A = arith.constant 0 : i32
      %dma_start3A_23 = tpu.memref_slice %arg8[%add3A_12, %dma_start3A] : memref<10112x128xf32, #tpu.memory_space<vmem_shared>> -> memref<128x128xf32, #tpu.memory_space<vmem_shared>>
      %dma_start3A_24 = arith.constant 0 : i32
      %dma_start3A_25 = tpu.memref_slice %arg8[%add3A_12, %dma_start3A_24] : memref<10112x128xf32, #tpu.memory_space<vmem_shared>> -> memref<128x128xf32, #tpu.memory_space<vmem_shared>>
      tpu.enqueue_dma source(%arg9 : memref<128x128xf32, #tpu.memory_space<vmem>>) target(%dma_start3A_25 : memref<128x128xf32, #tpu.memory_space<vmem_shared>>) target_semaphore(%run_scoped3A : memref<!tpu.dma_semaphore, #tpu.memory_space<semaphore_mem>>)
      %dma_wait3A = arith.constant 0 : i32
      %dma_wait3A_26 = tpu.memref_slice %arg8[%add3A_12, %dma_wait3A] : memref<10112x128xf32, #tpu.memory_space<vmem_shared>> -> memref<128x128xf32, #tpu.memory_space<vmem_shared>>
      %dma_wait3A_27 = arith.constant 0 : i32
      %dma_wait3A_28 = tpu.memref_slice %arg8[%add3A_12, %dma_wait3A_27] : memref<10112x128xf32, #tpu.memory_space<vmem_shared>> -> memref<128x128xf32, #tpu.memory_space<vmem_shared>>
      tpu.wait_dma2 semaphore(%run_scoped3A : memref<!tpu.dma_semaphore, #tpu.memory_space<semaphore_mem>>) src(%arg9 : memref<128x128xf32, #tpu.memory_space<vmem>>) dst(%dma_wait3A_28 : memref<128x128xf32, #tpu.memory_space<vmem_shared>>)
      tpu.yield
    }) : () -> ()
    %add3A_13 = arith.constant 512 : i32
    %add3A_14 = arith.addi %mul3A_0, %add3A_13 : i32
    "tpu.region"() ({
      %run_scoped3A = tpu.sem_alloc : memref<!tpu.dma_semaphore, #tpu.memory_space<semaphore_mem>>
      %dma_start3A = arith.constant 0 : i32
      %dma_start3A_23 = arith.constant 0 : i32
      %dma_start3A_24 = tpu.memref_slice %arg9[%dma_start3A, %dma_start3A_23] : memref<128x128xf32, #tpu.memory_space<vmem>> -> memref<120x128xf32, #tpu.memory_space<vmem>>
      %dma_start3A_25 = arith.constant 0 : i32
      %dma_start3A_26 = tpu.memref_slice %arg8[%add3A_14, %dma_start3A_25] : memref<10112x128xf32, #tpu.memory_space<vmem_shared>> -> memref<120x128xf32, #tpu.memory_space<vmem_shared>>
      %dma_start3A_27 = arith.constant 0 : i32
      %dma_start3A_28 = tpu.memref_slice %arg8[%add3A_14, %dma_start3A_27] : memref<10112x128xf32, #tpu.memory_space<vmem_shared>> -> memref<120x128xf32, #tpu.memory_space<vmem_shared>>
      %dma_start3A_29 = arith.constant 0 : i32
      %dma_start3A_30 = arith.constant 0 : i32
      %dma_start3A_31 = tpu.memref_slice %arg9[%dma_start3A_29, %dma_start3A_30] : memref<128x128xf32, #tpu.memory_space<vmem>> -> memref<120x128xf32, #tpu.memory_space<vmem>>
      tpu.enqueue_dma source(%dma_start3A_31 : memref<120x128xf32, #tpu.memory_space<vmem>>) target(%dma_start3A_28 : memref<120x128xf32, #tpu.memory_space<vmem_shared>>) target_semaphore(%run_scoped3A : memref<!tpu.dma_semaphore, #tpu.memory_space<semaphore_mem>>)
      %dma_wait3A = arith.constant 0 : i32
      %dma_wait3A_32 = arith.constant 0 : i32
      %dma_wait3A_33 = tpu.memref_slice %arg9[%dma_wait3A, %dma_wait3A_32] : memref<128x128xf32, #tpu.memory_space<vmem>> -> memref<120x128xf32, #tpu.memory_space<vmem>>
      %dma_wait3A_34 = arith.constant 0 : i32
      %dma_wait3A_35 = tpu.memref_slice %arg8[%add3A_14, %dma_wait3A_34] : memref<10112x128xf32, #tpu.memory_space<vmem_shared>> -> memref<120x128xf32, #tpu.memory_space<vmem_shared>>
      %dma_wait3A_36 = arith.constant 0 : i32
      %dma_wait3A_37 = tpu.memref_slice %arg8[%add3A_14, %dma_wait3A_36] : memref<10112x128xf32, #tpu.memory_space<vmem_shared>> -> memref<120x128xf32, #tpu.memory_space<vmem_shared>>
      %dma_wait3A_38 = arith.constant 0 : i32
      %dma_wait3A_39 = arith.constant 0 : i32
      %dma_wait3A_40 = tpu.memref_slice %arg9[%dma_wait3A_38, %dma_wait3A_39] : memref<128x128xf32, #tpu.memory_space<vmem>> -> memref<120x128xf32, #tpu.memory_space<vmem>>
      tpu.wait_dma2 semaphore(%run_scoped3A : memref<!tpu.dma_semaphore, #tpu.memory_space<semaphore_mem>>) src(%dma_wait3A_40 : memref<120x128xf32, #tpu.memory_space<vmem>>) dst(%dma_wait3A_37 : memref<120x128xf32, #tpu.memory_space<vmem_shared>>)
      tpu.yield
    }) : () -> ()
    %barrier3A = arith.constant 0 : index
    tpu.barrier barrier_id(%barrier3A)
    %eq3A = arith.constant 0 : i32
    %eq3A_15 = arith.cmpi eq, %arg0, %eq3A : i32
    %convert_element_type3A = arith.extui %eq3A_15 : i1 to i32
    %cond3A = arith.constant 0 : i32
    %cond3A_16 = arith.cmpi ne, %convert_element_type3A, %cond3A : i32
    scf.if %cond3A_16 {
      %mul3A_23 = arith.constant 152 : i32
      %mul3A_24 = arith.muli %arg1, %mul3A_23 : i32
      "tpu.region"() ({
        %run_scoped3A = tpu.sem_alloc : memref<!tpu.dma_semaphore, #tpu.memory_space<semaphore_mem>>
        %dma_start3A_108 = arith.constant 0 : i32
        %dma_start3A_109 = arith.constant 0 : i32
        %dma_start3A_110 = tpu.memref_slice %arg6[%dma_start3A_108, %dma_start3A_109] : memref<48x128xi32, #tpu.memory_space<vmem>> -> memref<48x128xi32, #tpu.memory_space<vmem>>
        %dma_start3A_111 = arith.constant 0 : i32
        %dma_start3A_112 = tpu.memref_slice %arg3[%mul3A_24, %dma_start3A_111] : memref<2560x128xi32, #tpu.memory_space<hbm>> -> memref<48x128xi32, #tpu.memory_space<hbm>>
        %dma_start3A_113 = arith.constant 0 : i32
        %dma_start3A_114 = arith.constant 0 : i32
        %dma_start3A_115 = tpu.memref_slice %arg6[%dma_start3A_113, %dma_start3A_114] : memref<48x128xi32, #tpu.memory_space<vmem>> -> memref<48x128xi32, #tpu.memory_space<vmem>>
        %dma_start3A_116 = arith.constant 0 : i32
        %dma_start3A_117 = tpu.memref_slice %arg3[%mul3A_24, %dma_start3A_116] : memref<2560x128xi32, #tpu.memory_space<hbm>> -> memref<48x128xi32, #tpu.memory_space<hbm>>
        tpu.enqueue_dma source(%dma_start3A_117 : memref<48x128xi32, #tpu.memory_space<hbm>>) target(%dma_start3A_115 : memref<48x128xi32, #tpu.memory_space<vmem>>) target_semaphore(%run_scoped3A : memref<!tpu.dma_semaphore, #tpu.memory_space<semaphore_mem>>)
        %dma_wait3A = arith.constant 0 : i32
        %dma_wait3A_118 = arith.constant 0 : i32
        %dma_wait3A_119 = tpu.memref_slice %arg6[%dma_wait3A, %dma_wait3A_118] : memref<48x128xi32, #tpu.memory_space<vmem>> -> memref<48x128xi32, #tpu.memory_space<vmem>>
        %dma_wait3A_120 = arith.constant 0 : i32
        %dma_wait3A_121 = tpu.memref_slice %arg3[%mul3A_24, %dma_wait3A_120] : memref<2560x128xi32, #tpu.memory_space<hbm>> -> memref<48x128xi32, #tpu.memory_space<hbm>>
        %dma_wait3A_122 = arith.constant 0 : i32
        %dma_wait3A_123 = arith.constant 0 : i32
        %dma_wait3A_124 = tpu.memref_slice %arg6[%dma_wait3A_122, %dma_wait3A_123] : memref<48x128xi32, #tpu.memory_space<vmem>> -> memref<48x128xi32, #tpu.memory_space<vmem>>
        %dma_wait3A_125 = arith.constant 0 : i32
        %dma_wait3A_126 = tpu.memref_slice %arg3[%mul3A_24, %dma_wait3A_125] : memref<2560x128xi32, #tpu.memory_space<hbm>> -> memref<48x128xi32, #tpu.memory_space<hbm>>
        tpu.wait_dma2 semaphore(%run_scoped3A : memref<!tpu.dma_semaphore, #tpu.memory_space<semaphore_mem>>) src(%dma_wait3A_126 : memref<48x128xi32, #tpu.memory_space<hbm>>) dst(%dma_wait3A_124 : memref<48x128xi32, #tpu.memory_space<vmem>>)
        tpu.yield
      }) : () -> ()
      "tpu.region"() ({
        %run_scoped3A = tpu.sem_alloc : memref<!tpu.dma_semaphore, #tpu.memory_space<semaphore_mem>>
        %dma_start3A_108 = arith.constant 0 : i32
        %dma_start3A_109 = arith.constant 0 : i32
        %dma_start3A_110 = tpu.memref_slice %arg7[%dma_start3A_108, %dma_start3A_109] : memref<48x128xi32, #tpu.memory_space<vmem>> -> memref<48x128xi32, #tpu.memory_space<vmem>>
        %dma_start3A_111 = arith.constant 0 : i32
        %dma_start3A_112 = tpu.memref_slice %arg4[%mul3A_24, %dma_start3A_111] : memref<2560x128xi32, #tpu.memory_space<hbm>> -> memref<48x128xi32, #tpu.memory_space<hbm>>
        %dma_start3A_113 = arith.constant 0 : i32
        %dma_start3A_114 = arith.constant 0 : i32
        %dma_start3A_115 = tpu.memref_slice %arg7[%dma_start3A_113, %dma_start3A_114] : memref<48x128xi32, #tpu.memory_space<vmem>> -> memref<48x128xi32, #tpu.memory_space<vmem>>
        %dma_start3A_116 = arith.constant 0 : i32
        %dma_start3A_117 = tpu.memref_slice %arg4[%mul3A_24, %dma_start3A_116] : memref<2560x128xi32, #tpu.memory_space<hbm>> -> memref<48x128xi32, #tpu.memory_space<hbm>>
        tpu.enqueue_dma source(%dma_start3A_117 : memref<48x128xi32, #tpu.memory_space<hbm>>) target(%dma_start3A_115 : memref<48x128xi32, #tpu.memory_space<vmem>>) target_semaphore(%run_scoped3A : memref<!tpu.dma_semaphore, #tpu.memory_space<semaphore_mem>>)
        %dma_wait3A = arith.constant 0 : i32
        %dma_wait3A_118 = arith.constant 0 : i32
        %dma_wait3A_119 = tpu.memref_slice %arg7[%dma_wait3A, %dma_wait3A_118] : memref<48x128xi32, #tpu.memory_space<vmem>> -> memref<48x128xi32, #tpu.memory_space<vmem>>
        %dma_wait3A_120 = arith.constant 0 : i32
        %dma_wait3A_121 = tpu.memref_slice %arg4[%mul3A_24, %dma_wait3A_120] : memref<2560x128xi32, #tpu.memory_space<hbm>> -> memref<48x128xi32, #tpu.memory_space<hbm>>
        %dma_wait3A_122 = arith.constant 0 : i32
        %dma_wait3A_123 = arith.constant 0 : i32
        %dma_wait3A_124 = tpu.memref_slice %arg7[%dma_wait3A_122, %dma_wait3A_123] : memref<48x128xi32, #tpu.memory_space<vmem>> -> memref<48x128xi32, #tpu.memory_space<vmem>>
        %dma_wait3A_125 = arith.constant 0 : i32
        %dma_wait3A_126 = tpu.memref_slice %arg4[%mul3A_24, %dma_wait3A_125] : memref<2560x128xi32, #tpu.memory_space<hbm>> -> memref<48x128xi32, #tpu.memory_space<hbm>>
        tpu.wait_dma2 semaphore(%run_scoped3A : memref<!tpu.dma_semaphore, #tpu.memory_space<semaphore_mem>>) src(%dma_wait3A_126 : memref<48x128xi32, #tpu.memory_space<hbm>>) dst(%dma_wait3A_124 : memref<48x128xi32, #tpu.memory_space<vmem>>)
        tpu.yield
      }) : () -> ()
      %dma_start3A = arith.constant 0 : i32
      %dma_start3A_25 = arith.constant 0 : i32
      %dma_start3A_26 = tpu.memref_slice %arg6[%dma_start3A, %dma_start3A_25] : memref<48x128xi32, #tpu.memory_space<vmem>> -> memref<1x128xi32, #tpu.memory_space<vmem>>
      %dma_start3A_27 = tpu.memref_squeeze %dma_start3A_26 : memref<1x128xi32, #tpu.memory_space<vmem>> -> memref<128xi32, #tpu.memory_space<vmem>>
      %dma_start3A_28 = arith.constant 0 : i32
      %dma_start3A_29 = arith.constant 0 : i32
      %dma_start3A_30 = tpu.memref_slice %arg2[%dma_start3A_28, %dma_start3A_29] : memref<10000x128xf32, #tpu.memory_space<hbm>> -> memref<10000x128xf32, #tpu.memory_space<hbm>>
      tpu.enqueue_indirect_dma source(%dma_start3A_30 : memref<10000x128xf32, #tpu.memory_space<hbm>>) target(%arg9 : memref<128x128xf32, #tpu.memory_space<vmem>>) offsets(%dma_start3A_27 : memref<128xi32, #tpu.memory_space<vmem>>) semaphore(%arg11 : memref<!tpu.dma_semaphore, #tpu.memory_space<semaphore_mem>>)
      %dma_start3A_31 = arith.constant 1 : i32
      %dma_start3A_32 = arith.constant 0 : i32
      %dma_start3A_33 = tpu.memref_slice %arg6[%dma_start3A_31, %dma_start3A_32] : memref<48x128xi32, #tpu.memory_space<vmem>> -> memref<1x128xi32, #tpu.memory_space<vmem>>
      %dma_start3A_34 = tpu.memref_squeeze %dma_start3A_33 : memref<1x128xi32, #tpu.memory_space<vmem>> -> memref<128xi32, #tpu.memory_space<vmem>>
      %dma_start3A_35 = arith.constant 0 : i32
      %dma_start3A_36 = arith.constant 0 : i32
      %dma_start3A_37 = tpu.memref_slice %arg2[%dma_start3A_35, %dma_start3A_36] : memref<10000x128xf32, #tpu.memory_space<hbm>> -> memref<10000x128xf32, #tpu.memory_space<hbm>>
      tpu.enqueue_indirect_dma source(%dma_start3A_37 : memref<10000x128xf32, #tpu.memory_space<hbm>>) target(%arg10 : memref<128x128xf32, #tpu.memory_space<vmem>>) offsets(%dma_start3A_34 : memref<128xi32, #tpu.memory_space<vmem>>) semaphore(%arg12 : memref<!tpu.dma_semaphore, #tpu.memory_space<semaphore_mem>>)
      %scan3A_38 = arith.constant 0 : i32
      %scan3A_39 = arith.constant 24 : i32
      %scan3A_40 = arith.addi %scan3A_38, %scan3A_39 : i32
      %scan3A_41 = arith.constant 1 : i32
      scf.for %scan3A_108 = %scan3A_38 to %scan3A_40 step %scan3A_41  : i32 {
        %mul3A_109 = arith.constant 2 : i32
        %mul3A_110 = arith.muli %scan3A_108, %mul3A_109 : i32
        %add3A_111 = arith.constant 0 : i32
        %add3A_112 = arith.addi %add3A_111, %mul3A_110 : i32
        %add3A_113 = arith.constant 0 : i32
        %add3A_114 = arith.addi %add3A_112, %add3A_113 : i32
        %dma_wait3A = arith.constant 0 : i32
        %dma_wait3A_115 = tpu.memref_slice %arg6[%add3A_114, %dma_wait3A] : memref<48x128xi32, #tpu.memory_space<vmem>> -> memref<1x128xi32, #tpu.memory_space<vmem>>
        %dma_wait3A_116 = tpu.memref_squeeze %dma_wait3A_115 : memref<1x128xi32, #tpu.memory_space<vmem>> -> memref<128xi32, #tpu.memory_space<vmem>>
        %dma_wait3A_117 = arith.constant 0 : i32
        %dma_wait3A_118 = arith.constant 0 : i32
        %dma_wait3A_119 = tpu.memref_slice %arg2[%dma_wait3A_117, %dma_wait3A_118] : memref<10000x128xf32, #tpu.memory_space<hbm>> -> memref<10000x128xf32, #tpu.memory_space<hbm>>
        tpu.wait_indirect_dma semaphore(%arg11 : memref<!tpu.dma_semaphore, #tpu.memory_space<semaphore_mem>>) src(%dma_wait3A_119 : memref<10000x128xf32, #tpu.memory_space<hbm>>) dst(%arg9 : memref<128x128xf32, #tpu.memory_space<vmem>>)
        %add3A_120 = arith.constant 0 : i32
        %add3A_121 = arith.addi %add3A_112, %add3A_120 : i32
        %dma_start3A_122 = arith.constant 0 : i32
        %dma_start3A_123 = tpu.memref_slice %arg7[%add3A_121, %dma_start3A_122] : memref<48x128xi32, #tpu.memory_space<vmem>> -> memref<1x128xi32, #tpu.memory_space<vmem>>
        %dma_start3A_124 = tpu.memref_squeeze %dma_start3A_123 : memref<1x128xi32, #tpu.memory_space<vmem>> -> memref<128xi32, #tpu.memory_space<vmem>>
        %dma_start3A_125 = arith.constant 0 : i32
        %dma_start3A_126 = arith.constant 0 : i32
        %dma_start3A_127 = tpu.memref_slice %arg8[%dma_start3A_125, %dma_start3A_126] : memref<10112x128xf32, #tpu.memory_space<vmem_shared>> -> memref<10112x128xf32, #tpu.memory_space<vmem_shared>>
        tpu.enqueue_indirect_dma source(%arg9 : memref<128x128xf32, #tpu.memory_space<vmem>>) target(%dma_start3A_127 : memref<10112x128xf32, #tpu.memory_space<vmem_shared>>) offsets(%dma_start3A_124 : memref<128xi32, #tpu.memory_space<vmem>>) semaphore(%arg13 : memref<!tpu.dma_semaphore, #tpu.memory_space<semaphore_mem>>) {add = true}
        %add3A_128 = arith.constant 1 : i32
        %add3A_129 = arith.addi %add3A_112, %add3A_128 : i32
        %dma_wait3A_130 = arith.constant 0 : i32
        %dma_wait3A_131 = tpu.memref_slice %arg6[%add3A_129, %dma_wait3A_130] : memref<48x128xi32, #tpu.memory_space<vmem>> -> memref<1x128xi32, #tpu.memory_space<vmem>>
        %dma_wait3A_132 = tpu.memref_squeeze %dma_wait3A_131 : memref<1x128xi32, #tpu.memory_space<vmem>> -> memref<128xi32, #tpu.memory_space<vmem>>
        %dma_wait3A_133 = arith.constant 0 : i32
        %dma_wait3A_134 = arith.constant 0 : i32
        %dma_wait3A_135 = tpu.memref_slice %arg2[%dma_wait3A_133, %dma_wait3A_134] : memref<10000x128xf32, #tpu.memory_space<hbm>> -> memref<10000x128xf32, #tpu.memory_space<hbm>>
        tpu.wait_indirect_dma semaphore(%arg12 : memref<!tpu.dma_semaphore, #tpu.memory_space<semaphore_mem>>) src(%dma_wait3A_135 : memref<10000x128xf32, #tpu.memory_space<hbm>>) dst(%arg10 : memref<128x128xf32, #tpu.memory_space<vmem>>)
        %add3A_136 = arith.constant 1 : i32
        %add3A_137 = arith.addi %add3A_112, %add3A_136 : i32
        %dma_start3A_138 = arith.constant 0 : i32
        %dma_start3A_139 = tpu.memref_slice %arg7[%add3A_137, %dma_start3A_138] : memref<48x128xi32, #tpu.memory_space<vmem>> -> memref<1x128xi32, #tpu.memory_space<vmem>>
        %dma_start3A_140 = tpu.memref_squeeze %dma_start3A_139 : memref<1x128xi32, #tpu.memory_space<vmem>> -> memref<128xi32, #tpu.memory_space<vmem>>
        %dma_start3A_141 = arith.constant 0 : i32
        %dma_start3A_142 = arith.constant 0 : i32
        %dma_start3A_143 = tpu.memref_slice %arg8[%dma_start3A_141, %dma_start3A_142] : memref<10112x128xf32, #tpu.memory_space<vmem_shared>> -> memref<10112x128xf32, #tpu.memory_space<vmem_shared>>
        tpu.enqueue_indirect_dma source(%arg10 : memref<128x128xf32, #tpu.memory_space<vmem>>) target(%dma_start3A_143 : memref<10112x128xf32, #tpu.memory_space<vmem_shared>>) offsets(%dma_start3A_140 : memref<128xi32, #tpu.memory_space<vmem>>) semaphore(%arg14 : memref<!tpu.dma_semaphore, #tpu.memory_space<semaphore_mem>>) {add = true}
        %dma_wait3A_144 = arith.constant 0 : i32
        %dma_wait3A_145 = tpu.memref_slice %arg7[%add3A_121, %dma_wait3A_144] : memref<48x128xi32, #tpu.memory_space<vmem>> -> memref<1x128xi32, #tpu.memory_space<vmem>>
        %dma_wait3A_146 = tpu.memref_squeeze %dma_wait3A_145 : memref<1x128xi32, #tpu.memory_space<vmem>> -> memref<128xi32, #tpu.memory_space<vmem>>
        %dma_wait3A_147 = arith.constant 0 : i32
        %dma_wait3A_148 = arith.constant 0 : i32
        %dma_wait3A_149 = tpu.memref_slice %arg8[%dma_wait3A_147, %dma_wait3A_148] : memref<10112x128xf32, #tpu.memory_space<vmem_shared>> -> memref<10112x128xf32, #tpu.memory_space<vmem_shared>>
        tpu.wait_indirect_dma semaphore(%arg13 : memref<!tpu.dma_semaphore, #tpu.memory_space<semaphore_mem>>) src(%arg9 : memref<128x128xf32, #tpu.memory_space<vmem>>) dst(%dma_wait3A_149 : memref<10112x128xf32, #tpu.memory_space<vmem_shared>>)
        %add3A_150 = arith.constant 0 : i32
        %add3A_151 = arith.addi %add3A_112, %add3A_150 : i32
        %add3A_152 = arith.constant 2 : i32
        %add3A_153 = arith.addi %add3A_151, %add3A_152 : i32
        %lt3A = arith.constant 48 : i32
        %lt3A_154 = arith.cmpi slt, %add3A_153, %lt3A : i32
        %convert_element_type3A_155 = arith.extui %lt3A_154 : i1 to i32
        %cond3A_156 = arith.constant 0 : i32
        %cond3A_157 = arith.cmpi ne, %convert_element_type3A_155, %cond3A_156 : i32
        scf.if %cond3A_157 {
          %add3A_173 = arith.constant 0 : i32
          %add3A_174 = arith.addi %add3A_112, %add3A_173 : i32
          %add3A_175 = arith.constant 2 : i32
          %add3A_176 = arith.addi %add3A_174, %add3A_175 : i32
          %dma_start3A_177 = arith.constant 0 : i32
          %dma_start3A_178 = tpu.memref_slice %arg6[%add3A_176, %dma_start3A_177] : memref<48x128xi32, #tpu.memory_space<vmem>> -> memref<1x128xi32, #tpu.memory_space<vmem>>
          %dma_start3A_179 = tpu.memref_squeeze %dma_start3A_178 : memref<1x128xi32, #tpu.memory_space<vmem>> -> memref<128xi32, #tpu.memory_space<vmem>>
          %dma_start3A_180 = arith.constant 0 : i32
          %dma_start3A_181 = arith.constant 0 : i32
          %dma_start3A_182 = tpu.memref_slice %arg2[%dma_start3A_180, %dma_start3A_181] : memref<10000x128xf32, #tpu.memory_space<hbm>> -> memref<10000x128xf32, #tpu.memory_space<hbm>>
          tpu.enqueue_indirect_dma source(%dma_start3A_182 : memref<10000x128xf32, #tpu.memory_space<hbm>>) target(%arg9 : memref<128x128xf32, #tpu.memory_space<vmem>>) offsets(%dma_start3A_179 : memref<128xi32, #tpu.memory_space<vmem>>) semaphore(%arg11 : memref<!tpu.dma_semaphore, #tpu.memory_space<semaphore_mem>>)
        } else {
        }
        %dma_wait3A_158 = arith.constant 0 : i32
        %dma_wait3A_159 = tpu.memref_slice %arg7[%add3A_137, %dma_wait3A_158] : memref<48x128xi32, #tpu.memory_space<vmem>> -> memref<1x128xi32, #tpu.memory_space<vmem>>
        %dma_wait3A_160 = tpu.memref_squeeze %dma_wait3A_159 : memref<1x128xi32, #tpu.memory_space<vmem>> -> memref<128xi32, #tpu.memory_space<vmem>>
        %dma_wait3A_161 = arith.constant 0 : i32
        %dma_wait3A_162 = arith.constant 0 : i32
        %dma_wait3A_163 = tpu.memref_slice %arg8[%dma_wait3A_161, %dma_wait3A_162] : memref<10112x128xf32, #tpu.memory_space<vmem_shared>> -> memref<10112x128xf32, #tpu.memory_space<vmem_shared>>
        tpu.wait_indirect_dma semaphore(%arg14 : memref<!tpu.dma_semaphore, #tpu.memory_space<semaphore_mem>>) src(%arg10 : memref<128x128xf32, #tpu.memory_space<vmem>>) dst(%dma_wait3A_163 : memref<10112x128xf32, #tpu.memory_space<vmem_shared>>)
        %add3A_164 = arith.constant 1 : i32
        %add3A_165 = arith.addi %add3A_112, %add3A_164 : i32
        %add3A_166 = arith.constant 2 : i32
        %add3A_167 = arith.addi %add3A_165, %add3A_166 : i32
        %lt3A_168 = arith.constant 48 : i32
        %lt3A_169 = arith.cmpi slt, %add3A_167, %lt3A_168 : i32
        %convert_element_type3A_170 = arith.extui %lt3A_169 : i1 to i32
        %cond3A_171 = arith.constant 0 : i32
        %cond3A_172 = arith.cmpi ne, %convert_element_type3A_170, %cond3A_171 : i32
        scf.if %cond3A_172 {
          %add3A_173 = arith.constant 1 : i32
          %add3A_174 = arith.addi %add3A_112, %add3A_173 : i32
          %add3A_175 = arith.constant 2 : i32
          %add3A_176 = arith.addi %add3A_174, %add3A_175 : i32
          %dma_start3A_177 = arith.constant 0 : i32
          %dma_start3A_178 = tpu.memref_slice %arg6[%add3A_176, %dma_start3A_177] : memref<48x128xi32, #tpu.memory_space<vmem>> -> memref<1x128xi32, #tpu.memory_space<vmem>>
          %dma_start3A_179 = tpu.memref_squeeze %dma_start3A_178 : memref<1x128xi32, #tpu.memory_space<vmem>> -> memref<128xi32, #tpu.memory_space<vmem>>
          %dma_start3A_180 = arith.constant 0 : i32
          %dma_start3A_181 = arith.constant 0 : i32
          %dma_start3A_182 = tpu.memref_slice %arg2[%dma_start3A_180, %dma_start3A_181] : memref<10000x128xf32, #tpu.memory_space<hbm>> -> memref<10000x128xf32, #tpu.memory_space<hbm>>
          tpu.enqueue_indirect_dma source(%dma_start3A_182 : memref<10000x128xf32, #tpu.memory_space<hbm>>) target(%arg10 : memref<128x128xf32, #tpu.memory_space<vmem>>) offsets(%dma_start3A_179 : memref<128xi32, #tpu.memory_space<vmem>>) semaphore(%arg12 : memref<!tpu.dma_semaphore, #tpu.memory_space<semaphore_mem>>)
        } else {
        }
      }
      %scan3A_42 = arith.constant 24 : i32
      %add3A_43 = arith.constant 48 : i32
      %add3A_44 = arith.addi %mul3A_24, %add3A_43 : i32
      "tpu.region"() ({
        %run_scoped3A = tpu.sem_alloc : memref<!tpu.dma_semaphore, #tpu.memory_space<semaphore_mem>>
        %dma_start3A_108 = arith.constant 0 : i32
        %dma_start3A_109 = arith.constant 0 : i32
        %dma_start3A_110 = tpu.memref_slice %arg6[%dma_start3A_108, %dma_start3A_109] : memref<48x128xi32, #tpu.memory_space<vmem>> -> memref<48x128xi32, #tpu.memory_space<vmem>>
        %dma_start3A_111 = arith.constant 0 : i32
        %dma_start3A_112 = tpu.memref_slice %arg3[%add3A_44, %dma_start3A_111] : memref<2560x128xi32, #tpu.memory_space<hbm>> -> memref<48x128xi32, #tpu.memory_space<hbm>>
        %dma_start3A_113 = arith.constant 0 : i32
        %dma_start3A_114 = arith.constant 0 : i32
        %dma_start3A_115 = tpu.memref_slice %arg6[%dma_start3A_113, %dma_start3A_114] : memref<48x128xi32, #tpu.memory_space<vmem>> -> memref<48x128xi32, #tpu.memory_space<vmem>>
        %dma_start3A_116 = arith.constant 0 : i32
        %dma_start3A_117 = tpu.memref_slice %arg3[%add3A_44, %dma_start3A_116] : memref<2560x128xi32, #tpu.memory_space<hbm>> -> memref<48x128xi32, #tpu.memory_space<hbm>>
        tpu.enqueue_dma source(%dma_start3A_117 : memref<48x128xi32, #tpu.memory_space<hbm>>) target(%dma_start3A_115 : memref<48x128xi32, #tpu.memory_space<vmem>>) target_semaphore(%run_scoped3A : memref<!tpu.dma_semaphore, #tpu.memory_space<semaphore_mem>>)
        %dma_wait3A = arith.constant 0 : i32
        %dma_wait3A_118 = arith.constant 0 : i32
        %dma_wait3A_119 = tpu.memref_slice %arg6[%dma_wait3A, %dma_wait3A_118] : memref<48x128xi32, #tpu.memory_space<vmem>> -> memref<48x128xi32, #tpu.memory_space<vmem>>
        %dma_wait3A_120 = arith.constant 0 : i32
        %dma_wait3A_121 = tpu.memref_slice %arg3[%add3A_44, %dma_wait3A_120] : memref<2560x128xi32, #tpu.memory_space<hbm>> -> memref<48x128xi32, #tpu.memory_space<hbm>>
        %dma_wait3A_122 = arith.constant 0 : i32
        %dma_wait3A_123 = arith.constant 0 : i32
        %dma_wait3A_124 = tpu.memref_slice %arg6[%dma_wait3A_122, %dma_wait3A_123] : memref<48x128xi32, #tpu.memory_space<vmem>> -> memref<48x128xi32, #tpu.memory_space<vmem>>
        %dma_wait3A_125 = arith.constant 0 : i32
        %dma_wait3A_126 = tpu.memref_slice %arg3[%add3A_44, %dma_wait3A_125] : memref<2560x128xi32, #tpu.memory_space<hbm>> -> memref<48x128xi32, #tpu.memory_space<hbm>>
        tpu.wait_dma2 semaphore(%run_scoped3A : memref<!tpu.dma_semaphore, #tpu.memory_space<semaphore_mem>>) src(%dma_wait3A_126 : memref<48x128xi32, #tpu.memory_space<hbm>>) dst(%dma_wait3A_124 : memref<48x128xi32, #tpu.memory_space<vmem>>)
        tpu.yield
      }) : () -> ()
      "tpu.region"() ({
        %run_scoped3A = tpu.sem_alloc : memref<!tpu.dma_semaphore, #tpu.memory_space<semaphore_mem>>
        %dma_start3A_108 = arith.constant 0 : i32
        %dma_start3A_109 = arith.constant 0 : i32
        %dma_start3A_110 = tpu.memref_slice %arg7[%dma_start3A_108, %dma_start3A_109] : memref<48x128xi32, #tpu.memory_space<vmem>> -> memref<48x128xi32, #tpu.memory_space<vmem>>
        %dma_start3A_111 = arith.constant 0 : i32
        %dma_start3A_112 = tpu.memref_slice %arg4[%add3A_44, %dma_start3A_111] : memref<2560x128xi32, #tpu.memory_space<hbm>> -> memref<48x128xi32, #tpu.memory_space<hbm>>
        %dma_start3A_113 = arith.constant 0 : i32
        %dma_start3A_114 = arith.constant 0 : i32
        %dma_start3A_115 = tpu.memref_slice %arg7[%dma_start3A_113, %dma_start3A_114] : memref<48x128xi32, #tpu.memory_space<vmem>> -> memref<48x128xi32, #tpu.memory_space<vmem>>
        %dma_start3A_116 = arith.constant 0 : i32
        %dma_start3A_117 = tpu.memref_slice %arg4[%add3A_44, %dma_start3A_116] : memref<2560x128xi32, #tpu.memory_space<hbm>> -> memref<48x128xi32, #tpu.memory_space<hbm>>
        tpu.enqueue_dma source(%dma_start3A_117 : memref<48x128xi32, #tpu.memory_space<hbm>>) target(%dma_start3A_115 : memref<48x128xi32, #tpu.memory_space<vmem>>) target_semaphore(%run_scoped3A : memref<!tpu.dma_semaphore, #tpu.memory_space<semaphore_mem>>)
        %dma_wait3A = arith.constant 0 : i32
        %dma_wait3A_118 = arith.constant 0 : i32
        %dma_wait3A_119 = tpu.memref_slice %arg7[%dma_wait3A, %dma_wait3A_118] : memref<48x128xi32, #tpu.memory_space<vmem>> -> memref<48x128xi32, #tpu.memory_space<vmem>>
        %dma_wait3A_120 = arith.constant 0 : i32
        %dma_wait3A_121 = tpu.memref_slice %arg4[%add3A_44, %dma_wait3A_120] : memref<2560x128xi32, #tpu.memory_space<hbm>> -> memref<48x128xi32, #tpu.memory_space<hbm>>
        %dma_wait3A_122 = arith.constant 0 : i32
        %dma_wait3A_123 = arith.constant 0 : i32
        %dma_wait3A_124 = tpu.memref_slice %arg7[%dma_wait3A_122, %dma_wait3A_123] : memref<48x128xi32, #tpu.memory_space<vmem>> -> memref<48x128xi32, #tpu.memory_space<vmem>>
        %dma_wait3A_125 = arith.constant 0 : i32
        %dma_wait3A_126 = tpu.memref_slice %arg4[%add3A_44, %dma_wait3A_125] : memref<2560x128xi32, #tpu.memory_space<hbm>> -> memref<48x128xi32, #tpu.memory_space<hbm>>
        tpu.wait_dma2 semaphore(%run_scoped3A : memref<!tpu.dma_semaphore, #tpu.memory_space<semaphore_mem>>) src(%dma_wait3A_126 : memref<48x128xi32, #tpu.memory_space<hbm>>) dst(%dma_wait3A_124 : memref<48x128xi32, #tpu.memory_space<vmem>>)
        tpu.yield
      }) : () -> ()
      %dma_start3A_45 = arith.constant 0 : i32
      %dma_start3A_46 = arith.constant 0 : i32
      %dma_start3A_47 = tpu.memref_slice %arg6[%dma_start3A_45, %dma_start3A_46] : memref<48x128xi32, #tpu.memory_space<vmem>> -> memref<1x128xi32, #tpu.memory_space<vmem>>
      %dma_start3A_48 = tpu.memref_squeeze %dma_start3A_47 : memref<1x128xi32, #tpu.memory_space<vmem>> -> memref<128xi32, #tpu.memory_space<vmem>>
      %dma_start3A_49 = arith.constant 0 : i32
      %dma_start3A_50 = arith.constant 0 : i32
      %dma_start3A_51 = tpu.memref_slice %arg2[%dma_start3A_49, %dma_start3A_50] : memref<10000x128xf32, #tpu.memory_space<hbm>> -> memref<10000x128xf32, #tpu.memory_space<hbm>>
      tpu.enqueue_indirect_dma source(%dma_start3A_51 : memref<10000x128xf32, #tpu.memory_space<hbm>>) target(%arg9 : memref<128x128xf32, #tpu.memory_space<vmem>>) offsets(%dma_start3A_48 : memref<128xi32, #tpu.memory_space<vmem>>) semaphore(%arg11 : memref<!tpu.dma_semaphore, #tpu.memory_space<semaphore_mem>>)
      %dma_start3A_52 = arith.constant 1 : i32
      %dma_start3A_53 = arith.constant 0 : i32
      %dma_start3A_54 = tpu.memref_slice %arg6[%dma_start3A_52, %dma_start3A_53] : memref<48x128xi32, #tpu.memory_space<vmem>> -> memref<1x128xi32, #tpu.memory_space<vmem>>
      %dma_start3A_55 = tpu.memref_squeeze %dma_start3A_54 : memref<1x128xi32, #tpu.memory_space<vmem>> -> memref<128xi32, #tpu.memory_space<vmem>>
      %dma_start3A_56 = arith.constant 0 : i32
      %dma_start3A_57 = arith.constant 0 : i32
      %dma_start3A_58 = tpu.memref_slice %arg2[%dma_start3A_56, %dma_start3A_57] : memref<10000x128xf32, #tpu.memory_space<hbm>> -> memref<10000x128xf32, #tpu.memory_space<hbm>>
      tpu.enqueue_indirect_dma source(%dma_start3A_58 : memref<10000x128xf32, #tpu.memory_space<hbm>>) target(%arg10 : memref<128x128xf32, #tpu.memory_space<vmem>>) offsets(%dma_start3A_55 : memref<128xi32, #tpu.memory_space<vmem>>) semaphore(%arg12 : memref<!tpu.dma_semaphore, #tpu.memory_space<semaphore_mem>>)
      %scan3A_59 = arith.constant 0 : i32
      %scan3A_60 = arith.constant 24 : i32
      %scan3A_61 = arith.addi %scan3A_59, %scan3A_60 : i32
      %scan3A_62 = arith.constant 1 : i32
      scf.for %scan3A_108 = %scan3A_59 to %scan3A_61 step %scan3A_62  : i32 {
        %mul3A_109 = arith.constant 2 : i32
        %mul3A_110 = arith.muli %scan3A_108, %mul3A_109 : i32
        %add3A_111 = arith.constant 0 : i32
        %add3A_112 = arith.addi %add3A_111, %mul3A_110 : i32
        %add3A_113 = arith.constant 0 : i32
        %add3A_114 = arith.addi %add3A_112, %add3A_113 : i32
        %dma_wait3A = arith.constant 0 : i32
        %dma_wait3A_115 = tpu.memref_slice %arg6[%add3A_114, %dma_wait3A] : memref<48x128xi32, #tpu.memory_space<vmem>> -> memref<1x128xi32, #tpu.memory_space<vmem>>
        %dma_wait3A_116 = tpu.memref_squeeze %dma_wait3A_115 : memref<1x128xi32, #tpu.memory_space<vmem>> -> memref<128xi32, #tpu.memory_space<vmem>>
        %dma_wait3A_117 = arith.constant 0 : i32
        %dma_wait3A_118 = arith.constant 0 : i32
        %dma_wait3A_119 = tpu.memref_slice %arg2[%dma_wait3A_117, %dma_wait3A_118] : memref<10000x128xf32, #tpu.memory_space<hbm>> -> memref<10000x128xf32, #tpu.memory_space<hbm>>
        tpu.wait_indirect_dma semaphore(%arg11 : memref<!tpu.dma_semaphore, #tpu.memory_space<semaphore_mem>>) src(%dma_wait3A_119 : memref<10000x128xf32, #tpu.memory_space<hbm>>) dst(%arg9 : memref<128x128xf32, #tpu.memory_space<vmem>>)
        %add3A_120 = arith.constant 0 : i32
        %add3A_121 = arith.addi %add3A_112, %add3A_120 : i32
        %dma_start3A_122 = arith.constant 0 : i32
        %dma_start3A_123 = tpu.memref_slice %arg7[%add3A_121, %dma_start3A_122] : memref<48x128xi32, #tpu.memory_space<vmem>> -> memref<1x128xi32, #tpu.memory_space<vmem>>
        %dma_start3A_124 = tpu.memref_squeeze %dma_start3A_123 : memref<1x128xi32, #tpu.memory_space<vmem>> -> memref<128xi32, #tpu.memory_space<vmem>>
        %dma_start3A_125 = arith.constant 0 : i32
        %dma_start3A_126 = arith.constant 0 : i32
        %dma_start3A_127 = tpu.memref_slice %arg8[%dma_start3A_125, %dma_start3A_126] : memref<10112x128xf32, #tpu.memory_space<vmem_shared>> -> memref<10112x128xf32, #tpu.memory_space<vmem_shared>>
        tpu.enqueue_indirect_dma source(%arg9 : memref<128x128xf32, #tpu.memory_space<vmem>>) target(%dma_start3A_127 : memref<10112x128xf32, #tpu.memory_space<vmem_shared>>) offsets(%dma_start3A_124 : memref<128xi32, #tpu.memory_space<vmem>>) semaphore(%arg13 : memref<!tpu.dma_semaphore, #tpu.memory_space<semaphore_mem>>) {add = true}
        %add3A_128 = arith.constant 1 : i32
        %add3A_129 = arith.addi %add3A_112, %add3A_128 : i32
        %dma_wait3A_130 = arith.constant 0 : i32
        %dma_wait3A_131 = tpu.memref_slice %arg6[%add3A_129, %dma_wait3A_130] : memref<48x128xi32, #tpu.memory_space<vmem>> -> memref<1x128xi32, #tpu.memory_space<vmem>>
        %dma_wait3A_132 = tpu.memref_squeeze %dma_wait3A_131 : memref<1x128xi32, #tpu.memory_space<vmem>> -> memref<128xi32, #tpu.memory_space<vmem>>
        %dma_wait3A_133 = arith.constant 0 : i32
        %dma_wait3A_134 = arith.constant 0 : i32
        %dma_wait3A_135 = tpu.memref_slice %arg2[%dma_wait3A_133, %dma_wait3A_134] : memref<10000x128xf32, #tpu.memory_space<hbm>> -> memref<10000x128xf32, #tpu.memory_space<hbm>>
        tpu.wait_indirect_dma semaphore(%arg12 : memref<!tpu.dma_semaphore, #tpu.memory_space<semaphore_mem>>) src(%dma_wait3A_135 : memref<10000x128xf32, #tpu.memory_space<hbm>>) dst(%arg10 : memref<128x128xf32, #tpu.memory_space<vmem>>)
        %add3A_136 = arith.constant 1 : i32
        %add3A_137 = arith.addi %add3A_112, %add3A_136 : i32
        %dma_start3A_138 = arith.constant 0 : i32
        %dma_start3A_139 = tpu.memref_slice %arg7[%add3A_137, %dma_start3A_138] : memref<48x128xi32, #tpu.memory_space<vmem>> -> memref<1x128xi32, #tpu.memory_space<vmem>>
        %dma_start3A_140 = tpu.memref_squeeze %dma_start3A_139 : memref<1x128xi32, #tpu.memory_space<vmem>> -> memref<128xi32, #tpu.memory_space<vmem>>
        %dma_start3A_141 = arith.constant 0 : i32
        %dma_start3A_142 = arith.constant 0 : i32
        %dma_start3A_143 = tpu.memref_slice %arg8[%dma_start3A_141, %dma_start3A_142] : memref<10112x128xf32, #tpu.memory_space<vmem_shared>> -> memref<10112x128xf32, #tpu.memory_space<vmem_shared>>
        tpu.enqueue_indirect_dma source(%arg10 : memref<128x128xf32, #tpu.memory_space<vmem>>) target(%dma_start3A_143 : memref<10112x128xf32, #tpu.memory_space<vmem_shared>>) offsets(%dma_start3A_140 : memref<128xi32, #tpu.memory_space<vmem>>) semaphore(%arg14 : memref<!tpu.dma_semaphore, #tpu.memory_space<semaphore_mem>>) {add = true}
        %dma_wait3A_144 = arith.constant 0 : i32
        %dma_wait3A_145 = tpu.memref_slice %arg7[%add3A_121, %dma_wait3A_144] : memref<48x128xi32, #tpu.memory_space<vmem>> -> memref<1x128xi32, #tpu.memory_space<vmem>>
        %dma_wait3A_146 = tpu.memref_squeeze %dma_wait3A_145 : memref<1x128xi32, #tpu.memory_space<vmem>> -> memref<128xi32, #tpu.memory_space<vmem>>
        %dma_wait3A_147 = arith.constant 0 : i32
        %dma_wait3A_148 = arith.constant 0 : i32
        %dma_wait3A_149 = tpu.memref_slice %arg8[%dma_wait3A_147, %dma_wait3A_148] : memref<10112x128xf32, #tpu.memory_space<vmem_shared>> -> memref<10112x128xf32, #tpu.memory_space<vmem_shared>>
        tpu.wait_indirect_dma semaphore(%arg13 : memref<!tpu.dma_semaphore, #tpu.memory_space<semaphore_mem>>) src(%arg9 : memref<128x128xf32, #tpu.memory_space<vmem>>) dst(%dma_wait3A_149 : memref<10112x128xf32, #tpu.memory_space<vmem_shared>>)
        %add3A_150 = arith.constant 0 : i32
        %add3A_151 = arith.addi %add3A_112, %add3A_150 : i32
        %add3A_152 = arith.constant 2 : i32
        %add3A_153 = arith.addi %add3A_151, %add3A_152 : i32
        %lt3A = arith.constant 48 : i32
        %lt3A_154 = arith.cmpi slt, %add3A_153, %lt3A : i32
        %convert_element_type3A_155 = arith.extui %lt3A_154 : i1 to i32
        %cond3A_156 = arith.constant 0 : i32
        %cond3A_157 = arith.cmpi ne, %convert_element_type3A_155, %cond3A_156 : i32
        scf.if %cond3A_157 {
          %add3A_173 = arith.constant 0 : i32
          %add3A_174 = arith.addi %add3A_112, %add3A_173 : i32
          %add3A_175 = arith.constant 2 : i32
          %add3A_176 = arith.addi %add3A_174, %add3A_175 : i32
          %dma_start3A_177 = arith.constant 0 : i32
          %dma_start3A_178 = tpu.memref_slice %arg6[%add3A_176, %dma_start3A_177] : memref<48x128xi32, #tpu.memory_space<vmem>> -> memref<1x128xi32, #tpu.memory_space<vmem>>
          %dma_start3A_179 = tpu.memref_squeeze %dma_start3A_178 : memref<1x128xi32, #tpu.memory_space<vmem>> -> memref<128xi32, #tpu.memory_space<vmem>>
          %dma_start3A_180 = arith.constant 0 : i32
          %dma_start3A_181 = arith.constant 0 : i32
          %dma_start3A_182 = tpu.memref_slice %arg2[%dma_start3A_180, %dma_start3A_181] : memref<10000x128xf32, #tpu.memory_space<hbm>> -> memref<10000x128xf32, #tpu.memory_space<hbm>>
          tpu.enqueue_indirect_dma source(%dma_start3A_182 : memref<10000x128xf32, #tpu.memory_space<hbm>>) target(%arg9 : memref<128x128xf32, #tpu.memory_space<vmem>>) offsets(%dma_start3A_179 : memref<128xi32, #tpu.memory_space<vmem>>) semaphore(%arg11 : memref<!tpu.dma_semaphore, #tpu.memory_space<semaphore_mem>>)
        } else {
        }
        %dma_wait3A_158 = arith.constant 0 : i32
        %dma_wait3A_159 = tpu.memref_slice %arg7[%add3A_137, %dma_wait3A_158] : memref<48x128xi32, #tpu.memory_space<vmem>> -> memref<1x128xi32, #tpu.memory_space<vmem>>
        %dma_wait3A_160 = tpu.memref_squeeze %dma_wait3A_159 : memref<1x128xi32, #tpu.memory_space<vmem>> -> memref<128xi32, #tpu.memory_space<vmem>>
        %dma_wait3A_161 = arith.constant 0 : i32
        %dma_wait3A_162 = arith.constant 0 : i32
        %dma_wait3A_163 = tpu.memref_slice %arg8[%dma_wait3A_161, %dma_wait3A_162] : memref<10112x128xf32, #tpu.memory_space<vmem_shared>> -> memref<10112x128xf32, #tpu.memory_space<vmem_shared>>
        tpu.wait_indirect_dma semaphore(%arg14 : memref<!tpu.dma_semaphore, #tpu.memory_space<semaphore_mem>>) src(%arg10 : memref<128x128xf32, #tpu.memory_space<vmem>>) dst(%dma_wait3A_163 : memref<10112x128xf32, #tpu.memory_space<vmem_shared>>)
        %add3A_164 = arith.constant 1 : i32
        %add3A_165 = arith.addi %add3A_112, %add3A_164 : i32
        %add3A_166 = arith.constant 2 : i32
        %add3A_167 = arith.addi %add3A_165, %add3A_166 : i32
        %lt3A_168 = arith.constant 48 : i32
        %lt3A_169 = arith.cmpi slt, %add3A_167, %lt3A_168 : i32
        %convert_element_type3A_170 = arith.extui %lt3A_169 : i1 to i32
        %cond3A_171 = arith.constant 0 : i32
        %cond3A_172 = arith.cmpi ne, %convert_element_type3A_170, %cond3A_171 : i32
        scf.if %cond3A_172 {
          %add3A_173 = arith.constant 1 : i32
          %add3A_174 = arith.addi %add3A_112, %add3A_173 : i32
          %add3A_175 = arith.constant 2 : i32
          %add3A_176 = arith.addi %add3A_174, %add3A_175 : i32
          %dma_start3A_177 = arith.constant 0 : i32
          %dma_start3A_178 = tpu.memref_slice %arg6[%add3A_176, %dma_start3A_177] : memref<48x128xi32, #tpu.memory_space<vmem>> -> memref<1x128xi32, #tpu.memory_space<vmem>>
          %dma_start3A_179 = tpu.memref_squeeze %dma_start3A_178 : memref<1x128xi32, #tpu.memory_space<vmem>> -> memref<128xi32, #tpu.memory_space<vmem>>
          %dma_start3A_180 = arith.constant 0 : i32
          %dma_start3A_181 = arith.constant 0 : i32
          %dma_start3A_182 = tpu.memref_slice %arg2[%dma_start3A_180, %dma_start3A_181] : memref<10000x128xf32, #tpu.memory_space<hbm>> -> memref<10000x128xf32, #tpu.memory_space<hbm>>
          tpu.enqueue_indirect_dma source(%dma_start3A_182 : memref<10000x128xf32, #tpu.memory_space<hbm>>) target(%arg10 : memref<128x128xf32, #tpu.memory_space<vmem>>) offsets(%dma_start3A_179 : memref<128xi32, #tpu.memory_space<vmem>>) semaphore(%arg12 : memref<!tpu.dma_semaphore, #tpu.memory_space<semaphore_mem>>)
        } else {
        }
      }
      %scan3A_63 = arith.constant 24 : i32
      %add3A_64 = arith.constant 48 : i32
      %add3A_65 = arith.addi %add3A_44, %add3A_64 : i32
      "tpu.region"() ({
        %run_scoped3A = tpu.sem_alloc : memref<!tpu.dma_semaphore, #tpu.memory_space<semaphore_mem>>
        %dma_start3A_108 = arith.constant 0 : i32
        %dma_start3A_109 = arith.constant 0 : i32
        %dma_start3A_110 = tpu.memref_slice %arg6[%dma_start3A_108, %dma_start3A_109] : memref<48x128xi32, #tpu.memory_space<vmem>> -> memref<48x128xi32, #tpu.memory_space<vmem>>
        %dma_start3A_111 = arith.constant 0 : i32
        %dma_start3A_112 = tpu.memref_slice %arg3[%add3A_65, %dma_start3A_111] : memref<2560x128xi32, #tpu.memory_space<hbm>> -> memref<48x128xi32, #tpu.memory_space<hbm>>
        %dma_start3A_113 = arith.constant 0 : i32
        %dma_start3A_114 = arith.constant 0 : i32
        %dma_start3A_115 = tpu.memref_slice %arg6[%dma_start3A_113, %dma_start3A_114] : memref<48x128xi32, #tpu.memory_space<vmem>> -> memref<48x128xi32, #tpu.memory_space<vmem>>
        %dma_start3A_116 = arith.constant 0 : i32
        %dma_start3A_117 = tpu.memref_slice %arg3[%add3A_65, %dma_start3A_116] : memref<2560x128xi32, #tpu.memory_space<hbm>> -> memref<48x128xi32, #tpu.memory_space<hbm>>
        tpu.enqueue_dma source(%dma_start3A_117 : memref<48x128xi32, #tpu.memory_space<hbm>>) target(%dma_start3A_115 : memref<48x128xi32, #tpu.memory_space<vmem>>) target_semaphore(%run_scoped3A : memref<!tpu.dma_semaphore, #tpu.memory_space<semaphore_mem>>)
        %dma_wait3A = arith.constant 0 : i32
        %dma_wait3A_118 = arith.constant 0 : i32
        %dma_wait3A_119 = tpu.memref_slice %arg6[%dma_wait3A, %dma_wait3A_118] : memref<48x128xi32, #tpu.memory_space<vmem>> -> memref<48x128xi32, #tpu.memory_space<vmem>>
        %dma_wait3A_120 = arith.constant 0 : i32
        %dma_wait3A_121 = tpu.memref_slice %arg3[%add3A_65, %dma_wait3A_120] : memref<2560x128xi32, #tpu.memory_space<hbm>> -> memref<48x128xi32, #tpu.memory_space<hbm>>
        %dma_wait3A_122 = arith.constant 0 : i32
        %dma_wait3A_123 = arith.constant 0 : i32
        %dma_wait3A_124 = tpu.memref_slice %arg6[%dma_wait3A_122, %dma_wait3A_123] : memref<48x128xi32, #tpu.memory_space<vmem>> -> memref<48x128xi32, #tpu.memory_space<vmem>>
        %dma_wait3A_125 = arith.constant 0 : i32
        %dma_wait3A_126 = tpu.memref_slice %arg3[%add3A_65, %dma_wait3A_125] : memref<2560x128xi32, #tpu.memory_space<hbm>> -> memref<48x128xi32, #tpu.memory_space<hbm>>
        tpu.wait_dma2 semaphore(%run_scoped3A : memref<!tpu.dma_semaphore, #tpu.memory_space<semaphore_mem>>) src(%dma_wait3A_126 : memref<48x128xi32, #tpu.memory_space<hbm>>) dst(%dma_wait3A_124 : memref<48x128xi32, #tpu.memory_space<vmem>>)
        tpu.yield
      }) : () -> ()
      "tpu.region"() ({
        %run_scoped3A = tpu.sem_alloc : memref<!tpu.dma_semaphore, #tpu.memory_space<semaphore_mem>>
        %dma_start3A_108 = arith.constant 0 : i32
        %dma_start3A_109 = arith.constant 0 : i32
        %dma_start3A_110 = tpu.memref_slice %arg7[%dma_start3A_108, %dma_start3A_109] : memref<48x128xi32, #tpu.memory_space<vmem>> -> memref<48x128xi32, #tpu.memory_space<vmem>>
        %dma_start3A_111 = arith.constant 0 : i32
        %dma_start3A_112 = tpu.memref_slice %arg4[%add3A_65, %dma_start3A_111] : memref<2560x128xi32, #tpu.memory_space<hbm>> -> memref<48x128xi32, #tpu.memory_space<hbm>>
        %dma_start3A_113 = arith.constant 0 : i32
        %dma_start3A_114 = arith.constant 0 : i32
        %dma_start3A_115 = tpu.memref_slice %arg7[%dma_start3A_113, %dma_start3A_114] : memref<48x128xi32, #tpu.memory_space<vmem>> -> memref<48x128xi32, #tpu.memory_space<vmem>>
        %dma_start3A_116 = arith.constant 0 : i32
        %dma_start3A_117 = tpu.memref_slice %arg4[%add3A_65, %dma_start3A_116] : memref<2560x128xi32, #tpu.memory_space<hbm>> -> memref<48x128xi32, #tpu.memory_space<hbm>>
        tpu.enqueue_dma source(%dma_start3A_117 : memref<48x128xi32, #tpu.memory_space<hbm>>) target(%dma_start3A_115 : memref<48x128xi32, #tpu.memory_space<vmem>>) target_semaphore(%run_scoped3A : memref<!tpu.dma_semaphore, #tpu.memory_space<semaphore_mem>>)
        %dma_wait3A = arith.constant 0 : i32
        %dma_wait3A_118 = arith.constant 0 : i32
        %dma_wait3A_119 = tpu.memref_slice %arg7[%dma_wait3A, %dma_wait3A_118] : memref<48x128xi32, #tpu.memory_space<vmem>> -> memref<48x128xi32, #tpu.memory_space<vmem>>
        %dma_wait3A_120 = arith.constant 0 : i32
        %dma_wait3A_121 = tpu.memref_slice %arg4[%add3A_65, %dma_wait3A_120] : memref<2560x128xi32, #tpu.memory_space<hbm>> -> memref<48x128xi32, #tpu.memory_space<hbm>>
        %dma_wait3A_122 = arith.constant 0 : i32
        %dma_wait3A_123 = arith.constant 0 : i32
        %dma_wait3A_124 = tpu.memref_slice %arg7[%dma_wait3A_122, %dma_wait3A_123] : memref<48x128xi32, #tpu.memory_space<vmem>> -> memref<48x128xi32, #tpu.memory_space<vmem>>
        %dma_wait3A_125 = arith.constant 0 : i32
        %dma_wait3A_126 = tpu.memref_slice %arg4[%add3A_65, %dma_wait3A_125] : memref<2560x128xi32, #tpu.memory_space<hbm>> -> memref<48x128xi32, #tpu.memory_space<hbm>>
        tpu.wait_dma2 semaphore(%run_scoped3A : memref<!tpu.dma_semaphore, #tpu.memory_space<semaphore_mem>>) src(%dma_wait3A_126 : memref<48x128xi32, #tpu.memory_space<hbm>>) dst(%dma_wait3A_124 : memref<48x128xi32, #tpu.memory_space<vmem>>)
        tpu.yield
      }) : () -> ()
      %dma_start3A_66 = arith.constant 0 : i32
      %dma_start3A_67 = arith.constant 0 : i32
      %dma_start3A_68 = tpu.memref_slice %arg6[%dma_start3A_66, %dma_start3A_67] : memref<48x128xi32, #tpu.memory_space<vmem>> -> memref<1x128xi32, #tpu.memory_space<vmem>>
      %dma_start3A_69 = tpu.memref_squeeze %dma_start3A_68 : memref<1x128xi32, #tpu.memory_space<vmem>> -> memref<128xi32, #tpu.memory_space<vmem>>
      %dma_start3A_70 = arith.constant 0 : i32
      %dma_start3A_71 = arith.constant 0 : i32
      %dma_start3A_72 = tpu.memref_slice %arg2[%dma_start3A_70, %dma_start3A_71] : memref<10000x128xf32, #tpu.memory_space<hbm>> -> memref<10000x128xf32, #tpu.memory_space<hbm>>
      tpu.enqueue_indirect_dma source(%dma_start3A_72 : memref<10000x128xf32, #tpu.memory_space<hbm>>) target(%arg9 : memref<128x128xf32, #tpu.memory_space<vmem>>) offsets(%dma_start3A_69 : memref<128xi32, #tpu.memory_space<vmem>>) semaphore(%arg11 : memref<!tpu.dma_semaphore, #tpu.memory_space<semaphore_mem>>)
      %dma_start3A_73 = arith.constant 1 : i32
      %dma_start3A_74 = arith.constant 0 : i32
      %dma_start3A_75 = tpu.memref_slice %arg6[%dma_start3A_73, %dma_start3A_74] : memref<48x128xi32, #tpu.memory_space<vmem>> -> memref<1x128xi32, #tpu.memory_space<vmem>>
      %dma_start3A_76 = tpu.memref_squeeze %dma_start3A_75 : memref<1x128xi32, #tpu.memory_space<vmem>> -> memref<128xi32, #tpu.memory_space<vmem>>
      %dma_start3A_77 = arith.constant 0 : i32
      %dma_start3A_78 = arith.constant 0 : i32
      %dma_start3A_79 = tpu.memref_slice %arg2[%dma_start3A_77, %dma_start3A_78] : memref<10000x128xf32, #tpu.memory_space<hbm>> -> memref<10000x128xf32, #tpu.memory_space<hbm>>
      tpu.enqueue_indirect_dma source(%dma_start3A_79 : memref<10000x128xf32, #tpu.memory_space<hbm>>) target(%arg10 : memref<128x128xf32, #tpu.memory_space<vmem>>) offsets(%dma_start3A_76 : memref<128xi32, #tpu.memory_space<vmem>>) semaphore(%arg12 : memref<!tpu.dma_semaphore, #tpu.memory_space<semaphore_mem>>)
      %scan3A_80 = arith.constant 0 : i32
      %scan3A_81 = arith.constant 24 : i32
      %scan3A_82 = arith.addi %scan3A_80, %scan3A_81 : i32
      %scan3A_83 = arith.constant 1 : i32
      scf.for %scan3A_108 = %scan3A_80 to %scan3A_82 step %scan3A_83  : i32 {
        %mul3A_109 = arith.constant 2 : i32
        %mul3A_110 = arith.muli %scan3A_108, %mul3A_109 : i32
        %add3A_111 = arith.constant 0 : i32
        %add3A_112 = arith.addi %add3A_111, %mul3A_110 : i32
        %add3A_113 = arith.constant 0 : i32
        %add3A_114 = arith.addi %add3A_112, %add3A_113 : i32
        %dma_wait3A = arith.constant 0 : i32
        %dma_wait3A_115 = tpu.memref_slice %arg6[%add3A_114, %dma_wait3A] : memref<48x128xi32, #tpu.memory_space<vmem>> -> memref<1x128xi32, #tpu.memory_space<vmem>>
        %dma_wait3A_116 = tpu.memref_squeeze %dma_wait3A_115 : memref<1x128xi32, #tpu.memory_space<vmem>> -> memref<128xi32, #tpu.memory_space<vmem>>
        %dma_wait3A_117 = arith.constant 0 : i32
        %dma_wait3A_118 = arith.constant 0 : i32
        %dma_wait3A_119 = tpu.memref_slice %arg2[%dma_wait3A_117, %dma_wait3A_118] : memref<10000x128xf32, #tpu.memory_space<hbm>> -> memref<10000x128xf32, #tpu.memory_space<hbm>>
        tpu.wait_indirect_dma semaphore(%arg11 : memref<!tpu.dma_semaphore, #tpu.memory_space<semaphore_mem>>) src(%dma_wait3A_119 : memref<10000x128xf32, #tpu.memory_space<hbm>>) dst(%arg9 : memref<128x128xf32, #tpu.memory_space<vmem>>)
        %add3A_120 = arith.constant 0 : i32
        %add3A_121 = arith.addi %add3A_112, %add3A_120 : i32
        %dma_start3A_122 = arith.constant 0 : i32
        %dma_start3A_123 = tpu.memref_slice %arg7[%add3A_121, %dma_start3A_122] : memref<48x128xi32, #tpu.memory_space<vmem>> -> memref<1x128xi32, #tpu.memory_space<vmem>>
        %dma_start3A_124 = tpu.memref_squeeze %dma_start3A_123 : memref<1x128xi32, #tpu.memory_space<vmem>> -> memref<128xi32, #tpu.memory_space<vmem>>
        %dma_start3A_125 = arith.constant 0 : i32
        %dma_start3A_126 = arith.constant 0 : i32
        %dma_start3A_127 = tpu.memref_slice %arg8[%dma_start3A_125, %dma_start3A_126] : memref<10112x128xf32, #tpu.memory_space<vmem_shared>> -> memref<10112x128xf32, #tpu.memory_space<vmem_shared>>
        tpu.enqueue_indirect_dma source(%arg9 : memref<128x128xf32, #tpu.memory_space<vmem>>) target(%dma_start3A_127 : memref<10112x128xf32, #tpu.memory_space<vmem_shared>>) offsets(%dma_start3A_124 : memref<128xi32, #tpu.memory_space<vmem>>) semaphore(%arg13 : memref<!tpu.dma_semaphore, #tpu.memory_space<semaphore_mem>>) {add = true}
        %add3A_128 = arith.constant 1 : i32
        %add3A_129 = arith.addi %add3A_112, %add3A_128 : i32
        %dma_wait3A_130 = arith.constant 0 : i32
        %dma_wait3A_131 = tpu.memref_slice %arg6[%add3A_129, %dma_wait3A_130] : memref<48x128xi32, #tpu.memory_space<vmem>> -> memref<1x128xi32, #tpu.memory_space<vmem>>
        %dma_wait3A_132 = tpu.memref_squeeze %dma_wait3A_131 : memref<1x128xi32, #tpu.memory_space<vmem>> -> memref<128xi32, #tpu.memory_space<vmem>>
        %dma_wait3A_133 = arith.constant 0 : i32
        %dma_wait3A_134 = arith.constant 0 : i32
        %dma_wait3A_135 = tpu.memref_slice %arg2[%dma_wait3A_133, %dma_wait3A_134] : memref<10000x128xf32, #tpu.memory_space<hbm>> -> memref<10000x128xf32, #tpu.memory_space<hbm>>
        tpu.wait_indirect_dma semaphore(%arg12 : memref<!tpu.dma_semaphore, #tpu.memory_space<semaphore_mem>>) src(%dma_wait3A_135 : memref<10000x128xf32, #tpu.memory_space<hbm>>) dst(%arg10 : memref<128x128xf32, #tpu.memory_space<vmem>>)
        %add3A_136 = arith.constant 1 : i32
        %add3A_137 = arith.addi %add3A_112, %add3A_136 : i32
        %dma_start3A_138 = arith.constant 0 : i32
        %dma_start3A_139 = tpu.memref_slice %arg7[%add3A_137, %dma_start3A_138] : memref<48x128xi32, #tpu.memory_space<vmem>> -> memref<1x128xi32, #tpu.memory_space<vmem>>
        %dma_start3A_140 = tpu.memref_squeeze %dma_start3A_139 : memref<1x128xi32, #tpu.memory_space<vmem>> -> memref<128xi32, #tpu.memory_space<vmem>>
        %dma_start3A_141 = arith.constant 0 : i32
        %dma_start3A_142 = arith.constant 0 : i32
        %dma_start3A_143 = tpu.memref_slice %arg8[%dma_start3A_141, %dma_start3A_142] : memref<10112x128xf32, #tpu.memory_space<vmem_shared>> -> memref<10112x128xf32, #tpu.memory_space<vmem_shared>>
        tpu.enqueue_indirect_dma source(%arg10 : memref<128x128xf32, #tpu.memory_space<vmem>>) target(%dma_start3A_143 : memref<10112x128xf32, #tpu.memory_space<vmem_shared>>) offsets(%dma_start3A_140 : memref<128xi32, #tpu.memory_space<vmem>>) semaphore(%arg14 : memref<!tpu.dma_semaphore, #tpu.memory_space<semaphore_mem>>) {add = true}
        %dma_wait3A_144 = arith.constant 0 : i32
        %dma_wait3A_145 = tpu.memref_slice %arg7[%add3A_121, %dma_wait3A_144] : memref<48x128xi32, #tpu.memory_space<vmem>> -> memref<1x128xi32, #tpu.memory_space<vmem>>
        %dma_wait3A_146 = tpu.memref_squeeze %dma_wait3A_145 : memref<1x128xi32, #tpu.memory_space<vmem>> -> memref<128xi32, #tpu.memory_space<vmem>>
        %dma_wait3A_147 = arith.constant 0 : i32
        %dma_wait3A_148 = arith.constant 0 : i32
        %dma_wait3A_149 = tpu.memref_slice %arg8[%dma_wait3A_147, %dma_wait3A_148] : memref<10112x128xf32, #tpu.memory_space<vmem_shared>> -> memref<10112x128xf32, #tpu.memory_space<vmem_shared>>
        tpu.wait_indirect_dma semaphore(%arg13 : memref<!tpu.dma_semaphore, #tpu.memory_space<semaphore_mem>>) src(%arg9 : memref<128x128xf32, #tpu.memory_space<vmem>>) dst(%dma_wait3A_149 : memref<10112x128xf32, #tpu.memory_space<vmem_shared>>)
        %add3A_150 = arith.constant 0 : i32
        %add3A_151 = arith.addi %add3A_112, %add3A_150 : i32
        %add3A_152 = arith.constant 2 : i32
        %add3A_153 = arith.addi %add3A_151, %add3A_152 : i32
        %lt3A = arith.constant 48 : i32
        %lt3A_154 = arith.cmpi slt, %add3A_153, %lt3A : i32
        %convert_element_type3A_155 = arith.extui %lt3A_154 : i1 to i32
        %cond3A_156 = arith.constant 0 : i32
        %cond3A_157 = arith.cmpi ne, %convert_element_type3A_155, %cond3A_156 : i32
        scf.if %cond3A_157 {
          %add3A_173 = arith.constant 0 : i32
          %add3A_174 = arith.addi %add3A_112, %add3A_173 : i32
          %add3A_175 = arith.constant 2 : i32
          %add3A_176 = arith.addi %add3A_174, %add3A_175 : i32
          %dma_start3A_177 = arith.constant 0 : i32
          %dma_start3A_178 = tpu.memref_slice %arg6[%add3A_176, %dma_start3A_177] : memref<48x128xi32, #tpu.memory_space<vmem>> -> memref<1x128xi32, #tpu.memory_space<vmem>>
          %dma_start3A_179 = tpu.memref_squeeze %dma_start3A_178 : memref<1x128xi32, #tpu.memory_space<vmem>> -> memref<128xi32, #tpu.memory_space<vmem>>
          %dma_start3A_180 = arith.constant 0 : i32
          %dma_start3A_181 = arith.constant 0 : i32
          %dma_start3A_182 = tpu.memref_slice %arg2[%dma_start3A_180, %dma_start3A_181] : memref<10000x128xf32, #tpu.memory_space<hbm>> -> memref<10000x128xf32, #tpu.memory_space<hbm>>
          tpu.enqueue_indirect_dma source(%dma_start3A_182 : memref<10000x128xf32, #tpu.memory_space<hbm>>) target(%arg9 : memref<128x128xf32, #tpu.memory_space<vmem>>) offsets(%dma_start3A_179 : memref<128xi32, #tpu.memory_space<vmem>>) semaphore(%arg11 : memref<!tpu.dma_semaphore, #tpu.memory_space<semaphore_mem>>)
        } else {
        }
        %dma_wait3A_158 = arith.constant 0 : i32
        %dma_wait3A_159 = tpu.memref_slice %arg7[%add3A_137, %dma_wait3A_158] : memref<48x128xi32, #tpu.memory_space<vmem>> -> memref<1x128xi32, #tpu.memory_space<vmem>>
        %dma_wait3A_160 = tpu.memref_squeeze %dma_wait3A_159 : memref<1x128xi32, #tpu.memory_space<vmem>> -> memref<128xi32, #tpu.memory_space<vmem>>
        %dma_wait3A_161 = arith.constant 0 : i32
        %dma_wait3A_162 = arith.constant 0 : i32
        %dma_wait3A_163 = tpu.memref_slice %arg8[%dma_wait3A_161, %dma_wait3A_162] : memref<10112x128xf32, #tpu.memory_space<vmem_shared>> -> memref<10112x128xf32, #tpu.memory_space<vmem_shared>>
        tpu.wait_indirect_dma semaphore(%arg14 : memref<!tpu.dma_semaphore, #tpu.memory_space<semaphore_mem>>) src(%arg10 : memref<128x128xf32, #tpu.memory_space<vmem>>) dst(%dma_wait3A_163 : memref<10112x128xf32, #tpu.memory_space<vmem_shared>>)
        %add3A_164 = arith.constant 1 : i32
        %add3A_165 = arith.addi %add3A_112, %add3A_164 : i32
        %add3A_166 = arith.constant 2 : i32
        %add3A_167 = arith.addi %add3A_165, %add3A_166 : i32
        %lt3A_168 = arith.constant 48 : i32
        %lt3A_169 = arith.cmpi slt, %add3A_167, %lt3A_168 : i32
        %convert_element_type3A_170 = arith.extui %lt3A_169 : i1 to i32
        %cond3A_171 = arith.constant 0 : i32
        %cond3A_172 = arith.cmpi ne, %convert_element_type3A_170, %cond3A_171 : i32
        scf.if %cond3A_172 {
          %add3A_173 = arith.constant 1 : i32
          %add3A_174 = arith.addi %add3A_112, %add3A_173 : i32
          %add3A_175 = arith.constant 2 : i32
          %add3A_176 = arith.addi %add3A_174, %add3A_175 : i32
          %dma_start3A_177 = arith.constant 0 : i32
          %dma_start3A_178 = tpu.memref_slice %arg6[%add3A_176, %dma_start3A_177] : memref<48x128xi32, #tpu.memory_space<vmem>> -> memref<1x128xi32, #tpu.memory_space<vmem>>
          %dma_start3A_179 = tpu.memref_squeeze %dma_start3A_178 : memref<1x128xi32, #tpu.memory_space<vmem>> -> memref<128xi32, #tpu.memory_space<vmem>>
          %dma_start3A_180 = arith.constant 0 : i32
          %dma_start3A_181 = arith.constant 0 : i32
          %dma_start3A_182 = tpu.memref_slice %arg2[%dma_start3A_180, %dma_start3A_181] : memref<10000x128xf32, #tpu.memory_space<hbm>> -> memref<10000x128xf32, #tpu.memory_space<hbm>>
          tpu.enqueue_indirect_dma source(%dma_start3A_182 : memref<10000x128xf32, #tpu.memory_space<hbm>>) target(%arg10 : memref<128x128xf32, #tpu.memory_space<vmem>>) offsets(%dma_start3A_179 : memref<128xi32, #tpu.memory_space<vmem>>) semaphore(%arg12 : memref<!tpu.dma_semaphore, #tpu.memory_space<semaphore_mem>>)
        } else {
        }
      }
      %scan3A_84 = arith.constant 24 : i32
      %add3A_85 = arith.constant 48 : i32
      %add3A_86 = arith.addi %add3A_65, %add3A_85 : i32
      "tpu.region"() ({
        %run_scoped3A = tpu.sem_alloc : memref<!tpu.dma_semaphore, #tpu.memory_space<semaphore_mem>>
        %dma_start3A_108 = arith.constant 0 : i32
        %dma_start3A_109 = arith.constant 0 : i32
        %dma_start3A_110 = tpu.memref_slice %arg6[%dma_start3A_108, %dma_start3A_109] : memref<48x128xi32, #tpu.memory_space<vmem>> -> memref<8x128xi32, #tpu.memory_space<vmem>>
        %dma_start3A_111 = arith.constant 0 : i32
        %dma_start3A_112 = tpu.memref_slice %arg3[%add3A_86, %dma_start3A_111] : memref<2560x128xi32, #tpu.memory_space<hbm>> -> memref<8x128xi32, #tpu.memory_space<hbm>>
        %dma_start3A_113 = arith.constant 0 : i32
        %dma_start3A_114 = arith.constant 0 : i32
        %dma_start3A_115 = tpu.memref_slice %arg6[%dma_start3A_113, %dma_start3A_114] : memref<48x128xi32, #tpu.memory_space<vmem>> -> memref<8x128xi32, #tpu.memory_space<vmem>>
        %dma_start3A_116 = arith.constant 0 : i32
        %dma_start3A_117 = tpu.memref_slice %arg3[%add3A_86, %dma_start3A_116] : memref<2560x128xi32, #tpu.memory_space<hbm>> -> memref<8x128xi32, #tpu.memory_space<hbm>>
        tpu.enqueue_dma source(%dma_start3A_117 : memref<8x128xi32, #tpu.memory_space<hbm>>) target(%dma_start3A_115 : memref<8x128xi32, #tpu.memory_space<vmem>>) target_semaphore(%run_scoped3A : memref<!tpu.dma_semaphore, #tpu.memory_space<semaphore_mem>>)
        %dma_wait3A = arith.constant 0 : i32
        %dma_wait3A_118 = arith.constant 0 : i32
        %dma_wait3A_119 = tpu.memref_slice %arg6[%dma_wait3A, %dma_wait3A_118] : memref<48x128xi32, #tpu.memory_space<vmem>> -> memref<8x128xi32, #tpu.memory_space<vmem>>
        %dma_wait3A_120 = arith.constant 0 : i32
        %dma_wait3A_121 = tpu.memref_slice %arg3[%add3A_86, %dma_wait3A_120] : memref<2560x128xi32, #tpu.memory_space<hbm>> -> memref<8x128xi32, #tpu.memory_space<hbm>>
        %dma_wait3A_122 = arith.constant 0 : i32
        %dma_wait3A_123 = arith.constant 0 : i32
        %dma_wait3A_124 = tpu.memref_slice %arg6[%dma_wait3A_122, %dma_wait3A_123] : memref<48x128xi32, #tpu.memory_space<vmem>> -> memref<8x128xi32, #tpu.memory_space<vmem>>
        %dma_wait3A_125 = arith.constant 0 : i32
        %dma_wait3A_126 = tpu.memref_slice %arg3[%add3A_86, %dma_wait3A_125] : memref<2560x128xi32, #tpu.memory_space<hbm>> -> memref<8x128xi32, #tpu.memory_space<hbm>>
        tpu.wait_dma2 semaphore(%run_scoped3A : memref<!tpu.dma_semaphore, #tpu.memory_space<semaphore_mem>>) src(%dma_wait3A_126 : memref<8x128xi32, #tpu.memory_space<hbm>>) dst(%dma_wait3A_124 : memref<8x128xi32, #tpu.memory_space<vmem>>)
        tpu.yield
      }) : () -> ()
      "tpu.region"() ({
        %run_scoped3A = tpu.sem_alloc : memref<!tpu.dma_semaphore, #tpu.memory_space<semaphore_mem>>
        %dma_start3A_108 = arith.constant 0 : i32
        %dma_start3A_109 = arith.constant 0 : i32
        %dma_start3A_110 = tpu.memref_slice %arg7[%dma_start3A_108, %dma_start3A_109] : memref<48x128xi32, #tpu.memory_space<vmem>> -> memref<8x128xi32, #tpu.memory_space<vmem>>
        %dma_start3A_111 = arith.constant 0 : i32
        %dma_start3A_112 = tpu.memref_slice %arg4[%add3A_86, %dma_start3A_111] : memref<2560x128xi32, #tpu.memory_space<hbm>> -> memref<8x128xi32, #tpu.memory_space<hbm>>
        %dma_start3A_113 = arith.constant 0 : i32
        %dma_start3A_114 = arith.constant 0 : i32
        %dma_start3A_115 = tpu.memref_slice %arg7[%dma_start3A_113, %dma_start3A_114] : memref<48x128xi32, #tpu.memory_space<vmem>> -> memref<8x128xi32, #tpu.memory_space<vmem>>
        %dma_start3A_116 = arith.constant 0 : i32
        %dma_start3A_117 = tpu.memref_slice %arg4[%add3A_86, %dma_start3A_116] : memref<2560x128xi32, #tpu.memory_space<hbm>> -> memref<8x128xi32, #tpu.memory_space<hbm>>
        tpu.enqueue_dma source(%dma_start3A_117 : memref<8x128xi32, #tpu.memory_space<hbm>>) target(%dma_start3A_115 : memref<8x128xi32, #tpu.memory_space<vmem>>) target_semaphore(%run_scoped3A : memref<!tpu.dma_semaphore, #tpu.memory_space<semaphore_mem>>)
        %dma_wait3A = arith.constant 0 : i32
        %dma_wait3A_118 = arith.constant 0 : i32
        %dma_wait3A_119 = tpu.memref_slice %arg7[%dma_wait3A, %dma_wait3A_118] : memref<48x128xi32, #tpu.memory_space<vmem>> -> memref<8x128xi32, #tpu.memory_space<vmem>>
        %dma_wait3A_120 = arith.constant 0 : i32
        %dma_wait3A_121 = tpu.memref_slice %arg4[%add3A_86, %dma_wait3A_120] : memref<2560x128xi32, #tpu.memory_space<hbm>> -> memref<8x128xi32, #tpu.memory_space<hbm>>
        %dma_wait3A_122 = arith.constant 0 : i32
        %dma_wait3A_123 = arith.constant 0 : i32
        %dma_wait3A_124 = tpu.memref_slice %arg7[%dma_wait3A_122, %dma_wait3A_123] : memref<48x128xi32, #tpu.memory_space<vmem>> -> memref<8x128xi32, #tpu.memory_space<vmem>>
        %dma_wait3A_125 = arith.constant 0 : i32
        %dma_wait3A_126 = tpu.memref_slice %arg4[%add3A_86, %dma_wait3A_125] : memref<2560x128xi32, #tpu.memory_space<hbm>> -> memref<8x128xi32, #tpu.memory_space<hbm>>
        tpu.wait_dma2 semaphore(%run_scoped3A : memref<!tpu.dma_semaphore, #tpu.memory_space<semaphore_mem>>) src(%dma_wait3A_126 : memref<8x128xi32, #tpu.memory_space<hbm>>) dst(%dma_wait3A_124 : memref<8x128xi32, #tpu.memory_space<vmem>>)
        tpu.yield
      }) : () -> ()
      %dma_start3A_87 = arith.constant 0 : i32
      %dma_start3A_88 = arith.constant 0 : i32
      %dma_start3A_89 = tpu.memref_slice %arg6[%dma_start3A_87, %dma_start3A_88] : memref<48x128xi32, #tpu.memory_space<vmem>> -> memref<1x128xi32, #tpu.memory_space<vmem>>
      %dma_start3A_90 = tpu.memref_squeeze %dma_start3A_89 : memref<1x128xi32, #tpu.memory_space<vmem>> -> memref<128xi32, #tpu.memory_space<vmem>>
      %dma_start3A_91 = arith.constant 0 : i32
      %dma_start3A_92 = arith.constant 0 : i32
      %dma_start3A_93 = tpu.memref_slice %arg2[%dma_start3A_91, %dma_start3A_92] : memref<10000x128xf32, #tpu.memory_space<hbm>> -> memref<10000x128xf32, #tpu.memory_space<hbm>>
      tpu.enqueue_indirect_dma source(%dma_start3A_93 : memref<10000x128xf32, #tpu.memory_space<hbm>>) target(%arg9 : memref<128x128xf32, #tpu.memory_space<vmem>>) offsets(%dma_start3A_90 : memref<128xi32, #tpu.memory_space<vmem>>) semaphore(%arg11 : memref<!tpu.dma_semaphore, #tpu.memory_space<semaphore_mem>>)
      %dma_start3A_94 = arith.constant 1 : i32
      %dma_start3A_95 = arith.constant 0 : i32
      %dma_start3A_96 = tpu.memref_slice %arg6[%dma_start3A_94, %dma_start3A_95] : memref<48x128xi32, #tpu.memory_space<vmem>> -> memref<1x128xi32, #tpu.memory_space<vmem>>
      %dma_start3A_97 = tpu.memref_squeeze %dma_start3A_96 : memref<1x128xi32, #tpu.memory_space<vmem>> -> memref<128xi32, #tpu.memory_space<vmem>>
      %dma_start3A_98 = arith.constant 0 : i32
      %dma_start3A_99 = arith.constant 0 : i32
      %dma_start3A_100 = tpu.memref_slice %arg2[%dma_start3A_98, %dma_start3A_99] : memref<10000x128xf32, #tpu.memory_space<hbm>> -> memref<10000x128xf32, #tpu.memory_space<hbm>>
      tpu.enqueue_indirect_dma source(%dma_start3A_100 : memref<10000x128xf32, #tpu.memory_space<hbm>>) target(%arg10 : memref<128x128xf32, #tpu.memory_space<vmem>>) offsets(%dma_start3A_97 : memref<128xi32, #tpu.memory_space<vmem>>) semaphore(%arg12 : memref<!tpu.dma_semaphore, #tpu.memory_space<semaphore_mem>>)
      %scan3A_101 = arith.constant 0 : i32
      %scan3A_102 = arith.constant 4 : i32
      %scan3A_103 = arith.addi %scan3A_101, %scan3A_102 : i32
      %scan3A_104 = arith.constant 1 : i32
      scf.for %scan3A_108 = %scan3A_101 to %scan3A_103 step %scan3A_104  : i32 {
        %mul3A_109 = arith.constant 2 : i32
        %mul3A_110 = arith.muli %scan3A_108, %mul3A_109 : i32
        %add3A_111 = arith.constant 0 : i32
        %add3A_112 = arith.addi %add3A_111, %mul3A_110 : i32
        %add3A_113 = arith.constant 0 : i32
        %add3A_114 = arith.addi %add3A_112, %add3A_113 : i32
        %dma_wait3A = arith.constant 0 : i32
        %dma_wait3A_115 = tpu.memref_slice %arg6[%add3A_114, %dma_wait3A] : memref<48x128xi32, #tpu.memory_space<vmem>> -> memref<1x128xi32, #tpu.memory_space<vmem>>
        %dma_wait3A_116 = tpu.memref_squeeze %dma_wait3A_115 : memref<1x128xi32, #tpu.memory_space<vmem>> -> memref<128xi32, #tpu.memory_space<vmem>>
        %dma_wait3A_117 = arith.constant 0 : i32
        %dma_wait3A_118 = arith.constant 0 : i32
        %dma_wait3A_119 = tpu.memref_slice %arg2[%dma_wait3A_117, %dma_wait3A_118] : memref<10000x128xf32, #tpu.memory_space<hbm>> -> memref<10000x128xf32, #tpu.memory_space<hbm>>
        tpu.wait_indirect_dma semaphore(%arg11 : memref<!tpu.dma_semaphore, #tpu.memory_space<semaphore_mem>>) src(%dma_wait3A_119 : memref<10000x128xf32, #tpu.memory_space<hbm>>) dst(%arg9 : memref<128x128xf32, #tpu.memory_space<vmem>>)
        %add3A_120 = arith.constant 0 : i32
        %add3A_121 = arith.addi %add3A_112, %add3A_120 : i32
        %dma_start3A_122 = arith.constant 0 : i32
        %dma_start3A_123 = tpu.memref_slice %arg7[%add3A_121, %dma_start3A_122] : memref<48x128xi32, #tpu.memory_space<vmem>> -> memref<1x128xi32, #tpu.memory_space<vmem>>
        %dma_start3A_124 = tpu.memref_squeeze %dma_start3A_123 : memref<1x128xi32, #tpu.memory_space<vmem>> -> memref<128xi32, #tpu.memory_space<vmem>>
        %dma_start3A_125 = arith.constant 0 : i32
        %dma_start3A_126 = arith.constant 0 : i32
        %dma_start3A_127 = tpu.memref_slice %arg8[%dma_start3A_125, %dma_start3A_126] : memref<10112x128xf32, #tpu.memory_space<vmem_shared>> -> memref<10112x128xf32, #tpu.memory_space<vmem_shared>>
        tpu.enqueue_indirect_dma source(%arg9 : memref<128x128xf32, #tpu.memory_space<vmem>>) target(%dma_start3A_127 : memref<10112x128xf32, #tpu.memory_space<vmem_shared>>) offsets(%dma_start3A_124 : memref<128xi32, #tpu.memory_space<vmem>>) semaphore(%arg13 : memref<!tpu.dma_semaphore, #tpu.memory_space<semaphore_mem>>) {add = true}
        %add3A_128 = arith.constant 1 : i32
        %add3A_129 = arith.addi %add3A_112, %add3A_128 : i32
        %dma_wait3A_130 = arith.constant 0 : i32
        %dma_wait3A_131 = tpu.memref_slice %arg6[%add3A_129, %dma_wait3A_130] : memref<48x128xi32, #tpu.memory_space<vmem>> -> memref<1x128xi32, #tpu.memory_space<vmem>>
        %dma_wait3A_132 = tpu.memref_squeeze %dma_wait3A_131 : memref<1x128xi32, #tpu.memory_space<vmem>> -> memref<128xi32, #tpu.memory_space<vmem>>
        %dma_wait3A_133 = arith.constant 0 : i32
        %dma_wait3A_134 = arith.constant 0 : i32
        %dma_wait3A_135 = tpu.memref_slice %arg2[%dma_wait3A_133, %dma_wait3A_134] : memref<10000x128xf32, #tpu.memory_space<hbm>> -> memref<10000x128xf32, #tpu.memory_space<hbm>>
        tpu.wait_indirect_dma semaphore(%arg12 : memref<!tpu.dma_semaphore, #tpu.memory_space<semaphore_mem>>) src(%dma_wait3A_135 : memref<10000x128xf32, #tpu.memory_space<hbm>>) dst(%arg10 : memref<128x128xf32, #tpu.memory_space<vmem>>)
        %add3A_136 = arith.constant 1 : i32
        %add3A_137 = arith.addi %add3A_112, %add3A_136 : i32
        %dma_start3A_138 = arith.constant 0 : i32
        %dma_start3A_139 = tpu.memref_slice %arg7[%add3A_137, %dma_start3A_138] : memref<48x128xi32, #tpu.memory_space<vmem>> -> memref<1x128xi32, #tpu.memory_space<vmem>>
        %dma_start3A_140 = tpu.memref_squeeze %dma_start3A_139 : memref<1x128xi32, #tpu.memory_space<vmem>> -> memref<128xi32, #tpu.memory_space<vmem>>
        %dma_start3A_141 = arith.constant 0 : i32
        %dma_start3A_142 = arith.constant 0 : i32
        %dma_start3A_143 = tpu.memref_slice %arg8[%dma_start3A_141, %dma_start3A_142] : memref<10112x128xf32, #tpu.memory_space<vmem_shared>> -> memref<10112x128xf32, #tpu.memory_space<vmem_shared>>
        tpu.enqueue_indirect_dma source(%arg10 : memref<128x128xf32, #tpu.memory_space<vmem>>) target(%dma_start3A_143 : memref<10112x128xf32, #tpu.memory_space<vmem_shared>>) offsets(%dma_start3A_140 : memref<128xi32, #tpu.memory_space<vmem>>) semaphore(%arg14 : memref<!tpu.dma_semaphore, #tpu.memory_space<semaphore_mem>>) {add = true}
        %dma_wait3A_144 = arith.constant 0 : i32
        %dma_wait3A_145 = tpu.memref_slice %arg7[%add3A_121, %dma_wait3A_144] : memref<48x128xi32, #tpu.memory_space<vmem>> -> memref<1x128xi32, #tpu.memory_space<vmem>>
        %dma_wait3A_146 = tpu.memref_squeeze %dma_wait3A_145 : memref<1x128xi32, #tpu.memory_space<vmem>> -> memref<128xi32, #tpu.memory_space<vmem>>
        %dma_wait3A_147 = arith.constant 0 : i32
        %dma_wait3A_148 = arith.constant 0 : i32
        %dma_wait3A_149 = tpu.memref_slice %arg8[%dma_wait3A_147, %dma_wait3A_148] : memref<10112x128xf32, #tpu.memory_space<vmem_shared>> -> memref<10112x128xf32, #tpu.memory_space<vmem_shared>>
        tpu.wait_indirect_dma semaphore(%arg13 : memref<!tpu.dma_semaphore, #tpu.memory_space<semaphore_mem>>) src(%arg9 : memref<128x128xf32, #tpu.memory_space<vmem>>) dst(%dma_wait3A_149 : memref<10112x128xf32, #tpu.memory_space<vmem_shared>>)
        %add3A_150 = arith.constant 0 : i32
        %add3A_151 = arith.addi %add3A_112, %add3A_150 : i32
        %add3A_152 = arith.constant 2 : i32
        %add3A_153 = arith.addi %add3A_151, %add3A_152 : i32
        %lt3A = arith.constant 8 : i32
        %lt3A_154 = arith.cmpi slt, %add3A_153, %lt3A : i32
        %convert_element_type3A_155 = arith.extui %lt3A_154 : i1 to i32
        %cond3A_156 = arith.constant 0 : i32
        %cond3A_157 = arith.cmpi ne, %convert_element_type3A_155, %cond3A_156 : i32
        scf.if %cond3A_157 {
          %add3A_173 = arith.constant 0 : i32
          %add3A_174 = arith.addi %add3A_112, %add3A_173 : i32
          %add3A_175 = arith.constant 2 : i32
          %add3A_176 = arith.addi %add3A_174, %add3A_175 : i32
          %dma_start3A_177 = arith.constant 0 : i32
          %dma_start3A_178 = tpu.memref_slice %arg6[%add3A_176, %dma_start3A_177] : memref<48x128xi32, #tpu.memory_space<vmem>> -> memref<1x128xi32, #tpu.memory_space<vmem>>
          %dma_start3A_179 = tpu.memref_squeeze %dma_start3A_178 : memref<1x128xi32, #tpu.memory_space<vmem>> -> memref<128xi32, #tpu.memory_space<vmem>>
          %dma_start3A_180 = arith.constant 0 : i32
          %dma_start3A_181 = arith.constant 0 : i32
          %dma_start3A_182 = tpu.memref_slice %arg2[%dma_start3A_180, %dma_start3A_181] : memref<10000x128xf32, #tpu.memory_space<hbm>> -> memref<10000x128xf32, #tpu.memory_space<hbm>>
          tpu.enqueue_indirect_dma source(%dma_start3A_182 : memref<10000x128xf32, #tpu.memory_space<hbm>>) target(%arg9 : memref<128x128xf32, #tpu.memory_space<vmem>>) offsets(%dma_start3A_179 : memref<128xi32, #tpu.memory_space<vmem>>) semaphore(%arg11 : memref<!tpu.dma_semaphore, #tpu.memory_space<semaphore_mem>>)
        } else {
        }
        %dma_wait3A_158 = arith.constant 0 : i32
        %dma_wait3A_159 = tpu.memref_slice %arg7[%add3A_137, %dma_wait3A_158] : memref<48x128xi32, #tpu.memory_space<vmem>> -> memref<1x128xi32, #tpu.memory_space<vmem>>
        %dma_wait3A_160 = tpu.memref_squeeze %dma_wait3A_159 : memref<1x128xi32, #tpu.memory_space<vmem>> -> memref<128xi32, #tpu.memory_space<vmem>>
        %dma_wait3A_161 = arith.constant 0 : i32
        %dma_wait3A_162 = arith.constant 0 : i32
        %dma_wait3A_163 = tpu.memref_slice %arg8[%dma_wait3A_161, %dma_wait3A_162] : memref<10112x128xf32, #tpu.memory_space<vmem_shared>> -> memref<10112x128xf32, #tpu.memory_space<vmem_shared>>
        tpu.wait_indirect_dma semaphore(%arg14 : memref<!tpu.dma_semaphore, #tpu.memory_space<semaphore_mem>>) src(%arg10 : memref<128x128xf32, #tpu.memory_space<vmem>>) dst(%dma_wait3A_163 : memref<10112x128xf32, #tpu.memory_space<vmem_shared>>)
        %add3A_164 = arith.constant 1 : i32
        %add3A_165 = arith.addi %add3A_112, %add3A_164 : i32
        %add3A_166 = arith.constant 2 : i32
        %add3A_167 = arith.addi %add3A_165, %add3A_166 : i32
        %lt3A_168 = arith.constant 8 : i32
        %lt3A_169 = arith.cmpi slt, %add3A_167, %lt3A_168 : i32
        %convert_element_type3A_170 = arith.extui %lt3A_169 : i1 to i32
        %cond3A_171 = arith.constant 0 : i32
        %cond3A_172 = arith.cmpi ne, %convert_element_type3A_170, %cond3A_171 : i32
        scf.if %cond3A_172 {
          %add3A_173 = arith.constant 1 : i32
          %add3A_174 = arith.addi %add3A_112, %add3A_173 : i32
          %add3A_175 = arith.constant 2 : i32
          %add3A_176 = arith.addi %add3A_174, %add3A_175 : i32
          %dma_start3A_177 = arith.constant 0 : i32
          %dma_start3A_178 = tpu.memref_slice %arg6[%add3A_176, %dma_start3A_177] : memref<48x128xi32, #tpu.memory_space<vmem>> -> memref<1x128xi32, #tpu.memory_space<vmem>>
          %dma_start3A_179 = tpu.memref_squeeze %dma_start3A_178 : memref<1x128xi32, #tpu.memory_space<vmem>> -> memref<128xi32, #tpu.memory_space<vmem>>
          %dma_start3A_180 = arith.constant 0 : i32
          %dma_start3A_181 = arith.constant 0 : i32
          %dma_start3A_182 = tpu.memref_slice %arg2[%dma_start3A_180, %dma_start3A_181] : memref<10000x128xf32, #tpu.memory_space<hbm>> -> memref<10000x128xf32, #tpu.memory_space<hbm>>
          tpu.enqueue_indirect_dma source(%dma_start3A_182 : memref<10000x128xf32, #tpu.memory_space<hbm>>) target(%arg10 : memref<128x128xf32, #tpu.memory_space<vmem>>) offsets(%dma_start3A_179 : memref<128xi32, #tpu.memory_space<vmem>>) semaphore(%arg12 : memref<!tpu.dma_semaphore, #tpu.memory_space<semaphore_mem>>)
        } else {
        }
      }
      %scan3A_105 = arith.constant 4 : i32
      %add3A_106 = arith.constant 8 : i32
      %add3A_107 = arith.addi %add3A_86, %add3A_106 : i32
    } else {
    }
    %eq3A_17 = arith.constant 1 : i32
    %eq3A_18 = arith.cmpi eq, %arg0, %eq3A_17 : i32
    %convert_element_type3A_19 = arith.extui %eq3A_18 : i1 to i32
    %cond3A_20 = arith.constant 0 : i32
    %cond3A_21 = arith.cmpi ne, %convert_element_type3A_19, %cond3A_20 : i32
    scf.if %cond3A_21 {
      %mul3A_23 = arith.constant 8 : i32
      %mul3A_24 = arith.muli %arg1, %mul3A_23 : i32
      %add3A_25 = arith.constant 2432 : i32
      %add3A_26 = arith.addi %add3A_25, %mul3A_24 : i32
      "tpu.region"() ({
        %run_scoped3A = tpu.sem_alloc : memref<!tpu.dma_semaphore, #tpu.memory_space<semaphore_mem>>
        %dma_start3A_47 = arith.constant 0 : i32
        %dma_start3A_48 = arith.constant 0 : i32
        %dma_start3A_49 = tpu.memref_slice %arg6[%dma_start3A_47, %dma_start3A_48] : memref<48x128xi32, #tpu.memory_space<vmem>> -> memref<8x128xi32, #tpu.memory_space<vmem>>
        %dma_start3A_50 = arith.constant 0 : i32
        %dma_start3A_51 = tpu.memref_slice %arg3[%add3A_26, %dma_start3A_50] : memref<2560x128xi32, #tpu.memory_space<hbm>> -> memref<8x128xi32, #tpu.memory_space<hbm>>
        %dma_start3A_52 = arith.constant 0 : i32
        %dma_start3A_53 = arith.constant 0 : i32
        %dma_start3A_54 = tpu.memref_slice %arg6[%dma_start3A_52, %dma_start3A_53] : memref<48x128xi32, #tpu.memory_space<vmem>> -> memref<8x128xi32, #tpu.memory_space<vmem>>
        %dma_start3A_55 = arith.constant 0 : i32
        %dma_start3A_56 = tpu.memref_slice %arg3[%add3A_26, %dma_start3A_55] : memref<2560x128xi32, #tpu.memory_space<hbm>> -> memref<8x128xi32, #tpu.memory_space<hbm>>
        tpu.enqueue_dma source(%dma_start3A_56 : memref<8x128xi32, #tpu.memory_space<hbm>>) target(%dma_start3A_54 : memref<8x128xi32, #tpu.memory_space<vmem>>) target_semaphore(%run_scoped3A : memref<!tpu.dma_semaphore, #tpu.memory_space<semaphore_mem>>)
        %dma_wait3A = arith.constant 0 : i32
        %dma_wait3A_57 = arith.constant 0 : i32
        %dma_wait3A_58 = tpu.memref_slice %arg6[%dma_wait3A, %dma_wait3A_57] : memref<48x128xi32, #tpu.memory_space<vmem>> -> memref<8x128xi32, #tpu.memory_space<vmem>>
        %dma_wait3A_59 = arith.constant 0 : i32
        %dma_wait3A_60 = tpu.memref_slice %arg3[%add3A_26, %dma_wait3A_59] : memref<2560x128xi32, #tpu.memory_space<hbm>> -> memref<8x128xi32, #tpu.memory_space<hbm>>
        %dma_wait3A_61 = arith.constant 0 : i32
        %dma_wait3A_62 = arith.constant 0 : i32
        %dma_wait3A_63 = tpu.memref_slice %arg6[%dma_wait3A_61, %dma_wait3A_62] : memref<48x128xi32, #tpu.memory_space<vmem>> -> memref<8x128xi32, #tpu.memory_space<vmem>>
        %dma_wait3A_64 = arith.constant 0 : i32
        %dma_wait3A_65 = tpu.memref_slice %arg3[%add3A_26, %dma_wait3A_64] : memref<2560x128xi32, #tpu.memory_space<hbm>> -> memref<8x128xi32, #tpu.memory_space<hbm>>
        tpu.wait_dma2 semaphore(%run_scoped3A : memref<!tpu.dma_semaphore, #tpu.memory_space<semaphore_mem>>) src(%dma_wait3A_65 : memref<8x128xi32, #tpu.memory_space<hbm>>) dst(%dma_wait3A_63 : memref<8x128xi32, #tpu.memory_space<vmem>>)
        tpu.yield
      }) : () -> ()
      "tpu.region"() ({
        %run_scoped3A = tpu.sem_alloc : memref<!tpu.dma_semaphore, #tpu.memory_space<semaphore_mem>>
        %dma_start3A_47 = arith.constant 0 : i32
        %dma_start3A_48 = arith.constant 0 : i32
        %dma_start3A_49 = tpu.memref_slice %arg7[%dma_start3A_47, %dma_start3A_48] : memref<48x128xi32, #tpu.memory_space<vmem>> -> memref<8x128xi32, #tpu.memory_space<vmem>>
        %dma_start3A_50 = arith.constant 0 : i32
        %dma_start3A_51 = tpu.memref_slice %arg4[%add3A_26, %dma_start3A_50] : memref<2560x128xi32, #tpu.memory_space<hbm>> -> memref<8x128xi32, #tpu.memory_space<hbm>>
        %dma_start3A_52 = arith.constant 0 : i32
        %dma_start3A_53 = arith.constant 0 : i32
        %dma_start3A_54 = tpu.memref_slice %arg7[%dma_start3A_52, %dma_start3A_53] : memref<48x128xi32, #tpu.memory_space<vmem>> -> memref<8x128xi32, #tpu.memory_space<vmem>>
        %dma_start3A_55 = arith.constant 0 : i32
        %dma_start3A_56 = tpu.memref_slice %arg4[%add3A_26, %dma_start3A_55] : memref<2560x128xi32, #tpu.memory_space<hbm>> -> memref<8x128xi32, #tpu.memory_space<hbm>>
        tpu.enqueue_dma source(%dma_start3A_56 : memref<8x128xi32, #tpu.memory_space<hbm>>) target(%dma_start3A_54 : memref<8x128xi32, #tpu.memory_space<vmem>>) target_semaphore(%run_scoped3A : memref<!tpu.dma_semaphore, #tpu.memory_space<semaphore_mem>>)
        %dma_wait3A = arith.constant 0 : i32
        %dma_wait3A_57 = arith.constant 0 : i32
        %dma_wait3A_58 = tpu.memref_slice %arg7[%dma_wait3A, %dma_wait3A_57] : memref<48x128xi32, #tpu.memory_space<vmem>> -> memref<8x128xi32, #tpu.memory_space<vmem>>
        %dma_wait3A_59 = arith.constant 0 : i32
        %dma_wait3A_60 = tpu.memref_slice %arg4[%add3A_26, %dma_wait3A_59] : memref<2560x128xi32, #tpu.memory_space<hbm>> -> memref<8x128xi32, #tpu.memory_space<hbm>>
        %dma_wait3A_61 = arith.constant 0 : i32
        %dma_wait3A_62 = arith.constant 0 : i32
        %dma_wait3A_63 = tpu.memref_slice %arg7[%dma_wait3A_61, %dma_wait3A_62] : memref<48x128xi32, #tpu.memory_space<vmem>> -> memref<8x128xi32, #tpu.memory_space<vmem>>
        %dma_wait3A_64 = arith.constant 0 : i32
        %dma_wait3A_65 = tpu.memref_slice %arg4[%add3A_26, %dma_wait3A_64] : memref<2560x128xi32, #tpu.memory_space<hbm>> -> memref<8x128xi32, #tpu.memory_space<hbm>>
        tpu.wait_dma2 semaphore(%run_scoped3A : memref<!tpu.dma_semaphore, #tpu.memory_space<semaphore_mem>>) src(%dma_wait3A_65 : memref<8x128xi32, #tpu.memory_space<hbm>>) dst(%dma_wait3A_63 : memref<8x128xi32, #tpu.memory_space<vmem>>)
        tpu.yield
      }) : () -> ()
      %dma_start3A = arith.constant 0 : i32
      %dma_start3A_27 = arith.constant 0 : i32
      %dma_start3A_28 = tpu.memref_slice %arg6[%dma_start3A, %dma_start3A_27] : memref<48x128xi32, #tpu.memory_space<vmem>> -> memref<1x128xi32, #tpu.memory_space<vmem>>
      %dma_start3A_29 = tpu.memref_squeeze %dma_start3A_28 : memref<1x128xi32, #tpu.memory_space<vmem>> -> memref<128xi32, #tpu.memory_space<vmem>>
      %dma_start3A_30 = arith.constant 0 : i32
      %dma_start3A_31 = arith.constant 0 : i32
      %dma_start3A_32 = tpu.memref_slice %arg2[%dma_start3A_30, %dma_start3A_31] : memref<10000x128xf32, #tpu.memory_space<hbm>> -> memref<10000x128xf32, #tpu.memory_space<hbm>>
      tpu.enqueue_indirect_dma source(%dma_start3A_32 : memref<10000x128xf32, #tpu.memory_space<hbm>>) target(%arg9 : memref<128x128xf32, #tpu.memory_space<vmem>>) offsets(%dma_start3A_29 : memref<128xi32, #tpu.memory_space<vmem>>) semaphore(%arg11 : memref<!tpu.dma_semaphore, #tpu.memory_space<semaphore_mem>>)
      %dma_start3A_33 = arith.constant 1 : i32
      %dma_start3A_34 = arith.constant 0 : i32
      %dma_start3A_35 = tpu.memref_slice %arg6[%dma_start3A_33, %dma_start3A_34] : memref<48x128xi32, #tpu.memory_space<vmem>> -> memref<1x128xi32, #tpu.memory_space<vmem>>
      %dma_start3A_36 = tpu.memref_squeeze %dma_start3A_35 : memref<1x128xi32, #tpu.memory_space<vmem>> -> memref<128xi32, #tpu.memory_space<vmem>>
      %dma_start3A_37 = arith.constant 0 : i32
      %dma_start3A_38 = arith.constant 0 : i32
      %dma_start3A_39 = tpu.memref_slice %arg2[%dma_start3A_37, %dma_start3A_38] : memref<10000x128xf32, #tpu.memory_space<hbm>> -> memref<10000x128xf32, #tpu.memory_space<hbm>>
      tpu.enqueue_indirect_dma source(%dma_start3A_39 : memref<10000x128xf32, #tpu.memory_space<hbm>>) target(%arg10 : memref<128x128xf32, #tpu.memory_space<vmem>>) offsets(%dma_start3A_36 : memref<128xi32, #tpu.memory_space<vmem>>) semaphore(%arg12 : memref<!tpu.dma_semaphore, #tpu.memory_space<semaphore_mem>>)
      %scan3A_40 = arith.constant 0 : i32
      %scan3A_41 = arith.constant 4 : i32
      %scan3A_42 = arith.addi %scan3A_40, %scan3A_41 : i32
      %scan3A_43 = arith.constant 1 : i32
      scf.for %scan3A_47 = %scan3A_40 to %scan3A_42 step %scan3A_43  : i32 {
        %mul3A_48 = arith.constant 2 : i32
        %mul3A_49 = arith.muli %scan3A_47, %mul3A_48 : i32
        %add3A_50 = arith.constant 0 : i32
        %add3A_51 = arith.addi %add3A_50, %mul3A_49 : i32
        %add3A_52 = arith.constant 0 : i32
        %add3A_53 = arith.addi %add3A_51, %add3A_52 : i32
        %dma_wait3A = arith.constant 0 : i32
        %dma_wait3A_54 = tpu.memref_slice %arg6[%add3A_53, %dma_wait3A] : memref<48x128xi32, #tpu.memory_space<vmem>> -> memref<1x128xi32, #tpu.memory_space<vmem>>
        %dma_wait3A_55 = tpu.memref_squeeze %dma_wait3A_54 : memref<1x128xi32, #tpu.memory_space<vmem>> -> memref<128xi32, #tpu.memory_space<vmem>>
        %dma_wait3A_56 = arith.constant 0 : i32
        %dma_wait3A_57 = arith.constant 0 : i32
        %dma_wait3A_58 = tpu.memref_slice %arg2[%dma_wait3A_56, %dma_wait3A_57] : memref<10000x128xf32, #tpu.memory_space<hbm>> -> memref<10000x128xf32, #tpu.memory_space<hbm>>
        tpu.wait_indirect_dma semaphore(%arg11 : memref<!tpu.dma_semaphore, #tpu.memory_space<semaphore_mem>>) src(%dma_wait3A_58 : memref<10000x128xf32, #tpu.memory_space<hbm>>) dst(%arg9 : memref<128x128xf32, #tpu.memory_space<vmem>>)
        %add3A_59 = arith.constant 0 : i32
        %add3A_60 = arith.addi %add3A_51, %add3A_59 : i32
        %dma_start3A_61 = arith.constant 0 : i32
        %dma_start3A_62 = tpu.memref_slice %arg7[%add3A_60, %dma_start3A_61] : memref<48x128xi32, #tpu.memory_space<vmem>> -> memref<1x128xi32, #tpu.memory_space<vmem>>
        %dma_start3A_63 = tpu.memref_squeeze %dma_start3A_62 : memref<1x128xi32, #tpu.memory_space<vmem>> -> memref<128xi32, #tpu.memory_space<vmem>>
        %dma_start3A_64 = arith.constant 0 : i32
        %dma_start3A_65 = arith.constant 0 : i32
        %dma_start3A_66 = tpu.memref_slice %arg8[%dma_start3A_64, %dma_start3A_65] : memref<10112x128xf32, #tpu.memory_space<vmem_shared>> -> memref<10112x128xf32, #tpu.memory_space<vmem_shared>>
        tpu.enqueue_indirect_dma source(%arg9 : memref<128x128xf32, #tpu.memory_space<vmem>>) target(%dma_start3A_66 : memref<10112x128xf32, #tpu.memory_space<vmem_shared>>) offsets(%dma_start3A_63 : memref<128xi32, #tpu.memory_space<vmem>>) semaphore(%arg13 : memref<!tpu.dma_semaphore, #tpu.memory_space<semaphore_mem>>) {add = true}
        %add3A_67 = arith.constant 1 : i32
        %add3A_68 = arith.addi %add3A_51, %add3A_67 : i32
        %dma_wait3A_69 = arith.constant 0 : i32
        %dma_wait3A_70 = tpu.memref_slice %arg6[%add3A_68, %dma_wait3A_69] : memref<48x128xi32, #tpu.memory_space<vmem>> -> memref<1x128xi32, #tpu.memory_space<vmem>>
        %dma_wait3A_71 = tpu.memref_squeeze %dma_wait3A_70 : memref<1x128xi32, #tpu.memory_space<vmem>> -> memref<128xi32, #tpu.memory_space<vmem>>
        %dma_wait3A_72 = arith.constant 0 : i32
        %dma_wait3A_73 = arith.constant 0 : i32
        %dma_wait3A_74 = tpu.memref_slice %arg2[%dma_wait3A_72, %dma_wait3A_73] : memref<10000x128xf32, #tpu.memory_space<hbm>> -> memref<10000x128xf32, #tpu.memory_space<hbm>>
        tpu.wait_indirect_dma semaphore(%arg12 : memref<!tpu.dma_semaphore, #tpu.memory_space<semaphore_mem>>) src(%dma_wait3A_74 : memref<10000x128xf32, #tpu.memory_space<hbm>>) dst(%arg10 : memref<128x128xf32, #tpu.memory_space<vmem>>)
        %add3A_75 = arith.constant 1 : i32
        %add3A_76 = arith.addi %add3A_51, %add3A_75 : i32
        %dma_start3A_77 = arith.constant 0 : i32
        %dma_start3A_78 = tpu.memref_slice %arg7[%add3A_76, %dma_start3A_77] : memref<48x128xi32, #tpu.memory_space<vmem>> -> memref<1x128xi32, #tpu.memory_space<vmem>>
        %dma_start3A_79 = tpu.memref_squeeze %dma_start3A_78 : memref<1x128xi32, #tpu.memory_space<vmem>> -> memref<128xi32, #tpu.memory_space<vmem>>
        %dma_start3A_80 = arith.constant 0 : i32
        %dma_start3A_81 = arith.constant 0 : i32
        %dma_start3A_82 = tpu.memref_slice %arg8[%dma_start3A_80, %dma_start3A_81] : memref<10112x128xf32, #tpu.memory_space<vmem_shared>> -> memref<10112x128xf32, #tpu.memory_space<vmem_shared>>
        tpu.enqueue_indirect_dma source(%arg10 : memref<128x128xf32, #tpu.memory_space<vmem>>) target(%dma_start3A_82 : memref<10112x128xf32, #tpu.memory_space<vmem_shared>>) offsets(%dma_start3A_79 : memref<128xi32, #tpu.memory_space<vmem>>) semaphore(%arg14 : memref<!tpu.dma_semaphore, #tpu.memory_space<semaphore_mem>>) {add = true}
        %dma_wait3A_83 = arith.constant 0 : i32
        %dma_wait3A_84 = tpu.memref_slice %arg7[%add3A_60, %dma_wait3A_83] : memref<48x128xi32, #tpu.memory_space<vmem>> -> memref<1x128xi32, #tpu.memory_space<vmem>>
        %dma_wait3A_85 = tpu.memref_squeeze %dma_wait3A_84 : memref<1x128xi32, #tpu.memory_space<vmem>> -> memref<128xi32, #tpu.memory_space<vmem>>
        %dma_wait3A_86 = arith.constant 0 : i32
        %dma_wait3A_87 = arith.constant 0 : i32
        %dma_wait3A_88 = tpu.memref_slice %arg8[%dma_wait3A_86, %dma_wait3A_87] : memref<10112x128xf32, #tpu.memory_space<vmem_shared>> -> memref<10112x128xf32, #tpu.memory_space<vmem_shared>>
        tpu.wait_indirect_dma semaphore(%arg13 : memref<!tpu.dma_semaphore, #tpu.memory_space<semaphore_mem>>) src(%arg9 : memref<128x128xf32, #tpu.memory_space<vmem>>) dst(%dma_wait3A_88 : memref<10112x128xf32, #tpu.memory_space<vmem_shared>>)
        %add3A_89 = arith.constant 0 : i32
        %add3A_90 = arith.addi %add3A_51, %add3A_89 : i32
        %add3A_91 = arith.constant 2 : i32
        %add3A_92 = arith.addi %add3A_90, %add3A_91 : i32
        %lt3A = arith.constant 8 : i32
        %lt3A_93 = arith.cmpi slt, %add3A_92, %lt3A : i32
        %convert_element_type3A_94 = arith.extui %lt3A_93 : i1 to i32
        %cond3A_95 = arith.constant 0 : i32
        %cond3A_96 = arith.cmpi ne, %convert_element_type3A_94, %cond3A_95 : i32
        scf.if %cond3A_96 {
          %add3A_112 = arith.constant 0 : i32
          %add3A_113 = arith.addi %add3A_51, %add3A_112 : i32
          %add3A_114 = arith.constant 2 : i32
          %add3A_115 = arith.addi %add3A_113, %add3A_114 : i32
          %dma_start3A_116 = arith.constant 0 : i32
          %dma_start3A_117 = tpu.memref_slice %arg6[%add3A_115, %dma_start3A_116] : memref<48x128xi32, #tpu.memory_space<vmem>> -> memref<1x128xi32, #tpu.memory_space<vmem>>
          %dma_start3A_118 = tpu.memref_squeeze %dma_start3A_117 : memref<1x128xi32, #tpu.memory_space<vmem>> -> memref<128xi32, #tpu.memory_space<vmem>>
          %dma_start3A_119 = arith.constant 0 : i32
          %dma_start3A_120 = arith.constant 0 : i32
          %dma_start3A_121 = tpu.memref_slice %arg2[%dma_start3A_119, %dma_start3A_120] : memref<10000x128xf32, #tpu.memory_space<hbm>> -> memref<10000x128xf32, #tpu.memory_space<hbm>>
          tpu.enqueue_indirect_dma source(%dma_start3A_121 : memref<10000x128xf32, #tpu.memory_space<hbm>>) target(%arg9 : memref<128x128xf32, #tpu.memory_space<vmem>>) offsets(%dma_start3A_118 : memref<128xi32, #tpu.memory_space<vmem>>) semaphore(%arg11 : memref<!tpu.dma_semaphore, #tpu.memory_space<semaphore_mem>>)
        } else {
        }
        %dma_wait3A_97 = arith.constant 0 : i32
        %dma_wait3A_98 = tpu.memref_slice %arg7[%add3A_76, %dma_wait3A_97] : memref<48x128xi32, #tpu.memory_space<vmem>> -> memref<1x128xi32, #tpu.memory_space<vmem>>
        %dma_wait3A_99 = tpu.memref_squeeze %dma_wait3A_98 : memref<1x128xi32, #tpu.memory_space<vmem>> -> memref<128xi32, #tpu.memory_space<vmem>>
        %dma_wait3A_100 = arith.constant 0 : i32
        %dma_wait3A_101 = arith.constant 0 : i32
        %dma_wait3A_102 = tpu.memref_slice %arg8[%dma_wait3A_100, %dma_wait3A_101] : memref<10112x128xf32, #tpu.memory_space<vmem_shared>> -> memref<10112x128xf32, #tpu.memory_space<vmem_shared>>
        tpu.wait_indirect_dma semaphore(%arg14 : memref<!tpu.dma_semaphore, #tpu.memory_space<semaphore_mem>>) src(%arg10 : memref<128x128xf32, #tpu.memory_space<vmem>>) dst(%dma_wait3A_102 : memref<10112x128xf32, #tpu.memory_space<vmem_shared>>)
        %add3A_103 = arith.constant 1 : i32
        %add3A_104 = arith.addi %add3A_51, %add3A_103 : i32
        %add3A_105 = arith.constant 2 : i32
        %add3A_106 = arith.addi %add3A_104, %add3A_105 : i32
        %lt3A_107 = arith.constant 8 : i32
        %lt3A_108 = arith.cmpi slt, %add3A_106, %lt3A_107 : i32
        %convert_element_type3A_109 = arith.extui %lt3A_108 : i1 to i32
        %cond3A_110 = arith.constant 0 : i32
        %cond3A_111 = arith.cmpi ne, %convert_element_type3A_109, %cond3A_110 : i32
        scf.if %cond3A_111 {
          %add3A_112 = arith.constant 1 : i32
          %add3A_113 = arith.addi %add3A_51, %add3A_112 : i32
          %add3A_114 = arith.constant 2 : i32
          %add3A_115 = arith.addi %add3A_113, %add3A_114 : i32
          %dma_start3A_116 = arith.constant 0 : i32
          %dma_start3A_117 = tpu.memref_slice %arg6[%add3A_115, %dma_start3A_116] : memref<48x128xi32, #tpu.memory_space<vmem>> -> memref<1x128xi32, #tpu.memory_space<vmem>>
          %dma_start3A_118 = tpu.memref_squeeze %dma_start3A_117 : memref<1x128xi32, #tpu.memory_space<vmem>> -> memref<128xi32, #tpu.memory_space<vmem>>
          %dma_start3A_119 = arith.constant 0 : i32
          %dma_start3A_120 = arith.constant 0 : i32
          %dma_start3A_121 = tpu.memref_slice %arg2[%dma_start3A_119, %dma_start3A_120] : memref<10000x128xf32, #tpu.memory_space<hbm>> -> memref<10000x128xf32, #tpu.memory_space<hbm>>
          tpu.enqueue_indirect_dma source(%dma_start3A_121 : memref<10000x128xf32, #tpu.memory_space<hbm>>) target(%arg10 : memref<128x128xf32, #tpu.memory_space<vmem>>) offsets(%dma_start3A_118 : memref<128xi32, #tpu.memory_space<vmem>>) semaphore(%arg12 : memref<!tpu.dma_semaphore, #tpu.memory_space<semaphore_mem>>)
        } else {
        }
      }
      %scan3A_44 = arith.constant 4 : i32
      %add3A_45 = arith.constant 8 : i32
      %add3A_46 = arith.addi %add3A_26, %add3A_45 : i32
    } else {
    }
    %barrier3A_22 = arith.constant 0 : index
    tpu.barrier barrier_id(%barrier3A_22)
    "tpu.region"() ({
      %run_scoped3A = tpu.sem_alloc : memref<!tpu.dma_semaphore, #tpu.memory_space<semaphore_mem>>
      %dma_start3A = arith.constant 0 : i32
      %dma_start3A_23 = arith.constant 0 : i32
      %dma_start3A_24 = tpu.memref_slice %arg5[%arg0, %dma_start3A, %dma_start3A_23] : memref<2x10112x128xf32, #tpu.memory_space<hbm>> -> memref<1x10112x128xf32, #tpu.memory_space<hbm>>
      %dma_start3A_25 = tpu.memref_squeeze %dma_start3A_24 : memref<1x10112x128xf32, #tpu.memory_space<hbm>> -> memref<10112x128xf32, #tpu.memory_space<hbm>>
      %dma_start3A_26 = arith.constant 0 : i32
      %dma_start3A_27 = tpu.memref_slice %dma_start3A_25[%mul3A_0, %dma_start3A_26] : memref<10112x128xf32, #tpu.memory_space<hbm>> -> memref<632x128xf32, #tpu.memory_space<hbm>>
      %dma_start3A_28 = arith.constant 0 : i32
      %dma_start3A_29 = tpu.memref_slice %arg8[%mul3A_0, %dma_start3A_28] : memref<10112x128xf32, #tpu.memory_space<vmem_shared>> -> memref<632x128xf32, #tpu.memory_space<vmem_shared>>
      tpu.enqueue_dma source(%dma_start3A_29 : memref<632x128xf32, #tpu.memory_space<vmem_shared>>) target(%dma_start3A_27 : memref<632x128xf32, #tpu.memory_space<hbm>>) target_semaphore(%run_scoped3A : memref<!tpu.dma_semaphore, #tpu.memory_space<semaphore_mem>>)
      %dma_wait3A = arith.constant 0 : i32
      %dma_wait3A_30 = arith.constant 0 : i32
      %dma_wait3A_31 = tpu.memref_slice %arg5[%arg0, %dma_wait3A, %dma_wait3A_30] : memref<2x10112x128xf32, #tpu.memory_space<hbm>> -> memref<1x10112x128xf32, #tpu.memory_space<hbm>>
      %dma_wait3A_32 = tpu.memref_squeeze %dma_wait3A_31 : memref<1x10112x128xf32, #tpu.memory_space<hbm>> -> memref<10112x128xf32, #tpu.memory_space<hbm>>
      %dma_wait3A_33 = arith.constant 0 : i32
      %dma_wait3A_34 = tpu.memref_slice %dma_wait3A_32[%mul3A_0, %dma_wait3A_33] : memref<10112x128xf32, #tpu.memory_space<hbm>> -> memref<632x128xf32, #tpu.memory_space<hbm>>
      %dma_wait3A_35 = arith.constant 0 : i32
      %dma_wait3A_36 = tpu.memref_slice %arg8[%mul3A_0, %dma_wait3A_35] : memref<10112x128xf32, #tpu.memory_space<vmem_shared>> -> memref<632x128xf32, #tpu.memory_space<vmem_shared>>
      tpu.wait_dma2 semaphore(%run_scoped3A : memref<!tpu.dma_semaphore, #tpu.memory_space<semaphore_mem>>) src(%dma_wait3A_36 : memref<632x128xf32, #tpu.memory_space<vmem_shared>>) dst(%dma_wait3A_34 : memref<632x128xf32, #tpu.memory_space<hbm>>)
      tpu.yield
    }) : () -> ()
    return
  }
}

#map = affine_map<(d0, d1) -> (0, 0)>
#map1 = affine_map<(d0, d1) -> (0, 0, 0)>
module attributes {stable_mosaic.version = 14 : i64} {
  func.func @k(%arg0: i32, %arg1: i32, %arg2: memref<10000x128xf32, #tpu.memory_space<hbm>>, %arg3: memref<2560x128xi32, #tpu.memory_space<hbm>>, %arg4: memref<2560x128xi32, #tpu.memory_space<hbm>>, %arg5: memref<2x10112x128xf32, #tpu.memory_space<hbm>>, %arg6: memref<48x128xi32, #tpu.memory_space<vmem>>, %arg7: memref<48x128xi32, #tpu.memory_space<vmem>>, %arg8: memref<10112x128xf32, #tpu.memory_space<vmem_shared>>, %arg9: memref<128x128xf32, #tpu.memory_space<vmem>>, %arg10: memref<128x128xf32, #tpu.memory_space<vmem>>, %arg11: memref<!tpu.dma_semaphore, #tpu.memory_space<semaphore_mem>>, %arg12: memref<!tpu.dma_semaphore, #tpu.memory_space<semaphore_mem>>, %arg13: memref<!tpu.dma_semaphore, #tpu.memory_space<semaphore_mem>>, %arg14: memref<!tpu.dma_semaphore, #tpu.memory_space<semaphore_mem>>) attributes {dimension_semantics = [#tpu.dimension_semantics<core_parallel>, #tpu.dimension_semantics<subcore_parallel>], iteration_bounds = array<i64: 2, 16>, scalar_prefetch = 0 : i64, scratch_operands = 9 : i64, tpu.core_type = #tpu.core_type<sc_vector_subcore>, window_params = [{transform_indices = #map}, {transform_indices = #map}, {transform_indices = #map}, {transform_indices = #map1}]} {
    %mul3A = arith.constant 632 : i32
    %mul3A_0 = arith.muli %arg1, %mul3A : i32
    %broadcast_in_dim3A = arith.constant 0.000000e+00 : f32
    %broadcast_in_dim3A_1 = vector.broadcast %broadcast_in_dim3A : f32 to vector<16xf32>
    %scan3A = arith.constant 0 : i32
    %scan3A_2 = arith.constant 128 : i32
    %scan3A_3 = arith.addi %scan3A, %scan3A_2 : i32
    %scan3A_4 = arith.constant 1 : i32
    scf.for %scan3A_23 = %scan3A to %scan3A_3 step %scan3A_4  : i32 {
      %mul3A_24 = arith.constant 1 : i32
      %mul3A_25 = arith.muli %scan3A_23, %mul3A_24 : i32
      %add3A_26 = arith.constant 0 : i32
      %add3A_27 = arith.addi %add3A_26, %mul3A_25 : i32
      %scan3A_28 = arith.constant 0 : i32
      %scan3A_29 = arith.constant 8 : i32
      %scan3A_30 = arith.addi %scan3A_28, %scan3A_29 : i32
      %scan3A_31 = arith.constant 1 : i32
      scf.for %scan3A_33 = %scan3A_28 to %scan3A_30 step %scan3A_31  : i32 {
        %mul3A_34 = arith.constant 1 : i32
        %mul3A_35 = arith.muli %scan3A_33, %mul3A_34 : i32
        %add3A_36 = arith.constant 0 : i32
        %add3A_37 = arith.addi %add3A_36, %mul3A_35 : i32
        %mul3A_38 = arith.constant 16 : i32
        %mul3A_39 = arith.muli %add3A_37, %mul3A_38 : i32
        %swap3A = arith.index_cast %add3A_27 : i32 to index
        %swap3A_40 = arith.index_cast %mul3A_39 : i32 to index
        %swap3A_41 = tpu.vector_load %arg9[%swap3A, %swap3A_40] {strides = array<i32>} : memref<128x128xf32, #tpu.memory_space<vmem>>, vector<1x16xf32>,
        %swap3A_42 = vector.shape_cast %swap3A_41 : vector<1x16xf32> to vector<16xf32>
        %swap3A_43 = vector.shape_cast %broadcast_in_dim3A_1 : vector<16xf32> to vector<1x16xf32>
        tpu.vector_store %arg9[%swap3A, %swap3A_40], %swap3A_43 {strides = array<i32>} : memref<128x128xf32, #tpu.memory_space<vmem>>, vector<1x16xf32>,
      }
      %scan3A_32 = arith.constant 8 : i32
    }
    %scan3A_5 = arith.constant 128 : i32
    %add3A = arith.constant 0 : i32
    %add3A_6 = arith.addi %mul3A_0, %add3A : i32
    "tpu.region"() ({
      %run_scoped3A = tpu.sem_alloc : memref<!tpu.dma_semaphore, #tpu.memory_space<semaphore_mem>>
      %dma_start3A = arith.constant 0 : i32
      %dma_start3A_23 = tpu.memref_slice %arg8[%add3A_6, %dma_start3A] : memref<10112x128xf32, #tpu.memory_space<vmem_shared>> -> memref<128x128xf32, #tpu.memory_space<vmem_shared>>
      %dma_start3A_24 = arith.constant 0 : i32
      %dma_start3A_25 = tpu.memref_slice %arg8[%add3A_6, %dma_start3A_24] : memref<10112x128xf32, #tpu.memory_space<vmem_shared>> -> memref<128x128xf32, #tpu.memory_space<vmem_shared>>
      tpu.enqueue_dma source(%arg9 : memref<128x128xf32, #tpu.memory_space<vmem>>) target(%dma_start3A_25 : memref<128x128xf32, #tpu.memory_space<vmem_shared>>) target_semaphore(%run_scoped3A : memref<!tpu.dma_semaphore, #tpu.memory_space<semaphore_mem>>)
      %dma_wait3A = arith.constant 0 : i32
      %dma_wait3A_26 = tpu.memref_slice %arg8[%add3A_6, %dma_wait3A] : memref<10112x128xf32, #tpu.memory_space<vmem_shared>> -> memref<128x128xf32, #tpu.memory_space<vmem_shared>>
      %dma_wait3A_27 = arith.constant 0 : i32
      %dma_wait3A_28 = tpu.memref_slice %arg8[%add3A_6, %dma_wait3A_27] : memref<10112x128xf32, #tpu.memory_space<vmem_shared>> -> memref<128x128xf32, #tpu.memory_space<vmem_shared>>
      tpu.wait_dma2 semaphore(%run_scoped3A : memref<!tpu.dma_semaphore, #tpu.memory_space<semaphore_mem>>) src(%arg9 : memref<128x128xf32, #tpu.memory_space<vmem>>) dst(%dma_wait3A_28 : memref<128x128xf32, #tpu.memory_space<vmem_shared>>)
      tpu.yield
    }) : () -> ()
    %add3A_7 = arith.constant 128 : i32
    %add3A_8 = arith.addi %mul3A_0, %add3A_7 : i32
    "tpu.region"() ({
      %run_scoped3A = tpu.sem_alloc : memref<!tpu.dma_semaphore, #tpu.memory_space<semaphore_mem>>
      %dma_start3A = arith.constant 0 : i32
      %dma_start3A_23 = tpu.memref_slice %arg8[%add3A_8, %dma_start3A] : memref<10112x128xf32, #tpu.memory_space<vmem_shared>> -> memref<128x128xf32, #tpu.memory_space<vmem_shared>>
      %dma_start3A_24 = arith.constant 0 : i32
      %dma_start3A_25 = tpu.memref_slice %arg8[%add3A_8, %dma_start3A_24] : memref<10112x128xf32, #tpu.memory_space<vmem_shared>> -> memref<128x128xf32, #tpu.memory_space<vmem_shared>>
      tpu.enqueue_dma source(%arg9 : memref<128x128xf32, #tpu.memory_space<vmem>>) target(%dma_start3A_25 : memref<128x128xf32, #tpu.memory_space<vmem_shared>>) target_semaphore(%run_scoped3A : memref<!tpu.dma_semaphore, #tpu.memory_space<semaphore_mem>>)
      %dma_wait3A = arith.constant 0 : i32
      %dma_wait3A_26 = tpu.memref_slice %arg8[%add3A_8, %dma_wait3A] : memref<10112x128xf32, #tpu.memory_space<vmem_shared>> -> memref<128x128xf32, #tpu.memory_space<vmem_shared>>
      %dma_wait3A_27 = arith.constant 0 : i32
      %dma_wait3A_28 = tpu.memref_slice %arg8[%add3A_8, %dma_wait3A_27] : memref<10112x128xf32, #tpu.memory_space<vmem_shared>> -> memref<128x128xf32, #tpu.memory_space<vmem_shared>>
      tpu.wait_dma2 semaphore(%run_scoped3A : memref<!tpu.dma_semaphore, #tpu.memory_space<semaphore_mem>>) src(%arg9 : memref<128x128xf32, #tpu.memory_space<vmem>>) dst(%dma_wait3A_28 : memref<128x128xf32, #tpu.memory_space<vmem_shared>>)
      tpu.yield
    }) : () -> ()
    %add3A_9 = arith.constant 256 : i32
    %add3A_10 = arith.addi %mul3A_0, %add3A_9 : i32
    "tpu.region"() ({
      %run_scoped3A = tpu.sem_alloc : memref<!tpu.dma_semaphore, #tpu.memory_space<semaphore_mem>>
      %dma_start3A = arith.constant 0 : i32
      %dma_start3A_23 = tpu.memref_slice %arg8[%add3A_10, %dma_start3A] : memref<10112x128xf32, #tpu.memory_space<vmem_shared>> -> memref<128x128xf32, #tpu.memory_space<vmem_shared>>
      %dma_start3A_24 = arith.constant 0 : i32
      %dma_start3A_25 = tpu.memref_slice %arg8[%add3A_10, %dma_start3A_24] : memref<10112x128xf32, #tpu.memory_space<vmem_shared>> -> memref<128x128xf32, #tpu.memory_space<vmem_shared>>
      tpu.enqueue_dma source(%arg9 : memref<128x128xf32, #tpu.memory_space<vmem>>) target(%dma_start3A_25 : memref<128x128xf32, #tpu.memory_space<vmem_shared>>) target_semaphore(%run_scoped3A : memref<!tpu.dma_semaphore, #tpu.memory_space<semaphore_mem>>)
      %dma_wait3A = arith.constant 0 : i32
      %dma_wait3A_26 = tpu.memref_slice %arg8[%add3A_10, %dma_wait3A] : memref<10112x128xf32, #tpu.memory_space<vmem_shared>> -> memref<128x128xf32, #tpu.memory_space<vmem_shared>>
      %dma_wait3A_27 = arith.constant 0 : i32
      %dma_wait3A_28 = tpu.memref_slice %arg8[%add3A_10, %dma_wait3A_27] : memref<10112x128xf32, #tpu.memory_space<vmem_shared>> -> memref<128x128xf32, #tpu.memory_space<vmem_shared>>
      tpu.wait_dma2 semaphore(%run_scoped3A : memref<!tpu.dma_semaphore, #tpu.memory_space<semaphore_mem>>) src(%arg9 : memref<128x128xf32, #tpu.memory_space<vmem>>) dst(%dma_wait3A_28 : memref<128x128xf32, #tpu.memory_space<vmem_shared>>)
      tpu.yield
    }) : () -> ()
    %add3A_11 = arith.constant 384 : i32
    %add3A_12 = arith.addi %mul3A_0, %add3A_11 : i32
    "tpu.region"() ({
      %run_scoped3A = tpu.sem_alloc : memref<!tpu.dma_semaphore, #tpu.memory_space<semaphore_mem>>
      %dma_start3A = arith.constant 0 : i32
      %dma_start3A_23 = tpu.memref_slice %arg8[%add3A_12, %dma_start3A] : memref<10112x128xf32, #tpu.memory_space<vmem_shared>> -> memref<128x128xf32, #tpu.memory_space<vmem_shared>>
      %dma_start3A_24 = arith.constant 0 : i32
      %dma_start3A_25 = tpu.memref_slice %arg8[%add3A_12, %dma_start3A_24] : memref<10112x128xf32, #tpu.memory_space<vmem_shared>> -> memref<128x128xf32, #tpu.memory_space<vmem_shared>>
      tpu.enqueue_dma source(%arg9 : memref<128x128xf32, #tpu.memory_space<vmem>>) target(%dma_start3A_25 : memref<128x128xf32, #tpu.memory_space<vmem_shared>>) target_semaphore(%run_scoped3A : memref<!tpu.dma_semaphore, #tpu.memory_space<semaphore_mem>>)
      %dma_wait3A = arith.constant 0 : i32
      %dma_wait3A_26 = tpu.memref_slice %arg8[%add3A_12, %dma_wait3A] : memref<10112x128xf32, #tpu.memory_space<vmem_shared>> -> memref<128x128xf32, #tpu.memory_space<vmem_shared>>
      %dma_wait3A_27 = arith.constant 0 : i32
      %dma_wait3A_28 = tpu.memref_slice %arg8[%add3A_12, %dma_wait3A_27] : memref<10112x128xf32, #tpu.memory_space<vmem_shared>> -> memref<128x128xf32, #tpu.memory_space<vmem_shared>>
      tpu.wait_dma2 semaphore(%run_scoped3A : memref<!tpu.dma_semaphore, #tpu.memory_space<semaphore_mem>>) src(%arg9 : memref<128x128xf32, #tpu.memory_space<vmem>>) dst(%dma_wait3A_28 : memref<128x128xf32, #tpu.memory_space<vmem_shared>>)
      tpu.yield
    }) : () -> ()
    %add3A_13 = arith.constant 512 : i32
    %add3A_14 = arith.addi %mul3A_0, %add3A_13 : i32
    "tpu.region"() ({
      %run_scoped3A = tpu.sem_alloc : memref<!tpu.dma_semaphore, #tpu.memory_space<semaphore_mem>>
      %dma_start3A = arith.constant 0 : i32
      %dma_start3A_23 = arith.constant 0 : i32
      %dma_start3A_24 = tpu.memref_slice %arg9[%dma_start3A, %dma_start3A_23] : memref<128x128xf32, #tpu.memory_space<vmem>> -> memref<120x128xf32, #tpu.memory_space<vmem>>
      %dma_start3A_25 = arith.constant 0 : i32
      %dma_start3A_26 = tpu.memref_slice %arg8[%add3A_14, %dma_start3A_25] : memref<10112x128xf32, #tpu.memory_space<vmem_shared>> -> memref<120x128xf32, #tpu.memory_space<vmem_shared>>
      %dma_start3A_27 = arith.constant 0 : i32
      %dma_start3A_28 = tpu.memref_slice %arg8[%add3A_14, %dma_start3A_27] : memref<10112x128xf32, #tpu.memory_space<vmem_shared>> -> memref<120x128xf32, #tpu.memory_space<vmem_shared>>
      %dma_start3A_29 = arith.constant 0 : i32
      %dma_start3A_30 = arith.constant 0 : i32
      %dma_start3A_31 = tpu.memref_slice %arg9[%dma_start3A_29, %dma_start3A_30] : memref<128x128xf32, #tpu.memory_space<vmem>> -> memref<120x128xf32, #tpu.memory_space<vmem>>
      tpu.enqueue_dma source(%dma_start3A_31 : memref<120x128xf32, #tpu.memory_space<vmem>>) target(%dma_start3A_28 : memref<120x128xf32, #tpu.memory_space<vmem_shared>>) target_semaphore(%run_scoped3A : memref<!tpu.dma_semaphore, #tpu.memory_space<semaphore_mem>>)
      %dma_wait3A = arith.constant 0 : i32
      %dma_wait3A_32 = arith.constant 0 : i32
      %dma_wait3A_33 = tpu.memref_slice %arg9[%dma_wait3A, %dma_wait3A_32] : memref<128x128xf32, #tpu.memory_space<vmem>> -> memref<120x128xf32, #tpu.memory_space<vmem>>
      %dma_wait3A_34 = arith.constant 0 : i32
      %dma_wait3A_35 = tpu.memref_slice %arg8[%add3A_14, %dma_wait3A_34] : memref<10112x128xf32, #tpu.memory_space<vmem_shared>> -> memref<120x128xf32, #tpu.memory_space<vmem_shared>>
      %dma_wait3A_36 = arith.constant 0 : i32
      %dma_wait3A_37 = tpu.memref_slice %arg8[%add3A_14, %dma_wait3A_36] : memref<10112x128xf32, #tpu.memory_space<vmem_shared>> -> memref<120x128xf32, #tpu.memory_space<vmem_shared>>
      %dma_wait3A_38 = arith.constant 0 : i32
      %dma_wait3A_39 = arith.constant 0 : i32
      %dma_wait3A_40 = tpu.memref_slice %arg9[%dma_wait3A_38, %dma_wait3A_39] : memref<128x128xf32, #tpu.memory_space<vmem>> -> memref<120x128xf32, #tpu.memory_space<vmem>>
      tpu.wait_dma2 semaphore(%run_scoped3A : memref<!tpu.dma_semaphore, #tpu.memory_space<semaphore_mem>>) src(%dma_wait3A_40 : memref<120x128xf32, #tpu.memory_space<vmem>>) dst(%dma_wait3A_37 : memref<120x128xf32, #tpu.memory_space<vmem_shared>>)
      tpu.yield
    }) : () -> ()
    %barrier3A = arith.constant 0 : index
    tpu.barrier barrier_id(%barrier3A)
    %eq3A = arith.constant 0 : i32
    %eq3A_15 = arith.cmpi eq, %arg0, %eq3A : i32
    %convert_element_type3A = arith.extui %eq3A_15 : i1 to i32
    %cond3A = arith.constant 0 : i32
    %cond3A_16 = arith.cmpi ne, %convert_element_type3A, %cond3A : i32
    scf.if %cond3A_16 {
      %mul3A_23 = arith.constant 152 : i32
      %mul3A_24 = arith.muli %arg1, %mul3A_23 : i32
      "tpu.region"() ({
        %run_scoped3A = tpu.sem_alloc : memref<!tpu.dma_semaphore, #tpu.memory_space<semaphore_mem>>
        %dma_start3A_108 = arith.constant 0 : i32
        %dma_start3A_109 = arith.constant 0 : i32
        %dma_start3A_110 = tpu.memref_slice %arg6[%dma_start3A_108, %dma_start3A_109] : memref<48x128xi32, #tpu.memory_space<vmem>> -> memref<48x128xi32, #tpu.memory_space<vmem>>
        %dma_start3A_111 = arith.constant 0 : i32
        %dma_start3A_112 = tpu.memref_slice %arg3[%mul3A_24, %dma_start3A_111] : memref<2560x128xi32, #tpu.memory_space<hbm>> -> memref<48x128xi32, #tpu.memory_space<hbm>>
        %dma_start3A_113 = arith.constant 0 : i32
        %dma_start3A_114 = arith.constant 0 : i32
        %dma_start3A_115 = tpu.memref_slice %arg6[%dma_start3A_113, %dma_start3A_114] : memref<48x128xi32, #tpu.memory_space<vmem>> -> memref<48x128xi32, #tpu.memory_space<vmem>>
        %dma_start3A_116 = arith.constant 0 : i32
        %dma_start3A_117 = tpu.memref_slice %arg3[%mul3A_24, %dma_start3A_116] : memref<2560x128xi32, #tpu.memory_space<hbm>> -> memref<48x128xi32, #tpu.memory_space<hbm>>
        tpu.enqueue_dma source(%dma_start3A_117 : memref<48x128xi32, #tpu.memory_space<hbm>>) target(%dma_start3A_115 : memref<48x128xi32, #tpu.memory_space<vmem>>) target_semaphore(%run_scoped3A : memref<!tpu.dma_semaphore, #tpu.memory_space<semaphore_mem>>)
        %dma_wait3A = arith.constant 0 : i32
        %dma_wait3A_118 = arith.constant 0 : i32
        %dma_wait3A_119 = tpu.memref_slice %arg6[%dma_wait3A, %dma_wait3A_118] : memref<48x128xi32, #tpu.memory_space<vmem>> -> memref<48x128xi32, #tpu.memory_space<vmem>>
        %dma_wait3A_120 = arith.constant 0 : i32
        %dma_wait3A_121 = tpu.memref_slice %arg3[%mul3A_24, %dma_wait3A_120] : memref<2560x128xi32, #tpu.memory_space<hbm>> -> memref<48x128xi32, #tpu.memory_space<hbm>>
        %dma_wait3A_122 = arith.constant 0 : i32
        %dma_wait3A_123 = arith.constant 0 : i32
        %dma_wait3A_124 = tpu.memref_slice %arg6[%dma_wait3A_122, %dma_wait3A_123] : memref<48x128xi32, #tpu.memory_space<vmem>> -> memref<48x128xi32, #tpu.memory_space<vmem>>
        %dma_wait3A_125 = arith.constant 0 : i32
        %dma_wait3A_126 = tpu.memref_slice %arg3[%mul3A_24, %dma_wait3A_125] : memref<2560x128xi32, #tpu.memory_space<hbm>> -> memref<48x128xi32, #tpu.memory_space<hbm>>
        tpu.wait_dma2 semaphore(%run_scoped3A : memref<!tpu.dma_semaphore, #tpu.memory_space<semaphore_mem>>) src(%dma_wait3A_126 : memref<48x128xi32, #tpu.memory_space<hbm>>) dst(%dma_wait3A_124 : memref<48x128xi32, #tpu.memory_space<vmem>>)
        tpu.yield
      }) : () -> ()
      "tpu.region"() ({
        %run_scoped3A = tpu.sem_alloc : memref<!tpu.dma_semaphore, #tpu.memory_space<semaphore_mem>>
        %dma_start3A_108 = arith.constant 0 : i32
        %dma_start3A_109 = arith.constant 0 : i32
        %dma_start3A_110 = tpu.memref_slice %arg7[%dma_start3A_108, %dma_start3A_109] : memref<48x128xi32, #tpu.memory_space<vmem>> -> memref<48x128xi32, #tpu.memory_space<vmem>>
        %dma_start3A_111 = arith.constant 0 : i32
        %dma_start3A_112 = tpu.memref_slice %arg4[%mul3A_24, %dma_start3A_111] : memref<2560x128xi32, #tpu.memory_space<hbm>> -> memref<48x128xi32, #tpu.memory_space<hbm>>
        %dma_start3A_113 = arith.constant 0 : i32
        %dma_start3A_114 = arith.constant 0 : i32
        %dma_start3A_115 = tpu.memref_slice %arg7[%dma_start3A_113, %dma_start3A_114] : memref<48x128xi32, #tpu.memory_space<vmem>> -> memref<48x128xi32, #tpu.memory_space<vmem>>
        %dma_start3A_116 = arith.constant 0 : i32
        %dma_start3A_117 = tpu.memref_slice %arg4[%mul3A_24, %dma_start3A_116] : memref<2560x128xi32, #tpu.memory_space<hbm>> -> memref<48x128xi32, #tpu.memory_space<hbm>>
        tpu.enqueue_dma source(%dma_start3A_117 : memref<48x128xi32, #tpu.memory_space<hbm>>) target(%dma_start3A_115 : memref<48x128xi32, #tpu.memory_space<vmem>>) target_semaphore(%run_scoped3A : memref<!tpu.dma_semaphore, #tpu.memory_space<semaphore_mem>>)
        %dma_wait3A = arith.constant 0 : i32
        %dma_wait3A_118 = arith.constant 0 : i32
        %dma_wait3A_119 = tpu.memref_slice %arg7[%dma_wait3A, %dma_wait3A_118] : memref<48x128xi32, #tpu.memory_space<vmem>> -> memref<48x128xi32, #tpu.memory_space<vmem>>
        %dma_wait3A_120 = arith.constant 0 : i32
        %dma_wait3A_121 = tpu.memref_slice %arg4[%mul3A_24, %dma_wait3A_120] : memref<2560x128xi32, #tpu.memory_space<hbm>> -> memref<48x128xi32, #tpu.memory_space<hbm>>
        %dma_wait3A_122 = arith.constant 0 : i32
        %dma_wait3A_123 = arith.constant 0 : i32
        %dma_wait3A_124 = tpu.memref_slice %arg7[%dma_wait3A_122, %dma_wait3A_123] : memref<48x128xi32, #tpu.memory_space<vmem>> -> memref<48x128xi32, #tpu.memory_space<vmem>>
        %dma_wait3A_125 = arith.constant 0 : i32
        %dma_wait3A_126 = tpu.memref_slice %arg4[%mul3A_24, %dma_wait3A_125] : memref<2560x128xi32, #tpu.memory_space<hbm>> -> memref<48x128xi32, #tpu.memory_space<hbm>>
        tpu.wait_dma2 semaphore(%run_scoped3A : memref<!tpu.dma_semaphore, #tpu.memory_space<semaphore_mem>>) src(%dma_wait3A_126 : memref<48x128xi32, #tpu.memory_space<hbm>>) dst(%dma_wait3A_124 : memref<48x128xi32, #tpu.memory_space<vmem>>)
        tpu.yield
      }) : () -> ()
      %dma_start3A = arith.constant 0 : i32
      %dma_start3A_25 = arith.constant 0 : i32
      %dma_start3A_26 = tpu.memref_slice %arg6[%dma_start3A, %dma_start3A_25] : memref<48x128xi32, #tpu.memory_space<vmem>> -> memref<1x128xi32, #tpu.memory_space<vmem>>
      %dma_start3A_27 = tpu.memref_squeeze %dma_start3A_26 : memref<1x128xi32, #tpu.memory_space<vmem>> -> memref<128xi32, #tpu.memory_space<vmem>>
      %dma_start3A_28 = arith.constant 0 : i32
      %dma_start3A_29 = arith.constant 0 : i32
      %dma_start3A_30 = tpu.memref_slice %arg2[%dma_start3A_28, %dma_start3A_29] : memref<10000x128xf32, #tpu.memory_space<hbm>> -> memref<10000x128xf32, #tpu.memory_space<hbm>>
      tpu.enqueue_indirect_dma source(%dma_start3A_30 : memref<10000x128xf32, #tpu.memory_space<hbm>>) target(%arg9 : memref<128x128xf32, #tpu.memory_space<vmem>>) offsets(%dma_start3A_27 : memref<128xi32, #tpu.memory_space<vmem>>) semaphore(%arg11 : memref<!tpu.dma_semaphore, #tpu.memory_space<semaphore_mem>>)
      %dma_start3A_31 = arith.constant 1 : i32
      %dma_start3A_32 = arith.constant 0 : i32
      %dma_start3A_33 = tpu.memref_slice %arg6[%dma_start3A_31, %dma_start3A_32] : memref<48x128xi32, #tpu.memory_space<vmem>> -> memref<1x128xi32, #tpu.memory_space<vmem>>
      %dma_start3A_34 = tpu.memref_squeeze %dma_start3A_33 : memref<1x128xi32, #tpu.memory_space<vmem>> -> memref<128xi32, #tpu.memory_space<vmem>>
      %dma_start3A_35 = arith.constant 0 : i32
      %dma_start3A_36 = arith.constant 0 : i32
      %dma_start3A_37 = tpu.memref_slice %arg2[%dma_start3A_35, %dma_start3A_36] : memref<10000x128xf32, #tpu.memory_space<hbm>> -> memref<10000x128xf32, #tpu.memory_space<hbm>>
      tpu.enqueue_indirect_dma source(%dma_start3A_37 : memref<10000x128xf32, #tpu.memory_space<hbm>>) target(%arg10 : memref<128x128xf32, #tpu.memory_space<vmem>>) offsets(%dma_start3A_34 : memref<128xi32, #tpu.memory_space<vmem>>) semaphore(%arg12 : memref<!tpu.dma_semaphore, #tpu.memory_space<semaphore_mem>>)
      %scan3A_38 = arith.constant 0 : i32
      %scan3A_39 = arith.constant 24 : i32
      %scan3A_40 = arith.addi %scan3A_38, %scan3A_39 : i32
      %scan3A_41 = arith.constant 1 : i32
      scf.for %scan3A_108 = %scan3A_38 to %scan3A_40 step %scan3A_41  : i32 {
        %mul3A_109 = arith.constant 2 : i32
        %mul3A_110 = arith.muli %scan3A_108, %mul3A_109 : i32
        %add3A_111 = arith.constant 0 : i32
        %add3A_112 = arith.addi %add3A_111, %mul3A_110 : i32
        %add3A_113 = arith.constant 0 : i32
        %add3A_114 = arith.addi %add3A_112, %add3A_113 : i32
        %dma_wait3A = arith.constant 0 : i32
        %dma_wait3A_115 = tpu.memref_slice %arg6[%add3A_114, %dma_wait3A] : memref<48x128xi32, #tpu.memory_space<vmem>> -> memref<1x128xi32, #tpu.memory_space<vmem>>
        %dma_wait3A_116 = tpu.memref_squeeze %dma_wait3A_115 : memref<1x128xi32, #tpu.memory_space<vmem>> -> memref<128xi32, #tpu.memory_space<vmem>>
        %dma_wait3A_117 = arith.constant 0 : i32
        %dma_wait3A_118 = arith.constant 0 : i32
        %dma_wait3A_119 = tpu.memref_slice %arg2[%dma_wait3A_117, %dma_wait3A_118] : memref<10000x128xf32, #tpu.memory_space<hbm>> -> memref<10000x128xf32, #tpu.memory_space<hbm>>
        tpu.wait_indirect_dma semaphore(%arg11 : memref<!tpu.dma_semaphore, #tpu.memory_space<semaphore_mem>>) src(%dma_wait3A_119 : memref<10000x128xf32, #tpu.memory_space<hbm>>) dst(%arg9 : memref<128x128xf32, #tpu.memory_space<vmem>>)
        %add3A_120 = arith.constant 0 : i32
        %add3A_121 = arith.addi %add3A_112, %add3A_120 : i32
        %dma_start3A_122 = arith.constant 0 : i32
        %dma_start3A_123 = tpu.memref_slice %arg7[%add3A_121, %dma_start3A_122] : memref<48x128xi32, #tpu.memory_space<vmem>> -> memref<1x128xi32, #tpu.memory_space<vmem>>
        %dma_start3A_124 = tpu.memref_squeeze %dma_start3A_123 : memref<1x128xi32, #tpu.memory_space<vmem>> -> memref<128xi32, #tpu.memory_space<vmem>>
        %dma_start3A_125 = arith.constant 0 : i32
        %dma_start3A_126 = arith.constant 0 : i32
        %dma_start3A_127 = tpu.memref_slice %arg8[%dma_start3A_125, %dma_start3A_126] : memref<10112x128xf32, #tpu.memory_space<vmem_shared>> -> memref<10112x128xf32, #tpu.memory_space<vmem_shared>>
        tpu.enqueue_indirect_dma source(%arg9 : memref<128x128xf32, #tpu.memory_space<vmem>>) target(%dma_start3A_127 : memref<10112x128xf32, #tpu.memory_space<vmem_shared>>) offsets(%dma_start3A_124 : memref<128xi32, #tpu.memory_space<vmem>>) semaphore(%arg13 : memref<!tpu.dma_semaphore, #tpu.memory_space<semaphore_mem>>) {add = true}
        %add3A_128 = arith.constant 1 : i32
        %add3A_129 = arith.addi %add3A_112, %add3A_128 : i32
        %dma_wait3A_130 = arith.constant 0 : i32
        %dma_wait3A_131 = tpu.memref_slice %arg6[%add3A_129, %dma_wait3A_130] : memref<48x128xi32, #tpu.memory_space<vmem>> -> memref<1x128xi32, #tpu.memory_space<vmem>>
        %dma_wait3A_132 = tpu.memref_squeeze %dma_wait3A_131 : memref<1x128xi32, #tpu.memory_space<vmem>> -> memref<128xi32, #tpu.memory_space<vmem>>
        %dma_wait3A_133 = arith.constant 0 : i32
        %dma_wait3A_134 = arith.constant 0 : i32
        %dma_wait3A_135 = tpu.memref_slice %arg2[%dma_wait3A_133, %dma_wait3A_134] : memref<10000x128xf32, #tpu.memory_space<hbm>> -> memref<10000x128xf32, #tpu.memory_space<hbm>>
        tpu.wait_indirect_dma semaphore(%arg12 : memref<!tpu.dma_semaphore, #tpu.memory_space<semaphore_mem>>) src(%dma_wait3A_135 : memref<10000x128xf32, #tpu.memory_space<hbm>>) dst(%arg10 : memref<128x128xf32, #tpu.memory_space<vmem>>)
        %add3A_136 = arith.constant 1 : i32
        %add3A_137 = arith.addi %add3A_112, %add3A_136 : i32
        %dma_start3A_138 = arith.constant 0 : i32
        %dma_start3A_139 = tpu.memref_slice %arg7[%add3A_137, %dma_start3A_138] : memref<48x128xi32, #tpu.memory_space<vmem>> -> memref<1x128xi32, #tpu.memory_space<vmem>>
        %dma_start3A_140 = tpu.memref_squeeze %dma_start3A_139 : memref<1x128xi32, #tpu.memory_space<vmem>> -> memref<128xi32, #tpu.memory_space<vmem>>
        %dma_start3A_141 = arith.constant 0 : i32
        %dma_start3A_142 = arith.constant 0 : i32
        %dma_start3A_143 = tpu.memref_slice %arg8[%dma_start3A_141, %dma_start3A_142] : memref<10112x128xf32, #tpu.memory_space<vmem_shared>> -> memref<10112x128xf32, #tpu.memory_space<vmem_shared>>
        tpu.enqueue_indirect_dma source(%arg10 : memref<128x128xf32, #tpu.memory_space<vmem>>) target(%dma_start3A_143 : memref<10112x128xf32, #tpu.memory_space<vmem_shared>>) offsets(%dma_start3A_140 : memref<128xi32, #tpu.memory_space<vmem>>) semaphore(%arg14 : memref<!tpu.dma_semaphore, #tpu.memory_space<semaphore_mem>>) {add = true}
        %dma_wait3A_144 = arith.constant 0 : i32
        %dma_wait3A_145 = tpu.memref_slice %arg7[%add3A_121, %dma_wait3A_144] : memref<48x128xi32, #tpu.memory_space<vmem>> -> memref<1x128xi32, #tpu.memory_space<vmem>>
        %dma_wait3A_146 = tpu.memref_squeeze %dma_wait3A_145 : memref<1x128xi32, #tpu.memory_space<vmem>> -> memref<128xi32, #tpu.memory_space<vmem>>
        %dma_wait3A_147 = arith.constant 0 : i32
        %dma_wait3A_148 = arith.constant 0 : i32
        %dma_wait3A_149 = tpu.memref_slice %arg8[%dma_wait3A_147, %dma_wait3A_148] : memref<10112x128xf32, #tpu.memory_space<vmem_shared>> -> memref<10112x128xf32, #tpu.memory_space<vmem_shared>>
        tpu.wait_indirect_dma semaphore(%arg13 : memref<!tpu.dma_semaphore, #tpu.memory_space<semaphore_mem>>) src(%arg9 : memref<128x128xf32, #tpu.memory_space<vmem>>) dst(%dma_wait3A_149 : memref<10112x128xf32, #tpu.memory_space<vmem_shared>>)
        %add3A_150 = arith.constant 0 : i32
        %add3A_151 = arith.addi %add3A_112, %add3A_150 : i32
        %add3A_152 = arith.constant 2 : i32
        %add3A_153 = arith.addi %add3A_151, %add3A_152 : i32
        %lt3A = arith.constant 48 : i32
        %lt3A_154 = arith.cmpi slt, %add3A_153, %lt3A : i32
        %convert_element_type3A_155 = arith.extui %lt3A_154 : i1 to i32
        %cond3A_156 = arith.constant 0 : i32
        %cond3A_157 = arith.cmpi ne, %convert_element_type3A_155, %cond3A_156 : i32
        scf.if %cond3A_157 {
          %add3A_173 = arith.constant 0 : i32
          %add3A_174 = arith.addi %add3A_112, %add3A_173 : i32
          %add3A_175 = arith.constant 2 : i32
          %add3A_176 = arith.addi %add3A_174, %add3A_175 : i32
          %dma_start3A_177 = arith.constant 0 : i32
          %dma_start3A_178 = tpu.memref_slice %arg6[%add3A_176, %dma_start3A_177] : memref<48x128xi32, #tpu.memory_space<vmem>> -> memref<1x128xi32, #tpu.memory_space<vmem>>
          %dma_start3A_179 = tpu.memref_squeeze %dma_start3A_178 : memref<1x128xi32, #tpu.memory_space<vmem>> -> memref<128xi32, #tpu.memory_space<vmem>>
          %dma_start3A_180 = arith.constant 0 : i32
          %dma_start3A_181 = arith.constant 0 : i32
          %dma_start3A_182 = tpu.memref_slice %arg2[%dma_start3A_180, %dma_start3A_181] : memref<10000x128xf32, #tpu.memory_space<hbm>> -> memref<10000x128xf32, #tpu.memory_space<hbm>>
          tpu.enqueue_indirect_dma source(%dma_start3A_182 : memref<10000x128xf32, #tpu.memory_space<hbm>>) target(%arg9 : memref<128x128xf32, #tpu.memory_space<vmem>>) offsets(%dma_start3A_179 : memref<128xi32, #tpu.memory_space<vmem>>) semaphore(%arg11 : memref<!tpu.dma_semaphore, #tpu.memory_space<semaphore_mem>>)
        } else {
        }
        %dma_wait3A_158 = arith.constant 0 : i32
        %dma_wait3A_159 = tpu.memref_slice %arg7[%add3A_137, %dma_wait3A_158] : memref<48x128xi32, #tpu.memory_space<vmem>> -> memref<1x128xi32, #tpu.memory_space<vmem>>
        %dma_wait3A_160 = tpu.memref_squeeze %dma_wait3A_159 : memref<1x128xi32, #tpu.memory_space<vmem>> -> memref<128xi32, #tpu.memory_space<vmem>>
        %dma_wait3A_161 = arith.constant 0 : i32
        %dma_wait3A_162 = arith.constant 0 : i32
        %dma_wait3A_163 = tpu.memref_slice %arg8[%dma_wait3A_161, %dma_wait3A_162] : memref<10112x128xf32, #tpu.memory_space<vmem_shared>> -> memref<10112x128xf32, #tpu.memory_space<vmem_shared>>
        tpu.wait_indirect_dma semaphore(%arg14 : memref<!tpu.dma_semaphore, #tpu.memory_space<semaphore_mem>>) src(%arg10 : memref<128x128xf32, #tpu.memory_space<vmem>>) dst(%dma_wait3A_163 : memref<10112x128xf32, #tpu.memory_space<vmem_shared>>)
        %add3A_164 = arith.constant 1 : i32
        %add3A_165 = arith.addi %add3A_112, %add3A_164 : i32
        %add3A_166 = arith.constant 2 : i32
        %add3A_167 = arith.addi %add3A_165, %add3A_166 : i32
        %lt3A_168 = arith.constant 48 : i32
        %lt3A_169 = arith.cmpi slt, %add3A_167, %lt3A_168 : i32
        %convert_element_type3A_170 = arith.extui %lt3A_169 : i1 to i32
        %cond3A_171 = arith.constant 0 : i32
        %cond3A_172 = arith.cmpi ne, %convert_element_type3A_170, %cond3A_171 : i32
        scf.if %cond3A_172 {
          %add3A_173 = arith.constant 1 : i32
          %add3A_174 = arith.addi %add3A_112, %add3A_173 : i32
          %add3A_175 = arith.constant 2 : i32
          %add3A_176 = arith.addi %add3A_174, %add3A_175 : i32
          %dma_start3A_177 = arith.constant 0 : i32
          %dma_start3A_178 = tpu.memref_slice %arg6[%add3A_176, %dma_start3A_177] : memref<48x128xi32, #tpu.memory_space<vmem>> -> memref<1x128xi32, #tpu.memory_space<vmem>>
          %dma_start3A_179 = tpu.memref_squeeze %dma_start3A_178 : memref<1x128xi32, #tpu.memory_space<vmem>> -> memref<128xi32, #tpu.memory_space<vmem>>
          %dma_start3A_180 = arith.constant 0 : i32
          %dma_start3A_181 = arith.constant 0 : i32
          %dma_start3A_182 = tpu.memref_slice %arg2[%dma_start3A_180, %dma_start3A_181] : memref<10000x128xf32, #tpu.memory_space<hbm>> -> memref<10000x128xf32, #tpu.memory_space<hbm>>
          tpu.enqueue_indirect_dma source(%dma_start3A_182 : memref<10000x128xf32, #tpu.memory_space<hbm>>) target(%arg10 : memref<128x128xf32, #tpu.memory_space<vmem>>) offsets(%dma_start3A_179 : memref<128xi32, #tpu.memory_space<vmem>>) semaphore(%arg12 : memref<!tpu.dma_semaphore, #tpu.memory_space<semaphore_mem>>)
        } else {
        }
      }
      %scan3A_42 = arith.constant 24 : i32
      %add3A_43 = arith.constant 48 : i32
      %add3A_44 = arith.addi %mul3A_24, %add3A_43 : i32
      "tpu.region"() ({
        %run_scoped3A = tpu.sem_alloc : memref<!tpu.dma_semaphore, #tpu.memory_space<semaphore_mem>>
        %dma_start3A_108 = arith.constant 0 : i32
        %dma_start3A_109 = arith.constant 0 : i32
        %dma_start3A_110 = tpu.memref_slice %arg6[%dma_start3A_108, %dma_start3A_109] : memref<48x128xi32, #tpu.memory_space<vmem>> -> memref<48x128xi32, #tpu.memory_space<vmem>>
        %dma_start3A_111 = arith.constant 0 : i32
        %dma_start3A_112 = tpu.memref_slice %arg3[%add3A_44, %dma_start3A_111] : memref<2560x128xi32, #tpu.memory_space<hbm>> -> memref<48x128xi32, #tpu.memory_space<hbm>>
        %dma_start3A_113 = arith.constant 0 : i32
        %dma_start3A_114 = arith.constant 0 : i32
        %dma_start3A_115 = tpu.memref_slice %arg6[%dma_start3A_113, %dma_start3A_114] : memref<48x128xi32, #tpu.memory_space<vmem>> -> memref<48x128xi32, #tpu.memory_space<vmem>>
        %dma_start3A_116 = arith.constant 0 : i32
        %dma_start3A_117 = tpu.memref_slice %arg3[%add3A_44, %dma_start3A_116] : memref<2560x128xi32, #tpu.memory_space<hbm>> -> memref<48x128xi32, #tpu.memory_space<hbm>>
        tpu.enqueue_dma source(%dma_start3A_117 : memref<48x128xi32, #tpu.memory_space<hbm>>) target(%dma_start3A_115 : memref<48x128xi32, #tpu.memory_space<vmem>>) target_semaphore(%run_scoped3A : memref<!tpu.dma_semaphore, #tpu.memory_space<semaphore_mem>>)
        %dma_wait3A = arith.constant 0 : i32
        %dma_wait3A_118 = arith.constant 0 : i32
        %dma_wait3A_119 = tpu.memref_slice %arg6[%dma_wait3A, %dma_wait3A_118] : memref<48x128xi32, #tpu.memory_space<vmem>> -> memref<48x128xi32, #tpu.memory_space<vmem>>
        %dma_wait3A_120 = arith.constant 0 : i32
        %dma_wait3A_121 = tpu.memref_slice %arg3[%add3A_44, %dma_wait3A_120] : memref<2560x128xi32, #tpu.memory_space<hbm>> -> memref<48x128xi32, #tpu.memory_space<hbm>>
        %dma_wait3A_122 = arith.constant 0 : i32
        %dma_wait3A_123 = arith.constant 0 : i32
        %dma_wait3A_124 = tpu.memref_slice %arg6[%dma_wait3A_122, %dma_wait3A_123] : memref<48x128xi32, #tpu.memory_space<vmem>> -> memref<48x128xi32, #tpu.memory_space<vmem>>
        %dma_wait3A_125 = arith.constant 0 : i32
        %dma_wait3A_126 = tpu.memref_slice %arg3[%add3A_44, %dma_wait3A_125] : memref<2560x128xi32, #tpu.memory_space<hbm>> -> memref<48x128xi32, #tpu.memory_space<hbm>>
        tpu.wait_dma2 semaphore(%run_scoped3A : memref<!tpu.dma_semaphore, #tpu.memory_space<semaphore_mem>>) src(%dma_wait3A_126 : memref<48x128xi32, #tpu.memory_space<hbm>>) dst(%dma_wait3A_124 : memref<48x128xi32, #tpu.memory_space<vmem>>)
        tpu.yield
      }) : () -> ()
      "tpu.region"() ({
        %run_scoped3A = tpu.sem_alloc : memref<!tpu.dma_semaphore, #tpu.memory_space<semaphore_mem>>
        %dma_start3A_108 = arith.constant 0 : i32
        %dma_start3A_109 = arith.constant 0 : i32
        %dma_start3A_110 = tpu.memref_slice %arg7[%dma_start3A_108, %dma_start3A_109] : memref<48x128xi32, #tpu.memory_space<vmem>> -> memref<48x128xi32, #tpu.memory_space<vmem>>
        %dma_start3A_111 = arith.constant 0 : i32
        %dma_start3A_112 = tpu.memref_slice %arg4[%add3A_44, %dma_start3A_111] : memref<2560x128xi32, #tpu.memory_space<hbm>> -> memref<48x128xi32, #tpu.memory_space<hbm>>
        %dma_start3A_113 = arith.constant 0 : i32
        %dma_start3A_114 = arith.constant 0 : i32
        %dma_start3A_115 = tpu.memref_slice %arg7[%dma_start3A_113, %dma_start3A_114] : memref<48x128xi32, #tpu.memory_space<vmem>> -> memref<48x128xi32, #tpu.memory_space<vmem>>
        %dma_start3A_116 = arith.constant 0 : i32
        %dma_start3A_117 = tpu.memref_slice %arg4[%add3A_44, %dma_start3A_116] : memref<2560x128xi32, #tpu.memory_space<hbm>> -> memref<48x128xi32, #tpu.memory_space<hbm>>
        tpu.enqueue_dma source(%dma_start3A_117 : memref<48x128xi32, #tpu.memory_space<hbm>>) target(%dma_start3A_115 : memref<48x128xi32, #tpu.memory_space<vmem>>) target_semaphore(%run_scoped3A : memref<!tpu.dma_semaphore, #tpu.memory_space<semaphore_mem>>)
        %dma_wait3A = arith.constant 0 : i32
        %dma_wait3A_118 = arith.constant 0 : i32
        %dma_wait3A_119 = tpu.memref_slice %arg7[%dma_wait3A, %dma_wait3A_118] : memref<48x128xi32, #tpu.memory_space<vmem>> -> memref<48x128xi32, #tpu.memory_space<vmem>>
        %dma_wait3A_120 = arith.constant 0 : i32
        %dma_wait3A_121 = tpu.memref_slice %arg4[%add3A_44, %dma_wait3A_120] : memref<2560x128xi32, #tpu.memory_space<hbm>> -> memref<48x128xi32, #tpu.memory_space<hbm>>
        %dma_wait3A_122 = arith.constant 0 : i32
        %dma_wait3A_123 = arith.constant 0 : i32
        %dma_wait3A_124 = tpu.memref_slice %arg7[%dma_wait3A_122, %dma_wait3A_123] : memref<48x128xi32, #tpu.memory_space<vmem>> -> memref<48x128xi32, #tpu.memory_space<vmem>>
        %dma_wait3A_125 = arith.constant 0 : i32
        %dma_wait3A_126 = tpu.memref_slice %arg4[%add3A_44, %dma_wait3A_125] : memref<2560x128xi32, #tpu.memory_space<hbm>> -> memref<48x128xi32, #tpu.memory_space<hbm>>
        tpu.wait_dma2 semaphore(%run_scoped3A : memref<!tpu.dma_semaphore, #tpu.memory_space<semaphore_mem>>) src(%dma_wait3A_126 : memref<48x128xi32, #tpu.memory_space<hbm>>) dst(%dma_wait3A_124 : memref<48x128xi32, #tpu.memory_space<vmem>>)
        tpu.yield
      }) : () -> ()
      %dma_start3A_45 = arith.constant 0 : i32
      %dma_start3A_46 = arith.constant 0 : i32
      %dma_start3A_47 = tpu.memref_slice %arg6[%dma_start3A_45, %dma_start3A_46] : memref<48x128xi32, #tpu.memory_space<vmem>> -> memref<1x128xi32, #tpu.memory_space<vmem>>
      %dma_start3A_48 = tpu.memref_squeeze %dma_start3A_47 : memref<1x128xi32, #tpu.memory_space<vmem>> -> memref<128xi32, #tpu.memory_space<vmem>>
      %dma_start3A_49 = arith.constant 0 : i32
      %dma_start3A_50 = arith.constant 0 : i32
      %dma_start3A_51 = tpu.memref_slice %arg2[%dma_start3A_49, %dma_start3A_50] : memref<10000x128xf32, #tpu.memory_space<hbm>> -> memref<10000x128xf32, #tpu.memory_space<hbm>>
      tpu.enqueue_indirect_dma source(%dma_start3A_51 : memref<10000x128xf32, #tpu.memory_space<hbm>>) target(%arg9 : memref<128x128xf32, #tpu.memory_space<vmem>>) offsets(%dma_start3A_48 : memref<128xi32, #tpu.memory_space<vmem>>) semaphore(%arg11 : memref<!tpu.dma_semaphore, #tpu.memory_space<semaphore_mem>>)
      %dma_start3A_52 = arith.constant 1 : i32
      %dma_start3A_53 = arith.constant 0 : i32
      %dma_start3A_54 = tpu.memref_slice %arg6[%dma_start3A_52, %dma_start3A_53] : memref<48x128xi32, #tpu.memory_space<vmem>> -> memref<1x128xi32, #tpu.memory_space<vmem>>
      %dma_start3A_55 = tpu.memref_squeeze %dma_start3A_54 : memref<1x128xi32, #tpu.memory_space<vmem>> -> memref<128xi32, #tpu.memory_space<vmem>>
      %dma_start3A_56 = arith.constant 0 : i32
      %dma_start3A_57 = arith.constant 0 : i32
      %dma_start3A_58 = tpu.memref_slice %arg2[%dma_start3A_56, %dma_start3A_57] : memref<10000x128xf32, #tpu.memory_space<hbm>> -> memref<10000x128xf32, #tpu.memory_space<hbm>>
      tpu.enqueue_indirect_dma source(%dma_start3A_58 : memref<10000x128xf32, #tpu.memory_space<hbm>>) target(%arg10 : memref<128x128xf32, #tpu.memory_space<vmem>>) offsets(%dma_start3A_55 : memref<128xi32, #tpu.memory_space<vmem>>) semaphore(%arg12 : memref<!tpu.dma_semaphore, #tpu.memory_space<semaphore_mem>>)
      %scan3A_59 = arith.constant 0 : i32
      %scan3A_60 = arith.constant 24 : i32
      %scan3A_61 = arith.addi %scan3A_59, %scan3A_60 : i32
      %scan3A_62 = arith.constant 1 : i32
      scf.for %scan3A_108 = %scan3A_59 to %scan3A_61 step %scan3A_62  : i32 {
        %mul3A_109 = arith.constant 2 : i32
        %mul3A_110 = arith.muli %scan3A_108, %mul3A_109 : i32
        %add3A_111 = arith.constant 0 : i32
        %add3A_112 = arith.addi %add3A_111, %mul3A_110 : i32
        %add3A_113 = arith.constant 0 : i32
        %add3A_114 = arith.addi %add3A_112, %add3A_113 : i32
        %dma_wait3A = arith.constant 0 : i32
        %dma_wait3A_115 = tpu.memref_slice %arg6[%add3A_114, %dma_wait3A] : memref<48x128xi32, #tpu.memory_space<vmem>> -> memref<1x128xi32, #tpu.memory_space<vmem>>
        %dma_wait3A_116 = tpu.memref_squeeze %dma_wait3A_115 : memref<1x128xi32, #tpu.memory_space<vmem>> -> memref<128xi32, #tpu.memory_space<vmem>>
        %dma_wait3A_117 = arith.constant 0 : i32
        %dma_wait3A_118 = arith.constant 0 : i32
        %dma_wait3A_119 = tpu.memref_slice %arg2[%dma_wait3A_117, %dma_wait3A_118] : memref<10000x128xf32, #tpu.memory_space<hbm>> -> memref<10000x128xf32, #tpu.memory_space<hbm>>
        tpu.wait_indirect_dma semaphore(%arg11 : memref<!tpu.dma_semaphore, #tpu.memory_space<semaphore_mem>>) src(%dma_wait3A_119 : memref<10000x128xf32, #tpu.memory_space<hbm>>) dst(%arg9 : memref<128x128xf32, #tpu.memory_space<vmem>>)
        %add3A_120 = arith.constant 0 : i32
        %add3A_121 = arith.addi %add3A_112, %add3A_120 : i32
        %dma_start3A_122 = arith.constant 0 : i32
        %dma_start3A_123 = tpu.memref_slice %arg7[%add3A_121, %dma_start3A_122] : memref<48x128xi32, #tpu.memory_space<vmem>> -> memref<1x128xi32, #tpu.memory_space<vmem>>
        %dma_start3A_124 = tpu.memref_squeeze %dma_start3A_123 : memref<1x128xi32, #tpu.memory_space<vmem>> -> memref<128xi32, #tpu.memory_space<vmem>>
        %dma_start3A_125 = arith.constant 0 : i32
        %dma_start3A_126 = arith.constant 0 : i32
        %dma_start3A_127 = tpu.memref_slice %arg8[%dma_start3A_125, %dma_start3A_126] : memref<10112x128xf32, #tpu.memory_space<vmem_shared>> -> memref<10112x128xf32, #tpu.memory_space<vmem_shared>>
        tpu.enqueue_indirect_dma source(%arg9 : memref<128x128xf32, #tpu.memory_space<vmem>>) target(%dma_start3A_127 : memref<10112x128xf32, #tpu.memory_space<vmem_shared>>) offsets(%dma_start3A_124 : memref<128xi32, #tpu.memory_space<vmem>>) semaphore(%arg13 : memref<!tpu.dma_semaphore, #tpu.memory_space<semaphore_mem>>) {add = true}
        %add3A_128 = arith.constant 1 : i32
        %add3A_129 = arith.addi %add3A_112, %add3A_128 : i32
        %dma_wait3A_130 = arith.constant 0 : i32
        %dma_wait3A_131 = tpu.memref_slice %arg6[%add3A_129, %dma_wait3A_130] : memref<48x128xi32, #tpu.memory_space<vmem>> -> memref<1x128xi32, #tpu.memory_space<vmem>>
        %dma_wait3A_132 = tpu.memref_squeeze %dma_wait3A_131 : memref<1x128xi32, #tpu.memory_space<vmem>> -> memref<128xi32, #tpu.memory_space<vmem>>
        %dma_wait3A_133 = arith.constant 0 : i32
        %dma_wait3A_134 = arith.constant 0 : i32
        %dma_wait3A_135 = tpu.memref_slice %arg2[%dma_wait3A_133, %dma_wait3A_134] : memref<10000x128xf32, #tpu.memory_space<hbm>> -> memref<10000x128xf32, #tpu.memory_space<hbm>>
        tpu.wait_indirect_dma semaphore(%arg12 : memref<!tpu.dma_semaphore, #tpu.memory_space<semaphore_mem>>) src(%dma_wait3A_135 : memref<10000x128xf32, #tpu.memory_space<hbm>>) dst(%arg10 : memref<128x128xf32, #tpu.memory_space<vmem>>)
        %add3A_136 = arith.constant 1 : i32
        %add3A_137 = arith.addi %add3A_112, %add3A_136 : i32
        %dma_start3A_138 = arith.constant 0 : i32
        %dma_start3A_139 = tpu.memref_slice %arg7[%add3A_137, %dma_start3A_138] : memref<48x128xi32, #tpu.memory_space<vmem>> -> memref<1x128xi32, #tpu.memory_space<vmem>>
        %dma_start3A_140 = tpu.memref_squeeze %dma_start3A_139 : memref<1x128xi32, #tpu.memory_space<vmem>> -> memref<128xi32, #tpu.memory_space<vmem>>
        %dma_start3A_141 = arith.constant 0 : i32
        %dma_start3A_142 = arith.constant 0 : i32
        %dma_start3A_143 = tpu.memref_slice %arg8[%dma_start3A_141, %dma_start3A_142] : memref<10112x128xf32, #tpu.memory_space<vmem_shared>> -> memref<10112x128xf32, #tpu.memory_space<vmem_shared>>
        tpu.enqueue_indirect_dma source(%arg10 : memref<128x128xf32, #tpu.memory_space<vmem>>) target(%dma_start3A_143 : memref<10112x128xf32, #tpu.memory_space<vmem_shared>>) offsets(%dma_start3A_140 : memref<128xi32, #tpu.memory_space<vmem>>) semaphore(%arg14 : memref<!tpu.dma_semaphore, #tpu.memory_space<semaphore_mem>>) {add = true}
        %dma_wait3A_144 = arith.constant 0 : i32
        %dma_wait3A_145 = tpu.memref_slice %arg7[%add3A_121, %dma_wait3A_144] : memref<48x128xi32, #tpu.memory_space<vmem>> -> memref<1x128xi32, #tpu.memory_space<vmem>>
        %dma_wait3A_146 = tpu.memref_squeeze %dma_wait3A_145 : memref<1x128xi32, #tpu.memory_space<vmem>> -> memref<128xi32, #tpu.memory_space<vmem>>
        %dma_wait3A_147 = arith.constant 0 : i32
        %dma_wait3A_148 = arith.constant 0 : i32
        %dma_wait3A_149 = tpu.memref_slice %arg8[%dma_wait3A_147, %dma_wait3A_148] : memref<10112x128xf32, #tpu.memory_space<vmem_shared>> -> memref<10112x128xf32, #tpu.memory_space<vmem_shared>>
        tpu.wait_indirect_dma semaphore(%arg13 : memref<!tpu.dma_semaphore, #tpu.memory_space<semaphore_mem>>) src(%arg9 : memref<128x128xf32, #tpu.memory_space<vmem>>) dst(%dma_wait3A_149 : memref<10112x128xf32, #tpu.memory_space<vmem_shared>>)
        %add3A_150 = arith.constant 0 : i32
        %add3A_151 = arith.addi %add3A_112, %add3A_150 : i32
        %add3A_152 = arith.constant 2 : i32
        %add3A_153 = arith.addi %add3A_151, %add3A_152 : i32
        %lt3A = arith.constant 48 : i32
        %lt3A_154 = arith.cmpi slt, %add3A_153, %lt3A : i32
        %convert_element_type3A_155 = arith.extui %lt3A_154 : i1 to i32
        %cond3A_156 = arith.constant 0 : i32
        %cond3A_157 = arith.cmpi ne, %convert_element_type3A_155, %cond3A_156 : i32
        scf.if %cond3A_157 {
          %add3A_173 = arith.constant 0 : i32
          %add3A_174 = arith.addi %add3A_112, %add3A_173 : i32
          %add3A_175 = arith.constant 2 : i32
          %add3A_176 = arith.addi %add3A_174, %add3A_175 : i32
          %dma_start3A_177 = arith.constant 0 : i32
          %dma_start3A_178 = tpu.memref_slice %arg6[%add3A_176, %dma_start3A_177] : memref<48x128xi32, #tpu.memory_space<vmem>> -> memref<1x128xi32, #tpu.memory_space<vmem>>
          %dma_start3A_179 = tpu.memref_squeeze %dma_start3A_178 : memref<1x128xi32, #tpu.memory_space<vmem>> -> memref<128xi32, #tpu.memory_space<vmem>>
          %dma_start3A_180 = arith.constant 0 : i32
          %dma_start3A_181 = arith.constant 0 : i32
          %dma_start3A_182 = tpu.memref_slice %arg2[%dma_start3A_180, %dma_start3A_181] : memref<10000x128xf32, #tpu.memory_space<hbm>> -> memref<10000x128xf32, #tpu.memory_space<hbm>>
          tpu.enqueue_indirect_dma source(%dma_start3A_182 : memref<10000x128xf32, #tpu.memory_space<hbm>>) target(%arg9 : memref<128x128xf32, #tpu.memory_space<vmem>>) offsets(%dma_start3A_179 : memref<128xi32, #tpu.memory_space<vmem>>) semaphore(%arg11 : memref<!tpu.dma_semaphore, #tpu.memory_space<semaphore_mem>>)
        } else {
        }
        %dma_wait3A_158 = arith.constant 0 : i32
        %dma_wait3A_159 = tpu.memref_slice %arg7[%add3A_137, %dma_wait3A_158] : memref<48x128xi32, #tpu.memory_space<vmem>> -> memref<1x128xi32, #tpu.memory_space<vmem>>
        %dma_wait3A_160 = tpu.memref_squeeze %dma_wait3A_159 : memref<1x128xi32, #tpu.memory_space<vmem>> -> memref<128xi32, #tpu.memory_space<vmem>>
        %dma_wait3A_161 = arith.constant 0 : i32
        %dma_wait3A_162 = arith.constant 0 : i32
        %dma_wait3A_163 = tpu.memref_slice %arg8[%dma_wait3A_161, %dma_wait3A_162] : memref<10112x128xf32, #tpu.memory_space<vmem_shared>> -> memref<10112x128xf32, #tpu.memory_space<vmem_shared>>
        tpu.wait_indirect_dma semaphore(%arg14 : memref<!tpu.dma_semaphore, #tpu.memory_space<semaphore_mem>>) src(%arg10 : memref<128x128xf32, #tpu.memory_space<vmem>>) dst(%dma_wait3A_163 : memref<10112x128xf32, #tpu.memory_space<vmem_shared>>)
        %add3A_164 = arith.constant 1 : i32
        %add3A_165 = arith.addi %add3A_112, %add3A_164 : i32
        %add3A_166 = arith.constant 2 : i32
        %add3A_167 = arith.addi %add3A_165, %add3A_166 : i32
        %lt3A_168 = arith.constant 48 : i32
        %lt3A_169 = arith.cmpi slt, %add3A_167, %lt3A_168 : i32
        %convert_element_type3A_170 = arith.extui %lt3A_169 : i1 to i32
        %cond3A_171 = arith.constant 0 : i32
        %cond3A_172 = arith.cmpi ne, %convert_element_type3A_170, %cond3A_171 : i32
        scf.if %cond3A_172 {
          %add3A_173 = arith.constant 1 : i32
          %add3A_174 = arith.addi %add3A_112, %add3A_173 : i32
          %add3A_175 = arith.constant 2 : i32
          %add3A_176 = arith.addi %add3A_174, %add3A_175 : i32
          %dma_start3A_177 = arith.constant 0 : i32
          %dma_start3A_178 = tpu.memref_slice %arg6[%add3A_176, %dma_start3A_177] : memref<48x128xi32, #tpu.memory_space<vmem>> -> memref<1x128xi32, #tpu.memory_space<vmem>>
          %dma_start3A_179 = tpu.memref_squeeze %dma_start3A_178 : memref<1x128xi32, #tpu.memory_space<vmem>> -> memref<128xi32, #tpu.memory_space<vmem>>
          %dma_start3A_180 = arith.constant 0 : i32
          %dma_start3A_181 = arith.constant 0 : i32
          %dma_start3A_182 = tpu.memref_slice %arg2[%dma_start3A_180, %dma_start3A_181] : memref<10000x128xf32, #tpu.memory_space<hbm>> -> memref<10000x128xf32, #tpu.memory_space<hbm>>
          tpu.enqueue_indirect_dma source(%dma_start3A_182 : memref<10000x128xf32, #tpu.memory_space<hbm>>) target(%arg10 : memref<128x128xf32, #tpu.memory_space<vmem>>) offsets(%dma_start3A_179 : memref<128xi32, #tpu.memory_space<vmem>>) semaphore(%arg12 : memref<!tpu.dma_semaphore, #tpu.memory_space<semaphore_mem>>)
        } else {
        }
      }
      %scan3A_63 = arith.constant 24 : i32
      %add3A_64 = arith.constant 48 : i32
      %add3A_65 = arith.addi %add3A_44, %add3A_64 : i32
      "tpu.region"() ({
        %run_scoped3A = tpu.sem_alloc : memref<!tpu.dma_semaphore, #tpu.memory_space<semaphore_mem>>
        %dma_start3A_108 = arith.constant 0 : i32
        %dma_start3A_109 = arith.constant 0 : i32
        %dma_start3A_110 = tpu.memref_slice %arg6[%dma_start3A_108, %dma_start3A_109] : memref<48x128xi32, #tpu.memory_space<vmem>> -> memref<48x128xi32, #tpu.memory_space<vmem>>
        %dma_start3A_111 = arith.constant 0 : i32
        %dma_start3A_112 = tpu.memref_slice %arg3[%add3A_65, %dma_start3A_111] : memref<2560x128xi32, #tpu.memory_space<hbm>> -> memref<48x128xi32, #tpu.memory_space<hbm>>
        %dma_start3A_113 = arith.constant 0 : i32
        %dma_start3A_114 = arith.constant 0 : i32
        %dma_start3A_115 = tpu.memref_slice %arg6[%dma_start3A_113, %dma_start3A_114] : memref<48x128xi32, #tpu.memory_space<vmem>> -> memref<48x128xi32, #tpu.memory_space<vmem>>
        %dma_start3A_116 = arith.constant 0 : i32
        %dma_start3A_117 = tpu.memref_slice %arg3[%add3A_65, %dma_start3A_116] : memref<2560x128xi32, #tpu.memory_space<hbm>> -> memref<48x128xi32, #tpu.memory_space<hbm>>
        tpu.enqueue_dma source(%dma_start3A_117 : memref<48x128xi32, #tpu.memory_space<hbm>>) target(%dma_start3A_115 : memref<48x128xi32, #tpu.memory_space<vmem>>) target_semaphore(%run_scoped3A : memref<!tpu.dma_semaphore, #tpu.memory_space<semaphore_mem>>)
        %dma_wait3A = arith.constant 0 : i32
        %dma_wait3A_118 = arith.constant 0 : i32
        %dma_wait3A_119 = tpu.memref_slice %arg6[%dma_wait3A, %dma_wait3A_118] : memref<48x128xi32, #tpu.memory_space<vmem>> -> memref<48x128xi32, #tpu.memory_space<vmem>>
        %dma_wait3A_120 = arith.constant 0 : i32
        %dma_wait3A_121 = tpu.memref_slice %arg3[%add3A_65, %dma_wait3A_120] : memref<2560x128xi32, #tpu.memory_space<hbm>> -> memref<48x128xi32, #tpu.memory_space<hbm>>
        %dma_wait3A_122 = arith.constant 0 : i32
        %dma_wait3A_123 = arith.constant 0 : i32
        %dma_wait3A_124 = tpu.memref_slice %arg6[%dma_wait3A_122, %dma_wait3A_123] : memref<48x128xi32, #tpu.memory_space<vmem>> -> memref<48x128xi32, #tpu.memory_space<vmem>>
        %dma_wait3A_125 = arith.constant 0 : i32
        %dma_wait3A_126 = tpu.memref_slice %arg3[%add3A_65, %dma_wait3A_125] : memref<2560x128xi32, #tpu.memory_space<hbm>> -> memref<48x128xi32, #tpu.memory_space<hbm>>
        tpu.wait_dma2 semaphore(%run_scoped3A : memref<!tpu.dma_semaphore, #tpu.memory_space<semaphore_mem>>) src(%dma_wait3A_126 : memref<48x128xi32, #tpu.memory_space<hbm>>) dst(%dma_wait3A_124 : memref<48x128xi32, #tpu.memory_space<vmem>>)
        tpu.yield
      }) : () -> ()
      "tpu.region"() ({
        %run_scoped3A = tpu.sem_alloc : memref<!tpu.dma_semaphore, #tpu.memory_space<semaphore_mem>>
        %dma_start3A_108 = arith.constant 0 : i32
        %dma_start3A_109 = arith.constant 0 : i32
        %dma_start3A_110 = tpu.memref_slice %arg7[%dma_start3A_108, %dma_start3A_109] : memref<48x128xi32, #tpu.memory_space<vmem>> -> memref<48x128xi32, #tpu.memory_space<vmem>>
        %dma_start3A_111 = arith.constant 0 : i32
        %dma_start3A_112 = tpu.memref_slice %arg4[%add3A_65, %dma_start3A_111] : memref<2560x128xi32, #tpu.memory_space<hbm>> -> memref<48x128xi32, #tpu.memory_space<hbm>>
        %dma_start3A_113 = arith.constant 0 : i32
        %dma_start3A_114 = arith.constant 0 : i32
        %dma_start3A_115 = tpu.memref_slice %arg7[%dma_start3A_113, %dma_start3A_114] : memref<48x128xi32, #tpu.memory_space<vmem>> -> memref<48x128xi32, #tpu.memory_space<vmem>>
        %dma_start3A_116 = arith.constant 0 : i32
        %dma_start3A_117 = tpu.memref_slice %arg4[%add3A_65, %dma_start3A_116] : memref<2560x128xi32, #tpu.memory_space<hbm>> -> memref<48x128xi32, #tpu.memory_space<hbm>>
        tpu.enqueue_dma source(%dma_start3A_117 : memref<48x128xi32, #tpu.memory_space<hbm>>) target(%dma_start3A_115 : memref<48x128xi32, #tpu.memory_space<vmem>>) target_semaphore(%run_scoped3A : memref<!tpu.dma_semaphore, #tpu.memory_space<semaphore_mem>>)
        %dma_wait3A = arith.constant 0 : i32
        %dma_wait3A_118 = arith.constant 0 : i32
        %dma_wait3A_119 = tpu.memref_slice %arg7[%dma_wait3A, %dma_wait3A_118] : memref<48x128xi32, #tpu.memory_space<vmem>> -> memref<48x128xi32, #tpu.memory_space<vmem>>
        %dma_wait3A_120 = arith.constant 0 : i32
        %dma_wait3A_121 = tpu.memref_slice %arg4[%add3A_65, %dma_wait3A_120] : memref<2560x128xi32, #tpu.memory_space<hbm>> -> memref<48x128xi32, #tpu.memory_space<hbm>>
        %dma_wait3A_122 = arith.constant 0 : i32
        %dma_wait3A_123 = arith.constant 0 : i32
        %dma_wait3A_124 = tpu.memref_slice %arg7[%dma_wait3A_122, %dma_wait3A_123] : memref<48x128xi32, #tpu.memory_space<vmem>> -> memref<48x128xi32, #tpu.memory_space<vmem>>
        %dma_wait3A_125 = arith.constant 0 : i32
        %dma_wait3A_126 = tpu.memref_slice %arg4[%add3A_65, %dma_wait3A_125] : memref<2560x128xi32, #tpu.memory_space<hbm>> -> memref<48x128xi32, #tpu.memory_space<hbm>>
        tpu.wait_dma2 semaphore(%run_scoped3A : memref<!tpu.dma_semaphore, #tpu.memory_space<semaphore_mem>>) src(%dma_wait3A_126 : memref<48x128xi32, #tpu.memory_space<hbm>>) dst(%dma_wait3A_124 : memref<48x128xi32, #tpu.memory_space<vmem>>)
        tpu.yield
      }) : () -> ()
      %dma_start3A_66 = arith.constant 0 : i32
      %dma_start3A_67 = arith.constant 0 : i32
      %dma_start3A_68 = tpu.memref_slice %arg6[%dma_start3A_66, %dma_start3A_67] : memref<48x128xi32, #tpu.memory_space<vmem>> -> memref<1x128xi32, #tpu.memory_space<vmem>>
      %dma_start3A_69 = tpu.memref_squeeze %dma_start3A_68 : memref<1x128xi32, #tpu.memory_space<vmem>> -> memref<128xi32, #tpu.memory_space<vmem>>
      %dma_start3A_70 = arith.constant 0 : i32
      %dma_start3A_71 = arith.constant 0 : i32
      %dma_start3A_72 = tpu.memref_slice %arg2[%dma_start3A_70, %dma_start3A_71] : memref<10000x128xf32, #tpu.memory_space<hbm>> -> memref<10000x128xf32, #tpu.memory_space<hbm>>
      tpu.enqueue_indirect_dma source(%dma_start3A_72 : memref<10000x128xf32, #tpu.memory_space<hbm>>) target(%arg9 : memref<128x128xf32, #tpu.memory_space<vmem>>) offsets(%dma_start3A_69 : memref<128xi32, #tpu.memory_space<vmem>>) semaphore(%arg11 : memref<!tpu.dma_semaphore, #tpu.memory_space<semaphore_mem>>)
      %dma_start3A_73 = arith.constant 1 : i32
      %dma_start3A_74 = arith.constant 0 : i32
      %dma_start3A_75 = tpu.memref_slice %arg6[%dma_start3A_73, %dma_start3A_74] : memref<48x128xi32, #tpu.memory_space<vmem>> -> memref<1x128xi32, #tpu.memory_space<vmem>>
      %dma_start3A_76 = tpu.memref_squeeze %dma_start3A_75 : memref<1x128xi32, #tpu.memory_space<vmem>> -> memref<128xi32, #tpu.memory_space<vmem>>
      %dma_start3A_77 = arith.constant 0 : i32
      %dma_start3A_78 = arith.constant 0 : i32
      %dma_start3A_79 = tpu.memref_slice %arg2[%dma_start3A_77, %dma_start3A_78] : memref<10000x128xf32, #tpu.memory_space<hbm>> -> memref<10000x128xf32, #tpu.memory_space<hbm>>
      tpu.enqueue_indirect_dma source(%dma_start3A_79 : memref<10000x128xf32, #tpu.memory_space<hbm>>) target(%arg10 : memref<128x128xf32, #tpu.memory_space<vmem>>) offsets(%dma_start3A_76 : memref<128xi32, #tpu.memory_space<vmem>>) semaphore(%arg12 : memref<!tpu.dma_semaphore, #tpu.memory_space<semaphore_mem>>)
      %scan3A_80 = arith.constant 0 : i32
      %scan3A_81 = arith.constant 24 : i32
      %scan3A_82 = arith.addi %scan3A_80, %scan3A_81 : i32
      %scan3A_83 = arith.constant 1 : i32
      scf.for %scan3A_108 = %scan3A_80 to %scan3A_82 step %scan3A_83  : i32 {
        %mul3A_109 = arith.constant 2 : i32
        %mul3A_110 = arith.muli %scan3A_108, %mul3A_109 : i32
        %add3A_111 = arith.constant 0 : i32
        %add3A_112 = arith.addi %add3A_111, %mul3A_110 : i32
        %add3A_113 = arith.constant 0 : i32
        %add3A_114 = arith.addi %add3A_112, %add3A_113 : i32
        %dma_wait3A = arith.constant 0 : i32
        %dma_wait3A_115 = tpu.memref_slice %arg6[%add3A_114, %dma_wait3A] : memref<48x128xi32, #tpu.memory_space<vmem>> -> memref<1x128xi32, #tpu.memory_space<vmem>>
        %dma_wait3A_116 = tpu.memref_squeeze %dma_wait3A_115 : memref<1x128xi32, #tpu.memory_space<vmem>> -> memref<128xi32, #tpu.memory_space<vmem>>
        %dma_wait3A_117 = arith.constant 0 : i32
        %dma_wait3A_118 = arith.constant 0 : i32
        %dma_wait3A_119 = tpu.memref_slice %arg2[%dma_wait3A_117, %dma_wait3A_118] : memref<10000x128xf32, #tpu.memory_space<hbm>> -> memref<10000x128xf32, #tpu.memory_space<hbm>>
        tpu.wait_indirect_dma semaphore(%arg11 : memref<!tpu.dma_semaphore, #tpu.memory_space<semaphore_mem>>) src(%dma_wait3A_119 : memref<10000x128xf32, #tpu.memory_space<hbm>>) dst(%arg9 : memref<128x128xf32, #tpu.memory_space<vmem>>)
        %add3A_120 = arith.constant 0 : i32
        %add3A_121 = arith.addi %add3A_112, %add3A_120 : i32
        %dma_start3A_122 = arith.constant 0 : i32
        %dma_start3A_123 = tpu.memref_slice %arg7[%add3A_121, %dma_start3A_122] : memref<48x128xi32, #tpu.memory_space<vmem>> -> memref<1x128xi32, #tpu.memory_space<vmem>>
        %dma_start3A_124 = tpu.memref_squeeze %dma_start3A_123 : memref<1x128xi32, #tpu.memory_space<vmem>> -> memref<128xi32, #tpu.memory_space<vmem>>
        %dma_start3A_125 = arith.constant 0 : i32
        %dma_start3A_126 = arith.constant 0 : i32
        %dma_start3A_127 = tpu.memref_slice %arg8[%dma_start3A_125, %dma_start3A_126] : memref<10112x128xf32, #tpu.memory_space<vmem_shared>> -> memref<10112x128xf32, #tpu.memory_space<vmem_shared>>
        tpu.enqueue_indirect_dma source(%arg9 : memref<128x128xf32, #tpu.memory_space<vmem>>) target(%dma_start3A_127 : memref<10112x128xf32, #tpu.memory_space<vmem_shared>>) offsets(%dma_start3A_124 : memref<128xi32, #tpu.memory_space<vmem>>) semaphore(%arg13 : memref<!tpu.dma_semaphore, #tpu.memory_space<semaphore_mem>>) {add = true}
        %add3A_128 = arith.constant 1 : i32
        %add3A_129 = arith.addi %add3A_112, %add3A_128 : i32
        %dma_wait3A_130 = arith.constant 0 : i32
        %dma_wait3A_131 = tpu.memref_slice %arg6[%add3A_129, %dma_wait3A_130] : memref<48x128xi32, #tpu.memory_space<vmem>> -> memref<1x128xi32, #tpu.memory_space<vmem>>
        %dma_wait3A_132 = tpu.memref_squeeze %dma_wait3A_131 : memref<1x128xi32, #tpu.memory_space<vmem>> -> memref<128xi32, #tpu.memory_space<vmem>>
        %dma_wait3A_133 = arith.constant 0 : i32
        %dma_wait3A_134 = arith.constant 0 : i32
        %dma_wait3A_135 = tpu.memref_slice %arg2[%dma_wait3A_133, %dma_wait3A_134] : memref<10000x128xf32, #tpu.memory_space<hbm>> -> memref<10000x128xf32, #tpu.memory_space<hbm>>
        tpu.wait_indirect_dma semaphore(%arg12 : memref<!tpu.dma_semaphore, #tpu.memory_space<semaphore_mem>>) src(%dma_wait3A_135 : memref<10000x128xf32, #tpu.memory_space<hbm>>) dst(%arg10 : memref<128x128xf32, #tpu.memory_space<vmem>>)
        %add3A_136 = arith.constant 1 : i32
        %add3A_137 = arith.addi %add3A_112, %add3A_136 : i32
        %dma_start3A_138 = arith.constant 0 : i32
        %dma_start3A_139 = tpu.memref_slice %arg7[%add3A_137, %dma_start3A_138] : memref<48x128xi32, #tpu.memory_space<vmem>> -> memref<1x128xi32, #tpu.memory_space<vmem>>
        %dma_start3A_140 = tpu.memref_squeeze %dma_start3A_139 : memref<1x128xi32, #tpu.memory_space<vmem>> -> memref<128xi32, #tpu.memory_space<vmem>>
        %dma_start3A_141 = arith.constant 0 : i32
        %dma_start3A_142 = arith.constant 0 : i32
        %dma_start3A_143 = tpu.memref_slice %arg8[%dma_start3A_141, %dma_start3A_142] : memref<10112x128xf32, #tpu.memory_space<vmem_shared>> -> memref<10112x128xf32, #tpu.memory_space<vmem_shared>>
        tpu.enqueue_indirect_dma source(%arg10 : memref<128x128xf32, #tpu.memory_space<vmem>>) target(%dma_start3A_143 : memref<10112x128xf32, #tpu.memory_space<vmem_shared>>) offsets(%dma_start3A_140 : memref<128xi32, #tpu.memory_space<vmem>>) semaphore(%arg14 : memref<!tpu.dma_semaphore, #tpu.memory_space<semaphore_mem>>) {add = true}
        %dma_wait3A_144 = arith.constant 0 : i32
        %dma_wait3A_145 = tpu.memref_slice %arg7[%add3A_121, %dma_wait3A_144] : memref<48x128xi32, #tpu.memory_space<vmem>> -> memref<1x128xi32, #tpu.memory_space<vmem>>
        %dma_wait3A_146 = tpu.memref_squeeze %dma_wait3A_145 : memref<1x128xi32, #tpu.memory_space<vmem>> -> memref<128xi32, #tpu.memory_space<vmem>>
        %dma_wait3A_147 = arith.constant 0 : i32
        %dma_wait3A_148 = arith.constant 0 : i32
        %dma_wait3A_149 = tpu.memref_slice %arg8[%dma_wait3A_147, %dma_wait3A_148] : memref<10112x128xf32, #tpu.memory_space<vmem_shared>> -> memref<10112x128xf32, #tpu.memory_space<vmem_shared>>
        tpu.wait_indirect_dma semaphore(%arg13 : memref<!tpu.dma_semaphore, #tpu.memory_space<semaphore_mem>>) src(%arg9 : memref<128x128xf32, #tpu.memory_space<vmem>>) dst(%dma_wait3A_149 : memref<10112x128xf32, #tpu.memory_space<vmem_shared>>)
        %add3A_150 = arith.constant 0 : i32
        %add3A_151 = arith.addi %add3A_112, %add3A_150 : i32
        %add3A_152 = arith.constant 2 : i32
        %add3A_153 = arith.addi %add3A_151, %add3A_152 : i32
        %lt3A = arith.constant 48 : i32
        %lt3A_154 = arith.cmpi slt, %add3A_153, %lt3A : i32
        %convert_element_type3A_155 = arith.extui %lt3A_154 : i1 to i32
        %cond3A_156 = arith.constant 0 : i32
        %cond3A_157 = arith.cmpi ne, %convert_element_type3A_155, %cond3A_156 : i32
        scf.if %cond3A_157 {
          %add3A_173 = arith.constant 0 : i32
          %add3A_174 = arith.addi %add3A_112, %add3A_173 : i32
          %add3A_175 = arith.constant 2 : i32
          %add3A_176 = arith.addi %add3A_174, %add3A_175 : i32
          %dma_start3A_177 = arith.constant 0 : i32
          %dma_start3A_178 = tpu.memref_slice %arg6[%add3A_176, %dma_start3A_177] : memref<48x128xi32, #tpu.memory_space<vmem>> -> memref<1x128xi32, #tpu.memory_space<vmem>>
          %dma_start3A_179 = tpu.memref_squeeze %dma_start3A_178 : memref<1x128xi32, #tpu.memory_space<vmem>> -> memref<128xi32, #tpu.memory_space<vmem>>
          %dma_start3A_180 = arith.constant 0 : i32
          %dma_start3A_181 = arith.constant 0 : i32
          %dma_start3A_182 = tpu.memref_slice %arg2[%dma_start3A_180, %dma_start3A_181] : memref<10000x128xf32, #tpu.memory_space<hbm>> -> memref<10000x128xf32, #tpu.memory_space<hbm>>
          tpu.enqueue_indirect_dma source(%dma_start3A_182 : memref<10000x128xf32, #tpu.memory_space<hbm>>) target(%arg9 : memref<128x128xf32, #tpu.memory_space<vmem>>) offsets(%dma_start3A_179 : memref<128xi32, #tpu.memory_space<vmem>>) semaphore(%arg11 : memref<!tpu.dma_semaphore, #tpu.memory_space<semaphore_mem>>)
        } else {
        }
        %dma_wait3A_158 = arith.constant 0 : i32
        %dma_wait3A_159 = tpu.memref_slice %arg7[%add3A_137, %dma_wait3A_158] : memref<48x128xi32, #tpu.memory_space<vmem>> -> memref<1x128xi32, #tpu.memory_space<vmem>>
        %dma_wait3A_160 = tpu.memref_squeeze %dma_wait3A_159 : memref<1x128xi32, #tpu.memory_space<vmem>> -> memref<128xi32, #tpu.memory_space<vmem>>
        %dma_wait3A_161 = arith.constant 0 : i32
        %dma_wait3A_162 = arith.constant 0 : i32
        %dma_wait3A_163 = tpu.memref_slice %arg8[%dma_wait3A_161, %dma_wait3A_162] : memref<10112x128xf32, #tpu.memory_space<vmem_shared>> -> memref<10112x128xf32, #tpu.memory_space<vmem_shared>>
        tpu.wait_indirect_dma semaphore(%arg14 : memref<!tpu.dma_semaphore, #tpu.memory_space<semaphore_mem>>) src(%arg10 : memref<128x128xf32, #tpu.memory_space<vmem>>) dst(%dma_wait3A_163 : memref<10112x128xf32, #tpu.memory_space<vmem_shared>>)
        %add3A_164 = arith.constant 1 : i32
        %add3A_165 = arith.addi %add3A_112, %add3A_164 : i32
        %add3A_166 = arith.constant 2 : i32
        %add3A_167 = arith.addi %add3A_165, %add3A_166 : i32
        %lt3A_168 = arith.constant 48 : i32
        %lt3A_169 = arith.cmpi slt, %add3A_167, %lt3A_168 : i32
        %convert_element_type3A_170 = arith.extui %lt3A_169 : i1 to i32
        %cond3A_171 = arith.constant 0 : i32
        %cond3A_172 = arith.cmpi ne, %convert_element_type3A_170, %cond3A_171 : i32
        scf.if %cond3A_172 {
          %add3A_173 = arith.constant 1 : i32
          %add3A_174 = arith.addi %add3A_112, %add3A_173 : i32
          %add3A_175 = arith.constant 2 : i32
          %add3A_176 = arith.addi %add3A_174, %add3A_175 : i32
          %dma_start3A_177 = arith.constant 0 : i32
          %dma_start3A_178 = tpu.memref_slice %arg6[%add3A_176, %dma_start3A_177] : memref<48x128xi32, #tpu.memory_space<vmem>> -> memref<1x128xi32, #tpu.memory_space<vmem>>
          %dma_start3A_179 = tpu.memref_squeeze %dma_start3A_178 : memref<1x128xi32, #tpu.memory_space<vmem>> -> memref<128xi32, #tpu.memory_space<vmem>>
          %dma_start3A_180 = arith.constant 0 : i32
          %dma_start3A_181 = arith.constant 0 : i32
          %dma_start3A_182 = tpu.memref_slice %arg2[%dma_start3A_180, %dma_start3A_181] : memref<10000x128xf32, #tpu.memory_space<hbm>> -> memref<10000x128xf32, #tpu.memory_space<hbm>>
          tpu.enqueue_indirect_dma source(%dma_start3A_182 : memref<10000x128xf32, #tpu.memory_space<hbm>>) target(%arg10 : memref<128x128xf32, #tpu.memory_space<vmem>>) offsets(%dma_start3A_179 : memref<128xi32, #tpu.memory_space<vmem>>) semaphore(%arg12 : memref<!tpu.dma_semaphore, #tpu.memory_space<semaphore_mem>>)
        } else {
        }
      }
      %scan3A_84 = arith.constant 24 : i32
      %add3A_85 = arith.constant 48 : i32
      %add3A_86 = arith.addi %add3A_65, %add3A_85 : i32
      "tpu.region"() ({
        %run_scoped3A = tpu.sem_alloc : memref<!tpu.dma_semaphore, #tpu.memory_space<semaphore_mem>>
        %dma_start3A_108 = arith.constant 0 : i32
        %dma_start3A_109 = arith.constant 0 : i32
        %dma_start3A_110 = tpu.memref_slice %arg6[%dma_start3A_108, %dma_start3A_109] : memref<48x128xi32, #tpu.memory_space<vmem>> -> memref<8x128xi32, #tpu.memory_space<vmem>>
        %dma_start3A_111 = arith.constant 0 : i32
        %dma_start3A_112 = tpu.memref_slice %arg3[%add3A_86, %dma_start3A_111] : memref<2560x128xi32, #tpu.memory_space<hbm>> -> memref<8x128xi32, #tpu.memory_space<hbm>>
        %dma_start3A_113 = arith.constant 0 : i32
        %dma_start3A_114 = arith.constant 0 : i32
        %dma_start3A_115 = tpu.memref_slice %arg6[%dma_start3A_113, %dma_start3A_114] : memref<48x128xi32, #tpu.memory_space<vmem>> -> memref<8x128xi32, #tpu.memory_space<vmem>>
        %dma_start3A_116 = arith.constant 0 : i32
        %dma_start3A_117 = tpu.memref_slice %arg3[%add3A_86, %dma_start3A_116] : memref<2560x128xi32, #tpu.memory_space<hbm>> -> memref<8x128xi32, #tpu.memory_space<hbm>>
        tpu.enqueue_dma source(%dma_start3A_117 : memref<8x128xi32, #tpu.memory_space<hbm>>) target(%dma_start3A_115 : memref<8x128xi32, #tpu.memory_space<vmem>>) target_semaphore(%run_scoped3A : memref<!tpu.dma_semaphore, #tpu.memory_space<semaphore_mem>>)
        %dma_wait3A = arith.constant 0 : i32
        %dma_wait3A_118 = arith.constant 0 : i32
        %dma_wait3A_119 = tpu.memref_slice %arg6[%dma_wait3A, %dma_wait3A_118] : memref<48x128xi32, #tpu.memory_space<vmem>> -> memref<8x128xi32, #tpu.memory_space<vmem>>
        %dma_wait3A_120 = arith.constant 0 : i32
        %dma_wait3A_121 = tpu.memref_slice %arg3[%add3A_86, %dma_wait3A_120] : memref<2560x128xi32, #tpu.memory_space<hbm>> -> memref<8x128xi32, #tpu.memory_space<hbm>>
        %dma_wait3A_122 = arith.constant 0 : i32
        %dma_wait3A_123 = arith.constant 0 : i32
        %dma_wait3A_124 = tpu.memref_slice %arg6[%dma_wait3A_122, %dma_wait3A_123] : memref<48x128xi32, #tpu.memory_space<vmem>> -> memref<8x128xi32, #tpu.memory_space<vmem>>
        %dma_wait3A_125 = arith.constant 0 : i32
        %dma_wait3A_126 = tpu.memref_slice %arg3[%add3A_86, %dma_wait3A_125] : memref<2560x128xi32, #tpu.memory_space<hbm>> -> memref<8x128xi32, #tpu.memory_space<hbm>>
        tpu.wait_dma2 semaphore(%run_scoped3A : memref<!tpu.dma_semaphore, #tpu.memory_space<semaphore_mem>>) src(%dma_wait3A_126 : memref<8x128xi32, #tpu.memory_space<hbm>>) dst(%dma_wait3A_124 : memref<8x128xi32, #tpu.memory_space<vmem>>)
        tpu.yield
      }) : () -> ()
      "tpu.region"() ({
        %run_scoped3A = tpu.sem_alloc : memref<!tpu.dma_semaphore, #tpu.memory_space<semaphore_mem>>
        %dma_start3A_108 = arith.constant 0 : i32
        %dma_start3A_109 = arith.constant 0 : i32
        %dma_start3A_110 = tpu.memref_slice %arg7[%dma_start3A_108, %dma_start3A_109] : memref<48x128xi32, #tpu.memory_space<vmem>> -> memref<8x128xi32, #tpu.memory_space<vmem>>
        %dma_start3A_111 = arith.constant 0 : i32
        %dma_start3A_112 = tpu.memref_slice %arg4[%add3A_86, %dma_start3A_111] : memref<2560x128xi32, #tpu.memory_space<hbm>> -> memref<8x128xi32, #tpu.memory_space<hbm>>
        %dma_start3A_113 = arith.constant 0 : i32
        %dma_start3A_114 = arith.constant 0 : i32
        %dma_start3A_115 = tpu.memref_slice %arg7[%dma_start3A_113, %dma_start3A_114] : memref<48x128xi32, #tpu.memory_space<vmem>> -> memref<8x128xi32, #tpu.memory_space<vmem>>
        %dma_start3A_116 = arith.constant 0 : i32
        %dma_start3A_117 = tpu.memref_slice %arg4[%add3A_86, %dma_start3A_116] : memref<2560x128xi32, #tpu.memory_space<hbm>> -> memref<8x128xi32, #tpu.memory_space<hbm>>
        tpu.enqueue_dma source(%dma_start3A_117 : memref<8x128xi32, #tpu.memory_space<hbm>>) target(%dma_start3A_115 : memref<8x128xi32, #tpu.memory_space<vmem>>) target_semaphore(%run_scoped3A : memref<!tpu.dma_semaphore, #tpu.memory_space<semaphore_mem>>)
        %dma_wait3A = arith.constant 0 : i32
        %dma_wait3A_118 = arith.constant 0 : i32
        %dma_wait3A_119 = tpu.memref_slice %arg7[%dma_wait3A, %dma_wait3A_118] : memref<48x128xi32, #tpu.memory_space<vmem>> -> memref<8x128xi32, #tpu.memory_space<vmem>>
        %dma_wait3A_120 = arith.constant 0 : i32
        %dma_wait3A_121 = tpu.memref_slice %arg4[%add3A_86, %dma_wait3A_120] : memref<2560x128xi32, #tpu.memory_space<hbm>> -> memref<8x128xi32, #tpu.memory_space<hbm>>
        %dma_wait3A_122 = arith.constant 0 : i32
        %dma_wait3A_123 = arith.constant 0 : i32
        %dma_wait3A_124 = tpu.memref_slice %arg7[%dma_wait3A_122, %dma_wait3A_123] : memref<48x128xi32, #tpu.memory_space<vmem>> -> memref<8x128xi32, #tpu.memory_space<vmem>>
        %dma_wait3A_125 = arith.constant 0 : i32
        %dma_wait3A_126 = tpu.memref_slice %arg4[%add3A_86, %dma_wait3A_125] : memref<2560x128xi32, #tpu.memory_space<hbm>> -> memref<8x128xi32, #tpu.memory_space<hbm>>
        tpu.wait_dma2 semaphore(%run_scoped3A : memref<!tpu.dma_semaphore, #tpu.memory_space<semaphore_mem>>) src(%dma_wait3A_126 : memref<8x128xi32, #tpu.memory_space<hbm>>) dst(%dma_wait3A_124 : memref<8x128xi32, #tpu.memory_space<vmem>>)
        tpu.yield
      }) : () -> ()
      %dma_start3A_87 = arith.constant 0 : i32
      %dma_start3A_88 = arith.constant 0 : i32
      %dma_start3A_89 = tpu.memref_slice %arg6[%dma_start3A_87, %dma_start3A_88] : memref<48x128xi32, #tpu.memory_space<vmem>> -> memref<1x128xi32, #tpu.memory_space<vmem>>
      %dma_start3A_90 = tpu.memref_squeeze %dma_start3A_89 : memref<1x128xi32, #tpu.memory_space<vmem>> -> memref<128xi32, #tpu.memory_space<vmem>>
      %dma_start3A_91 = arith.constant 0 : i32
      %dma_start3A_92 = arith.constant 0 : i32
      %dma_start3A_93 = tpu.memref_slice %arg2[%dma_start3A_91, %dma_start3A_92] : memref<10000x128xf32, #tpu.memory_space<hbm>> -> memref<10000x128xf32, #tpu.memory_space<hbm>>
      tpu.enqueue_indirect_dma source(%dma_start3A_93 : memref<10000x128xf32, #tpu.memory_space<hbm>>) target(%arg9 : memref<128x128xf32, #tpu.memory_space<vmem>>) offsets(%dma_start3A_90 : memref<128xi32, #tpu.memory_space<vmem>>) semaphore(%arg11 : memref<!tpu.dma_semaphore, #tpu.memory_space<semaphore_mem>>)
      %dma_start3A_94 = arith.constant 1 : i32
      %dma_start3A_95 = arith.constant 0 : i32
      %dma_start3A_96 = tpu.memref_slice %arg6[%dma_start3A_94, %dma_start3A_95] : memref<48x128xi32, #tpu.memory_space<vmem>> -> memref<1x128xi32, #tpu.memory_space<vmem>>
      %dma_start3A_97 = tpu.memref_squeeze %dma_start3A_96 : memref<1x128xi32, #tpu.memory_space<vmem>> -> memref<128xi32, #tpu.memory_space<vmem>>
      %dma_start3A_98 = arith.constant 0 : i32
      %dma_start3A_99 = arith.constant 0 : i32
      %dma_start3A_100 = tpu.memref_slice %arg2[%dma_start3A_98, %dma_start3A_99] : memref<10000x128xf32, #tpu.memory_space<hbm>> -> memref<10000x128xf32, #tpu.memory_space<hbm>>
      tpu.enqueue_indirect_dma source(%dma_start3A_100 : memref<10000x128xf32, #tpu.memory_space<hbm>>) target(%arg10 : memref<128x128xf32, #tpu.memory_space<vmem>>) offsets(%dma_start3A_97 : memref<128xi32, #tpu.memory_space<vmem>>) semaphore(%arg12 : memref<!tpu.dma_semaphore, #tpu.memory_space<semaphore_mem>>)
      %scan3A_101 = arith.constant 0 : i32
      %scan3A_102 = arith.constant 4 : i32
      %scan3A_103 = arith.addi %scan3A_101, %scan3A_102 : i32
      %scan3A_104 = arith.constant 1 : i32
      scf.for %scan3A_108 = %scan3A_101 to %scan3A_103 step %scan3A_104  : i32 {
        %mul3A_109 = arith.constant 2 : i32
        %mul3A_110 = arith.muli %scan3A_108, %mul3A_109 : i32
        %add3A_111 = arith.constant 0 : i32
        %add3A_112 = arith.addi %add3A_111, %mul3A_110 : i32
        %add3A_113 = arith.constant 0 : i32
        %add3A_114 = arith.addi %add3A_112, %add3A_113 : i32
        %dma_wait3A = arith.constant 0 : i32
        %dma_wait3A_115 = tpu.memref_slice %arg6[%add3A_114, %dma_wait3A] : memref<48x128xi32, #tpu.memory_space<vmem>> -> memref<1x128xi32, #tpu.memory_space<vmem>>
        %dma_wait3A_116 = tpu.memref_squeeze %dma_wait3A_115 : memref<1x128xi32, #tpu.memory_space<vmem>> -> memref<128xi32, #tpu.memory_space<vmem>>
        %dma_wait3A_117 = arith.constant 0 : i32
        %dma_wait3A_118 = arith.constant 0 : i32
        %dma_wait3A_119 = tpu.memref_slice %arg2[%dma_wait3A_117, %dma_wait3A_118] : memref<10000x128xf32, #tpu.memory_space<hbm>> -> memref<10000x128xf32, #tpu.memory_space<hbm>>
        tpu.wait_indirect_dma semaphore(%arg11 : memref<!tpu.dma_semaphore, #tpu.memory_space<semaphore_mem>>) src(%dma_wait3A_119 : memref<10000x128xf32, #tpu.memory_space<hbm>>) dst(%arg9 : memref<128x128xf32, #tpu.memory_space<vmem>>)
        %add3A_120 = arith.constant 0 : i32
        %add3A_121 = arith.addi %add3A_112, %add3A_120 : i32
        %dma_start3A_122 = arith.constant 0 : i32
        %dma_start3A_123 = tpu.memref_slice %arg7[%add3A_121, %dma_start3A_122] : memref<48x128xi32, #tpu.memory_space<vmem>> -> memref<1x128xi32, #tpu.memory_space<vmem>>
        %dma_start3A_124 = tpu.memref_squeeze %dma_start3A_123 : memref<1x128xi32, #tpu.memory_space<vmem>> -> memref<128xi32, #tpu.memory_space<vmem>>
        %dma_start3A_125 = arith.constant 0 : i32
        %dma_start3A_126 = arith.constant 0 : i32
        %dma_start3A_127 = tpu.memref_slice %arg8[%dma_start3A_125, %dma_start3A_126] : memref<10112x128xf32, #tpu.memory_space<vmem_shared>> -> memref<10112x128xf32, #tpu.memory_space<vmem_shared>>
        tpu.enqueue_indirect_dma source(%arg9 : memref<128x128xf32, #tpu.memory_space<vmem>>) target(%dma_start3A_127 : memref<10112x128xf32, #tpu.memory_space<vmem_shared>>) offsets(%dma_start3A_124 : memref<128xi32, #tpu.memory_space<vmem>>) semaphore(%arg13 : memref<!tpu.dma_semaphore, #tpu.memory_space<semaphore_mem>>) {add = true}
        %add3A_128 = arith.constant 1 : i32
        %add3A_129 = arith.addi %add3A_112, %add3A_128 : i32
        %dma_wait3A_130 = arith.constant 0 : i32
        %dma_wait3A_131 = tpu.memref_slice %arg6[%add3A_129, %dma_wait3A_130] : memref<48x128xi32, #tpu.memory_space<vmem>> -> memref<1x128xi32, #tpu.memory_space<vmem>>
        %dma_wait3A_132 = tpu.memref_squeeze %dma_wait3A_131 : memref<1x128xi32, #tpu.memory_space<vmem>> -> memref<128xi32, #tpu.memory_space<vmem>>
        %dma_wait3A_133 = arith.constant 0 : i32
        %dma_wait3A_134 = arith.constant 0 : i32
        %dma_wait3A_135 = tpu.memref_slice %arg2[%dma_wait3A_133, %dma_wait3A_134] : memref<10000x128xf32, #tpu.memory_space<hbm>> -> memref<10000x128xf32, #tpu.memory_space<hbm>>
        tpu.wait_indirect_dma semaphore(%arg12 : memref<!tpu.dma_semaphore, #tpu.memory_space<semaphore_mem>>) src(%dma_wait3A_135 : memref<10000x128xf32, #tpu.memory_space<hbm>>) dst(%arg10 : memref<128x128xf32, #tpu.memory_space<vmem>>)
        %add3A_136 = arith.constant 1 : i32
        %add3A_137 = arith.addi %add3A_112, %add3A_136 : i32
        %dma_start3A_138 = arith.constant 0 : i32
        %dma_start3A_139 = tpu.memref_slice %arg7[%add3A_137, %dma_start3A_138] : memref<48x128xi32, #tpu.memory_space<vmem>> -> memref<1x128xi32, #tpu.memory_space<vmem>>
        %dma_start3A_140 = tpu.memref_squeeze %dma_start3A_139 : memref<1x128xi32, #tpu.memory_space<vmem>> -> memref<128xi32, #tpu.memory_space<vmem>>
        %dma_start3A_141 = arith.constant 0 : i32
        %dma_start3A_142 = arith.constant 0 : i32
        %dma_start3A_143 = tpu.memref_slice %arg8[%dma_start3A_141, %dma_start3A_142] : memref<10112x128xf32, #tpu.memory_space<vmem_shared>> -> memref<10112x128xf32, #tpu.memory_space<vmem_shared>>
        tpu.enqueue_indirect_dma source(%arg10 : memref<128x128xf32, #tpu.memory_space<vmem>>) target(%dma_start3A_143 : memref<10112x128xf32, #tpu.memory_space<vmem_shared>>) offsets(%dma_start3A_140 : memref<128xi32, #tpu.memory_space<vmem>>) semaphore(%arg14 : memref<!tpu.dma_semaphore, #tpu.memory_space<semaphore_mem>>) {add = true}
        %dma_wait3A_144 = arith.constant 0 : i32
        %dma_wait3A_145 = tpu.memref_slice %arg7[%add3A_121, %dma_wait3A_144] : memref<48x128xi32, #tpu.memory_space<vmem>> -> memref<1x128xi32, #tpu.memory_space<vmem>>
        %dma_wait3A_146 = tpu.memref_squeeze %dma_wait3A_145 : memref<1x128xi32, #tpu.memory_space<vmem>> -> memref<128xi32, #tpu.memory_space<vmem>>
        %dma_wait3A_147 = arith.constant 0 : i32
        %dma_wait3A_148 = arith.constant 0 : i32
        %dma_wait3A_149 = tpu.memref_slice %arg8[%dma_wait3A_147, %dma_wait3A_148] : memref<10112x128xf32, #tpu.memory_space<vmem_shared>> -> memref<10112x128xf32, #tpu.memory_space<vmem_shared>>
        tpu.wait_indirect_dma semaphore(%arg13 : memref<!tpu.dma_semaphore, #tpu.memory_space<semaphore_mem>>) src(%arg9 : memref<128x128xf32, #tpu.memory_space<vmem>>) dst(%dma_wait3A_149 : memref<10112x128xf32, #tpu.memory_space<vmem_shared>>)
        %add3A_150 = arith.constant 0 : i32
        %add3A_151 = arith.addi %add3A_112, %add3A_150 : i32
        %add3A_152 = arith.constant 2 : i32
        %add3A_153 = arith.addi %add3A_151, %add3A_152 : i32
        %lt3A = arith.constant 8 : i32
        %lt3A_154 = arith.cmpi slt, %add3A_153, %lt3A : i32
        %convert_element_type3A_155 = arith.extui %lt3A_154 : i1 to i32
        %cond3A_156 = arith.constant 0 : i32
        %cond3A_157 = arith.cmpi ne, %convert_element_type3A_155, %cond3A_156 : i32
        scf.if %cond3A_157 {
          %add3A_173 = arith.constant 0 : i32
          %add3A_174 = arith.addi %add3A_112, %add3A_173 : i32
          %add3A_175 = arith.constant 2 : i32
          %add3A_176 = arith.addi %add3A_174, %add3A_175 : i32
          %dma_start3A_177 = arith.constant 0 : i32
          %dma_start3A_178 = tpu.memref_slice %arg6[%add3A_176, %dma_start3A_177] : memref<48x128xi32, #tpu.memory_space<vmem>> -> memref<1x128xi32, #tpu.memory_space<vmem>>
          %dma_start3A_179 = tpu.memref_squeeze %dma_start3A_178 : memref<1x128xi32, #tpu.memory_space<vmem>> -> memref<128xi32, #tpu.memory_space<vmem>>
          %dma_start3A_180 = arith.constant 0 : i32
          %dma_start3A_181 = arith.constant 0 : i32
          %dma_start3A_182 = tpu.memref_slice %arg2[%dma_start3A_180, %dma_start3A_181] : memref<10000x128xf32, #tpu.memory_space<hbm>> -> memref<10000x128xf32, #tpu.memory_space<hbm>>
          tpu.enqueue_indirect_dma source(%dma_start3A_182 : memref<10000x128xf32, #tpu.memory_space<hbm>>) target(%arg9 : memref<128x128xf32, #tpu.memory_space<vmem>>) offsets(%dma_start3A_179 : memref<128xi32, #tpu.memory_space<vmem>>) semaphore(%arg11 : memref<!tpu.dma_semaphore, #tpu.memory_space<semaphore_mem>>)
        } else {
        }
        %dma_wait3A_158 = arith.constant 0 : i32
        %dma_wait3A_159 = tpu.memref_slice %arg7[%add3A_137, %dma_wait3A_158] : memref<48x128xi32, #tpu.memory_space<vmem>> -> memref<1x128xi32, #tpu.memory_space<vmem>>
        %dma_wait3A_160 = tpu.memref_squeeze %dma_wait3A_159 : memref<1x128xi32, #tpu.memory_space<vmem>> -> memref<128xi32, #tpu.memory_space<vmem>>
        %dma_wait3A_161 = arith.constant 0 : i32
        %dma_wait3A_162 = arith.constant 0 : i32
        %dma_wait3A_163 = tpu.memref_slice %arg8[%dma_wait3A_161, %dma_wait3A_162] : memref<10112x128xf32, #tpu.memory_space<vmem_shared>> -> memref<10112x128xf32, #tpu.memory_space<vmem_shared>>
        tpu.wait_indirect_dma semaphore(%arg14 : memref<!tpu.dma_semaphore, #tpu.memory_space<semaphore_mem>>) src(%arg10 : memref<128x128xf32, #tpu.memory_space<vmem>>) dst(%dma_wait3A_163 : memref<10112x128xf32, #tpu.memory_space<vmem_shared>>)
        %add3A_164 = arith.constant 1 : i32
        %add3A_165 = arith.addi %add3A_112, %add3A_164 : i32
        %add3A_166 = arith.constant 2 : i32
        %add3A_167 = arith.addi %add3A_165, %add3A_166 : i32
        %lt3A_168 = arith.constant 8 : i32
        %lt3A_169 = arith.cmpi slt, %add3A_167, %lt3A_168 : i32
        %convert_element_type3A_170 = arith.extui %lt3A_169 : i1 to i32
        %cond3A_171 = arith.constant 0 : i32
        %cond3A_172 = arith.cmpi ne, %convert_element_type3A_170, %cond3A_171 : i32
        scf.if %cond3A_172 {
          %add3A_173 = arith.constant 1 : i32
          %add3A_174 = arith.addi %add3A_112, %add3A_173 : i32
          %add3A_175 = arith.constant 2 : i32
          %add3A_176 = arith.addi %add3A_174, %add3A_175 : i32
          %dma_start3A_177 = arith.constant 0 : i32
          %dma_start3A_178 = tpu.memref_slice %arg6[%add3A_176, %dma_start3A_177] : memref<48x128xi32, #tpu.memory_space<vmem>> -> memref<1x128xi32, #tpu.memory_space<vmem>>
          %dma_start3A_179 = tpu.memref_squeeze %dma_start3A_178 : memref<1x128xi32, #tpu.memory_space<vmem>> -> memref<128xi32, #tpu.memory_space<vmem>>
          %dma_start3A_180 = arith.constant 0 : i32
          %dma_start3A_181 = arith.constant 0 : i32
          %dma_start3A_182 = tpu.memref_slice %arg2[%dma_start3A_180, %dma_start3A_181] : memref<10000x128xf32, #tpu.memory_space<hbm>> -> memref<10000x128xf32, #tpu.memory_space<hbm>>
          tpu.enqueue_indirect_dma source(%dma_start3A_182 : memref<10000x128xf32, #tpu.memory_space<hbm>>) target(%arg10 : memref<128x128xf32, #tpu.memory_space<vmem>>) offsets(%dma_start3A_179 : memref<128xi32, #tpu.memory_space<vmem>>) semaphore(%arg12 : memref<!tpu.dma_semaphore, #tpu.memory_space<semaphore_mem>>)
        } else {
        }
      }
      %scan3A_105 = arith.constant 4 : i32
      %add3A_106 = arith.constant 8 : i32
      %add3A_107 = arith.addi %add3A_86, %add3A_106 : i32
    } else {
    }
    %eq3A_17 = arith.constant 1 : i32
    %eq3A_18 = arith.cmpi eq, %arg0, %eq3A_17 : i32
    %convert_element_type3A_19 = arith.extui %eq3A_18 : i1 to i32
    %cond3A_20 = arith.constant 0 : i32
    %cond3A_21 = arith.cmpi ne, %convert_element_type3A_19, %cond3A_20 : i32
    scf.if %cond3A_21 {
      %mul3A_23 = arith.constant 8 : i32
      %mul3A_24 = arith.muli %arg1, %mul3A_23 : i32
      %add3A_25 = arith.constant 2432 : i32
      %add3A_26 = arith.addi %add3A_25, %mul3A_24 : i32
      "tpu.region"() ({
        %run_scoped3A = tpu.sem_alloc : memref<!tpu.dma_semaphore, #tpu.memory_space<semaphore_mem>>
        %dma_start3A_47 = arith.constant 0 : i32
        %dma_start3A_48 = arith.constant 0 : i32
        %dma_start3A_49 = tpu.memref_slice %arg6[%dma_start3A_47, %dma_start3A_48] : memref<48x128xi32, #tpu.memory_space<vmem>> -> memref<8x128xi32, #tpu.memory_space<vmem>>
        %dma_start3A_50 = arith.constant 0 : i32
        %dma_start3A_51 = tpu.memref_slice %arg3[%add3A_26, %dma_start3A_50] : memref<2560x128xi32, #tpu.memory_space<hbm>> -> memref<8x128xi32, #tpu.memory_space<hbm>>
        %dma_start3A_52 = arith.constant 0 : i32
        %dma_start3A_53 = arith.constant 0 : i32
        %dma_start3A_54 = tpu.memref_slice %arg6[%dma_start3A_52, %dma_start3A_53] : memref<48x128xi32, #tpu.memory_space<vmem>> -> memref<8x128xi32, #tpu.memory_space<vmem>>
        %dma_start3A_55 = arith.constant 0 : i32
        %dma_start3A_56 = tpu.memref_slice %arg3[%add3A_26, %dma_start3A_55] : memref<2560x128xi32, #tpu.memory_space<hbm>> -> memref<8x128xi32, #tpu.memory_space<hbm>>
        tpu.enqueue_dma source(%dma_start3A_56 : memref<8x128xi32, #tpu.memory_space<hbm>>) target(%dma_start3A_54 : memref<8x128xi32, #tpu.memory_space<vmem>>) target_semaphore(%run_scoped3A : memref<!tpu.dma_semaphore, #tpu.memory_space<semaphore_mem>>)
        %dma_wait3A = arith.constant 0 : i32
        %dma_wait3A_57 = arith.constant 0 : i32
        %dma_wait3A_58 = tpu.memref_slice %arg6[%dma_wait3A, %dma_wait3A_57] : memref<48x128xi32, #tpu.memory_space<vmem>> -> memref<8x128xi32, #tpu.memory_space<vmem>>
        %dma_wait3A_59 = arith.constant 0 : i32
        %dma_wait3A_60 = tpu.memref_slice %arg3[%add3A_26, %dma_wait3A_59] : memref<2560x128xi32, #tpu.memory_space<hbm>> -> memref<8x128xi32, #tpu.memory_space<hbm>>
        %dma_wait3A_61 = arith.constant 0 : i32
        %dma_wait3A_62 = arith.constant 0 : i32
        %dma_wait3A_63 = tpu.memref_slice %arg6[%dma_wait3A_61, %dma_wait3A_62] : memref<48x128xi32, #tpu.memory_space<vmem>> -> memref<8x128xi32, #tpu.memory_space<vmem>>
        %dma_wait3A_64 = arith.constant 0 : i32
        %dma_wait3A_65 = tpu.memref_slice %arg3[%add3A_26, %dma_wait3A_64] : memref<2560x128xi32, #tpu.memory_space<hbm>> -> memref<8x128xi32, #tpu.memory_space<hbm>>
        tpu.wait_dma2 semaphore(%run_scoped3A : memref<!tpu.dma_semaphore, #tpu.memory_space<semaphore_mem>>) src(%dma_wait3A_65 : memref<8x128xi32, #tpu.memory_space<hbm>>) dst(%dma_wait3A_63 : memref<8x128xi32, #tpu.memory_space<vmem>>)
        tpu.yield
      }) : () -> ()
      "tpu.region"() ({
        %run_scoped3A = tpu.sem_alloc : memref<!tpu.dma_semaphore, #tpu.memory_space<semaphore_mem>>
        %dma_start3A_47 = arith.constant 0 : i32
        %dma_start3A_48 = arith.constant 0 : i32
        %dma_start3A_49 = tpu.memref_slice %arg7[%dma_start3A_47, %dma_start3A_48] : memref<48x128xi32, #tpu.memory_space<vmem>> -> memref<8x128xi32, #tpu.memory_space<vmem>>
        %dma_start3A_50 = arith.constant 0 : i32
        %dma_start3A_51 = tpu.memref_slice %arg4[%add3A_26, %dma_start3A_50] : memref<2560x128xi32, #tpu.memory_space<hbm>> -> memref<8x128xi32, #tpu.memory_space<hbm>>
        %dma_start3A_52 = arith.constant 0 : i32
        %dma_start3A_53 = arith.constant 0 : i32
        %dma_start3A_54 = tpu.memref_slice %arg7[%dma_start3A_52, %dma_start3A_53] : memref<48x128xi32, #tpu.memory_space<vmem>> -> memref<8x128xi32, #tpu.memory_space<vmem>>
        %dma_start3A_55 = arith.constant 0 : i32
        %dma_start3A_56 = tpu.memref_slice %arg4[%add3A_26, %dma_start3A_55] : memref<2560x128xi32, #tpu.memory_space<hbm>> -> memref<8x128xi32, #tpu.memory_space<hbm>>
        tpu.enqueue_dma source(%dma_start3A_56 : memref<8x128xi32, #tpu.memory_space<hbm>>) target(%dma_start3A_54 : memref<8x128xi32, #tpu.memory_space<vmem>>) target_semaphore(%run_scoped3A : memref<!tpu.dma_semaphore, #tpu.memory_space<semaphore_mem>>)
        %dma_wait3A = arith.constant 0 : i32
        %dma_wait3A_57 = arith.constant 0 : i32
        %dma_wait3A_58 = tpu.memref_slice %arg7[%dma_wait3A, %dma_wait3A_57] : memref<48x128xi32, #tpu.memory_space<vmem>> -> memref<8x128xi32, #tpu.memory_space<vmem>>
        %dma_wait3A_59 = arith.constant 0 : i32
        %dma_wait3A_60 = tpu.memref_slice %arg4[%add3A_26, %dma_wait3A_59] : memref<2560x128xi32, #tpu.memory_space<hbm>> -> memref<8x128xi32, #tpu.memory_space<hbm>>
        %dma_wait3A_61 = arith.constant 0 : i32
        %dma_wait3A_62 = arith.constant 0 : i32
        %dma_wait3A_63 = tpu.memref_slice %arg7[%dma_wait3A_61, %dma_wait3A_62] : memref<48x128xi32, #tpu.memory_space<vmem>> -> memref<8x128xi32, #tpu.memory_space<vmem>>
        %dma_wait3A_64 = arith.constant 0 : i32
        %dma_wait3A_65 = tpu.memref_slice %arg4[%add3A_26, %dma_wait3A_64] : memref<2560x128xi32, #tpu.memory_space<hbm>> -> memref<8x128xi32, #tpu.memory_space<hbm>>
        tpu.wait_dma2 semaphore(%run_scoped3A : memref<!tpu.dma_semaphore, #tpu.memory_space<semaphore_mem>>) src(%dma_wait3A_65 : memref<8x128xi32, #tpu.memory_space<hbm>>) dst(%dma_wait3A_63 : memref<8x128xi32, #tpu.memory_space<vmem>>)
        tpu.yield
      }) : () -> ()
      %dma_start3A = arith.constant 0 : i32
      %dma_start3A_27 = arith.constant 0 : i32
      %dma_start3A_28 = tpu.memref_slice %arg6[%dma_start3A, %dma_start3A_27] : memref<48x128xi32, #tpu.memory_space<vmem>> -> memref<1x128xi32, #tpu.memory_space<vmem>>
      %dma_start3A_29 = tpu.memref_squeeze %dma_start3A_28 : memref<1x128xi32, #tpu.memory_space<vmem>> -> memref<128xi32, #tpu.memory_space<vmem>>
      %dma_start3A_30 = arith.constant 0 : i32
      %dma_start3A_31 = arith.constant 0 : i32
      %dma_start3A_32 = tpu.memref_slice %arg2[%dma_start3A_30, %dma_start3A_31] : memref<10000x128xf32, #tpu.memory_space<hbm>> -> memref<10000x128xf32, #tpu.memory_space<hbm>>
      tpu.enqueue_indirect_dma source(%dma_start3A_32 : memref<10000x128xf32, #tpu.memory_space<hbm>>) target(%arg9 : memref<128x128xf32, #tpu.memory_space<vmem>>) offsets(%dma_start3A_29 : memref<128xi32, #tpu.memory_space<vmem>>) semaphore(%arg11 : memref<!tpu.dma_semaphore, #tpu.memory_space<semaphore_mem>>)
      %dma_start3A_33 = arith.constant 1 : i32
      %dma_start3A_34 = arith.constant 0 : i32
      %dma_start3A_35 = tpu.memref_slice %arg6[%dma_start3A_33, %dma_start3A_34] : memref<48x128xi32, #tpu.memory_space<vmem>> -> memref<1x128xi32, #tpu.memory_space<vmem>>
      %dma_start3A_36 = tpu.memref_squeeze %dma_start3A_35 : memref<1x128xi32, #tpu.memory_space<vmem>> -> memref<128xi32, #tpu.memory_space<vmem>>
      %dma_start3A_37 = arith.constant 0 : i32
      %dma_start3A_38 = arith.constant 0 : i32
      %dma_start3A_39 = tpu.memref_slice %arg2[%dma_start3A_37, %dma_start3A_38] : memref<10000x128xf32, #tpu.memory_space<hbm>> -> memref<10000x128xf32, #tpu.memory_space<hbm>>
      tpu.enqueue_indirect_dma source(%dma_start3A_39 : memref<10000x128xf32, #tpu.memory_space<hbm>>) target(%arg10 : memref<128x128xf32, #tpu.memory_space<vmem>>) offsets(%dma_start3A_36 : memref<128xi32, #tpu.memory_space<vmem>>) semaphore(%arg12 : memref<!tpu.dma_semaphore, #tpu.memory_space<semaphore_mem>>)
      %scan3A_40 = arith.constant 0 : i32
      %scan3A_41 = arith.constant 4 : i32
      %scan3A_42 = arith.addi %scan3A_40, %scan3A_41 : i32
      %scan3A_43 = arith.constant 1 : i32
      scf.for %scan3A_47 = %scan3A_40 to %scan3A_42 step %scan3A_43  : i32 {
        %mul3A_48 = arith.constant 2 : i32
        %mul3A_49 = arith.muli %scan3A_47, %mul3A_48 : i32
        %add3A_50 = arith.constant 0 : i32
        %add3A_51 = arith.addi %add3A_50, %mul3A_49 : i32
        %add3A_52 = arith.constant 0 : i32
        %add3A_53 = arith.addi %add3A_51, %add3A_52 : i32
        %dma_wait3A = arith.constant 0 : i32
        %dma_wait3A_54 = tpu.memref_slice %arg6[%add3A_53, %dma_wait3A] : memref<48x128xi32, #tpu.memory_space<vmem>> -> memref<1x128xi32, #tpu.memory_space<vmem>>
        %dma_wait3A_55 = tpu.memref_squeeze %dma_wait3A_54 : memref<1x128xi32, #tpu.memory_space<vmem>> -> memref<128xi32, #tpu.memory_space<vmem>>
        %dma_wait3A_56 = arith.constant 0 : i32
        %dma_wait3A_57 = arith.constant 0 : i32
        %dma_wait3A_58 = tpu.memref_slice %arg2[%dma_wait3A_56, %dma_wait3A_57] : memref<10000x128xf32, #tpu.memory_space<hbm>> -> memref<10000x128xf32, #tpu.memory_space<hbm>>
        tpu.wait_indirect_dma semaphore(%arg11 : memref<!tpu.dma_semaphore, #tpu.memory_space<semaphore_mem>>) src(%dma_wait3A_58 : memref<10000x128xf32, #tpu.memory_space<hbm>>) dst(%arg9 : memref<128x128xf32, #tpu.memory_space<vmem>>)
        %add3A_59 = arith.constant 0 : i32
        %add3A_60 = arith.addi %add3A_51, %add3A_59 : i32
        %dma_start3A_61 = arith.constant 0 : i32
        %dma_start3A_62 = tpu.memref_slice %arg7[%add3A_60, %dma_start3A_61] : memref<48x128xi32, #tpu.memory_space<vmem>> -> memref<1x128xi32, #tpu.memory_space<vmem>>
        %dma_start3A_63 = tpu.memref_squeeze %dma_start3A_62 : memref<1x128xi32, #tpu.memory_space<vmem>> -> memref<128xi32, #tpu.memory_space<vmem>>
        %dma_start3A_64 = arith.constant 0 : i32
        %dma_start3A_65 = arith.constant 0 : i32
        %dma_start3A_66 = tpu.memref_slice %arg8[%dma_start3A_64, %dma_start3A_65] : memref<10112x128xf32, #tpu.memory_space<vmem_shared>> -> memref<10112x128xf32, #tpu.memory_space<vmem_shared>>
        tpu.enqueue_indirect_dma source(%arg9 : memref<128x128xf32, #tpu.memory_space<vmem>>) target(%dma_start3A_66 : memref<10112x128xf32, #tpu.memory_space<vmem_shared>>) offsets(%dma_start3A_63 : memref<128xi32, #tpu.memory_space<vmem>>) semaphore(%arg13 : memref<!tpu.dma_semaphore, #tpu.memory_space<semaphore_mem>>) {add = true}
        %add3A_67 = arith.constant 1 : i32
        %add3A_68 = arith.addi %add3A_51, %add3A_67 : i32
        %dma_wait3A_69 = arith.constant 0 : i32
        %dma_wait3A_70 = tpu.memref_slice %arg6[%add3A_68, %dma_wait3A_69] : memref<48x128xi32, #tpu.memory_space<vmem>> -> memref<1x128xi32, #tpu.memory_space<vmem>>
        %dma_wait3A_71 = tpu.memref_squeeze %dma_wait3A_70 : memref<1x128xi32, #tpu.memory_space<vmem>> -> memref<128xi32, #tpu.memory_space<vmem>>
        %dma_wait3A_72 = arith.constant 0 : i32
        %dma_wait3A_73 = arith.constant 0 : i32
        %dma_wait3A_74 = tpu.memref_slice %arg2[%dma_wait3A_72, %dma_wait3A_73] : memref<10000x128xf32, #tpu.memory_space<hbm>> -> memref<10000x128xf32, #tpu.memory_space<hbm>>
        tpu.wait_indirect_dma semaphore(%arg12 : memref<!tpu.dma_semaphore, #tpu.memory_space<semaphore_mem>>) src(%dma_wait3A_74 : memref<10000x128xf32, #tpu.memory_space<hbm>>) dst(%arg10 : memref<128x128xf32, #tpu.memory_space<vmem>>)
        %add3A_75 = arith.constant 1 : i32
        %add3A_76 = arith.addi %add3A_51, %add3A_75 : i32
        %dma_start3A_77 = arith.constant 0 : i32
        %dma_start3A_78 = tpu.memref_slice %arg7[%add3A_76, %dma_start3A_77] : memref<48x128xi32, #tpu.memory_space<vmem>> -> memref<1x128xi32, #tpu.memory_space<vmem>>
        %dma_start3A_79 = tpu.memref_squeeze %dma_start3A_78 : memref<1x128xi32, #tpu.memory_space<vmem>> -> memref<128xi32, #tpu.memory_space<vmem>>
        %dma_start3A_80 = arith.constant 0 : i32
        %dma_start3A_81 = arith.constant 0 : i32
        %dma_start3A_82 = tpu.memref_slice %arg8[%dma_start3A_80, %dma_start3A_81] : memref<10112x128xf32, #tpu.memory_space<vmem_shared>> -> memref<10112x128xf32, #tpu.memory_space<vmem_shared>>
        tpu.enqueue_indirect_dma source(%arg10 : memref<128x128xf32, #tpu.memory_space<vmem>>) target(%dma_start3A_82 : memref<10112x128xf32, #tpu.memory_space<vmem_shared>>) offsets(%dma_start3A_79 : memref<128xi32, #tpu.memory_space<vmem>>) semaphore(%arg14 : memref<!tpu.dma_semaphore, #tpu.memory_space<semaphore_mem>>) {add = true}
        %dma_wait3A_83 = arith.constant 0 : i32
        %dma_wait3A_84 = tpu.memref_slice %arg7[%add3A_60, %dma_wait3A_83] : memref<48x128xi32, #tpu.memory_space<vmem>> -> memref<1x128xi32, #tpu.memory_space<vmem>>
        %dma_wait3A_85 = tpu.memref_squeeze %dma_wait3A_84 : memref<1x128xi32, #tpu.memory_space<vmem>> -> memref<128xi32, #tpu.memory_space<vmem>>
        %dma_wait3A_86 = arith.constant 0 : i32
        %dma_wait3A_87 = arith.constant 0 : i32
        %dma_wait3A_88 = tpu.memref_slice %arg8[%dma_wait3A_86, %dma_wait3A_87] : memref<10112x128xf32, #tpu.memory_space<vmem_shared>> -> memref<10112x128xf32, #tpu.memory_space<vmem_shared>>
        tpu.wait_indirect_dma semaphore(%arg13 : memref<!tpu.dma_semaphore, #tpu.memory_space<semaphore_mem>>) src(%arg9 : memref<128x128xf32, #tpu.memory_space<vmem>>) dst(%dma_wait3A_88 : memref<10112x128xf32, #tpu.memory_space<vmem_shared>>)
        %add3A_89 = arith.constant 0 : i32
        %add3A_90 = arith.addi %add3A_51, %add3A_89 : i32
        %add3A_91 = arith.constant 2 : i32
        %add3A_92 = arith.addi %add3A_90, %add3A_91 : i32
        %lt3A = arith.constant 8 : i32
        %lt3A_93 = arith.cmpi slt, %add3A_92, %lt3A : i32
        %convert_element_type3A_94 = arith.extui %lt3A_93 : i1 to i32
        %cond3A_95 = arith.constant 0 : i32
        %cond3A_96 = arith.cmpi ne, %convert_element_type3A_94, %cond3A_95 : i32
        scf.if %cond3A_96 {
          %add3A_112 = arith.constant 0 : i32
          %add3A_113 = arith.addi %add3A_51, %add3A_112 : i32
          %add3A_114 = arith.constant 2 : i32
          %add3A_115 = arith.addi %add3A_113, %add3A_114 : i32
          %dma_start3A_116 = arith.constant 0 : i32
          %dma_start3A_117 = tpu.memref_slice %arg6[%add3A_115, %dma_start3A_116] : memref<48x128xi32, #tpu.memory_space<vmem>> -> memref<1x128xi32, #tpu.memory_space<vmem>>
          %dma_start3A_118 = tpu.memref_squeeze %dma_start3A_117 : memref<1x128xi32, #tpu.memory_space<vmem>> -> memref<128xi32, #tpu.memory_space<vmem>>
          %dma_start3A_119 = arith.constant 0 : i32
          %dma_start3A_120 = arith.constant 0 : i32
          %dma_start3A_121 = tpu.memref_slice %arg2[%dma_start3A_119, %dma_start3A_120] : memref<10000x128xf32, #tpu.memory_space<hbm>> -> memref<10000x128xf32, #tpu.memory_space<hbm>>
          tpu.enqueue_indirect_dma source(%dma_start3A_121 : memref<10000x128xf32, #tpu.memory_space<hbm>>) target(%arg9 : memref<128x128xf32, #tpu.memory_space<vmem>>) offsets(%dma_start3A_118 : memref<128xi32, #tpu.memory_space<vmem>>) semaphore(%arg11 : memref<!tpu.dma_semaphore, #tpu.memory_space<semaphore_mem>>)
        } else {
        }
        %dma_wait3A_97 = arith.constant 0 : i32
        %dma_wait3A_98 = tpu.memref_slice %arg7[%add3A_76, %dma_wait3A_97] : memref<48x128xi32, #tpu.memory_space<vmem>> -> memref<1x128xi32, #tpu.memory_space<vmem>>
        %dma_wait3A_99 = tpu.memref_squeeze %dma_wait3A_98 : memref<1x128xi32, #tpu.memory_space<vmem>> -> memref<128xi32, #tpu.memory_space<vmem>>
        %dma_wait3A_100 = arith.constant 0 : i32
        %dma_wait3A_101 = arith.constant 0 : i32
        %dma_wait3A_102 = tpu.memref_slice %arg8[%dma_wait3A_100, %dma_wait3A_101] : memref<10112x128xf32, #tpu.memory_space<vmem_shared>> -> memref<10112x128xf32, #tpu.memory_space<vmem_shared>>
        tpu.wait_indirect_dma semaphore(%arg14 : memref<!tpu.dma_semaphore, #tpu.memory_space<semaphore_mem>>) src(%arg10 : memref<128x128xf32, #tpu.memory_space<vmem>>) dst(%dma_wait3A_102 : memref<10112x128xf32, #tpu.memory_space<vmem_shared>>)
        %add3A_103 = arith.constant 1 : i32
        %add3A_104 = arith.addi %add3A_51, %add3A_103 : i32
        %add3A_105 = arith.constant 2 : i32
        %add3A_106 = arith.addi %add3A_104, %add3A_105 : i32
        %lt3A_107 = arith.constant 8 : i32
        %lt3A_108 = arith.cmpi slt, %add3A_106, %lt3A_107 : i32
        %convert_element_type3A_109 = arith.extui %lt3A_108 : i1 to i32
        %cond3A_110 = arith.constant 0 : i32
        %cond3A_111 = arith.cmpi ne, %convert_element_type3A_109, %cond3A_110 : i32
        scf.if %cond3A_111 {
          %add3A_112 = arith.constant 1 : i32
          %add3A_113 = arith.addi %add3A_51, %add3A_112 : i32
          %add3A_114 = arith.constant 2 : i32
          %add3A_115 = arith.addi %add3A_113, %add3A_114 : i32
          %dma_start3A_116 = arith.constant 0 : i32
          %dma_start3A_117 = tpu.memref_slice %arg6[%add3A_115, %dma_start3A_116] : memref<48x128xi32, #tpu.memory_space<vmem>> -> memref<1x128xi32, #tpu.memory_space<vmem>>
          %dma_start3A_118 = tpu.memref_squeeze %dma_start3A_117 : memref<1x128xi32, #tpu.memory_space<vmem>> -> memref<128xi32, #tpu.memory_space<vmem>>
          %dma_start3A_119 = arith.constant 0 : i32
          %dma_start3A_120 = arith.constant 0 : i32
          %dma_start3A_121 = tpu.memref_slice %arg2[%dma_start3A_119, %dma_start3A_120] : memref<10000x128xf32, #tpu.memory_space<hbm>> -> memref<10000x128xf32, #tpu.memory_space<hbm>>
          tpu.enqueue_indirect_dma source(%dma_start3A_121 : memref<10000x128xf32, #tpu.memory_space<hbm>>) target(%arg10 : memref<128x128xf32, #tpu.memory_space<vmem>>) offsets(%dma_start3A_118 : memref<128xi32, #tpu.memory_space<vmem>>) semaphore(%arg12 : memref<!tpu.dma_semaphore, #tpu.memory_space<semaphore_mem>>)
        } else {
        }
      }
      %scan3A_44 = arith.constant 4 : i32
      %add3A_45 = arith.constant 8 : i32
      %add3A_46 = arith.addi %add3A_26, %add3A_45 : i32
    } else {
    }
    %barrier3A_22 = arith.constant 0 : index
    tpu.barrier barrier_id(%barrier3A_22)
    "tpu.region"() ({
      %run_scoped3A = tpu.sem_alloc : memref<!tpu.dma_semaphore, #tpu.memory_space<semaphore_mem>>
      %dma_start3A = arith.constant 0 : i32
      %dma_start3A_23 = arith.constant 0 : i32
      %dma_start3A_24 = tpu.memref_slice %arg5[%arg0, %dma_start3A, %dma_start3A_23] : memref<2x10112x128xf32, #tpu.memory_space<hbm>> -> memref<1x10112x128xf32, #tpu.memory_space<hbm>>
      %dma_start3A_25 = tpu.memref_squeeze %dma_start3A_24 : memref<1x10112x128xf32, #tpu.memory_space<hbm>> -> memref<10112x128xf32, #tpu.memory_space<hbm>>
      %dma_start3A_26 = arith.constant 0 : i32
      %dma_start3A_27 = tpu.memref_slice %dma_start3A_25[%mul3A_0, %dma_start3A_26] : memref<10112x128xf32, #tpu.memory_space<hbm>> -> memref<632x128xf32, #tpu.memory_space<hbm>>
      %dma_start3A_28 = arith.constant 0 : i32
      %dma_start3A_29 = tpu.memref_slice %arg8[%mul3A_0, %dma_start3A_28] : memref<10112x128xf32, #tpu.memory_space<vmem_shared>> -> memref<632x128xf32, #tpu.memory_space<vmem_shared>>
      tpu.enqueue_dma source(%dma_start3A_29 : memref<632x128xf32, #tpu.memory_space<vmem_shared>>) target(%dma_start3A_27 : memref<632x128xf32, #tpu.memory_space<hbm>>) target_semaphore(%run_scoped3A : memref<!tpu.dma_semaphore, #tpu.memory_space<semaphore_mem>>)
      %dma_wait3A = arith.constant 0 : i32
      %dma_wait3A_30 = arith.constant 0 : i32
      %dma_wait3A_31 = tpu.memref_slice %arg5[%arg0, %dma_wait3A, %dma_wait3A_30] : memref<2x10112x128xf32, #tpu.memory_space<hbm>> -> memref<1x10112x128xf32, #tpu.memory_space<hbm>>
      %dma_wait3A_32 = tpu.memref_squeeze %dma_wait3A_31 : memref<1x10112x128xf32, #tpu.memory_space<hbm>> -> memref<10112x128xf32, #tpu.memory_space<hbm>>
      %dma_wait3A_33 = arith.constant 0 : i32
      %dma_wait3A_34 = tpu.memref_slice %dma_wait3A_32[%mul3A_0, %dma_wait3A_33] : memref<10112x128xf32, #tpu.memory_space<hbm>> -> memref<632x128xf32, #tpu.memory_space<hbm>>
      %dma_wait3A_35 = arith.constant 0 : i32
      %dma_wait3A_36 = tpu.memref_slice %arg8[%mul3A_0, %dma_wait3A_35] : memref<10112x128xf32, #tpu.memory_space<vmem_shared>> -> memref<632x128xf32, #tpu.memory_space<vmem_shared>>
      tpu.wait_dma2 semaphore(%run_scoped3A : memref<!tpu.dma_semaphore, #tpu.memory_space<semaphore_mem>>) src(%dma_wait3A_36 : memref<632x128xf32, #tpu.memory_space<vmem_shared>>) dst(%dma_wait3A_34 : memref<632x128xf32, #tpu.memory_space<hbm>>)
      tpu.yield
    }) : () -> ()
    return
  }
}

#map = affine_map<(d0, d1) -> (0, 0, 0)>
#map1 = affine_map<(d0, d1) -> (0, 0)>
#map2 = affine_map<(d0, d1) -> (0, 0, 0, 0)>
module attributes {stable_mosaic.version = 14 : i64} {
  func.func @k(%arg0: i32, %arg1: i32, %arg2: memref<32x84x128xi32, #tpu.memory_space<hbm>>, %arg3: memref<16x5120xf32, #tpu.memory_space<hbm>>, %arg4: memref<32x2x16x5120xf32, #tpu.memory_space<hbm>>, %arg5: memref<84x128xi32, #tpu.memory_space<vmem>>, %arg6: memref<16x5120xf32, #tpu.memory_space<vmem>>) attributes {dimension_semantics = [#tpu.dimension_semantics<core_parallel>, #tpu.dimension_semantics<subcore_parallel>], iteration_bounds = array<i64: 2, 16>, scalar_prefetch = 0 : i64, scratch_operands = 2 : i64, tpu.core_type = #tpu.core_type<sc_vector_subcore>, window_params = [{transform_indices = #map}, {transform_indices = #map1}, {transform_indices = #map2}]} {
    %mul3A = arith.constant 16 : i32
    %mul3A_0 = arith.muli %arg0, %mul3A : i32
    %add3A = arith.addi %mul3A_0, %arg1 : i32
    "tpu.region"() ({
      %run_scoped3A = tpu.sem_alloc : memref<!tpu.dma_semaphore, #tpu.memory_space<semaphore_mem>>
      %dma_start3A = arith.constant 0 : i32
      %dma_start3A_6 = arith.constant 0 : i32
      %dma_start3A_7 = tpu.memref_slice %arg2[%add3A, %dma_start3A, %dma_start3A_6] : memref<32x84x128xi32, #tpu.memory_space<hbm>> -> memref<1x84x128xi32, #tpu.memory_space<hbm>>
      %dma_start3A_8 = tpu.memref_squeeze %dma_start3A_7 : memref<1x84x128xi32, #tpu.memory_space<hbm>> -> memref<84x128xi32, #tpu.memory_space<hbm>>
      %dma_start3A_9 = arith.constant 0 : i32
      %dma_start3A_10 = arith.constant 0 : i32
      %dma_start3A_11 = tpu.memref_slice %arg2[%add3A, %dma_start3A_9, %dma_start3A_10] : memref<32x84x128xi32, #tpu.memory_space<hbm>> -> memref<1x84x128xi32, #tpu.memory_space<hbm>>
      %dma_start3A_12 = tpu.memref_squeeze %dma_start3A_11 : memref<1x84x128xi32, #tpu.memory_space<hbm>> -> memref<84x128xi32, #tpu.memory_space<hbm>>
      tpu.enqueue_dma source(%dma_start3A_12 : memref<84x128xi32, #tpu.memory_space<hbm>>) target(%arg5 : memref<84x128xi32, #tpu.memory_space<vmem>>) target_semaphore(%run_scoped3A : memref<!tpu.dma_semaphore, #tpu.memory_space<semaphore_mem>>)
      %dma_wait3A = arith.constant 0 : i32
      %dma_wait3A_13 = arith.constant 0 : i32
      %dma_wait3A_14 = tpu.memref_slice %arg2[%add3A, %dma_wait3A, %dma_wait3A_13] : memref<32x84x128xi32, #tpu.memory_space<hbm>> -> memref<1x84x128xi32, #tpu.memory_space<hbm>>
      %dma_wait3A_15 = tpu.memref_squeeze %dma_wait3A_14 : memref<1x84x128xi32, #tpu.memory_space<hbm>> -> memref<84x128xi32, #tpu.memory_space<hbm>>
      %dma_wait3A_16 = arith.constant 0 : i32
      %dma_wait3A_17 = arith.constant 0 : i32
      %dma_wait3A_18 = tpu.memref_slice %arg2[%add3A, %dma_wait3A_16, %dma_wait3A_17] : memref<32x84x128xi32, #tpu.memory_space<hbm>> -> memref<1x84x128xi32, #tpu.memory_space<hbm>>
      %dma_wait3A_19 = tpu.memref_squeeze %dma_wait3A_18 : memref<1x84x128xi32, #tpu.memory_space<hbm>> -> memref<84x128xi32, #tpu.memory_space<hbm>>
      tpu.wait_dma2 semaphore(%run_scoped3A : memref<!tpu.dma_semaphore, #tpu.memory_space<semaphore_mem>>) src(%dma_wait3A_19 : memref<84x128xi32, #tpu.memory_space<hbm>>) dst(%arg5 : memref<84x128xi32, #tpu.memory_space<vmem>>)
      tpu.yield
    }) : () -> ()
    %iota3A = tpu.iota {dimensions = array<i32: 0>} : vector<16xi32>
    %broadcast_in_dim3A = arith.constant 1.000000e+00 : f32
    %broadcast_in_dim3A_1 = vector.broadcast %broadcast_in_dim3A : f32 to vector<16xf32>
    %scan3A = arith.constant 0 : i32
    %scan3A_2 = arith.constant 2 : i32
    %scan3A_3 = arith.addi %scan3A, %scan3A_2 : i32
    %scan3A_4 = arith.constant 1 : i32
    scf.for %scan3A_6 = %scan3A to %scan3A_3 step %scan3A_4  : i32 {
      %mul3A_7 = arith.constant 1 : i32
      %mul3A_8 = arith.muli %scan3A_6, %mul3A_7 : i32
      %add3A_9 = arith.constant 0 : i32
      %add3A_10 = arith.addi %add3A_9, %mul3A_8 : i32
      %mul3A_11 = arith.constant 5120 : i32
      %mul3A_12 = arith.muli %add3A_10, %mul3A_11 : i32
      "tpu.region"() ({
        %run_scoped3A = tpu.sem_alloc : memref<!tpu.dma_semaphore, #tpu.memory_space<semaphore_mem>>
        tpu.enqueue_dma source(%arg3 : memref<16x5120xf32, #tpu.memory_space<hbm>>) target(%arg6 : memref<16x5120xf32, #tpu.memory_space<vmem>>) target_semaphore(%run_scoped3A : memref<!tpu.dma_semaphore, #tpu.memory_space<semaphore_mem>>)
        tpu.wait_dma2 semaphore(%run_scoped3A : memref<!tpu.dma_semaphore, #tpu.memory_space<semaphore_mem>>) src(%arg3 : memref<16x5120xf32, #tpu.memory_space<hbm>>) dst(%arg6 : memref<16x5120xf32, #tpu.memory_space<vmem>>)
        tpu.yield
      }) : () -> ()
      %scan3A_13 = arith.constant 0 : i32
      %scan3A_14 = arith.constant 84 : i32
      %scan3A_15 = arith.addi %scan3A_13, %scan3A_14 : i32
      %scan3A_16 = arith.constant 1 : i32
      scf.for %scan3A_18 = %scan3A_13 to %scan3A_15 step %scan3A_16  : i32 {
        %mul3A_19 = arith.constant 1 : i32
        %mul3A_20 = arith.muli %scan3A_18, %mul3A_19 : i32
        %add3A_21 = arith.constant 0 : i32
        %add3A_22 = arith.addi %add3A_21, %mul3A_20 : i32
        %scan3A_23 = arith.constant 0 : i32
        %scan3A_24 = arith.constant 8 : i32
        %scan3A_25 = arith.addi %scan3A_23, %scan3A_24 : i32
        %scan3A_26 = arith.constant 1 : i32
        scf.for %scan3A_28 = %scan3A_23 to %scan3A_25 step %scan3A_26  : i32 {
          %mul3A_29 = arith.constant 1 : i32
          %mul3A_30 = arith.muli %scan3A_28, %mul3A_29 : i32
          %add3A_31 = arith.constant 0 : i32
          %add3A_32 = arith.addi %add3A_31, %mul3A_30 : i32
          %mul3A_33 = arith.constant 16 : i32
          %mul3A_34 = arith.muli %add3A_32, %mul3A_33 : i32
          %get3A = arith.index_cast %add3A_22 : i32 to index
          %get3A_35 = arith.index_cast %mul3A_34 : i32 to index
          %get3A_36 = tpu.vector_load %arg5[%get3A, %get3A_35] {strides = array<i32>} : memref<84x128xi32, #tpu.memory_space<vmem>>, vector<16xi32>,
          %sub3A = vector.broadcast %mul3A_12 : i32 to vector<16xi32>
          %sub3A_37 = arith.subi %get3A_36, %sub3A : vector<16xi32>
          %ge3A = vector.broadcast %mul3A_12 : i32 to vector<16xi32>
          %ge3A_38 = arith.cmpi sge, %get3A_36, %ge3A : vector<16xi32>
          %add3A_39 = arith.constant 5120 : i32
          %add3A_40 = arith.addi %mul3A_12, %add3A_39 : i32
          %lt3A = vector.broadcast %add3A_40 : i32 to vector<16xi32>
          %lt3A_41 = arith.cmpi slt, %get3A_36, %lt3A : vector<16xi32>
          %and3A = arith.andi %ge3A_38, %lt3A_41 : vector<16xi1>
          tpu.vector_store_idx %arg6[%iota3A, %sub3A_37], %broadcast_in_dim3A_1 masked %and3A {add = true} : memref<16x5120xf32, #tpu.memory_space<vmem>>[vector<16xi32>, vector<16xi32>], vector<16xf32>, vector<16xi1>
        }
        %scan3A_27 = arith.constant 8 : i32
      }
      %scan3A_17 = arith.constant 84 : i32
      "tpu.region"() ({
        %run_scoped3A = tpu.sem_alloc : memref<!tpu.dma_semaphore, #tpu.memory_space<semaphore_mem>>
        %dma_start3A = arith.constant 0 : i32
        %dma_start3A_18 = arith.constant 0 : i32
        %dma_start3A_19 = arith.constant 0 : i32
        %dma_start3A_20 = tpu.memref_slice %arg4[%add3A, %dma_start3A, %dma_start3A_18, %dma_start3A_19] : memref<32x2x16x5120xf32, #tpu.memory_space<hbm>> -> memref<1x2x16x5120xf32, #tpu.memory_space<hbm>>
        %dma_start3A_21 = tpu.memref_squeeze %dma_start3A_20 : memref<1x2x16x5120xf32, #tpu.memory_space<hbm>> -> memref<2x16x5120xf32, #tpu.memory_space<hbm>>
        %dma_start3A_22 = arith.constant 0 : i32
        %dma_start3A_23 = arith.constant 0 : i32
        %dma_start3A_24 = tpu.memref_slice %dma_start3A_21[%add3A_10, %dma_start3A_22, %dma_start3A_23] : memref<2x16x5120xf32, #tpu.memory_space<hbm>> -> memref<1x16x5120xf32, #tpu.memory_space<hbm>>
        %dma_start3A_25 = tpu.memref_squeeze %dma_start3A_24 : memref<1x16x5120xf32, #tpu.memory_space<hbm>> -> memref<16x5120xf32, #tpu.memory_space<hbm>>
        %dma_start3A_26 = arith.constant 0 : i32
        %dma_start3A_27 = arith.constant 0 : i32
        %dma_start3A_28 = arith.constant 0 : i32
        %dma_start3A_29 = tpu.memref_slice %arg4[%add3A, %dma_start3A_26, %dma_start3A_27, %dma_start3A_28] : memref<32x2x16x5120xf32, #tpu.memory_space<hbm>> -> memref<1x2x16x5120xf32, #tpu.memory_space<hbm>>
        %dma_start3A_30 = tpu.memref_squeeze %dma_start3A_29 : memref<1x2x16x5120xf32, #tpu.memory_space<hbm>> -> memref<2x16x5120xf32, #tpu.memory_space<hbm>>
        %dma_start3A_31 = arith.constant 0 : i32
        %dma_start3A_32 = arith.constant 0 : i32
        %dma_start3A_33 = tpu.memref_slice %dma_start3A_30[%add3A_10, %dma_start3A_31, %dma_start3A_32] : memref<2x16x5120xf32, #tpu.memory_space<hbm>> -> memref<1x16x5120xf32, #tpu.memory_space<hbm>>
        %dma_start3A_34 = tpu.memref_squeeze %dma_start3A_33 : memref<1x16x5120xf32, #tpu.memory_space<hbm>> -> memref<16x5120xf32, #tpu.memory_space<hbm>>
        tpu.enqueue_dma source(%arg6 : memref<16x5120xf32, #tpu.memory_space<vmem>>) target(%dma_start3A_34 : memref<16x5120xf32, #tpu.memory_space<hbm>>) target_semaphore(%run_scoped3A : memref<!tpu.dma_semaphore, #tpu.memory_space<semaphore_mem>>)
        %dma_wait3A = arith.constant 0 : i32
        %dma_wait3A_35 = arith.constant 0 : i32
        %dma_wait3A_36 = arith.constant 0 : i32
        %dma_wait3A_37 = tpu.memref_slice %arg4[%add3A, %dma_wait3A, %dma_wait3A_35, %dma_wait3A_36] : memref<32x2x16x5120xf32, #tpu.memory_space<hbm>> -> memref<1x2x16x5120xf32, #tpu.memory_space<hbm>>
        %dma_wait3A_38 = tpu.memref_squeeze %dma_wait3A_37 : memref<1x2x16x5120xf32, #tpu.memory_space<hbm>> -> memref<2x16x5120xf32, #tpu.memory_space<hbm>>
        %dma_wait3A_39 = arith.constant 0 : i32
        %dma_wait3A_40 = arith.constant 0 : i32
        %dma_wait3A_41 = tpu.memref_slice %dma_wait3A_38[%add3A_10, %dma_wait3A_39, %dma_wait3A_40] : memref<2x16x5120xf32, #tpu.memory_space<hbm>> -> memref<1x16x5120xf32, #tpu.memory_space<hbm>>
        %dma_wait3A_42 = tpu.memref_squeeze %dma_wait3A_41 : memref<1x16x5120xf32, #tpu.memory_space<hbm>> -> memref<16x5120xf32, #tpu.memory_space<hbm>>
        %dma_wait3A_43 = arith.constant 0 : i32
        %dma_wait3A_44 = arith.constant 0 : i32
        %dma_wait3A_45 = arith.constant 0 : i32
        %dma_wait3A_46 = tpu.memref_slice %arg4[%add3A, %dma_wait3A_43, %dma_wait3A_44, %dma_wait3A_45] : memref<32x2x16x5120xf32, #tpu.memory_space<hbm>> -> memref<1x2x16x5120xf32, #tpu.memory_space<hbm>>
        %dma_wait3A_47 = tpu.memref_squeeze %dma_wait3A_46 : memref<1x2x16x5120xf32, #tpu.memory_space<hbm>> -> memref<2x16x5120xf32, #tpu.memory_space<hbm>>
        %dma_wait3A_48 = arith.constant 0 : i32
        %dma_wait3A_49 = arith.constant 0 : i32
        %dma_wait3A_50 = tpu.memref_slice %dma_wait3A_47[%add3A_10, %dma_wait3A_48, %dma_wait3A_49] : memref<2x16x5120xf32, #tpu.memory_space<hbm>> -> memref<1x16x5120xf32, #tpu.memory_space<hbm>>
        %dma_wait3A_51 = tpu.memref_squeeze %dma_wait3A_50 : memref<1x16x5120xf32, #tpu.memory_space<hbm>> -> memref<16x5120xf32, #tpu.memory_space<hbm>>
        tpu.wait_dma2 semaphore(%run_scoped3A : memref<!tpu.dma_semaphore, #tpu.memory_space<semaphore_mem>>) src(%arg6 : memref<16x5120xf32, #tpu.memory_space<vmem>>) dst(%dma_wait3A_51 : memref<16x5120xf32, #tpu.memory_space<hbm>>)
        tpu.yield
      }) : () -> ()
    }
    %scan3A_5 = arith.constant 2 : i32
    return
  }
}

#map = affine_map<(d0, d1) -> (0, 0)>
#map1 = affine_map<(d0, d1) -> (0, 0, 0)>
module attributes {stable_mosaic.version = 14 : i64} {
  func.func @k(%arg0: i32, %arg1: i32, %arg2: memref<10000x128xf32, #tpu.memory_space<hbm>>, %arg3: memref<2560x128xi32, #tpu.memory_space<hbm>>, %arg4: memref<2560x128xi32, #tpu.memory_space<hbm>>, %arg5: memref<2x10112x128xf32, #tpu.memory_space<hbm>>, %arg6: memref<48x128xi32, #tpu.memory_space<vmem>>, %arg7: memref<48x128xi32, #tpu.memory_space<vmem>>, %arg8: memref<10112x128xf32, #tpu.memory_space<vmem_shared>>, %arg9: memref<128x128xf32, #tpu.memory_space<vmem>>, %arg10: memref<128x128xf32, #tpu.memory_space<vmem>>, %arg11: memref<!tpu.dma_semaphore, #tpu.memory_space<semaphore_mem>>, %arg12: memref<!tpu.dma_semaphore, #tpu.memory_space<semaphore_mem>>, %arg13: memref<!tpu.dma_semaphore, #tpu.memory_space<semaphore_mem>>, %arg14: memref<!tpu.dma_semaphore, #tpu.memory_space<semaphore_mem>>) attributes {dimension_semantics = [#tpu.dimension_semantics<core_parallel>, #tpu.dimension_semantics<subcore_parallel>], iteration_bounds = array<i64: 2, 16>, scalar_prefetch = 0 : i64, scratch_operands = 9 : i64, tpu.core_type = #tpu.core_type<sc_vector_subcore>, window_params = [{transform_indices = #map}, {transform_indices = #map}, {transform_indices = #map}, {transform_indices = #map1}]} {
    %mul3A = arith.constant 632 : i32
    %mul3A_0 = arith.muli %arg1, %mul3A : i32
    %broadcast_in_dim3A = arith.constant 0.000000e+00 : f32
    %broadcast_in_dim3A_1 = vector.broadcast %broadcast_in_dim3A : f32 to vector<16xf32>
    %scan3A = arith.constant 0 : i32
    %scan3A_2 = arith.constant 128 : i32
    %scan3A_3 = arith.addi %scan3A, %scan3A_2 : i32
    %scan3A_4 = arith.constant 1 : i32
    scf.for %scan3A_23 = %scan3A to %scan3A_3 step %scan3A_4  : i32 {
      %mul3A_24 = arith.constant 1 : i32
      %mul3A_25 = arith.muli %scan3A_23, %mul3A_24 : i32
      %add3A_26 = arith.constant 0 : i32
      %add3A_27 = arith.addi %add3A_26, %mul3A_25 : i32
      %scan3A_28 = arith.constant 0 : i32
      %scan3A_29 = arith.constant 8 : i32
      %scan3A_30 = arith.addi %scan3A_28, %scan3A_29 : i32
      %scan3A_31 = arith.constant 1 : i32
      scf.for %scan3A_33 = %scan3A_28 to %scan3A_30 step %scan3A_31  : i32 {
        %mul3A_34 = arith.constant 1 : i32
        %mul3A_35 = arith.muli %scan3A_33, %mul3A_34 : i32
        %add3A_36 = arith.constant 0 : i32
        %add3A_37 = arith.addi %add3A_36, %mul3A_35 : i32
        %mul3A_38 = arith.constant 16 : i32
        %mul3A_39 = arith.muli %add3A_37, %mul3A_38 : i32
        %swap3A = arith.index_cast %add3A_27 : i32 to index
        %swap3A_40 = arith.index_cast %mul3A_39 : i32 to index
        %swap3A_41 = tpu.vector_load %arg9[%swap3A, %swap3A_40] {strides = array<i32>} : memref<128x128xf32, #tpu.memory_space<vmem>>, vector<1x16xf32>,
        %swap3A_42 = vector.shape_cast %swap3A_41 : vector<1x16xf32> to vector<16xf32>
        %swap3A_43 = vector.shape_cast %broadcast_in_dim3A_1 : vector<16xf32> to vector<1x16xf32>
        tpu.vector_store %arg9[%swap3A, %swap3A_40], %swap3A_43 {strides = array<i32>} : memref<128x128xf32, #tpu.memory_space<vmem>>, vector<1x16xf32>,
      }
      %scan3A_32 = arith.constant 8 : i32
    }
    %scan3A_5 = arith.constant 128 : i32
    %add3A = arith.constant 0 : i32
    %add3A_6 = arith.addi %mul3A_0, %add3A : i32
    "tpu.region"() ({
      %run_scoped3A = tpu.sem_alloc : memref<!tpu.dma_semaphore, #tpu.memory_space<semaphore_mem>>
      %dma_start3A = arith.constant 0 : i32
      %dma_start3A_23 = tpu.memref_slice %arg8[%add3A_6, %dma_start3A] : memref<10112x128xf32, #tpu.memory_space<vmem_shared>> -> memref<128x128xf32, #tpu.memory_space<vmem_shared>>
      %dma_start3A_24 = arith.constant 0 : i32
      %dma_start3A_25 = tpu.memref_slice %arg8[%add3A_6, %dma_start3A_24] : memref<10112x128xf32, #tpu.memory_space<vmem_shared>> -> memref<128x128xf32, #tpu.memory_space<vmem_shared>>
      tpu.enqueue_dma source(%arg9 : memref<128x128xf32, #tpu.memory_space<vmem>>) target(%dma_start3A_25 : memref<128x128xf32, #tpu.memory_space<vmem_shared>>) target_semaphore(%run_scoped3A : memref<!tpu.dma_semaphore, #tpu.memory_space<semaphore_mem>>)
      %dma_wait3A = arith.constant 0 : i32
      %dma_wait3A_26 = tpu.memref_slice %arg8[%add3A_6, %dma_wait3A] : memref<10112x128xf32, #tpu.memory_space<vmem_shared>> -> memref<128x128xf32, #tpu.memory_space<vmem_shared>>
      %dma_wait3A_27 = arith.constant 0 : i32
      %dma_wait3A_28 = tpu.memref_slice %arg8[%add3A_6, %dma_wait3A_27] : memref<10112x128xf32, #tpu.memory_space<vmem_shared>> -> memref<128x128xf32, #tpu.memory_space<vmem_shared>>
      tpu.wait_dma2 semaphore(%run_scoped3A : memref<!tpu.dma_semaphore, #tpu.memory_space<semaphore_mem>>) src(%arg9 : memref<128x128xf32, #tpu.memory_space<vmem>>) dst(%dma_wait3A_28 : memref<128x128xf32, #tpu.memory_space<vmem_shared>>)
      tpu.yield
    }) : () -> ()
    %add3A_7 = arith.constant 128 : i32
    %add3A_8 = arith.addi %mul3A_0, %add3A_7 : i32
    "tpu.region"() ({
      %run_scoped3A = tpu.sem_alloc : memref<!tpu.dma_semaphore, #tpu.memory_space<semaphore_mem>>
      %dma_start3A = arith.constant 0 : i32
      %dma_start3A_23 = tpu.memref_slice %arg8[%add3A_8, %dma_start3A] : memref<10112x128xf32, #tpu.memory_space<vmem_shared>> -> memref<128x128xf32, #tpu.memory_space<vmem_shared>>
      %dma_start3A_24 = arith.constant 0 : i32
      %dma_start3A_25 = tpu.memref_slice %arg8[%add3A_8, %dma_start3A_24] : memref<10112x128xf32, #tpu.memory_space<vmem_shared>> -> memref<128x128xf32, #tpu.memory_space<vmem_shared>>
      tpu.enqueue_dma source(%arg9 : memref<128x128xf32, #tpu.memory_space<vmem>>) target(%dma_start3A_25 : memref<128x128xf32, #tpu.memory_space<vmem_shared>>) target_semaphore(%run_scoped3A : memref<!tpu.dma_semaphore, #tpu.memory_space<semaphore_mem>>)
      %dma_wait3A = arith.constant 0 : i32
      %dma_wait3A_26 = tpu.memref_slice %arg8[%add3A_8, %dma_wait3A] : memref<10112x128xf32, #tpu.memory_space<vmem_shared>> -> memref<128x128xf32, #tpu.memory_space<vmem_shared>>
      %dma_wait3A_27 = arith.constant 0 : i32
      %dma_wait3A_28 = tpu.memref_slice %arg8[%add3A_8, %dma_wait3A_27] : memref<10112x128xf32, #tpu.memory_space<vmem_shared>> -> memref<128x128xf32, #tpu.memory_space<vmem_shared>>
      tpu.wait_dma2 semaphore(%run_scoped3A : memref<!tpu.dma_semaphore, #tpu.memory_space<semaphore_mem>>) src(%arg9 : memref<128x128xf32, #tpu.memory_space<vmem>>) dst(%dma_wait3A_28 : memref<128x128xf32, #tpu.memory_space<vmem_shared>>)
      tpu.yield
    }) : () -> ()
    %add3A_9 = arith.constant 256 : i32
    %add3A_10 = arith.addi %mul3A_0, %add3A_9 : i32
    "tpu.region"() ({
      %run_scoped3A = tpu.sem_alloc : memref<!tpu.dma_semaphore, #tpu.memory_space<semaphore_mem>>
      %dma_start3A = arith.constant 0 : i32
      %dma_start3A_23 = tpu.memref_slice %arg8[%add3A_10, %dma_start3A] : memref<10112x128xf32, #tpu.memory_space<vmem_shared>> -> memref<128x128xf32, #tpu.memory_space<vmem_shared>>
      %dma_start3A_24 = arith.constant 0 : i32
      %dma_start3A_25 = tpu.memref_slice %arg8[%add3A_10, %dma_start3A_24] : memref<10112x128xf32, #tpu.memory_space<vmem_shared>> -> memref<128x128xf32, #tpu.memory_space<vmem_shared>>
      tpu.enqueue_dma source(%arg9 : memref<128x128xf32, #tpu.memory_space<vmem>>) target(%dma_start3A_25 : memref<128x128xf32, #tpu.memory_space<vmem_shared>>) target_semaphore(%run_scoped3A : memref<!tpu.dma_semaphore, #tpu.memory_space<semaphore_mem>>)
      %dma_wait3A = arith.constant 0 : i32
      %dma_wait3A_26 = tpu.memref_slice %arg8[%add3A_10, %dma_wait3A] : memref<10112x128xf32, #tpu.memory_space<vmem_shared>> -> memref<128x128xf32, #tpu.memory_space<vmem_shared>>
      %dma_wait3A_27 = arith.constant 0 : i32
      %dma_wait3A_28 = tpu.memref_slice %arg8[%add3A_10, %dma_wait3A_27] : memref<10112x128xf32, #tpu.memory_space<vmem_shared>> -> memref<128x128xf32, #tpu.memory_space<vmem_shared>>
      tpu.wait_dma2 semaphore(%run_scoped3A : memref<!tpu.dma_semaphore, #tpu.memory_space<semaphore_mem>>) src(%arg9 : memref<128x128xf32, #tpu.memory_space<vmem>>) dst(%dma_wait3A_28 : memref<128x128xf32, #tpu.memory_space<vmem_shared>>)
      tpu.yield
    }) : () -> ()
    %add3A_11 = arith.constant 384 : i32
    %add3A_12 = arith.addi %mul3A_0, %add3A_11 : i32
    "tpu.region"() ({
      %run_scoped3A = tpu.sem_alloc : memref<!tpu.dma_semaphore, #tpu.memory_space<semaphore_mem>>
      %dma_start3A = arith.constant 0 : i32
      %dma_start3A_23 = tpu.memref_slice %arg8[%add3A_12, %dma_start3A] : memref<10112x128xf32, #tpu.memory_space<vmem_shared>> -> memref<128x128xf32, #tpu.memory_space<vmem_shared>>
      %dma_start3A_24 = arith.constant 0 : i32
      %dma_start3A_25 = tpu.memref_slice %arg8[%add3A_12, %dma_start3A_24] : memref<10112x128xf32, #tpu.memory_space<vmem_shared>> -> memref<128x128xf32, #tpu.memory_space<vmem_shared>>
      tpu.enqueue_dma source(%arg9 : memref<128x128xf32, #tpu.memory_space<vmem>>) target(%dma_start3A_25 : memref<128x128xf32, #tpu.memory_space<vmem_shared>>) target_semaphore(%run_scoped3A : memref<!tpu.dma_semaphore, #tpu.memory_space<semaphore_mem>>)
      %dma_wait3A = arith.constant 0 : i32
      %dma_wait3A_26 = tpu.memref_slice %arg8[%add3A_12, %dma_wait3A] : memref<10112x128xf32, #tpu.memory_space<vmem_shared>> -> memref<128x128xf32, #tpu.memory_space<vmem_shared>>
      %dma_wait3A_27 = arith.constant 0 : i32
      %dma_wait3A_28 = tpu.memref_slice %arg8[%add3A_12, %dma_wait3A_27] : memref<10112x128xf32, #tpu.memory_space<vmem_shared>> -> memref<128x128xf32, #tpu.memory_space<vmem_shared>>
      tpu.wait_dma2 semaphore(%run_scoped3A : memref<!tpu.dma_semaphore, #tpu.memory_space<semaphore_mem>>) src(%arg9 : memref<128x128xf32, #tpu.memory_space<vmem>>) dst(%dma_wait3A_28 : memref<128x128xf32, #tpu.memory_space<vmem_shared>>)
      tpu.yield
    }) : () -> ()
    %add3A_13 = arith.constant 512 : i32
    %add3A_14 = arith.addi %mul3A_0, %add3A_13 : i32
    "tpu.region"() ({
      %run_scoped3A = tpu.sem_alloc : memref<!tpu.dma_semaphore, #tpu.memory_space<semaphore_mem>>
      %dma_start3A = arith.constant 0 : i32
      %dma_start3A_23 = arith.constant 0 : i32
      %dma_start3A_24 = tpu.memref_slice %arg9[%dma_start3A, %dma_start3A_23] : memref<128x128xf32, #tpu.memory_space<vmem>> -> memref<120x128xf32, #tpu.memory_space<vmem>>
      %dma_start3A_25 = arith.constant 0 : i32
      %dma_start3A_26 = tpu.memref_slice %arg8[%add3A_14, %dma_start3A_25] : memref<10112x128xf32, #tpu.memory_space<vmem_shared>> -> memref<120x128xf32, #tpu.memory_space<vmem_shared>>
      %dma_start3A_27 = arith.constant 0 : i32
      %dma_start3A_28 = tpu.memref_slice %arg8[%add3A_14, %dma_start3A_27] : memref<10112x128xf32, #tpu.memory_space<vmem_shared>> -> memref<120x128xf32, #tpu.memory_space<vmem_shared>>
      %dma_start3A_29 = arith.constant 0 : i32
      %dma_start3A_30 = arith.constant 0 : i32
      %dma_start3A_31 = tpu.memref_slice %arg9[%dma_start3A_29, %dma_start3A_30] : memref<128x128xf32, #tpu.memory_space<vmem>> -> memref<120x128xf32, #tpu.memory_space<vmem>>
      tpu.enqueue_dma source(%dma_start3A_31 : memref<120x128xf32, #tpu.memory_space<vmem>>) target(%dma_start3A_28 : memref<120x128xf32, #tpu.memory_space<vmem_shared>>) target_semaphore(%run_scoped3A : memref<!tpu.dma_semaphore, #tpu.memory_space<semaphore_mem>>)
      %dma_wait3A = arith.constant 0 : i32
      %dma_wait3A_32 = arith.constant 0 : i32
      %dma_wait3A_33 = tpu.memref_slice %arg9[%dma_wait3A, %dma_wait3A_32] : memref<128x128xf32, #tpu.memory_space<vmem>> -> memref<120x128xf32, #tpu.memory_space<vmem>>
      %dma_wait3A_34 = arith.constant 0 : i32
      %dma_wait3A_35 = tpu.memref_slice %arg8[%add3A_14, %dma_wait3A_34] : memref<10112x128xf32, #tpu.memory_space<vmem_shared>> -> memref<120x128xf32, #tpu.memory_space<vmem_shared>>
      %dma_wait3A_36 = arith.constant 0 : i32
      %dma_wait3A_37 = tpu.memref_slice %arg8[%add3A_14, %dma_wait3A_36] : memref<10112x128xf32, #tpu.memory_space<vmem_shared>> -> memref<120x128xf32, #tpu.memory_space<vmem_shared>>
      %dma_wait3A_38 = arith.constant 0 : i32
      %dma_wait3A_39 = arith.constant 0 : i32
      %dma_wait3A_40 = tpu.memref_slice %arg9[%dma_wait3A_38, %dma_wait3A_39] : memref<128x128xf32, #tpu.memory_space<vmem>> -> memref<120x128xf32, #tpu.memory_space<vmem>>
      tpu.wait_dma2 semaphore(%run_scoped3A : memref<!tpu.dma_semaphore, #tpu.memory_space<semaphore_mem>>) src(%dma_wait3A_40 : memref<120x128xf32, #tpu.memory_space<vmem>>) dst(%dma_wait3A_37 : memref<120x128xf32, #tpu.memory_space<vmem_shared>>)
      tpu.yield
    }) : () -> ()
    %barrier3A = arith.constant 0 : index
    tpu.barrier barrier_id(%barrier3A)
    %eq3A = arith.constant 0 : i32
    %eq3A_15 = arith.cmpi eq, %arg0, %eq3A : i32
    %convert_element_type3A = arith.extui %eq3A_15 : i1 to i32
    %cond3A = arith.constant 0 : i32
    %cond3A_16 = arith.cmpi ne, %convert_element_type3A, %cond3A : i32
    scf.if %cond3A_16 {
      %mul3A_23 = arith.constant 152 : i32
      %mul3A_24 = arith.muli %arg1, %mul3A_23 : i32
      "tpu.region"() ({
        %run_scoped3A = tpu.sem_alloc : memref<!tpu.dma_semaphore, #tpu.memory_space<semaphore_mem>>
        %dma_start3A_108 = arith.constant 0 : i32
        %dma_start3A_109 = arith.constant 0 : i32
        %dma_start3A_110 = tpu.memref_slice %arg6[%dma_start3A_108, %dma_start3A_109] : memref<48x128xi32, #tpu.memory_space<vmem>> -> memref<48x128xi32, #tpu.memory_space<vmem>>
        %dma_start3A_111 = arith.constant 0 : i32
        %dma_start3A_112 = tpu.memref_slice %arg3[%mul3A_24, %dma_start3A_111] : memref<2560x128xi32, #tpu.memory_space<hbm>> -> memref<48x128xi32, #tpu.memory_space<hbm>>
        %dma_start3A_113 = arith.constant 0 : i32
        %dma_start3A_114 = arith.constant 0 : i32
        %dma_start3A_115 = tpu.memref_slice %arg6[%dma_start3A_113, %dma_start3A_114] : memref<48x128xi32, #tpu.memory_space<vmem>> -> memref<48x128xi32, #tpu.memory_space<vmem>>
        %dma_start3A_116 = arith.constant 0 : i32
        %dma_start3A_117 = tpu.memref_slice %arg3[%mul3A_24, %dma_start3A_116] : memref<2560x128xi32, #tpu.memory_space<hbm>> -> memref<48x128xi32, #tpu.memory_space<hbm>>
        tpu.enqueue_dma source(%dma_start3A_117 : memref<48x128xi32, #tpu.memory_space<hbm>>) target(%dma_start3A_115 : memref<48x128xi32, #tpu.memory_space<vmem>>) target_semaphore(%run_scoped3A : memref<!tpu.dma_semaphore, #tpu.memory_space<semaphore_mem>>)
        %dma_wait3A = arith.constant 0 : i32
        %dma_wait3A_118 = arith.constant 0 : i32
        %dma_wait3A_119 = tpu.memref_slice %arg6[%dma_wait3A, %dma_wait3A_118] : memref<48x128xi32, #tpu.memory_space<vmem>> -> memref<48x128xi32, #tpu.memory_space<vmem>>
        %dma_wait3A_120 = arith.constant 0 : i32
        %dma_wait3A_121 = tpu.memref_slice %arg3[%mul3A_24, %dma_wait3A_120] : memref<2560x128xi32, #tpu.memory_space<hbm>> -> memref<48x128xi32, #tpu.memory_space<hbm>>
        %dma_wait3A_122 = arith.constant 0 : i32
        %dma_wait3A_123 = arith.constant 0 : i32
        %dma_wait3A_124 = tpu.memref_slice %arg6[%dma_wait3A_122, %dma_wait3A_123] : memref<48x128xi32, #tpu.memory_space<vmem>> -> memref<48x128xi32, #tpu.memory_space<vmem>>
        %dma_wait3A_125 = arith.constant 0 : i32
        %dma_wait3A_126 = tpu.memref_slice %arg3[%mul3A_24, %dma_wait3A_125] : memref<2560x128xi32, #tpu.memory_space<hbm>> -> memref<48x128xi32, #tpu.memory_space<hbm>>
        tpu.wait_dma2 semaphore(%run_scoped3A : memref<!tpu.dma_semaphore, #tpu.memory_space<semaphore_mem>>) src(%dma_wait3A_126 : memref<48x128xi32, #tpu.memory_space<hbm>>) dst(%dma_wait3A_124 : memref<48x128xi32, #tpu.memory_space<vmem>>)
        tpu.yield
      }) : () -> ()
      "tpu.region"() ({
        %run_scoped3A = tpu.sem_alloc : memref<!tpu.dma_semaphore, #tpu.memory_space<semaphore_mem>>
        %dma_start3A_108 = arith.constant 0 : i32
        %dma_start3A_109 = arith.constant 0 : i32
        %dma_start3A_110 = tpu.memref_slice %arg7[%dma_start3A_108, %dma_start3A_109] : memref<48x128xi32, #tpu.memory_space<vmem>> -> memref<48x128xi32, #tpu.memory_space<vmem>>
        %dma_start3A_111 = arith.constant 0 : i32
        %dma_start3A_112 = tpu.memref_slice %arg4[%mul3A_24, %dma_start3A_111] : memref<2560x128xi32, #tpu.memory_space<hbm>> -> memref<48x128xi32, #tpu.memory_space<hbm>>
        %dma_start3A_113 = arith.constant 0 : i32
        %dma_start3A_114 = arith.constant 0 : i32
        %dma_start3A_115 = tpu.memref_slice %arg7[%dma_start3A_113, %dma_start3A_114] : memref<48x128xi32, #tpu.memory_space<vmem>> -> memref<48x128xi32, #tpu.memory_space<vmem>>
        %dma_start3A_116 = arith.constant 0 : i32
        %dma_start3A_117 = tpu.memref_slice %arg4[%mul3A_24, %dma_start3A_116] : memref<2560x128xi32, #tpu.memory_space<hbm>> -> memref<48x128xi32, #tpu.memory_space<hbm>>
        tpu.enqueue_dma source(%dma_start3A_117 : memref<48x128xi32, #tpu.memory_space<hbm>>) target(%dma_start3A_115 : memref<48x128xi32, #tpu.memory_space<vmem>>) target_semaphore(%run_scoped3A : memref<!tpu.dma_semaphore, #tpu.memory_space<semaphore_mem>>)
        %dma_wait3A = arith.constant 0 : i32
        %dma_wait3A_118 = arith.constant 0 : i32
        %dma_wait3A_119 = tpu.memref_slice %arg7[%dma_wait3A, %dma_wait3A_118] : memref<48x128xi32, #tpu.memory_space<vmem>> -> memref<48x128xi32, #tpu.memory_space<vmem>>
        %dma_wait3A_120 = arith.constant 0 : i32
        %dma_wait3A_121 = tpu.memref_slice %arg4[%mul3A_24, %dma_wait3A_120] : memref<2560x128xi32, #tpu.memory_space<hbm>> -> memref<48x128xi32, #tpu.memory_space<hbm>>
        %dma_wait3A_122 = arith.constant 0 : i32
        %dma_wait3A_123 = arith.constant 0 : i32
        %dma_wait3A_124 = tpu.memref_slice %arg7[%dma_wait3A_122, %dma_wait3A_123] : memref<48x128xi32, #tpu.memory_space<vmem>> -> memref<48x128xi32, #tpu.memory_space<vmem>>
        %dma_wait3A_125 = arith.constant 0 : i32
        %dma_wait3A_126 = tpu.memref_slice %arg4[%mul3A_24, %dma_wait3A_125] : memref<2560x128xi32, #tpu.memory_space<hbm>> -> memref<48x128xi32, #tpu.memory_space<hbm>>
        tpu.wait_dma2 semaphore(%run_scoped3A : memref<!tpu.dma_semaphore, #tpu.memory_space<semaphore_mem>>) src(%dma_wait3A_126 : memref<48x128xi32, #tpu.memory_space<hbm>>) dst(%dma_wait3A_124 : memref<48x128xi32, #tpu.memory_space<vmem>>)
        tpu.yield
      }) : () -> ()
      %dma_start3A = arith.constant 0 : i32
      %dma_start3A_25 = arith.constant 0 : i32
      %dma_start3A_26 = tpu.memref_slice %arg6[%dma_start3A, %dma_start3A_25] : memref<48x128xi32, #tpu.memory_space<vmem>> -> memref<1x128xi32, #tpu.memory_space<vmem>>
      %dma_start3A_27 = tpu.memref_squeeze %dma_start3A_26 : memref<1x128xi32, #tpu.memory_space<vmem>> -> memref<128xi32, #tpu.memory_space<vmem>>
      %dma_start3A_28 = arith.constant 0 : i32
      %dma_start3A_29 = arith.constant 0 : i32
      %dma_start3A_30 = tpu.memref_slice %arg2[%dma_start3A_28, %dma_start3A_29] : memref<10000x128xf32, #tpu.memory_space<hbm>> -> memref<10000x128xf32, #tpu.memory_space<hbm>>
      tpu.enqueue_indirect_dma source(%dma_start3A_30 : memref<10000x128xf32, #tpu.memory_space<hbm>>) target(%arg9 : memref<128x128xf32, #tpu.memory_space<vmem>>) offsets(%dma_start3A_27 : memref<128xi32, #tpu.memory_space<vmem>>) semaphore(%arg11 : memref<!tpu.dma_semaphore, #tpu.memory_space<semaphore_mem>>)
      %dma_start3A_31 = arith.constant 1 : i32
      %dma_start3A_32 = arith.constant 0 : i32
      %dma_start3A_33 = tpu.memref_slice %arg6[%dma_start3A_31, %dma_start3A_32] : memref<48x128xi32, #tpu.memory_space<vmem>> -> memref<1x128xi32, #tpu.memory_space<vmem>>
      %dma_start3A_34 = tpu.memref_squeeze %dma_start3A_33 : memref<1x128xi32, #tpu.memory_space<vmem>> -> memref<128xi32, #tpu.memory_space<vmem>>
      %dma_start3A_35 = arith.constant 0 : i32
      %dma_start3A_36 = arith.constant 0 : i32
      %dma_start3A_37 = tpu.memref_slice %arg2[%dma_start3A_35, %dma_start3A_36] : memref<10000x128xf32, #tpu.memory_space<hbm>> -> memref<10000x128xf32, #tpu.memory_space<hbm>>
      tpu.enqueue_indirect_dma source(%dma_start3A_37 : memref<10000x128xf32, #tpu.memory_space<hbm>>) target(%arg10 : memref<128x128xf32, #tpu.memory_space<vmem>>) offsets(%dma_start3A_34 : memref<128xi32, #tpu.memory_space<vmem>>) semaphore(%arg12 : memref<!tpu.dma_semaphore, #tpu.memory_space<semaphore_mem>>)
      %scan3A_38 = arith.constant 0 : i32
      %scan3A_39 = arith.constant 24 : i32
      %scan3A_40 = arith.addi %scan3A_38, %scan3A_39 : i32
      %scan3A_41 = arith.constant 1 : i32
      scf.for %scan3A_108 = %scan3A_38 to %scan3A_40 step %scan3A_41  : i32 {
        %mul3A_109 = arith.constant 2 : i32
        %mul3A_110 = arith.muli %scan3A_108, %mul3A_109 : i32
        %add3A_111 = arith.constant 0 : i32
        %add3A_112 = arith.addi %add3A_111, %mul3A_110 : i32
        %add3A_113 = arith.constant 0 : i32
        %add3A_114 = arith.addi %add3A_112, %add3A_113 : i32
        %dma_wait3A = arith.constant 0 : i32
        %dma_wait3A_115 = tpu.memref_slice %arg6[%add3A_114, %dma_wait3A] : memref<48x128xi32, #tpu.memory_space<vmem>> -> memref<1x128xi32, #tpu.memory_space<vmem>>
        %dma_wait3A_116 = tpu.memref_squeeze %dma_wait3A_115 : memref<1x128xi32, #tpu.memory_space<vmem>> -> memref<128xi32, #tpu.memory_space<vmem>>
        %dma_wait3A_117 = arith.constant 0 : i32
        %dma_wait3A_118 = arith.constant 0 : i32
        %dma_wait3A_119 = tpu.memref_slice %arg2[%dma_wait3A_117, %dma_wait3A_118] : memref<10000x128xf32, #tpu.memory_space<hbm>> -> memref<10000x128xf32, #tpu.memory_space<hbm>>
        tpu.wait_indirect_dma semaphore(%arg11 : memref<!tpu.dma_semaphore, #tpu.memory_space<semaphore_mem>>) src(%dma_wait3A_119 : memref<10000x128xf32, #tpu.memory_space<hbm>>) dst(%arg9 : memref<128x128xf32, #tpu.memory_space<vmem>>)
        %add3A_120 = arith.constant 0 : i32
        %add3A_121 = arith.addi %add3A_112, %add3A_120 : i32
        %dma_start3A_122 = arith.constant 0 : i32
        %dma_start3A_123 = tpu.memref_slice %arg7[%add3A_121, %dma_start3A_122] : memref<48x128xi32, #tpu.memory_space<vmem>> -> memref<1x128xi32, #tpu.memory_space<vmem>>
        %dma_start3A_124 = tpu.memref_squeeze %dma_start3A_123 : memref<1x128xi32, #tpu.memory_space<vmem>> -> memref<128xi32, #tpu.memory_space<vmem>>
        %dma_start3A_125 = arith.constant 0 : i32
        %dma_start3A_126 = arith.constant 0 : i32
        %dma_start3A_127 = tpu.memref_slice %arg8[%dma_start3A_125, %dma_start3A_126] : memref<10112x128xf32, #tpu.memory_space<vmem_shared>> -> memref<10112x128xf32, #tpu.memory_space<vmem_shared>>
        tpu.enqueue_indirect_dma source(%arg9 : memref<128x128xf32, #tpu.memory_space<vmem>>) target(%dma_start3A_127 : memref<10112x128xf32, #tpu.memory_space<vmem_shared>>) offsets(%dma_start3A_124 : memref<128xi32, #tpu.memory_space<vmem>>) semaphore(%arg13 : memref<!tpu.dma_semaphore, #tpu.memory_space<semaphore_mem>>) {add = true}
        %add3A_128 = arith.constant 1 : i32
        %add3A_129 = arith.addi %add3A_112, %add3A_128 : i32
        %dma_wait3A_130 = arith.constant 0 : i32
        %dma_wait3A_131 = tpu.memref_slice %arg6[%add3A_129, %dma_wait3A_130] : memref<48x128xi32, #tpu.memory_space<vmem>> -> memref<1x128xi32, #tpu.memory_space<vmem>>
        %dma_wait3A_132 = tpu.memref_squeeze %dma_wait3A_131 : memref<1x128xi32, #tpu.memory_space<vmem>> -> memref<128xi32, #tpu.memory_space<vmem>>
        %dma_wait3A_133 = arith.constant 0 : i32
        %dma_wait3A_134 = arith.constant 0 : i32
        %dma_wait3A_135 = tpu.memref_slice %arg2[%dma_wait3A_133, %dma_wait3A_134] : memref<10000x128xf32, #tpu.memory_space<hbm>> -> memref<10000x128xf32, #tpu.memory_space<hbm>>
        tpu.wait_indirect_dma semaphore(%arg12 : memref<!tpu.dma_semaphore, #tpu.memory_space<semaphore_mem>>) src(%dma_wait3A_135 : memref<10000x128xf32, #tpu.memory_space<hbm>>) dst(%arg10 : memref<128x128xf32, #tpu.memory_space<vmem>>)
        %add3A_136 = arith.constant 1 : i32
        %add3A_137 = arith.addi %add3A_112, %add3A_136 : i32
        %dma_start3A_138 = arith.constant 0 : i32
        %dma_start3A_139 = tpu.memref_slice %arg7[%add3A_137, %dma_start3A_138] : memref<48x128xi32, #tpu.memory_space<vmem>> -> memref<1x128xi32, #tpu.memory_space<vmem>>
        %dma_start3A_140 = tpu.memref_squeeze %dma_start3A_139 : memref<1x128xi32, #tpu.memory_space<vmem>> -> memref<128xi32, #tpu.memory_space<vmem>>
        %dma_start3A_141 = arith.constant 0 : i32
        %dma_start3A_142 = arith.constant 0 : i32
        %dma_start3A_143 = tpu.memref_slice %arg8[%dma_start3A_141, %dma_start3A_142] : memref<10112x128xf32, #tpu.memory_space<vmem_shared>> -> memref<10112x128xf32, #tpu.memory_space<vmem_shared>>
        tpu.enqueue_indirect_dma source(%arg10 : memref<128x128xf32, #tpu.memory_space<vmem>>) target(%dma_start3A_143 : memref<10112x128xf32, #tpu.memory_space<vmem_shared>>) offsets(%dma_start3A_140 : memref<128xi32, #tpu.memory_space<vmem>>) semaphore(%arg14 : memref<!tpu.dma_semaphore, #tpu.memory_space<semaphore_mem>>) {add = true}
        %dma_wait3A_144 = arith.constant 0 : i32
        %dma_wait3A_145 = tpu.memref_slice %arg7[%add3A_121, %dma_wait3A_144] : memref<48x128xi32, #tpu.memory_space<vmem>> -> memref<1x128xi32, #tpu.memory_space<vmem>>
        %dma_wait3A_146 = tpu.memref_squeeze %dma_wait3A_145 : memref<1x128xi32, #tpu.memory_space<vmem>> -> memref<128xi32, #tpu.memory_space<vmem>>
        %dma_wait3A_147 = arith.constant 0 : i32
        %dma_wait3A_148 = arith.constant 0 : i32
        %dma_wait3A_149 = tpu.memref_slice %arg8[%dma_wait3A_147, %dma_wait3A_148] : memref<10112x128xf32, #tpu.memory_space<vmem_shared>> -> memref<10112x128xf32, #tpu.memory_space<vmem_shared>>
        tpu.wait_indirect_dma semaphore(%arg13 : memref<!tpu.dma_semaphore, #tpu.memory_space<semaphore_mem>>) src(%arg9 : memref<128x128xf32, #tpu.memory_space<vmem>>) dst(%dma_wait3A_149 : memref<10112x128xf32, #tpu.memory_space<vmem_shared>>)
        %add3A_150 = arith.constant 0 : i32
        %add3A_151 = arith.addi %add3A_112, %add3A_150 : i32
        %add3A_152 = arith.constant 2 : i32
        %add3A_153 = arith.addi %add3A_151, %add3A_152 : i32
        %lt3A = arith.constant 48 : i32
        %lt3A_154 = arith.cmpi slt, %add3A_153, %lt3A : i32
        %convert_element_type3A_155 = arith.extui %lt3A_154 : i1 to i32
        %cond3A_156 = arith.constant 0 : i32
        %cond3A_157 = arith.cmpi ne, %convert_element_type3A_155, %cond3A_156 : i32
        scf.if %cond3A_157 {
          %add3A_173 = arith.constant 0 : i32
          %add3A_174 = arith.addi %add3A_112, %add3A_173 : i32
          %add3A_175 = arith.constant 2 : i32
          %add3A_176 = arith.addi %add3A_174, %add3A_175 : i32
          %dma_start3A_177 = arith.constant 0 : i32
          %dma_start3A_178 = tpu.memref_slice %arg6[%add3A_176, %dma_start3A_177] : memref<48x128xi32, #tpu.memory_space<vmem>> -> memref<1x128xi32, #tpu.memory_space<vmem>>
          %dma_start3A_179 = tpu.memref_squeeze %dma_start3A_178 : memref<1x128xi32, #tpu.memory_space<vmem>> -> memref<128xi32, #tpu.memory_space<vmem>>
          %dma_start3A_180 = arith.constant 0 : i32
          %dma_start3A_181 = arith.constant 0 : i32
          %dma_start3A_182 = tpu.memref_slice %arg2[%dma_start3A_180, %dma_start3A_181] : memref<10000x128xf32, #tpu.memory_space<hbm>> -> memref<10000x128xf32, #tpu.memory_space<hbm>>
          tpu.enqueue_indirect_dma source(%dma_start3A_182 : memref<10000x128xf32, #tpu.memory_space<hbm>>) target(%arg9 : memref<128x128xf32, #tpu.memory_space<vmem>>) offsets(%dma_start3A_179 : memref<128xi32, #tpu.memory_space<vmem>>) semaphore(%arg11 : memref<!tpu.dma_semaphore, #tpu.memory_space<semaphore_mem>>)
        } else {
        }
        %dma_wait3A_158 = arith.constant 0 : i32
        %dma_wait3A_159 = tpu.memref_slice %arg7[%add3A_137, %dma_wait3A_158] : memref<48x128xi32, #tpu.memory_space<vmem>> -> memref<1x128xi32, #tpu.memory_space<vmem>>
        %dma_wait3A_160 = tpu.memref_squeeze %dma_wait3A_159 : memref<1x128xi32, #tpu.memory_space<vmem>> -> memref<128xi32, #tpu.memory_space<vmem>>
        %dma_wait3A_161 = arith.constant 0 : i32
        %dma_wait3A_162 = arith.constant 0 : i32
        %dma_wait3A_163 = tpu.memref_slice %arg8[%dma_wait3A_161, %dma_wait3A_162] : memref<10112x128xf32, #tpu.memory_space<vmem_shared>> -> memref<10112x128xf32, #tpu.memory_space<vmem_shared>>
        tpu.wait_indirect_dma semaphore(%arg14 : memref<!tpu.dma_semaphore, #tpu.memory_space<semaphore_mem>>) src(%arg10 : memref<128x128xf32, #tpu.memory_space<vmem>>) dst(%dma_wait3A_163 : memref<10112x128xf32, #tpu.memory_space<vmem_shared>>)
        %add3A_164 = arith.constant 1 : i32
        %add3A_165 = arith.addi %add3A_112, %add3A_164 : i32
        %add3A_166 = arith.constant 2 : i32
        %add3A_167 = arith.addi %add3A_165, %add3A_166 : i32
        %lt3A_168 = arith.constant 48 : i32
        %lt3A_169 = arith.cmpi slt, %add3A_167, %lt3A_168 : i32
        %convert_element_type3A_170 = arith.extui %lt3A_169 : i1 to i32
        %cond3A_171 = arith.constant 0 : i32
        %cond3A_172 = arith.cmpi ne, %convert_element_type3A_170, %cond3A_171 : i32
        scf.if %cond3A_172 {
          %add3A_173 = arith.constant 1 : i32
          %add3A_174 = arith.addi %add3A_112, %add3A_173 : i32
          %add3A_175 = arith.constant 2 : i32
          %add3A_176 = arith.addi %add3A_174, %add3A_175 : i32
          %dma_start3A_177 = arith.constant 0 : i32
          %dma_start3A_178 = tpu.memref_slice %arg6[%add3A_176, %dma_start3A_177] : memref<48x128xi32, #tpu.memory_space<vmem>> -> memref<1x128xi32, #tpu.memory_space<vmem>>
          %dma_start3A_179 = tpu.memref_squeeze %dma_start3A_178 : memref<1x128xi32, #tpu.memory_space<vmem>> -> memref<128xi32, #tpu.memory_space<vmem>>
          %dma_start3A_180 = arith.constant 0 : i32
          %dma_start3A_181 = arith.constant 0 : i32
          %dma_start3A_182 = tpu.memref_slice %arg2[%dma_start3A_180, %dma_start3A_181] : memref<10000x128xf32, #tpu.memory_space<hbm>> -> memref<10000x128xf32, #tpu.memory_space<hbm>>
          tpu.enqueue_indirect_dma source(%dma_start3A_182 : memref<10000x128xf32, #tpu.memory_space<hbm>>) target(%arg10 : memref<128x128xf32, #tpu.memory_space<vmem>>) offsets(%dma_start3A_179 : memref<128xi32, #tpu.memory_space<vmem>>) semaphore(%arg12 : memref<!tpu.dma_semaphore, #tpu.memory_space<semaphore_mem>>)
        } else {
        }
      }
      %scan3A_42 = arith.constant 24 : i32
      %add3A_43 = arith.constant 48 : i32
      %add3A_44 = arith.addi %mul3A_24, %add3A_43 : i32
      "tpu.region"() ({
        %run_scoped3A = tpu.sem_alloc : memref<!tpu.dma_semaphore, #tpu.memory_space<semaphore_mem>>
        %dma_start3A_108 = arith.constant 0 : i32
        %dma_start3A_109 = arith.constant 0 : i32
        %dma_start3A_110 = tpu.memref_slice %arg6[%dma_start3A_108, %dma_start3A_109] : memref<48x128xi32, #tpu.memory_space<vmem>> -> memref<48x128xi32, #tpu.memory_space<vmem>>
        %dma_start3A_111 = arith.constant 0 : i32
        %dma_start3A_112 = tpu.memref_slice %arg3[%add3A_44, %dma_start3A_111] : memref<2560x128xi32, #tpu.memory_space<hbm>> -> memref<48x128xi32, #tpu.memory_space<hbm>>
        %dma_start3A_113 = arith.constant 0 : i32
        %dma_start3A_114 = arith.constant 0 : i32
        %dma_start3A_115 = tpu.memref_slice %arg6[%dma_start3A_113, %dma_start3A_114] : memref<48x128xi32, #tpu.memory_space<vmem>> -> memref<48x128xi32, #tpu.memory_space<vmem>>
        %dma_start3A_116 = arith.constant 0 : i32
        %dma_start3A_117 = tpu.memref_slice %arg3[%add3A_44, %dma_start3A_116] : memref<2560x128xi32, #tpu.memory_space<hbm>> -> memref<48x128xi32, #tpu.memory_space<hbm>>
        tpu.enqueue_dma source(%dma_start3A_117 : memref<48x128xi32, #tpu.memory_space<hbm>>) target(%dma_start3A_115 : memref<48x128xi32, #tpu.memory_space<vmem>>) target_semaphore(%run_scoped3A : memref<!tpu.dma_semaphore, #tpu.memory_space<semaphore_mem>>)
        %dma_wait3A = arith.constant 0 : i32
        %dma_wait3A_118 = arith.constant 0 : i32
        %dma_wait3A_119 = tpu.memref_slice %arg6[%dma_wait3A, %dma_wait3A_118] : memref<48x128xi32, #tpu.memory_space<vmem>> -> memref<48x128xi32, #tpu.memory_space<vmem>>
        %dma_wait3A_120 = arith.constant 0 : i32
        %dma_wait3A_121 = tpu.memref_slice %arg3[%add3A_44, %dma_wait3A_120] : memref<2560x128xi32, #tpu.memory_space<hbm>> -> memref<48x128xi32, #tpu.memory_space<hbm>>
        %dma_wait3A_122 = arith.constant 0 : i32
        %dma_wait3A_123 = arith.constant 0 : i32
        %dma_wait3A_124 = tpu.memref_slice %arg6[%dma_wait3A_122, %dma_wait3A_123] : memref<48x128xi32, #tpu.memory_space<vmem>> -> memref<48x128xi32, #tpu.memory_space<vmem>>
        %dma_wait3A_125 = arith.constant 0 : i32
        %dma_wait3A_126 = tpu.memref_slice %arg3[%add3A_44, %dma_wait3A_125] : memref<2560x128xi32, #tpu.memory_space<hbm>> -> memref<48x128xi32, #tpu.memory_space<hbm>>
        tpu.wait_dma2 semaphore(%run_scoped3A : memref<!tpu.dma_semaphore, #tpu.memory_space<semaphore_mem>>) src(%dma_wait3A_126 : memref<48x128xi32, #tpu.memory_space<hbm>>) dst(%dma_wait3A_124 : memref<48x128xi32, #tpu.memory_space<vmem>>)
        tpu.yield
      }) : () -> ()
      "tpu.region"() ({
        %run_scoped3A = tpu.sem_alloc : memref<!tpu.dma_semaphore, #tpu.memory_space<semaphore_mem>>
        %dma_start3A_108 = arith.constant 0 : i32
        %dma_start3A_109 = arith.constant 0 : i32
        %dma_start3A_110 = tpu.memref_slice %arg7[%dma_start3A_108, %dma_start3A_109] : memref<48x128xi32, #tpu.memory_space<vmem>> -> memref<48x128xi32, #tpu.memory_space<vmem>>
        %dma_start3A_111 = arith.constant 0 : i32
        %dma_start3A_112 = tpu.memref_slice %arg4[%add3A_44, %dma_start3A_111] : memref<2560x128xi32, #tpu.memory_space<hbm>> -> memref<48x128xi32, #tpu.memory_space<hbm>>
        %dma_start3A_113 = arith.constant 0 : i32
        %dma_start3A_114 = arith.constant 0 : i32
        %dma_start3A_115 = tpu.memref_slice %arg7[%dma_start3A_113, %dma_start3A_114] : memref<48x128xi32, #tpu.memory_space<vmem>> -> memref<48x128xi32, #tpu.memory_space<vmem>>
        %dma_start3A_116 = arith.constant 0 : i32
        %dma_start3A_117 = tpu.memref_slice %arg4[%add3A_44, %dma_start3A_116] : memref<2560x128xi32, #tpu.memory_space<hbm>> -> memref<48x128xi32, #tpu.memory_space<hbm>>
        tpu.enqueue_dma source(%dma_start3A_117 : memref<48x128xi32, #tpu.memory_space<hbm>>) target(%dma_start3A_115 : memref<48x128xi32, #tpu.memory_space<vmem>>) target_semaphore(%run_scoped3A : memref<!tpu.dma_semaphore, #tpu.memory_space<semaphore_mem>>)
        %dma_wait3A = arith.constant 0 : i32
        %dma_wait3A_118 = arith.constant 0 : i32
        %dma_wait3A_119 = tpu.memref_slice %arg7[%dma_wait3A, %dma_wait3A_118] : memref<48x128xi32, #tpu.memory_space<vmem>> -> memref<48x128xi32, #tpu.memory_space<vmem>>
        %dma_wait3A_120 = arith.constant 0 : i32
        %dma_wait3A_121 = tpu.memref_slice %arg4[%add3A_44, %dma_wait3A_120] : memref<2560x128xi32, #tpu.memory_space<hbm>> -> memref<48x128xi32, #tpu.memory_space<hbm>>
        %dma_wait3A_122 = arith.constant 0 : i32
        %dma_wait3A_123 = arith.constant 0 : i32
        %dma_wait3A_124 = tpu.memref_slice %arg7[%dma_wait3A_122, %dma_wait3A_123] : memref<48x128xi32, #tpu.memory_space<vmem>> -> memref<48x128xi32, #tpu.memory_space<vmem>>
        %dma_wait3A_125 = arith.constant 0 : i32
        %dma_wait3A_126 = tpu.memref_slice %arg4[%add3A_44, %dma_wait3A_125] : memref<2560x128xi32, #tpu.memory_space<hbm>> -> memref<48x128xi32, #tpu.memory_space<hbm>>
        tpu.wait_dma2 semaphore(%run_scoped3A : memref<!tpu.dma_semaphore, #tpu.memory_space<semaphore_mem>>) src(%dma_wait3A_126 : memref<48x128xi32, #tpu.memory_space<hbm>>) dst(%dma_wait3A_124 : memref<48x128xi32, #tpu.memory_space<vmem>>)
        tpu.yield
      }) : () -> ()
      %dma_start3A_45 = arith.constant 0 : i32
      %dma_start3A_46 = arith.constant 0 : i32
      %dma_start3A_47 = tpu.memref_slice %arg6[%dma_start3A_45, %dma_start3A_46] : memref<48x128xi32, #tpu.memory_space<vmem>> -> memref<1x128xi32, #tpu.memory_space<vmem>>
      %dma_start3A_48 = tpu.memref_squeeze %dma_start3A_47 : memref<1x128xi32, #tpu.memory_space<vmem>> -> memref<128xi32, #tpu.memory_space<vmem>>
      %dma_start3A_49 = arith.constant 0 : i32
      %dma_start3A_50 = arith.constant 0 : i32
      %dma_start3A_51 = tpu.memref_slice %arg2[%dma_start3A_49, %dma_start3A_50] : memref<10000x128xf32, #tpu.memory_space<hbm>> -> memref<10000x128xf32, #tpu.memory_space<hbm>>
      tpu.enqueue_indirect_dma source(%dma_start3A_51 : memref<10000x128xf32, #tpu.memory_space<hbm>>) target(%arg9 : memref<128x128xf32, #tpu.memory_space<vmem>>) offsets(%dma_start3A_48 : memref<128xi32, #tpu.memory_space<vmem>>) semaphore(%arg11 : memref<!tpu.dma_semaphore, #tpu.memory_space<semaphore_mem>>)
      %dma_start3A_52 = arith.constant 1 : i32
      %dma_start3A_53 = arith.constant 0 : i32
      %dma_start3A_54 = tpu.memref_slice %arg6[%dma_start3A_52, %dma_start3A_53] : memref<48x128xi32, #tpu.memory_space<vmem>> -> memref<1x128xi32, #tpu.memory_space<vmem>>
      %dma_start3A_55 = tpu.memref_squeeze %dma_start3A_54 : memref<1x128xi32, #tpu.memory_space<vmem>> -> memref<128xi32, #tpu.memory_space<vmem>>
      %dma_start3A_56 = arith.constant 0 : i32
      %dma_start3A_57 = arith.constant 0 : i32
      %dma_start3A_58 = tpu.memref_slice %arg2[%dma_start3A_56, %dma_start3A_57] : memref<10000x128xf32, #tpu.memory_space<hbm>> -> memref<10000x128xf32, #tpu.memory_space<hbm>>
      tpu.enqueue_indirect_dma source(%dma_start3A_58 : memref<10000x128xf32, #tpu.memory_space<hbm>>) target(%arg10 : memref<128x128xf32, #tpu.memory_space<vmem>>) offsets(%dma_start3A_55 : memref<128xi32, #tpu.memory_space<vmem>>) semaphore(%arg12 : memref<!tpu.dma_semaphore, #tpu.memory_space<semaphore_mem>>)
      %scan3A_59 = arith.constant 0 : i32
      %scan3A_60 = arith.constant 24 : i32
      %scan3A_61 = arith.addi %scan3A_59, %scan3A_60 : i32
      %scan3A_62 = arith.constant 1 : i32
      scf.for %scan3A_108 = %scan3A_59 to %scan3A_61 step %scan3A_62  : i32 {
        %mul3A_109 = arith.constant 2 : i32
        %mul3A_110 = arith.muli %scan3A_108, %mul3A_109 : i32
        %add3A_111 = arith.constant 0 : i32
        %add3A_112 = arith.addi %add3A_111, %mul3A_110 : i32
        %add3A_113 = arith.constant 0 : i32
        %add3A_114 = arith.addi %add3A_112, %add3A_113 : i32
        %dma_wait3A = arith.constant 0 : i32
        %dma_wait3A_115 = tpu.memref_slice %arg6[%add3A_114, %dma_wait3A] : memref<48x128xi32, #tpu.memory_space<vmem>> -> memref<1x128xi32, #tpu.memory_space<vmem>>
        %dma_wait3A_116 = tpu.memref_squeeze %dma_wait3A_115 : memref<1x128xi32, #tpu.memory_space<vmem>> -> memref<128xi32, #tpu.memory_space<vmem>>
        %dma_wait3A_117 = arith.constant 0 : i32
        %dma_wait3A_118 = arith.constant 0 : i32
        %dma_wait3A_119 = tpu.memref_slice %arg2[%dma_wait3A_117, %dma_wait3A_118] : memref<10000x128xf32, #tpu.memory_space<hbm>> -> memref<10000x128xf32, #tpu.memory_space<hbm>>
        tpu.wait_indirect_dma semaphore(%arg11 : memref<!tpu.dma_semaphore, #tpu.memory_space<semaphore_mem>>) src(%dma_wait3A_119 : memref<10000x128xf32, #tpu.memory_space<hbm>>) dst(%arg9 : memref<128x128xf32, #tpu.memory_space<vmem>>)
        %add3A_120 = arith.constant 0 : i32
        %add3A_121 = arith.addi %add3A_112, %add3A_120 : i32
        %dma_start3A_122 = arith.constant 0 : i32
        %dma_start3A_123 = tpu.memref_slice %arg7[%add3A_121, %dma_start3A_122] : memref<48x128xi32, #tpu.memory_space<vmem>> -> memref<1x128xi32, #tpu.memory_space<vmem>>
        %dma_start3A_124 = tpu.memref_squeeze %dma_start3A_123 : memref<1x128xi32, #tpu.memory_space<vmem>> -> memref<128xi32, #tpu.memory_space<vmem>>
        %dma_start3A_125 = arith.constant 0 : i32
        %dma_start3A_126 = arith.constant 0 : i32
        %dma_start3A_127 = tpu.memref_slice %arg8[%dma_start3A_125, %dma_start3A_126] : memref<10112x128xf32, #tpu.memory_space<vmem_shared>> -> memref<10112x128xf32, #tpu.memory_space<vmem_shared>>
        tpu.enqueue_indirect_dma source(%arg9 : memref<128x128xf32, #tpu.memory_space<vmem>>) target(%dma_start3A_127 : memref<10112x128xf32, #tpu.memory_space<vmem_shared>>) offsets(%dma_start3A_124 : memref<128xi32, #tpu.memory_space<vmem>>) semaphore(%arg13 : memref<!tpu.dma_semaphore, #tpu.memory_space<semaphore_mem>>) {add = true}
        %add3A_128 = arith.constant 1 : i32
        %add3A_129 = arith.addi %add3A_112, %add3A_128 : i32
        %dma_wait3A_130 = arith.constant 0 : i32
        %dma_wait3A_131 = tpu.memref_slice %arg6[%add3A_129, %dma_wait3A_130] : memref<48x128xi32, #tpu.memory_space<vmem>> -> memref<1x128xi32, #tpu.memory_space<vmem>>
        %dma_wait3A_132 = tpu.memref_squeeze %dma_wait3A_131 : memref<1x128xi32, #tpu.memory_space<vmem>> -> memref<128xi32, #tpu.memory_space<vmem>>
        %dma_wait3A_133 = arith.constant 0 : i32
        %dma_wait3A_134 = arith.constant 0 : i32
        %dma_wait3A_135 = tpu.memref_slice %arg2[%dma_wait3A_133, %dma_wait3A_134] : memref<10000x128xf32, #tpu.memory_space<hbm>> -> memref<10000x128xf32, #tpu.memory_space<hbm>>
        tpu.wait_indirect_dma semaphore(%arg12 : memref<!tpu.dma_semaphore, #tpu.memory_space<semaphore_mem>>) src(%dma_wait3A_135 : memref<10000x128xf32, #tpu.memory_space<hbm>>) dst(%arg10 : memref<128x128xf32, #tpu.memory_space<vmem>>)
        %add3A_136 = arith.constant 1 : i32
        %add3A_137 = arith.addi %add3A_112, %add3A_136 : i32
        %dma_start3A_138 = arith.constant 0 : i32
        %dma_start3A_139 = tpu.memref_slice %arg7[%add3A_137, %dma_start3A_138] : memref<48x128xi32, #tpu.memory_space<vmem>> -> memref<1x128xi32, #tpu.memory_space<vmem>>
        %dma_start3A_140 = tpu.memref_squeeze %dma_start3A_139 : memref<1x128xi32, #tpu.memory_space<vmem>> -> memref<128xi32, #tpu.memory_space<vmem>>
        %dma_start3A_141 = arith.constant 0 : i32
        %dma_start3A_142 = arith.constant 0 : i32
        %dma_start3A_143 = tpu.memref_slice %arg8[%dma_start3A_141, %dma_start3A_142] : memref<10112x128xf32, #tpu.memory_space<vmem_shared>> -> memref<10112x128xf32, #tpu.memory_space<vmem_shared>>
        tpu.enqueue_indirect_dma source(%arg10 : memref<128x128xf32, #tpu.memory_space<vmem>>) target(%dma_start3A_143 : memref<10112x128xf32, #tpu.memory_space<vmem_shared>>) offsets(%dma_start3A_140 : memref<128xi32, #tpu.memory_space<vmem>>) semaphore(%arg14 : memref<!tpu.dma_semaphore, #tpu.memory_space<semaphore_mem>>) {add = true}
        %dma_wait3A_144 = arith.constant 0 : i32
        %dma_wait3A_145 = tpu.memref_slice %arg7[%add3A_121, %dma_wait3A_144] : memref<48x128xi32, #tpu.memory_space<vmem>> -> memref<1x128xi32, #tpu.memory_space<vmem>>
        %dma_wait3A_146 = tpu.memref_squeeze %dma_wait3A_145 : memref<1x128xi32, #tpu.memory_space<vmem>> -> memref<128xi32, #tpu.memory_space<vmem>>
        %dma_wait3A_147 = arith.constant 0 : i32
        %dma_wait3A_148 = arith.constant 0 : i32
        %dma_wait3A_149 = tpu.memref_slice %arg8[%dma_wait3A_147, %dma_wait3A_148] : memref<10112x128xf32, #tpu.memory_space<vmem_shared>> -> memref<10112x128xf32, #tpu.memory_space<vmem_shared>>
        tpu.wait_indirect_dma semaphore(%arg13 : memref<!tpu.dma_semaphore, #tpu.memory_space<semaphore_mem>>) src(%arg9 : memref<128x128xf32, #tpu.memory_space<vmem>>) dst(%dma_wait3A_149 : memref<10112x128xf32, #tpu.memory_space<vmem_shared>>)
        %add3A_150 = arith.constant 0 : i32
        %add3A_151 = arith.addi %add3A_112, %add3A_150 : i32
        %add3A_152 = arith.constant 2 : i32
        %add3A_153 = arith.addi %add3A_151, %add3A_152 : i32
        %lt3A = arith.constant 48 : i32
        %lt3A_154 = arith.cmpi slt, %add3A_153, %lt3A : i32
        %convert_element_type3A_155 = arith.extui %lt3A_154 : i1 to i32
        %cond3A_156 = arith.constant 0 : i32
        %cond3A_157 = arith.cmpi ne, %convert_element_type3A_155, %cond3A_156 : i32
        scf.if %cond3A_157 {
          %add3A_173 = arith.constant 0 : i32
          %add3A_174 = arith.addi %add3A_112, %add3A_173 : i32
          %add3A_175 = arith.constant 2 : i32
          %add3A_176 = arith.addi %add3A_174, %add3A_175 : i32
          %dma_start3A_177 = arith.constant 0 : i32
          %dma_start3A_178 = tpu.memref_slice %arg6[%add3A_176, %dma_start3A_177] : memref<48x128xi32, #tpu.memory_space<vmem>> -> memref<1x128xi32, #tpu.memory_space<vmem>>
          %dma_start3A_179 = tpu.memref_squeeze %dma_start3A_178 : memref<1x128xi32, #tpu.memory_space<vmem>> -> memref<128xi32, #tpu.memory_space<vmem>>
          %dma_start3A_180 = arith.constant 0 : i32
          %dma_start3A_181 = arith.constant 0 : i32
          %dma_start3A_182 = tpu.memref_slice %arg2[%dma_start3A_180, %dma_start3A_181] : memref<10000x128xf32, #tpu.memory_space<hbm>> -> memref<10000x128xf32, #tpu.memory_space<hbm>>
          tpu.enqueue_indirect_dma source(%dma_start3A_182 : memref<10000x128xf32, #tpu.memory_space<hbm>>) target(%arg9 : memref<128x128xf32, #tpu.memory_space<vmem>>) offsets(%dma_start3A_179 : memref<128xi32, #tpu.memory_space<vmem>>) semaphore(%arg11 : memref<!tpu.dma_semaphore, #tpu.memory_space<semaphore_mem>>)
        } else {
        }
        %dma_wait3A_158 = arith.constant 0 : i32
        %dma_wait3A_159 = tpu.memref_slice %arg7[%add3A_137, %dma_wait3A_158] : memref<48x128xi32, #tpu.memory_space<vmem>> -> memref<1x128xi32, #tpu.memory_space<vmem>>
        %dma_wait3A_160 = tpu.memref_squeeze %dma_wait3A_159 : memref<1x128xi32, #tpu.memory_space<vmem>> -> memref<128xi32, #tpu.memory_space<vmem>>
        %dma_wait3A_161 = arith.constant 0 : i32
        %dma_wait3A_162 = arith.constant 0 : i32
        %dma_wait3A_163 = tpu.memref_slice %arg8[%dma_wait3A_161, %dma_wait3A_162] : memref<10112x128xf32, #tpu.memory_space<vmem_shared>> -> memref<10112x128xf32, #tpu.memory_space<vmem_shared>>
        tpu.wait_indirect_dma semaphore(%arg14 : memref<!tpu.dma_semaphore, #tpu.memory_space<semaphore_mem>>) src(%arg10 : memref<128x128xf32, #tpu.memory_space<vmem>>) dst(%dma_wait3A_163 : memref<10112x128xf32, #tpu.memory_space<vmem_shared>>)
        %add3A_164 = arith.constant 1 : i32
        %add3A_165 = arith.addi %add3A_112, %add3A_164 : i32
        %add3A_166 = arith.constant 2 : i32
        %add3A_167 = arith.addi %add3A_165, %add3A_166 : i32
        %lt3A_168 = arith.constant 48 : i32
        %lt3A_169 = arith.cmpi slt, %add3A_167, %lt3A_168 : i32
        %convert_element_type3A_170 = arith.extui %lt3A_169 : i1 to i32
        %cond3A_171 = arith.constant 0 : i32
        %cond3A_172 = arith.cmpi ne, %convert_element_type3A_170, %cond3A_171 : i32
        scf.if %cond3A_172 {
          %add3A_173 = arith.constant 1 : i32
          %add3A_174 = arith.addi %add3A_112, %add3A_173 : i32
          %add3A_175 = arith.constant 2 : i32
          %add3A_176 = arith.addi %add3A_174, %add3A_175 : i32
          %dma_start3A_177 = arith.constant 0 : i32
          %dma_start3A_178 = tpu.memref_slice %arg6[%add3A_176, %dma_start3A_177] : memref<48x128xi32, #tpu.memory_space<vmem>> -> memref<1x128xi32, #tpu.memory_space<vmem>>
          %dma_start3A_179 = tpu.memref_squeeze %dma_start3A_178 : memref<1x128xi32, #tpu.memory_space<vmem>> -> memref<128xi32, #tpu.memory_space<vmem>>
          %dma_start3A_180 = arith.constant 0 : i32
          %dma_start3A_181 = arith.constant 0 : i32
          %dma_start3A_182 = tpu.memref_slice %arg2[%dma_start3A_180, %dma_start3A_181] : memref<10000x128xf32, #tpu.memory_space<hbm>> -> memref<10000x128xf32, #tpu.memory_space<hbm>>
          tpu.enqueue_indirect_dma source(%dma_start3A_182 : memref<10000x128xf32, #tpu.memory_space<hbm>>) target(%arg10 : memref<128x128xf32, #tpu.memory_space<vmem>>) offsets(%dma_start3A_179 : memref<128xi32, #tpu.memory_space<vmem>>) semaphore(%arg12 : memref<!tpu.dma_semaphore, #tpu.memory_space<semaphore_mem>>)
        } else {
        }
      }
      %scan3A_63 = arith.constant 24 : i32
      %add3A_64 = arith.constant 48 : i32
      %add3A_65 = arith.addi %add3A_44, %add3A_64 : i32
      "tpu.region"() ({
        %run_scoped3A = tpu.sem_alloc : memref<!tpu.dma_semaphore, #tpu.memory_space<semaphore_mem>>
        %dma_start3A_108 = arith.constant 0 : i32
        %dma_start3A_109 = arith.constant 0 : i32
        %dma_start3A_110 = tpu.memref_slice %arg6[%dma_start3A_108, %dma_start3A_109] : memref<48x128xi32, #tpu.memory_space<vmem>> -> memref<48x128xi32, #tpu.memory_space<vmem>>
        %dma_start3A_111 = arith.constant 0 : i32
        %dma_start3A_112 = tpu.memref_slice %arg3[%add3A_65, %dma_start3A_111] : memref<2560x128xi32, #tpu.memory_space<hbm>> -> memref<48x128xi32, #tpu.memory_space<hbm>>
        %dma_start3A_113 = arith.constant 0 : i32
        %dma_start3A_114 = arith.constant 0 : i32
        %dma_start3A_115 = tpu.memref_slice %arg6[%dma_start3A_113, %dma_start3A_114] : memref<48x128xi32, #tpu.memory_space<vmem>> -> memref<48x128xi32, #tpu.memory_space<vmem>>
        %dma_start3A_116 = arith.constant 0 : i32
        %dma_start3A_117 = tpu.memref_slice %arg3[%add3A_65, %dma_start3A_116] : memref<2560x128xi32, #tpu.memory_space<hbm>> -> memref<48x128xi32, #tpu.memory_space<hbm>>
        tpu.enqueue_dma source(%dma_start3A_117 : memref<48x128xi32, #tpu.memory_space<hbm>>) target(%dma_start3A_115 : memref<48x128xi32, #tpu.memory_space<vmem>>) target_semaphore(%run_scoped3A : memref<!tpu.dma_semaphore, #tpu.memory_space<semaphore_mem>>)
        %dma_wait3A = arith.constant 0 : i32
        %dma_wait3A_118 = arith.constant 0 : i32
        %dma_wait3A_119 = tpu.memref_slice %arg6[%dma_wait3A, %dma_wait3A_118] : memref<48x128xi32, #tpu.memory_space<vmem>> -> memref<48x128xi32, #tpu.memory_space<vmem>>
        %dma_wait3A_120 = arith.constant 0 : i32
        %dma_wait3A_121 = tpu.memref_slice %arg3[%add3A_65, %dma_wait3A_120] : memref<2560x128xi32, #tpu.memory_space<hbm>> -> memref<48x128xi32, #tpu.memory_space<hbm>>
        %dma_wait3A_122 = arith.constant 0 : i32
        %dma_wait3A_123 = arith.constant 0 : i32
        %dma_wait3A_124 = tpu.memref_slice %arg6[%dma_wait3A_122, %dma_wait3A_123] : memref<48x128xi32, #tpu.memory_space<vmem>> -> memref<48x128xi32, #tpu.memory_space<vmem>>
        %dma_wait3A_125 = arith.constant 0 : i32
        %dma_wait3A_126 = tpu.memref_slice %arg3[%add3A_65, %dma_wait3A_125] : memref<2560x128xi32, #tpu.memory_space<hbm>> -> memref<48x128xi32, #tpu.memory_space<hbm>>
        tpu.wait_dma2 semaphore(%run_scoped3A : memref<!tpu.dma_semaphore, #tpu.memory_space<semaphore_mem>>) src(%dma_wait3A_126 : memref<48x128xi32, #tpu.memory_space<hbm>>) dst(%dma_wait3A_124 : memref<48x128xi32, #tpu.memory_space<vmem>>)
        tpu.yield
      }) : () -> ()
      "tpu.region"() ({
        %run_scoped3A = tpu.sem_alloc : memref<!tpu.dma_semaphore, #tpu.memory_space<semaphore_mem>>
        %dma_start3A_108 = arith.constant 0 : i32
        %dma_start3A_109 = arith.constant 0 : i32
        %dma_start3A_110 = tpu.memref_slice %arg7[%dma_start3A_108, %dma_start3A_109] : memref<48x128xi32, #tpu.memory_space<vmem>> -> memref<48x128xi32, #tpu.memory_space<vmem>>
        %dma_start3A_111 = arith.constant 0 : i32
        %dma_start3A_112 = tpu.memref_slice %arg4[%add3A_65, %dma_start3A_111] : memref<2560x128xi32, #tpu.memory_space<hbm>> -> memref<48x128xi32, #tpu.memory_space<hbm>>
        %dma_start3A_113 = arith.constant 0 : i32
        %dma_start3A_114 = arith.constant 0 : i32
        %dma_start3A_115 = tpu.memref_slice %arg7[%dma_start3A_113, %dma_start3A_114] : memref<48x128xi32, #tpu.memory_space<vmem>> -> memref<48x128xi32, #tpu.memory_space<vmem>>
        %dma_start3A_116 = arith.constant 0 : i32
        %dma_start3A_117 = tpu.memref_slice %arg4[%add3A_65, %dma_start3A_116] : memref<2560x128xi32, #tpu.memory_space<hbm>> -> memref<48x128xi32, #tpu.memory_space<hbm>>
        tpu.enqueue_dma source(%dma_start3A_117 : memref<48x128xi32, #tpu.memory_space<hbm>>) target(%dma_start3A_115 : memref<48x128xi32, #tpu.memory_space<vmem>>) target_semaphore(%run_scoped3A : memref<!tpu.dma_semaphore, #tpu.memory_space<semaphore_mem>>)
        %dma_wait3A = arith.constant 0 : i32
        %dma_wait3A_118 = arith.constant 0 : i32
        %dma_wait3A_119 = tpu.memref_slice %arg7[%dma_wait3A, %dma_wait3A_118] : memref<48x128xi32, #tpu.memory_space<vmem>> -> memref<48x128xi32, #tpu.memory_space<vmem>>
        %dma_wait3A_120 = arith.constant 0 : i32
        %dma_wait3A_121 = tpu.memref_slice %arg4[%add3A_65, %dma_wait3A_120] : memref<2560x128xi32, #tpu.memory_space<hbm>> -> memref<48x128xi32, #tpu.memory_space<hbm>>
        %dma_wait3A_122 = arith.constant 0 : i32
        %dma_wait3A_123 = arith.constant 0 : i32
        %dma_wait3A_124 = tpu.memref_slice %arg7[%dma_wait3A_122, %dma_wait3A_123] : memref<48x128xi32, #tpu.memory_space<vmem>> -> memref<48x128xi32, #tpu.memory_space<vmem>>
        %dma_wait3A_125 = arith.constant 0 : i32
        %dma_wait3A_126 = tpu.memref_slice %arg4[%add3A_65, %dma_wait3A_125] : memref<2560x128xi32, #tpu.memory_space<hbm>> -> memref<48x128xi32, #tpu.memory_space<hbm>>
        tpu.wait_dma2 semaphore(%run_scoped3A : memref<!tpu.dma_semaphore, #tpu.memory_space<semaphore_mem>>) src(%dma_wait3A_126 : memref<48x128xi32, #tpu.memory_space<hbm>>) dst(%dma_wait3A_124 : memref<48x128xi32, #tpu.memory_space<vmem>>)
        tpu.yield
      }) : () -> ()
      %dma_start3A_66 = arith.constant 0 : i32
      %dma_start3A_67 = arith.constant 0 : i32
      %dma_start3A_68 = tpu.memref_slice %arg6[%dma_start3A_66, %dma_start3A_67] : memref<48x128xi32, #tpu.memory_space<vmem>> -> memref<1x128xi32, #tpu.memory_space<vmem>>
      %dma_start3A_69 = tpu.memref_squeeze %dma_start3A_68 : memref<1x128xi32, #tpu.memory_space<vmem>> -> memref<128xi32, #tpu.memory_space<vmem>>
      %dma_start3A_70 = arith.constant 0 : i32
      %dma_start3A_71 = arith.constant 0 : i32
      %dma_start3A_72 = tpu.memref_slice %arg2[%dma_start3A_70, %dma_start3A_71] : memref<10000x128xf32, #tpu.memory_space<hbm>> -> memref<10000x128xf32, #tpu.memory_space<hbm>>
      tpu.enqueue_indirect_dma source(%dma_start3A_72 : memref<10000x128xf32, #tpu.memory_space<hbm>>) target(%arg9 : memref<128x128xf32, #tpu.memory_space<vmem>>) offsets(%dma_start3A_69 : memref<128xi32, #tpu.memory_space<vmem>>) semaphore(%arg11 : memref<!tpu.dma_semaphore, #tpu.memory_space<semaphore_mem>>)
      %dma_start3A_73 = arith.constant 1 : i32
      %dma_start3A_74 = arith.constant 0 : i32
      %dma_start3A_75 = tpu.memref_slice %arg6[%dma_start3A_73, %dma_start3A_74] : memref<48x128xi32, #tpu.memory_space<vmem>> -> memref<1x128xi32, #tpu.memory_space<vmem>>
      %dma_start3A_76 = tpu.memref_squeeze %dma_start3A_75 : memref<1x128xi32, #tpu.memory_space<vmem>> -> memref<128xi32, #tpu.memory_space<vmem>>
      %dma_start3A_77 = arith.constant 0 : i32
      %dma_start3A_78 = arith.constant 0 : i32
      %dma_start3A_79 = tpu.memref_slice %arg2[%dma_start3A_77, %dma_start3A_78] : memref<10000x128xf32, #tpu.memory_space<hbm>> -> memref<10000x128xf32, #tpu.memory_space<hbm>>
      tpu.enqueue_indirect_dma source(%dma_start3A_79 : memref<10000x128xf32, #tpu.memory_space<hbm>>) target(%arg10 : memref<128x128xf32, #tpu.memory_space<vmem>>) offsets(%dma_start3A_76 : memref<128xi32, #tpu.memory_space<vmem>>) semaphore(%arg12 : memref<!tpu.dma_semaphore, #tpu.memory_space<semaphore_mem>>)
      %scan3A_80 = arith.constant 0 : i32
      %scan3A_81 = arith.constant 24 : i32
      %scan3A_82 = arith.addi %scan3A_80, %scan3A_81 : i32
      %scan3A_83 = arith.constant 1 : i32
      scf.for %scan3A_108 = %scan3A_80 to %scan3A_82 step %scan3A_83  : i32 {
        %mul3A_109 = arith.constant 2 : i32
        %mul3A_110 = arith.muli %scan3A_108, %mul3A_109 : i32
        %add3A_111 = arith.constant 0 : i32
        %add3A_112 = arith.addi %add3A_111, %mul3A_110 : i32
        %add3A_113 = arith.constant 0 : i32
        %add3A_114 = arith.addi %add3A_112, %add3A_113 : i32
        %dma_wait3A = arith.constant 0 : i32
        %dma_wait3A_115 = tpu.memref_slice %arg6[%add3A_114, %dma_wait3A] : memref<48x128xi32, #tpu.memory_space<vmem>> -> memref<1x128xi32, #tpu.memory_space<vmem>>
        %dma_wait3A_116 = tpu.memref_squeeze %dma_wait3A_115 : memref<1x128xi32, #tpu.memory_space<vmem>> -> memref<128xi32, #tpu.memory_space<vmem>>
        %dma_wait3A_117 = arith.constant 0 : i32
        %dma_wait3A_118 = arith.constant 0 : i32
        %dma_wait3A_119 = tpu.memref_slice %arg2[%dma_wait3A_117, %dma_wait3A_118] : memref<10000x128xf32, #tpu.memory_space<hbm>> -> memref<10000x128xf32, #tpu.memory_space<hbm>>
        tpu.wait_indirect_dma semaphore(%arg11 : memref<!tpu.dma_semaphore, #tpu.memory_space<semaphore_mem>>) src(%dma_wait3A_119 : memref<10000x128xf32, #tpu.memory_space<hbm>>) dst(%arg9 : memref<128x128xf32, #tpu.memory_space<vmem>>)
        %add3A_120 = arith.constant 0 : i32
        %add3A_121 = arith.addi %add3A_112, %add3A_120 : i32
        %dma_start3A_122 = arith.constant 0 : i32
        %dma_start3A_123 = tpu.memref_slice %arg7[%add3A_121, %dma_start3A_122] : memref<48x128xi32, #tpu.memory_space<vmem>> -> memref<1x128xi32, #tpu.memory_space<vmem>>
        %dma_start3A_124 = tpu.memref_squeeze %dma_start3A_123 : memref<1x128xi32, #tpu.memory_space<vmem>> -> memref<128xi32, #tpu.memory_space<vmem>>
        %dma_start3A_125 = arith.constant 0 : i32
        %dma_start3A_126 = arith.constant 0 : i32
        %dma_start3A_127 = tpu.memref_slice %arg8[%dma_start3A_125, %dma_start3A_126] : memref<10112x128xf32, #tpu.memory_space<vmem_shared>> -> memref<10112x128xf32, #tpu.memory_space<vmem_shared>>
        tpu.enqueue_indirect_dma source(%arg9 : memref<128x128xf32, #tpu.memory_space<vmem>>) target(%dma_start3A_127 : memref<10112x128xf32, #tpu.memory_space<vmem_shared>>) offsets(%dma_start3A_124 : memref<128xi32, #tpu.memory_space<vmem>>) semaphore(%arg13 : memref<!tpu.dma_semaphore, #tpu.memory_space<semaphore_mem>>) {add = true}
        %add3A_128 = arith.constant 1 : i32
        %add3A_129 = arith.addi %add3A_112, %add3A_128 : i32
        %dma_wait3A_130 = arith.constant 0 : i32
        %dma_wait3A_131 = tpu.memref_slice %arg6[%add3A_129, %dma_wait3A_130] : memref<48x128xi32, #tpu.memory_space<vmem>> -> memref<1x128xi32, #tpu.memory_space<vmem>>
        %dma_wait3A_132 = tpu.memref_squeeze %dma_wait3A_131 : memref<1x128xi32, #tpu.memory_space<vmem>> -> memref<128xi32, #tpu.memory_space<vmem>>
        %dma_wait3A_133 = arith.constant 0 : i32
        %dma_wait3A_134 = arith.constant 0 : i32
        %dma_wait3A_135 = tpu.memref_slice %arg2[%dma_wait3A_133, %dma_wait3A_134] : memref<10000x128xf32, #tpu.memory_space<hbm>> -> memref<10000x128xf32, #tpu.memory_space<hbm>>
        tpu.wait_indirect_dma semaphore(%arg12 : memref<!tpu.dma_semaphore, #tpu.memory_space<semaphore_mem>>) src(%dma_wait3A_135 : memref<10000x128xf32, #tpu.memory_space<hbm>>) dst(%arg10 : memref<128x128xf32, #tpu.memory_space<vmem>>)
        %add3A_136 = arith.constant 1 : i32
        %add3A_137 = arith.addi %add3A_112, %add3A_136 : i32
        %dma_start3A_138 = arith.constant 0 : i32
        %dma_start3A_139 = tpu.memref_slice %arg7[%add3A_137, %dma_start3A_138] : memref<48x128xi32, #tpu.memory_space<vmem>> -> memref<1x128xi32, #tpu.memory_space<vmem>>
        %dma_start3A_140 = tpu.memref_squeeze %dma_start3A_139 : memref<1x128xi32, #tpu.memory_space<vmem>> -> memref<128xi32, #tpu.memory_space<vmem>>
        %dma_start3A_141 = arith.constant 0 : i32
        %dma_start3A_142 = arith.constant 0 : i32
        %dma_start3A_143 = tpu.memref_slice %arg8[%dma_start3A_141, %dma_start3A_142] : memref<10112x128xf32, #tpu.memory_space<vmem_shared>> -> memref<10112x128xf32, #tpu.memory_space<vmem_shared>>
        tpu.enqueue_indirect_dma source(%arg10 : memref<128x128xf32, #tpu.memory_space<vmem>>) target(%dma_start3A_143 : memref<10112x128xf32, #tpu.memory_space<vmem_shared>>) offsets(%dma_start3A_140 : memref<128xi32, #tpu.memory_space<vmem>>) semaphore(%arg14 : memref<!tpu.dma_semaphore, #tpu.memory_space<semaphore_mem>>) {add = true}
        %dma_wait3A_144 = arith.constant 0 : i32
        %dma_wait3A_145 = tpu.memref_slice %arg7[%add3A_121, %dma_wait3A_144] : memref<48x128xi32, #tpu.memory_space<vmem>> -> memref<1x128xi32, #tpu.memory_space<vmem>>
        %dma_wait3A_146 = tpu.memref_squeeze %dma_wait3A_145 : memref<1x128xi32, #tpu.memory_space<vmem>> -> memref<128xi32, #tpu.memory_space<vmem>>
        %dma_wait3A_147 = arith.constant 0 : i32
        %dma_wait3A_148 = arith.constant 0 : i32
        %dma_wait3A_149 = tpu.memref_slice %arg8[%dma_wait3A_147, %dma_wait3A_148] : memref<10112x128xf32, #tpu.memory_space<vmem_shared>> -> memref<10112x128xf32, #tpu.memory_space<vmem_shared>>
        tpu.wait_indirect_dma semaphore(%arg13 : memref<!tpu.dma_semaphore, #tpu.memory_space<semaphore_mem>>) src(%arg9 : memref<128x128xf32, #tpu.memory_space<vmem>>) dst(%dma_wait3A_149 : memref<10112x128xf32, #tpu.memory_space<vmem_shared>>)
        %add3A_150 = arith.constant 0 : i32
        %add3A_151 = arith.addi %add3A_112, %add3A_150 : i32
        %add3A_152 = arith.constant 2 : i32
        %add3A_153 = arith.addi %add3A_151, %add3A_152 : i32
        %lt3A = arith.constant 48 : i32
        %lt3A_154 = arith.cmpi slt, %add3A_153, %lt3A : i32
        %convert_element_type3A_155 = arith.extui %lt3A_154 : i1 to i32
        %cond3A_156 = arith.constant 0 : i32
        %cond3A_157 = arith.cmpi ne, %convert_element_type3A_155, %cond3A_156 : i32
        scf.if %cond3A_157 {
          %add3A_173 = arith.constant 0 : i32
          %add3A_174 = arith.addi %add3A_112, %add3A_173 : i32
          %add3A_175 = arith.constant 2 : i32
          %add3A_176 = arith.addi %add3A_174, %add3A_175 : i32
          %dma_start3A_177 = arith.constant 0 : i32
          %dma_start3A_178 = tpu.memref_slice %arg6[%add3A_176, %dma_start3A_177] : memref<48x128xi32, #tpu.memory_space<vmem>> -> memref<1x128xi32, #tpu.memory_space<vmem>>
          %dma_start3A_179 = tpu.memref_squeeze %dma_start3A_178 : memref<1x128xi32, #tpu.memory_space<vmem>> -> memref<128xi32, #tpu.memory_space<vmem>>
          %dma_start3A_180 = arith.constant 0 : i32
          %dma_start3A_181 = arith.constant 0 : i32
          %dma_start3A_182 = tpu.memref_slice %arg2[%dma_start3A_180, %dma_start3A_181] : memref<10000x128xf32, #tpu.memory_space<hbm>> -> memref<10000x128xf32, #tpu.memory_space<hbm>>
          tpu.enqueue_indirect_dma source(%dma_start3A_182 : memref<10000x128xf32, #tpu.memory_space<hbm>>) target(%arg9 : memref<128x128xf32, #tpu.memory_space<vmem>>) offsets(%dma_start3A_179 : memref<128xi32, #tpu.memory_space<vmem>>) semaphore(%arg11 : memref<!tpu.dma_semaphore, #tpu.memory_space<semaphore_mem>>)
        } else {
        }
        %dma_wait3A_158 = arith.constant 0 : i32
        %dma_wait3A_159 = tpu.memref_slice %arg7[%add3A_137, %dma_wait3A_158] : memref<48x128xi32, #tpu.memory_space<vmem>> -> memref<1x128xi32, #tpu.memory_space<vmem>>
        %dma_wait3A_160 = tpu.memref_squeeze %dma_wait3A_159 : memref<1x128xi32, #tpu.memory_space<vmem>> -> memref<128xi32, #tpu.memory_space<vmem>>
        %dma_wait3A_161 = arith.constant 0 : i32
        %dma_wait3A_162 = arith.constant 0 : i32
        %dma_wait3A_163 = tpu.memref_slice %arg8[%dma_wait3A_161, %dma_wait3A_162] : memref<10112x128xf32, #tpu.memory_space<vmem_shared>> -> memref<10112x128xf32, #tpu.memory_space<vmem_shared>>
        tpu.wait_indirect_dma semaphore(%arg14 : memref<!tpu.dma_semaphore, #tpu.memory_space<semaphore_mem>>) src(%arg10 : memref<128x128xf32, #tpu.memory_space<vmem>>) dst(%dma_wait3A_163 : memref<10112x128xf32, #tpu.memory_space<vmem_shared>>)
        %add3A_164 = arith.constant 1 : i32
        %add3A_165 = arith.addi %add3A_112, %add3A_164 : i32
        %add3A_166 = arith.constant 2 : i32
        %add3A_167 = arith.addi %add3A_165, %add3A_166 : i32
        %lt3A_168 = arith.constant 48 : i32
        %lt3A_169 = arith.cmpi slt, %add3A_167, %lt3A_168 : i32
        %convert_element_type3A_170 = arith.extui %lt3A_169 : i1 to i32
        %cond3A_171 = arith.constant 0 : i32
        %cond3A_172 = arith.cmpi ne, %convert_element_type3A_170, %cond3A_171 : i32
        scf.if %cond3A_172 {
          %add3A_173 = arith.constant 1 : i32
          %add3A_174 = arith.addi %add3A_112, %add3A_173 : i32
          %add3A_175 = arith.constant 2 : i32
          %add3A_176 = arith.addi %add3A_174, %add3A_175 : i32
          %dma_start3A_177 = arith.constant 0 : i32
          %dma_start3A_178 = tpu.memref_slice %arg6[%add3A_176, %dma_start3A_177] : memref<48x128xi32, #tpu.memory_space<vmem>> -> memref<1x128xi32, #tpu.memory_space<vmem>>
          %dma_start3A_179 = tpu.memref_squeeze %dma_start3A_178 : memref<1x128xi32, #tpu.memory_space<vmem>> -> memref<128xi32, #tpu.memory_space<vmem>>
          %dma_start3A_180 = arith.constant 0 : i32
          %dma_start3A_181 = arith.constant 0 : i32
          %dma_start3A_182 = tpu.memref_slice %arg2[%dma_start3A_180, %dma_start3A_181] : memref<10000x128xf32, #tpu.memory_space<hbm>> -> memref<10000x128xf32, #tpu.memory_space<hbm>>
          tpu.enqueue_indirect_dma source(%dma_start3A_182 : memref<10000x128xf32, #tpu.memory_space<hbm>>) target(%arg10 : memref<128x128xf32, #tpu.memory_space<vmem>>) offsets(%dma_start3A_179 : memref<128xi32, #tpu.memory_space<vmem>>) semaphore(%arg12 : memref<!tpu.dma_semaphore, #tpu.memory_space<semaphore_mem>>)
        } else {
        }
      }
      %scan3A_84 = arith.constant 24 : i32
      %add3A_85 = arith.constant 48 : i32
      %add3A_86 = arith.addi %add3A_65, %add3A_85 : i32
      "tpu.region"() ({
        %run_scoped3A = tpu.sem_alloc : memref<!tpu.dma_semaphore, #tpu.memory_space<semaphore_mem>>
        %dma_start3A_108 = arith.constant 0 : i32
        %dma_start3A_109 = arith.constant 0 : i32
        %dma_start3A_110 = tpu.memref_slice %arg6[%dma_start3A_108, %dma_start3A_109] : memref<48x128xi32, #tpu.memory_space<vmem>> -> memref<8x128xi32, #tpu.memory_space<vmem>>
        %dma_start3A_111 = arith.constant 0 : i32
        %dma_start3A_112 = tpu.memref_slice %arg3[%add3A_86, %dma_start3A_111] : memref<2560x128xi32, #tpu.memory_space<hbm>> -> memref<8x128xi32, #tpu.memory_space<hbm>>
        %dma_start3A_113 = arith.constant 0 : i32
        %dma_start3A_114 = arith.constant 0 : i32
        %dma_start3A_115 = tpu.memref_slice %arg6[%dma_start3A_113, %dma_start3A_114] : memref<48x128xi32, #tpu.memory_space<vmem>> -> memref<8x128xi32, #tpu.memory_space<vmem>>
        %dma_start3A_116 = arith.constant 0 : i32
        %dma_start3A_117 = tpu.memref_slice %arg3[%add3A_86, %dma_start3A_116] : memref<2560x128xi32, #tpu.memory_space<hbm>> -> memref<8x128xi32, #tpu.memory_space<hbm>>
        tpu.enqueue_dma source(%dma_start3A_117 : memref<8x128xi32, #tpu.memory_space<hbm>>) target(%dma_start3A_115 : memref<8x128xi32, #tpu.memory_space<vmem>>) target_semaphore(%run_scoped3A : memref<!tpu.dma_semaphore, #tpu.memory_space<semaphore_mem>>)
        %dma_wait3A = arith.constant 0 : i32
        %dma_wait3A_118 = arith.constant 0 : i32
        %dma_wait3A_119 = tpu.memref_slice %arg6[%dma_wait3A, %dma_wait3A_118] : memref<48x128xi32, #tpu.memory_space<vmem>> -> memref<8x128xi32, #tpu.memory_space<vmem>>
        %dma_wait3A_120 = arith.constant 0 : i32
        %dma_wait3A_121 = tpu.memref_slice %arg3[%add3A_86, %dma_wait3A_120] : memref<2560x128xi32, #tpu.memory_space<hbm>> -> memref<8x128xi32, #tpu.memory_space<hbm>>
        %dma_wait3A_122 = arith.constant 0 : i32
        %dma_wait3A_123 = arith.constant 0 : i32
        %dma_wait3A_124 = tpu.memref_slice %arg6[%dma_wait3A_122, %dma_wait3A_123] : memref<48x128xi32, #tpu.memory_space<vmem>> -> memref<8x128xi32, #tpu.memory_space<vmem>>
        %dma_wait3A_125 = arith.constant 0 : i32
        %dma_wait3A_126 = tpu.memref_slice %arg3[%add3A_86, %dma_wait3A_125] : memref<2560x128xi32, #tpu.memory_space<hbm>> -> memref<8x128xi32, #tpu.memory_space<hbm>>
        tpu.wait_dma2 semaphore(%run_scoped3A : memref<!tpu.dma_semaphore, #tpu.memory_space<semaphore_mem>>) src(%dma_wait3A_126 : memref<8x128xi32, #tpu.memory_space<hbm>>) dst(%dma_wait3A_124 : memref<8x128xi32, #tpu.memory_space<vmem>>)
        tpu.yield
      }) : () -> ()
      "tpu.region"() ({
        %run_scoped3A = tpu.sem_alloc : memref<!tpu.dma_semaphore, #tpu.memory_space<semaphore_mem>>
        %dma_start3A_108 = arith.constant 0 : i32
        %dma_start3A_109 = arith.constant 0 : i32
        %dma_start3A_110 = tpu.memref_slice %arg7[%dma_start3A_108, %dma_start3A_109] : memref<48x128xi32, #tpu.memory_space<vmem>> -> memref<8x128xi32, #tpu.memory_space<vmem>>
        %dma_start3A_111 = arith.constant 0 : i32
        %dma_start3A_112 = tpu.memref_slice %arg4[%add3A_86, %dma_start3A_111] : memref<2560x128xi32, #tpu.memory_space<hbm>> -> memref<8x128xi32, #tpu.memory_space<hbm>>
        %dma_start3A_113 = arith.constant 0 : i32
        %dma_start3A_114 = arith.constant 0 : i32
        %dma_start3A_115 = tpu.memref_slice %arg7[%dma_start3A_113, %dma_start3A_114] : memref<48x128xi32, #tpu.memory_space<vmem>> -> memref<8x128xi32, #tpu.memory_space<vmem>>
        %dma_start3A_116 = arith.constant 0 : i32
        %dma_start3A_117 = tpu.memref_slice %arg4[%add3A_86, %dma_start3A_116] : memref<2560x128xi32, #tpu.memory_space<hbm>> -> memref<8x128xi32, #tpu.memory_space<hbm>>
        tpu.enqueue_dma source(%dma_start3A_117 : memref<8x128xi32, #tpu.memory_space<hbm>>) target(%dma_start3A_115 : memref<8x128xi32, #tpu.memory_space<vmem>>) target_semaphore(%run_scoped3A : memref<!tpu.dma_semaphore, #tpu.memory_space<semaphore_mem>>)
        %dma_wait3A = arith.constant 0 : i32
        %dma_wait3A_118 = arith.constant 0 : i32
        %dma_wait3A_119 = tpu.memref_slice %arg7[%dma_wait3A, %dma_wait3A_118] : memref<48x128xi32, #tpu.memory_space<vmem>> -> memref<8x128xi32, #tpu.memory_space<vmem>>
        %dma_wait3A_120 = arith.constant 0 : i32
        %dma_wait3A_121 = tpu.memref_slice %arg4[%add3A_86, %dma_wait3A_120] : memref<2560x128xi32, #tpu.memory_space<hbm>> -> memref<8x128xi32, #tpu.memory_space<hbm>>
        %dma_wait3A_122 = arith.constant 0 : i32
        %dma_wait3A_123 = arith.constant 0 : i32
        %dma_wait3A_124 = tpu.memref_slice %arg7[%dma_wait3A_122, %dma_wait3A_123] : memref<48x128xi32, #tpu.memory_space<vmem>> -> memref<8x128xi32, #tpu.memory_space<vmem>>
        %dma_wait3A_125 = arith.constant 0 : i32
        %dma_wait3A_126 = tpu.memref_slice %arg4[%add3A_86, %dma_wait3A_125] : memref<2560x128xi32, #tpu.memory_space<hbm>> -> memref<8x128xi32, #tpu.memory_space<hbm>>
        tpu.wait_dma2 semaphore(%run_scoped3A : memref<!tpu.dma_semaphore, #tpu.memory_space<semaphore_mem>>) src(%dma_wait3A_126 : memref<8x128xi32, #tpu.memory_space<hbm>>) dst(%dma_wait3A_124 : memref<8x128xi32, #tpu.memory_space<vmem>>)
        tpu.yield
      }) : () -> ()
      %dma_start3A_87 = arith.constant 0 : i32
      %dma_start3A_88 = arith.constant 0 : i32
      %dma_start3A_89 = tpu.memref_slice %arg6[%dma_start3A_87, %dma_start3A_88] : memref<48x128xi32, #tpu.memory_space<vmem>> -> memref<1x128xi32, #tpu.memory_space<vmem>>
      %dma_start3A_90 = tpu.memref_squeeze %dma_start3A_89 : memref<1x128xi32, #tpu.memory_space<vmem>> -> memref<128xi32, #tpu.memory_space<vmem>>
      %dma_start3A_91 = arith.constant 0 : i32
      %dma_start3A_92 = arith.constant 0 : i32
      %dma_start3A_93 = tpu.memref_slice %arg2[%dma_start3A_91, %dma_start3A_92] : memref<10000x128xf32, #tpu.memory_space<hbm>> -> memref<10000x128xf32, #tpu.memory_space<hbm>>
      tpu.enqueue_indirect_dma source(%dma_start3A_93 : memref<10000x128xf32, #tpu.memory_space<hbm>>) target(%arg9 : memref<128x128xf32, #tpu.memory_space<vmem>>) offsets(%dma_start3A_90 : memref<128xi32, #tpu.memory_space<vmem>>) semaphore(%arg11 : memref<!tpu.dma_semaphore, #tpu.memory_space<semaphore_mem>>)
      %dma_start3A_94 = arith.constant 1 : i32
      %dma_start3A_95 = arith.constant 0 : i32
      %dma_start3A_96 = tpu.memref_slice %arg6[%dma_start3A_94, %dma_start3A_95] : memref<48x128xi32, #tpu.memory_space<vmem>> -> memref<1x128xi32, #tpu.memory_space<vmem>>
      %dma_start3A_97 = tpu.memref_squeeze %dma_start3A_96 : memref<1x128xi32, #tpu.memory_space<vmem>> -> memref<128xi32, #tpu.memory_space<vmem>>
      %dma_start3A_98 = arith.constant 0 : i32
      %dma_start3A_99 = arith.constant 0 : i32
      %dma_start3A_100 = tpu.memref_slice %arg2[%dma_start3A_98, %dma_start3A_99] : memref<10000x128xf32, #tpu.memory_space<hbm>> -> memref<10000x128xf32, #tpu.memory_space<hbm>>
      tpu.enqueue_indirect_dma source(%dma_start3A_100 : memref<10000x128xf32, #tpu.memory_space<hbm>>) target(%arg10 : memref<128x128xf32, #tpu.memory_space<vmem>>) offsets(%dma_start3A_97 : memref<128xi32, #tpu.memory_space<vmem>>) semaphore(%arg12 : memref<!tpu.dma_semaphore, #tpu.memory_space<semaphore_mem>>)
      %scan3A_101 = arith.constant 0 : i32
      %scan3A_102 = arith.constant 4 : i32
      %scan3A_103 = arith.addi %scan3A_101, %scan3A_102 : i32
      %scan3A_104 = arith.constant 1 : i32
      scf.for %scan3A_108 = %scan3A_101 to %scan3A_103 step %scan3A_104  : i32 {
        %mul3A_109 = arith.constant 2 : i32
        %mul3A_110 = arith.muli %scan3A_108, %mul3A_109 : i32
        %add3A_111 = arith.constant 0 : i32
        %add3A_112 = arith.addi %add3A_111, %mul3A_110 : i32
        %add3A_113 = arith.constant 0 : i32
        %add3A_114 = arith.addi %add3A_112, %add3A_113 : i32
        %dma_wait3A = arith.constant 0 : i32
        %dma_wait3A_115 = tpu.memref_slice %arg6[%add3A_114, %dma_wait3A] : memref<48x128xi32, #tpu.memory_space<vmem>> -> memref<1x128xi32, #tpu.memory_space<vmem>>
        %dma_wait3A_116 = tpu.memref_squeeze %dma_wait3A_115 : memref<1x128xi32, #tpu.memory_space<vmem>> -> memref<128xi32, #tpu.memory_space<vmem>>
        %dma_wait3A_117 = arith.constant 0 : i32
        %dma_wait3A_118 = arith.constant 0 : i32
        %dma_wait3A_119 = tpu.memref_slice %arg2[%dma_wait3A_117, %dma_wait3A_118] : memref<10000x128xf32, #tpu.memory_space<hbm>> -> memref<10000x128xf32, #tpu.memory_space<hbm>>
        tpu.wait_indirect_dma semaphore(%arg11 : memref<!tpu.dma_semaphore, #tpu.memory_space<semaphore_mem>>) src(%dma_wait3A_119 : memref<10000x128xf32, #tpu.memory_space<hbm>>) dst(%arg9 : memref<128x128xf32, #tpu.memory_space<vmem>>)
        %add3A_120 = arith.constant 0 : i32
        %add3A_121 = arith.addi %add3A_112, %add3A_120 : i32
        %dma_start3A_122 = arith.constant 0 : i32
        %dma_start3A_123 = tpu.memref_slice %arg7[%add3A_121, %dma_start3A_122] : memref<48x128xi32, #tpu.memory_space<vmem>> -> memref<1x128xi32, #tpu.memory_space<vmem>>
        %dma_start3A_124 = tpu.memref_squeeze %dma_start3A_123 : memref<1x128xi32, #tpu.memory_space<vmem>> -> memref<128xi32, #tpu.memory_space<vmem>>
        %dma_start3A_125 = arith.constant 0 : i32
        %dma_start3A_126 = arith.constant 0 : i32
        %dma_start3A_127 = tpu.memref_slice %arg8[%dma_start3A_125, %dma_start3A_126] : memref<10112x128xf32, #tpu.memory_space<vmem_shared>> -> memref<10112x128xf32, #tpu.memory_space<vmem_shared>>
        tpu.enqueue_indirect_dma source(%arg9 : memref<128x128xf32, #tpu.memory_space<vmem>>) target(%dma_start3A_127 : memref<10112x128xf32, #tpu.memory_space<vmem_shared>>) offsets(%dma_start3A_124 : memref<128xi32, #tpu.memory_space<vmem>>) semaphore(%arg13 : memref<!tpu.dma_semaphore, #tpu.memory_space<semaphore_mem>>) {add = true}
        %add3A_128 = arith.constant 1 : i32
        %add3A_129 = arith.addi %add3A_112, %add3A_128 : i32
        %dma_wait3A_130 = arith.constant 0 : i32
        %dma_wait3A_131 = tpu.memref_slice %arg6[%add3A_129, %dma_wait3A_130] : memref<48x128xi32, #tpu.memory_space<vmem>> -> memref<1x128xi32, #tpu.memory_space<vmem>>
        %dma_wait3A_132 = tpu.memref_squeeze %dma_wait3A_131 : memref<1x128xi32, #tpu.memory_space<vmem>> -> memref<128xi32, #tpu.memory_space<vmem>>
        %dma_wait3A_133 = arith.constant 0 : i32
        %dma_wait3A_134 = arith.constant 0 : i32
        %dma_wait3A_135 = tpu.memref_slice %arg2[%dma_wait3A_133, %dma_wait3A_134] : memref<10000x128xf32, #tpu.memory_space<hbm>> -> memref<10000x128xf32, #tpu.memory_space<hbm>>
        tpu.wait_indirect_dma semaphore(%arg12 : memref<!tpu.dma_semaphore, #tpu.memory_space<semaphore_mem>>) src(%dma_wait3A_135 : memref<10000x128xf32, #tpu.memory_space<hbm>>) dst(%arg10 : memref<128x128xf32, #tpu.memory_space<vmem>>)
        %add3A_136 = arith.constant 1 : i32
        %add3A_137 = arith.addi %add3A_112, %add3A_136 : i32
        %dma_start3A_138 = arith.constant 0 : i32
        %dma_start3A_139 = tpu.memref_slice %arg7[%add3A_137, %dma_start3A_138] : memref<48x128xi32, #tpu.memory_space<vmem>> -> memref<1x128xi32, #tpu.memory_space<vmem>>
        %dma_start3A_140 = tpu.memref_squeeze %dma_start3A_139 : memref<1x128xi32, #tpu.memory_space<vmem>> -> memref<128xi32, #tpu.memory_space<vmem>>
        %dma_start3A_141 = arith.constant 0 : i32
        %dma_start3A_142 = arith.constant 0 : i32
        %dma_start3A_143 = tpu.memref_slice %arg8[%dma_start3A_141, %dma_start3A_142] : memref<10112x128xf32, #tpu.memory_space<vmem_shared>> -> memref<10112x128xf32, #tpu.memory_space<vmem_shared>>
        tpu.enqueue_indirect_dma source(%arg10 : memref<128x128xf32, #tpu.memory_space<vmem>>) target(%dma_start3A_143 : memref<10112x128xf32, #tpu.memory_space<vmem_shared>>) offsets(%dma_start3A_140 : memref<128xi32, #tpu.memory_space<vmem>>) semaphore(%arg14 : memref<!tpu.dma_semaphore, #tpu.memory_space<semaphore_mem>>) {add = true}
        %dma_wait3A_144 = arith.constant 0 : i32
        %dma_wait3A_145 = tpu.memref_slice %arg7[%add3A_121, %dma_wait3A_144] : memref<48x128xi32, #tpu.memory_space<vmem>> -> memref<1x128xi32, #tpu.memory_space<vmem>>
        %dma_wait3A_146 = tpu.memref_squeeze %dma_wait3A_145 : memref<1x128xi32, #tpu.memory_space<vmem>> -> memref<128xi32, #tpu.memory_space<vmem>>
        %dma_wait3A_147 = arith.constant 0 : i32
        %dma_wait3A_148 = arith.constant 0 : i32
        %dma_wait3A_149 = tpu.memref_slice %arg8[%dma_wait3A_147, %dma_wait3A_148] : memref<10112x128xf32, #tpu.memory_space<vmem_shared>> -> memref<10112x128xf32, #tpu.memory_space<vmem_shared>>
        tpu.wait_indirect_dma semaphore(%arg13 : memref<!tpu.dma_semaphore, #tpu.memory_space<semaphore_mem>>) src(%arg9 : memref<128x128xf32, #tpu.memory_space<vmem>>) dst(%dma_wait3A_149 : memref<10112x128xf32, #tpu.memory_space<vmem_shared>>)
        %add3A_150 = arith.constant 0 : i32
        %add3A_151 = arith.addi %add3A_112, %add3A_150 : i32
        %add3A_152 = arith.constant 2 : i32
        %add3A_153 = arith.addi %add3A_151, %add3A_152 : i32
        %lt3A = arith.constant 8 : i32
        %lt3A_154 = arith.cmpi slt, %add3A_153, %lt3A : i32
        %convert_element_type3A_155 = arith.extui %lt3A_154 : i1 to i32
        %cond3A_156 = arith.constant 0 : i32
        %cond3A_157 = arith.cmpi ne, %convert_element_type3A_155, %cond3A_156 : i32
        scf.if %cond3A_157 {
          %add3A_173 = arith.constant 0 : i32
          %add3A_174 = arith.addi %add3A_112, %add3A_173 : i32
          %add3A_175 = arith.constant 2 : i32
          %add3A_176 = arith.addi %add3A_174, %add3A_175 : i32
          %dma_start3A_177 = arith.constant 0 : i32
          %dma_start3A_178 = tpu.memref_slice %arg6[%add3A_176, %dma_start3A_177] : memref<48x128xi32, #tpu.memory_space<vmem>> -> memref<1x128xi32, #tpu.memory_space<vmem>>
          %dma_start3A_179 = tpu.memref_squeeze %dma_start3A_178 : memref<1x128xi32, #tpu.memory_space<vmem>> -> memref<128xi32, #tpu.memory_space<vmem>>
          %dma_start3A_180 = arith.constant 0 : i32
          %dma_start3A_181 = arith.constant 0 : i32
          %dma_start3A_182 = tpu.memref_slice %arg2[%dma_start3A_180, %dma_start3A_181] : memref<10000x128xf32, #tpu.memory_space<hbm>> -> memref<10000x128xf32, #tpu.memory_space<hbm>>
          tpu.enqueue_indirect_dma source(%dma_start3A_182 : memref<10000x128xf32, #tpu.memory_space<hbm>>) target(%arg9 : memref<128x128xf32, #tpu.memory_space<vmem>>) offsets(%dma_start3A_179 : memref<128xi32, #tpu.memory_space<vmem>>) semaphore(%arg11 : memref<!tpu.dma_semaphore, #tpu.memory_space<semaphore_mem>>)
        } else {
        }
        %dma_wait3A_158 = arith.constant 0 : i32
        %dma_wait3A_159 = tpu.memref_slice %arg7[%add3A_137, %dma_wait3A_158] : memref<48x128xi32, #tpu.memory_space<vmem>> -> memref<1x128xi32, #tpu.memory_space<vmem>>
        %dma_wait3A_160 = tpu.memref_squeeze %dma_wait3A_159 : memref<1x128xi32, #tpu.memory_space<vmem>> -> memref<128xi32, #tpu.memory_space<vmem>>
        %dma_wait3A_161 = arith.constant 0 : i32
        %dma_wait3A_162 = arith.constant 0 : i32
        %dma_wait3A_163 = tpu.memref_slice %arg8[%dma_wait3A_161, %dma_wait3A_162] : memref<10112x128xf32, #tpu.memory_space<vmem_shared>> -> memref<10112x128xf32, #tpu.memory_space<vmem_shared>>
        tpu.wait_indirect_dma semaphore(%arg14 : memref<!tpu.dma_semaphore, #tpu.memory_space<semaphore_mem>>) src(%arg10 : memref<128x128xf32, #tpu.memory_space<vmem>>) dst(%dma_wait3A_163 : memref<10112x128xf32, #tpu.memory_space<vmem_shared>>)
        %add3A_164 = arith.constant 1 : i32
        %add3A_165 = arith.addi %add3A_112, %add3A_164 : i32
        %add3A_166 = arith.constant 2 : i32
        %add3A_167 = arith.addi %add3A_165, %add3A_166 : i32
        %lt3A_168 = arith.constant 8 : i32
        %lt3A_169 = arith.cmpi slt, %add3A_167, %lt3A_168 : i32
        %convert_element_type3A_170 = arith.extui %lt3A_169 : i1 to i32
        %cond3A_171 = arith.constant 0 : i32
        %cond3A_172 = arith.cmpi ne, %convert_element_type3A_170, %cond3A_171 : i32
        scf.if %cond3A_172 {
          %add3A_173 = arith.constant 1 : i32
          %add3A_174 = arith.addi %add3A_112, %add3A_173 : i32
          %add3A_175 = arith.constant 2 : i32
          %add3A_176 = arith.addi %add3A_174, %add3A_175 : i32
          %dma_start3A_177 = arith.constant 0 : i32
          %dma_start3A_178 = tpu.memref_slice %arg6[%add3A_176, %dma_start3A_177] : memref<48x128xi32, #tpu.memory_space<vmem>> -> memref<1x128xi32, #tpu.memory_space<vmem>>
          %dma_start3A_179 = tpu.memref_squeeze %dma_start3A_178 : memref<1x128xi32, #tpu.memory_space<vmem>> -> memref<128xi32, #tpu.memory_space<vmem>>
          %dma_start3A_180 = arith.constant 0 : i32
          %dma_start3A_181 = arith.constant 0 : i32
          %dma_start3A_182 = tpu.memref_slice %arg2[%dma_start3A_180, %dma_start3A_181] : memref<10000x128xf32, #tpu.memory_space<hbm>> -> memref<10000x128xf32, #tpu.memory_space<hbm>>
          tpu.enqueue_indirect_dma source(%dma_start3A_182 : memref<10000x128xf32, #tpu.memory_space<hbm>>) target(%arg10 : memref<128x128xf32, #tpu.memory_space<vmem>>) offsets(%dma_start3A_179 : memref<128xi32, #tpu.memory_space<vmem>>) semaphore(%arg12 : memref<!tpu.dma_semaphore, #tpu.memory_space<semaphore_mem>>)
        } else {
        }
      }
      %scan3A_105 = arith.constant 4 : i32
      %add3A_106 = arith.constant 8 : i32
      %add3A_107 = arith.addi %add3A_86, %add3A_106 : i32
    } else {
    }
    %eq3A_17 = arith.constant 1 : i32
    %eq3A_18 = arith.cmpi eq, %arg0, %eq3A_17 : i32
    %convert_element_type3A_19 = arith.extui %eq3A_18 : i1 to i32
    %cond3A_20 = arith.constant 0 : i32
    %cond3A_21 = arith.cmpi ne, %convert_element_type3A_19, %cond3A_20 : i32
    scf.if %cond3A_21 {
      %mul3A_23 = arith.constant 8 : i32
      %mul3A_24 = arith.muli %arg1, %mul3A_23 : i32
      %add3A_25 = arith.constant 2432 : i32
      %add3A_26 = arith.addi %add3A_25, %mul3A_24 : i32
      "tpu.region"() ({
        %run_scoped3A = tpu.sem_alloc : memref<!tpu.dma_semaphore, #tpu.memory_space<semaphore_mem>>
        %dma_start3A_47 = arith.constant 0 : i32
        %dma_start3A_48 = arith.constant 0 : i32
        %dma_start3A_49 = tpu.memref_slice %arg6[%dma_start3A_47, %dma_start3A_48] : memref<48x128xi32, #tpu.memory_space<vmem>> -> memref<8x128xi32, #tpu.memory_space<vmem>>
        %dma_start3A_50 = arith.constant 0 : i32
        %dma_start3A_51 = tpu.memref_slice %arg3[%add3A_26, %dma_start3A_50] : memref<2560x128xi32, #tpu.memory_space<hbm>> -> memref<8x128xi32, #tpu.memory_space<hbm>>
        %dma_start3A_52 = arith.constant 0 : i32
        %dma_start3A_53 = arith.constant 0 : i32
        %dma_start3A_54 = tpu.memref_slice %arg6[%dma_start3A_52, %dma_start3A_53] : memref<48x128xi32, #tpu.memory_space<vmem>> -> memref<8x128xi32, #tpu.memory_space<vmem>>
        %dma_start3A_55 = arith.constant 0 : i32
        %dma_start3A_56 = tpu.memref_slice %arg3[%add3A_26, %dma_start3A_55] : memref<2560x128xi32, #tpu.memory_space<hbm>> -> memref<8x128xi32, #tpu.memory_space<hbm>>
        tpu.enqueue_dma source(%dma_start3A_56 : memref<8x128xi32, #tpu.memory_space<hbm>>) target(%dma_start3A_54 : memref<8x128xi32, #tpu.memory_space<vmem>>) target_semaphore(%run_scoped3A : memref<!tpu.dma_semaphore, #tpu.memory_space<semaphore_mem>>)
        %dma_wait3A = arith.constant 0 : i32
        %dma_wait3A_57 = arith.constant 0 : i32
        %dma_wait3A_58 = tpu.memref_slice %arg6[%dma_wait3A, %dma_wait3A_57] : memref<48x128xi32, #tpu.memory_space<vmem>> -> memref<8x128xi32, #tpu.memory_space<vmem>>
        %dma_wait3A_59 = arith.constant 0 : i32
        %dma_wait3A_60 = tpu.memref_slice %arg3[%add3A_26, %dma_wait3A_59] : memref<2560x128xi32, #tpu.memory_space<hbm>> -> memref<8x128xi32, #tpu.memory_space<hbm>>
        %dma_wait3A_61 = arith.constant 0 : i32
        %dma_wait3A_62 = arith.constant 0 : i32
        %dma_wait3A_63 = tpu.memref_slice %arg6[%dma_wait3A_61, %dma_wait3A_62] : memref<48x128xi32, #tpu.memory_space<vmem>> -> memref<8x128xi32, #tpu.memory_space<vmem>>
        %dma_wait3A_64 = arith.constant 0 : i32
        %dma_wait3A_65 = tpu.memref_slice %arg3[%add3A_26, %dma_wait3A_64] : memref<2560x128xi32, #tpu.memory_space<hbm>> -> memref<8x128xi32, #tpu.memory_space<hbm>>
        tpu.wait_dma2 semaphore(%run_scoped3A : memref<!tpu.dma_semaphore, #tpu.memory_space<semaphore_mem>>) src(%dma_wait3A_65 : memref<8x128xi32, #tpu.memory_space<hbm>>) dst(%dma_wait3A_63 : memref<8x128xi32, #tpu.memory_space<vmem>>)
        tpu.yield
      }) : () -> ()
      "tpu.region"() ({
        %run_scoped3A = tpu.sem_alloc : memref<!tpu.dma_semaphore, #tpu.memory_space<semaphore_mem>>
        %dma_start3A_47 = arith.constant 0 : i32
        %dma_start3A_48 = arith.constant 0 : i32
        %dma_start3A_49 = tpu.memref_slice %arg7[%dma_start3A_47, %dma_start3A_48] : memref<48x128xi32, #tpu.memory_space<vmem>> -> memref<8x128xi32, #tpu.memory_space<vmem>>
        %dma_start3A_50 = arith.constant 0 : i32
        %dma_start3A_51 = tpu.memref_slice %arg4[%add3A_26, %dma_start3A_50] : memref<2560x128xi32, #tpu.memory_space<hbm>> -> memref<8x128xi32, #tpu.memory_space<hbm>>
        %dma_start3A_52 = arith.constant 0 : i32
        %dma_start3A_53 = arith.constant 0 : i32
        %dma_start3A_54 = tpu.memref_slice %arg7[%dma_start3A_52, %dma_start3A_53] : memref<48x128xi32, #tpu.memory_space<vmem>> -> memref<8x128xi32, #tpu.memory_space<vmem>>
        %dma_start3A_55 = arith.constant 0 : i32
        %dma_start3A_56 = tpu.memref_slice %arg4[%add3A_26, %dma_start3A_55] : memref<2560x128xi32, #tpu.memory_space<hbm>> -> memref<8x128xi32, #tpu.memory_space<hbm>>
        tpu.enqueue_dma source(%dma_start3A_56 : memref<8x128xi32, #tpu.memory_space<hbm>>) target(%dma_start3A_54 : memref<8x128xi32, #tpu.memory_space<vmem>>) target_semaphore(%run_scoped3A : memref<!tpu.dma_semaphore, #tpu.memory_space<semaphore_mem>>)
        %dma_wait3A = arith.constant 0 : i32
        %dma_wait3A_57 = arith.constant 0 : i32
        %dma_wait3A_58 = tpu.memref_slice %arg7[%dma_wait3A, %dma_wait3A_57] : memref<48x128xi32, #tpu.memory_space<vmem>> -> memref<8x128xi32, #tpu.memory_space<vmem>>
        %dma_wait3A_59 = arith.constant 0 : i32
        %dma_wait3A_60 = tpu.memref_slice %arg4[%add3A_26, %dma_wait3A_59] : memref<2560x128xi32, #tpu.memory_space<hbm>> -> memref<8x128xi32, #tpu.memory_space<hbm>>
        %dma_wait3A_61 = arith.constant 0 : i32
        %dma_wait3A_62 = arith.constant 0 : i32
        %dma_wait3A_63 = tpu.memref_slice %arg7[%dma_wait3A_61, %dma_wait3A_62] : memref<48x128xi32, #tpu.memory_space<vmem>> -> memref<8x128xi32, #tpu.memory_space<vmem>>
        %dma_wait3A_64 = arith.constant 0 : i32
        %dma_wait3A_65 = tpu.memref_slice %arg4[%add3A_26, %dma_wait3A_64] : memref<2560x128xi32, #tpu.memory_space<hbm>> -> memref<8x128xi32, #tpu.memory_space<hbm>>
        tpu.wait_dma2 semaphore(%run_scoped3A : memref<!tpu.dma_semaphore, #tpu.memory_space<semaphore_mem>>) src(%dma_wait3A_65 : memref<8x128xi32, #tpu.memory_space<hbm>>) dst(%dma_wait3A_63 : memref<8x128xi32, #tpu.memory_space<vmem>>)
        tpu.yield
      }) : () -> ()
      %dma_start3A = arith.constant 0 : i32
      %dma_start3A_27 = arith.constant 0 : i32
      %dma_start3A_28 = tpu.memref_slice %arg6[%dma_start3A, %dma_start3A_27] : memref<48x128xi32, #tpu.memory_space<vmem>> -> memref<1x128xi32, #tpu.memory_space<vmem>>
      %dma_start3A_29 = tpu.memref_squeeze %dma_start3A_28 : memref<1x128xi32, #tpu.memory_space<vmem>> -> memref<128xi32, #tpu.memory_space<vmem>>
      %dma_start3A_30 = arith.constant 0 : i32
      %dma_start3A_31 = arith.constant 0 : i32
      %dma_start3A_32 = tpu.memref_slice %arg2[%dma_start3A_30, %dma_start3A_31] : memref<10000x128xf32, #tpu.memory_space<hbm>> -> memref<10000x128xf32, #tpu.memory_space<hbm>>
      tpu.enqueue_indirect_dma source(%dma_start3A_32 : memref<10000x128xf32, #tpu.memory_space<hbm>>) target(%arg9 : memref<128x128xf32, #tpu.memory_space<vmem>>) offsets(%dma_start3A_29 : memref<128xi32, #tpu.memory_space<vmem>>) semaphore(%arg11 : memref<!tpu.dma_semaphore, #tpu.memory_space<semaphore_mem>>)
      %dma_start3A_33 = arith.constant 1 : i32
      %dma_start3A_34 = arith.constant 0 : i32
      %dma_start3A_35 = tpu.memref_slice %arg6[%dma_start3A_33, %dma_start3A_34] : memref<48x128xi32, #tpu.memory_space<vmem>> -> memref<1x128xi32, #tpu.memory_space<vmem>>
      %dma_start3A_36 = tpu.memref_squeeze %dma_start3A_35 : memref<1x128xi32, #tpu.memory_space<vmem>> -> memref<128xi32, #tpu.memory_space<vmem>>
      %dma_start3A_37 = arith.constant 0 : i32
      %dma_start3A_38 = arith.constant 0 : i32
      %dma_start3A_39 = tpu.memref_slice %arg2[%dma_start3A_37, %dma_start3A_38] : memref<10000x128xf32, #tpu.memory_space<hbm>> -> memref<10000x128xf32, #tpu.memory_space<hbm>>
      tpu.enqueue_indirect_dma source(%dma_start3A_39 : memref<10000x128xf32, #tpu.memory_space<hbm>>) target(%arg10 : memref<128x128xf32, #tpu.memory_space<vmem>>) offsets(%dma_start3A_36 : memref<128xi32, #tpu.memory_space<vmem>>) semaphore(%arg12 : memref<!tpu.dma_semaphore, #tpu.memory_space<semaphore_mem>>)
      %scan3A_40 = arith.constant 0 : i32
      %scan3A_41 = arith.constant 4 : i32
      %scan3A_42 = arith.addi %scan3A_40, %scan3A_41 : i32
      %scan3A_43 = arith.constant 1 : i32
      scf.for %scan3A_47 = %scan3A_40 to %scan3A_42 step %scan3A_43  : i32 {
        %mul3A_48 = arith.constant 2 : i32
        %mul3A_49 = arith.muli %scan3A_47, %mul3A_48 : i32
        %add3A_50 = arith.constant 0 : i32
        %add3A_51 = arith.addi %add3A_50, %mul3A_49 : i32
        %add3A_52 = arith.constant 0 : i32
        %add3A_53 = arith.addi %add3A_51, %add3A_52 : i32
        %dma_wait3A = arith.constant 0 : i32
        %dma_wait3A_54 = tpu.memref_slice %arg6[%add3A_53, %dma_wait3A] : memref<48x128xi32, #tpu.memory_space<vmem>> -> memref<1x128xi32, #tpu.memory_space<vmem>>
        %dma_wait3A_55 = tpu.memref_squeeze %dma_wait3A_54 : memref<1x128xi32, #tpu.memory_space<vmem>> -> memref<128xi32, #tpu.memory_space<vmem>>
        %dma_wait3A_56 = arith.constant 0 : i32
        %dma_wait3A_57 = arith.constant 0 : i32
        %dma_wait3A_58 = tpu.memref_slice %arg2[%dma_wait3A_56, %dma_wait3A_57] : memref<10000x128xf32, #tpu.memory_space<hbm>> -> memref<10000x128xf32, #tpu.memory_space<hbm>>
        tpu.wait_indirect_dma semaphore(%arg11 : memref<!tpu.dma_semaphore, #tpu.memory_space<semaphore_mem>>) src(%dma_wait3A_58 : memref<10000x128xf32, #tpu.memory_space<hbm>>) dst(%arg9 : memref<128x128xf32, #tpu.memory_space<vmem>>)
        %add3A_59 = arith.constant 0 : i32
        %add3A_60 = arith.addi %add3A_51, %add3A_59 : i32
        %dma_start3A_61 = arith.constant 0 : i32
        %dma_start3A_62 = tpu.memref_slice %arg7[%add3A_60, %dma_start3A_61] : memref<48x128xi32, #tpu.memory_space<vmem>> -> memref<1x128xi32, #tpu.memory_space<vmem>>
        %dma_start3A_63 = tpu.memref_squeeze %dma_start3A_62 : memref<1x128xi32, #tpu.memory_space<vmem>> -> memref<128xi32, #tpu.memory_space<vmem>>
        %dma_start3A_64 = arith.constant 0 : i32
        %dma_start3A_65 = arith.constant 0 : i32
        %dma_start3A_66 = tpu.memref_slice %arg8[%dma_start3A_64, %dma_start3A_65] : memref<10112x128xf32, #tpu.memory_space<vmem_shared>> -> memref<10112x128xf32, #tpu.memory_space<vmem_shared>>
        tpu.enqueue_indirect_dma source(%arg9 : memref<128x128xf32, #tpu.memory_space<vmem>>) target(%dma_start3A_66 : memref<10112x128xf32, #tpu.memory_space<vmem_shared>>) offsets(%dma_start3A_63 : memref<128xi32, #tpu.memory_space<vmem>>) semaphore(%arg13 : memref<!tpu.dma_semaphore, #tpu.memory_space<semaphore_mem>>) {add = true}
        %add3A_67 = arith.constant 1 : i32
        %add3A_68 = arith.addi %add3A_51, %add3A_67 : i32
        %dma_wait3A_69 = arith.constant 0 : i32
        %dma_wait3A_70 = tpu.memref_slice %arg6[%add3A_68, %dma_wait3A_69] : memref<48x128xi32, #tpu.memory_space<vmem>> -> memref<1x128xi32, #tpu.memory_space<vmem>>
        %dma_wait3A_71 = tpu.memref_squeeze %dma_wait3A_70 : memref<1x128xi32, #tpu.memory_space<vmem>> -> memref<128xi32, #tpu.memory_space<vmem>>
        %dma_wait3A_72 = arith.constant 0 : i32
        %dma_wait3A_73 = arith.constant 0 : i32
        %dma_wait3A_74 = tpu.memref_slice %arg2[%dma_wait3A_72, %dma_wait3A_73] : memref<10000x128xf32, #tpu.memory_space<hbm>> -> memref<10000x128xf32, #tpu.memory_space<hbm>>
        tpu.wait_indirect_dma semaphore(%arg12 : memref<!tpu.dma_semaphore, #tpu.memory_space<semaphore_mem>>) src(%dma_wait3A_74 : memref<10000x128xf32, #tpu.memory_space<hbm>>) dst(%arg10 : memref<128x128xf32, #tpu.memory_space<vmem>>)
        %add3A_75 = arith.constant 1 : i32
        %add3A_76 = arith.addi %add3A_51, %add3A_75 : i32
        %dma_start3A_77 = arith.constant 0 : i32
        %dma_start3A_78 = tpu.memref_slice %arg7[%add3A_76, %dma_start3A_77] : memref<48x128xi32, #tpu.memory_space<vmem>> -> memref<1x128xi32, #tpu.memory_space<vmem>>
        %dma_start3A_79 = tpu.memref_squeeze %dma_start3A_78 : memref<1x128xi32, #tpu.memory_space<vmem>> -> memref<128xi32, #tpu.memory_space<vmem>>
        %dma_start3A_80 = arith.constant 0 : i32
        %dma_start3A_81 = arith.constant 0 : i32
        %dma_start3A_82 = tpu.memref_slice %arg8[%dma_start3A_80, %dma_start3A_81] : memref<10112x128xf32, #tpu.memory_space<vmem_shared>> -> memref<10112x128xf32, #tpu.memory_space<vmem_shared>>
        tpu.enqueue_indirect_dma source(%arg10 : memref<128x128xf32, #tpu.memory_space<vmem>>) target(%dma_start3A_82 : memref<10112x128xf32, #tpu.memory_space<vmem_shared>>) offsets(%dma_start3A_79 : memref<128xi32, #tpu.memory_space<vmem>>) semaphore(%arg14 : memref<!tpu.dma_semaphore, #tpu.memory_space<semaphore_mem>>) {add = true}
        %dma_wait3A_83 = arith.constant 0 : i32
        %dma_wait3A_84 = tpu.memref_slice %arg7[%add3A_60, %dma_wait3A_83] : memref<48x128xi32, #tpu.memory_space<vmem>> -> memref<1x128xi32, #tpu.memory_space<vmem>>
        %dma_wait3A_85 = tpu.memref_squeeze %dma_wait3A_84 : memref<1x128xi32, #tpu.memory_space<vmem>> -> memref<128xi32, #tpu.memory_space<vmem>>
        %dma_wait3A_86 = arith.constant 0 : i32
        %dma_wait3A_87 = arith.constant 0 : i32
        %dma_wait3A_88 = tpu.memref_slice %arg8[%dma_wait3A_86, %dma_wait3A_87] : memref<10112x128xf32, #tpu.memory_space<vmem_shared>> -> memref<10112x128xf32, #tpu.memory_space<vmem_shared>>
        tpu.wait_indirect_dma semaphore(%arg13 : memref<!tpu.dma_semaphore, #tpu.memory_space<semaphore_mem>>) src(%arg9 : memref<128x128xf32, #tpu.memory_space<vmem>>) dst(%dma_wait3A_88 : memref<10112x128xf32, #tpu.memory_space<vmem_shared>>)
        %add3A_89 = arith.constant 0 : i32
        %add3A_90 = arith.addi %add3A_51, %add3A_89 : i32
        %add3A_91 = arith.constant 2 : i32
        %add3A_92 = arith.addi %add3A_90, %add3A_91 : i32
        %lt3A = arith.constant 8 : i32
        %lt3A_93 = arith.cmpi slt, %add3A_92, %lt3A : i32
        %convert_element_type3A_94 = arith.extui %lt3A_93 : i1 to i32
        %cond3A_95 = arith.constant 0 : i32
        %cond3A_96 = arith.cmpi ne, %convert_element_type3A_94, %cond3A_95 : i32
        scf.if %cond3A_96 {
          %add3A_112 = arith.constant 0 : i32
          %add3A_113 = arith.addi %add3A_51, %add3A_112 : i32
          %add3A_114 = arith.constant 2 : i32
          %add3A_115 = arith.addi %add3A_113, %add3A_114 : i32
          %dma_start3A_116 = arith.constant 0 : i32
          %dma_start3A_117 = tpu.memref_slice %arg6[%add3A_115, %dma_start3A_116] : memref<48x128xi32, #tpu.memory_space<vmem>> -> memref<1x128xi32, #tpu.memory_space<vmem>>
          %dma_start3A_118 = tpu.memref_squeeze %dma_start3A_117 : memref<1x128xi32, #tpu.memory_space<vmem>> -> memref<128xi32, #tpu.memory_space<vmem>>
          %dma_start3A_119 = arith.constant 0 : i32
          %dma_start3A_120 = arith.constant 0 : i32
          %dma_start3A_121 = tpu.memref_slice %arg2[%dma_start3A_119, %dma_start3A_120] : memref<10000x128xf32, #tpu.memory_space<hbm>> -> memref<10000x128xf32, #tpu.memory_space<hbm>>
          tpu.enqueue_indirect_dma source(%dma_start3A_121 : memref<10000x128xf32, #tpu.memory_space<hbm>>) target(%arg9 : memref<128x128xf32, #tpu.memory_space<vmem>>) offsets(%dma_start3A_118 : memref<128xi32, #tpu.memory_space<vmem>>) semaphore(%arg11 : memref<!tpu.dma_semaphore, #tpu.memory_space<semaphore_mem>>)
        } else {
        }
        %dma_wait3A_97 = arith.constant 0 : i32
        %dma_wait3A_98 = tpu.memref_slice %arg7[%add3A_76, %dma_wait3A_97] : memref<48x128xi32, #tpu.memory_space<vmem>> -> memref<1x128xi32, #tpu.memory_space<vmem>>
        %dma_wait3A_99 = tpu.memref_squeeze %dma_wait3A_98 : memref<1x128xi32, #tpu.memory_space<vmem>> -> memref<128xi32, #tpu.memory_space<vmem>>
        %dma_wait3A_100 = arith.constant 0 : i32
        %dma_wait3A_101 = arith.constant 0 : i32
        %dma_wait3A_102 = tpu.memref_slice %arg8[%dma_wait3A_100, %dma_wait3A_101] : memref<10112x128xf32, #tpu.memory_space<vmem_shared>> -> memref<10112x128xf32, #tpu.memory_space<vmem_shared>>
        tpu.wait_indirect_dma semaphore(%arg14 : memref<!tpu.dma_semaphore, #tpu.memory_space<semaphore_mem>>) src(%arg10 : memref<128x128xf32, #tpu.memory_space<vmem>>) dst(%dma_wait3A_102 : memref<10112x128xf32, #tpu.memory_space<vmem_shared>>)
        %add3A_103 = arith.constant 1 : i32
        %add3A_104 = arith.addi %add3A_51, %add3A_103 : i32
        %add3A_105 = arith.constant 2 : i32
        %add3A_106 = arith.addi %add3A_104, %add3A_105 : i32
        %lt3A_107 = arith.constant 8 : i32
        %lt3A_108 = arith.cmpi slt, %add3A_106, %lt3A_107 : i32
        %convert_element_type3A_109 = arith.extui %lt3A_108 : i1 to i32
        %cond3A_110 = arith.constant 0 : i32
        %cond3A_111 = arith.cmpi ne, %convert_element_type3A_109, %cond3A_110 : i32
        scf.if %cond3A_111 {
          %add3A_112 = arith.constant 1 : i32
          %add3A_113 = arith.addi %add3A_51, %add3A_112 : i32
          %add3A_114 = arith.constant 2 : i32
          %add3A_115 = arith.addi %add3A_113, %add3A_114 : i32
          %dma_start3A_116 = arith.constant 0 : i32
          %dma_start3A_117 = tpu.memref_slice %arg6[%add3A_115, %dma_start3A_116] : memref<48x128xi32, #tpu.memory_space<vmem>> -> memref<1x128xi32, #tpu.memory_space<vmem>>
          %dma_start3A_118 = tpu.memref_squeeze %dma_start3A_117 : memref<1x128xi32, #tpu.memory_space<vmem>> -> memref<128xi32, #tpu.memory_space<vmem>>
          %dma_start3A_119 = arith.constant 0 : i32
          %dma_start3A_120 = arith.constant 0 : i32
          %dma_start3A_121 = tpu.memref_slice %arg2[%dma_start3A_119, %dma_start3A_120] : memref<10000x128xf32, #tpu.memory_space<hbm>> -> memref<10000x128xf32, #tpu.memory_space<hbm>>
          tpu.enqueue_indirect_dma source(%dma_start3A_121 : memref<10000x128xf32, #tpu.memory_space<hbm>>) target(%arg10 : memref<128x128xf32, #tpu.memory_space<vmem>>) offsets(%dma_start3A_118 : memref<128xi32, #tpu.memory_space<vmem>>) semaphore(%arg12 : memref<!tpu.dma_semaphore, #tpu.memory_space<semaphore_mem>>)
        } else {
        }
      }
      %scan3A_44 = arith.constant 4 : i32
      %add3A_45 = arith.constant 8 : i32
      %add3A_46 = arith.addi %add3A_26, %add3A_45 : i32
    } else {
    }
    %barrier3A_22 = arith.constant 0 : index
    tpu.barrier barrier_id(%barrier3A_22)
    "tpu.region"() ({
      %run_scoped3A = tpu.sem_alloc : memref<!tpu.dma_semaphore, #tpu.memory_space<semaphore_mem>>
      %dma_start3A = arith.constant 0 : i32
      %dma_start3A_23 = arith.constant 0 : i32
      %dma_start3A_24 = tpu.memref_slice %arg5[%arg0, %dma_start3A, %dma_start3A_23] : memref<2x10112x128xf32, #tpu.memory_space<hbm>> -> memref<1x10112x128xf32, #tpu.memory_space<hbm>>
      %dma_start3A_25 = tpu.memref_squeeze %dma_start3A_24 : memref<1x10112x128xf32, #tpu.memory_space<hbm>> -> memref<10112x128xf32, #tpu.memory_space<hbm>>
      %dma_start3A_26 = arith.constant 0 : i32
      %dma_start3A_27 = tpu.memref_slice %dma_start3A_25[%mul3A_0, %dma_start3A_26] : memref<10112x128xf32, #tpu.memory_space<hbm>> -> memref<632x128xf32, #tpu.memory_space<hbm>>
      %dma_start3A_28 = arith.constant 0 : i32
      %dma_start3A_29 = tpu.memref_slice %arg8[%mul3A_0, %dma_start3A_28] : memref<10112x128xf32, #tpu.memory_space<vmem_shared>> -> memref<632x128xf32, #tpu.memory_space<vmem_shared>>
      tpu.enqueue_dma source(%dma_start3A_29 : memref<632x128xf32, #tpu.memory_space<vmem_shared>>) target(%dma_start3A_27 : memref<632x128xf32, #tpu.memory_space<hbm>>) target_semaphore(%run_scoped3A : memref<!tpu.dma_semaphore, #tpu.memory_space<semaphore_mem>>)
      %dma_wait3A = arith.constant 0 : i32
      %dma_wait3A_30 = arith.constant 0 : i32
      %dma_wait3A_31 = tpu.memref_slice %arg5[%arg0, %dma_wait3A, %dma_wait3A_30] : memref<2x10112x128xf32, #tpu.memory_space<hbm>> -> memref<1x10112x128xf32, #tpu.memory_space<hbm>>
      %dma_wait3A_32 = tpu.memref_squeeze %dma_wait3A_31 : memref<1x10112x128xf32, #tpu.memory_space<hbm>> -> memref<10112x128xf32, #tpu.memory_space<hbm>>
      %dma_wait3A_33 = arith.constant 0 : i32
      %dma_wait3A_34 = tpu.memref_slice %dma_wait3A_32[%mul3A_0, %dma_wait3A_33] : memref<10112x128xf32, #tpu.memory_space<hbm>> -> memref<632x128xf32, #tpu.memory_space<hbm>>
      %dma_wait3A_35 = arith.constant 0 : i32
      %dma_wait3A_36 = tpu.memref_slice %arg8[%mul3A_0, %dma_wait3A_35] : memref<10112x128xf32, #tpu.memory_space<vmem_shared>> -> memref<632x128xf32, #tpu.memory_space<vmem_shared>>
      tpu.wait_dma2 semaphore(%run_scoped3A : memref<!tpu.dma_semaphore, #tpu.memory_space<semaphore_mem>>) src(%dma_wait3A_36 : memref<632x128xf32, #tpu.memory_space<vmem_shared>>) dst(%dma_wait3A_34 : memref<632x128xf32, #tpu.memory_space<hbm>>)
      tpu.yield
    }) : () -> ()
    return
  }
}

module attributes {stable_mosaic.version = 14 : i64} {
  func.func @_mm1_body(%arg0: memref<10000x128xf32, #tpu.memory_space<vmem>>, %arg1: memref<128x64xf32, #tpu.memory_space<vmem>>, %arg2: memref<10000x64xf32, #tpu.memory_space<vmem>>) attributes {dimension_semantics = [], scalar_prefetch = 0 : i64, scratch_operands = 0 : i64, tpu.core_type = #tpu.core_type<tc>} {
    %get3A = arith.constant 0 : index
    %get3A_0 = arith.constant 0 : index
    %get3A_1 = vector.load %arg0[%get3A, %get3A_0] : memref<10000x128xf32, #tpu.memory_space<vmem>>, vector<10000x128xf32>
    %get3A_2 = arith.constant 0 : index
    %get3A_3 = arith.constant 0 : index
    %get3A_4 = vector.load %arg1[%get3A_2, %get3A_3] : memref<128x64xf32, #tpu.memory_space<vmem>>, vector<128x64xf32>
    %dot_general3A = arith.constant dense<0.000000e+00> : vector<10000x64xf32>
    %dot_general3A_5 = tpu.matmul %get3A_1, %get3A_4, %dot_general3A {dimension_numbers = #tpu.dot_dimension_numbers<[1], [0], [0], [1], [0, 0, 1, 1], [], []>, transpose_lhs_hint = false} : vector<10000x128xf32>, vector<128x64xf32>, vector<10000x64xf32> -> vector<10000x64xf32>
    %swap3A = arith.constant 0 : index
    %swap3A_6 = arith.constant 0 : index
    %swap3A_7 = vector.load %arg2[%swap3A, %swap3A_6] : memref<10000x64xf32, #tpu.memory_space<vmem>>, vector<10000x64xf32>
    tpu.vector_store %arg2[%swap3A, %swap3A_6], %dot_general3A_5 {strides = array<i32>} : memref<10000x64xf32, #tpu.memory_space<vmem>>, vector<10000x64xf32>,
    return
  }
}

module attributes {stable_mosaic.version = 14 : i64} {
  func.func @_scale_body(%arg0: memref<10000x64xf32, #tpu.memory_space<vmem>>, %arg1: memref<32x2x16x5120xf32, #tpu.memory_space<vmem>>, %arg2: memref<10000x128xf32, #tpu.memory_space<vmem>>, %arg3: memref<10000x1xf32, #tpu.memory_space<vmem>>, %arg4: memref<64x1xf32, #tpu.memory_space<vmem>>) attributes {dimension_semantics = [], scalar_prefetch = 0 : i64, scratch_operands = 0 : i64, tpu.core_type = #tpu.core_type<tc>} {
    %get3A = arith.constant 0 : index
    %get3A_0 = arith.constant 0 : index
    %get3A_1 = arith.constant 0 : index
    %get3A_2 = arith.constant 0 : index
    %get3A_3 = vector.load %arg1[%get3A, %get3A_0, %get3A_1, %get3A_2] : memref<32x2x16x5120xf32, #tpu.memory_space<vmem>>, vector<32x2x16x5120xf32>
    %reduce_sum3A = arith.constant dense<0.000000e+00> : vector<2x16x5120xf32>
    %reduce_sum3A_4 = vector.multi_reduction <add>, %get3A_3, %reduce_sum3A [0] : vector<32x2x16x5120xf32> to vector<2x16x5120xf32>
    %broadcast_in_dim3A = arith.constant 1.000000e+00 : f32
    %broadcast_in_dim3A_5 = vector.broadcast %broadcast_in_dim3A : f32 to vector<16x1xf32>
    %slice3A = vector.extract_strided_slice %reduce_sum3A_4 {offsets = [0, 0, 0], sizes = [1, 16, 5120], strides = [1, 1, 1]} : vector<2x16x5120xf32> to vector<1x16x5120xf32>
    %squeeze3A = vector.shape_cast %slice3A : vector<1x16x5120xf32> to vector<16x5120xf32>
    %dot_general3A = arith.constant dense<0.000000e+00> : vector<5120x1xf32>
    %dot_general3A_6 = tpu.matmul %squeeze3A, %broadcast_in_dim3A_5, %dot_general3A {dimension_numbers = #tpu.dot_dimension_numbers<[0], [0], [1], [1], [0, 1, 1, 1], [], []>, transpose_lhs_hint = false} : vector<16x5120xf32>, vector<16x1xf32>, vector<5120x1xf32> -> vector<5120x1xf32>
    %slice3A_7 = vector.extract_strided_slice %reduce_sum3A_4 {offsets = [1, 0, 0], sizes = [1, 16, 5120], strides = [1, 1, 1]} : vector<2x16x5120xf32> to vector<1x16x5120xf32>
    %squeeze3A_8 = vector.shape_cast %slice3A_7 : vector<1x16x5120xf32> to vector<16x5120xf32>
    %dot_general3A_9 = arith.constant dense<0.000000e+00> : vector<5120x1xf32>
    %dot_general3A_10 = tpu.matmul %squeeze3A_8, %broadcast_in_dim3A_5, %dot_general3A_9 {dimension_numbers = #tpu.dot_dimension_numbers<[0], [0], [1], [1], [0, 1, 1, 1], [], []>, transpose_lhs_hint = false} : vector<16x5120xf32>, vector<16x1xf32>, vector<5120x1xf32> -> vector<5120x1xf32>
    %concatenate3A = tpu.concatenate %dot_general3A_6, %dot_general3A_10 in 0 : vector<5120x1xf32>, vector<5120x1xf32> -> vector<10240x1xf32>
    %slice3A_11 = vector.extract_strided_slice %concatenate3A {offsets = [0, 0], sizes = [10000, 1], strides = [1, 1]} : vector<10240x1xf32> to vector<10000x1xf32>
    %add3A = arith.constant 1.000000e+00 : f32
    %add3A_12 = vector.broadcast %add3A : f32 to vector<10000x1xf32>
    %add3A_13 = arith.addf %add3A_12, %slice3A_11 : vector<10000x1xf32>
    %rsqrt3A = math.rsqrt %add3A_13 : vector<10000x1xf32>
    %swap3A = arith.constant 0 : index
    %swap3A_14 = arith.constant 0 : index
    %swap3A_15 = vector.load %arg3[%swap3A, %swap3A_14] : memref<10000x1xf32, #tpu.memory_space<vmem>>, vector<10000x1xf32>
    tpu.vector_store %arg3[%swap3A, %swap3A_14], %rsqrt3A {strides = array<i32>} : memref<10000x1xf32, #tpu.memory_space<vmem>>, vector<10000x1xf32>,
    %slice3A_16 = vector.extract_strided_slice %concatenate3A {offsets = [10112, 0], sizes = [64, 1], strides = [1, 1]} : vector<10240x1xf32> to vector<64x1xf32>
    %swap3A_17 = arith.constant 0 : index
    %swap3A_18 = arith.constant 0 : index
    %swap3A_19 = vector.load %arg4[%swap3A_17, %swap3A_18] : memref<64x1xf32, #tpu.memory_space<vmem>>, vector<64x1xf32>
    tpu.vector_store %arg4[%swap3A_17, %swap3A_18], %slice3A_16 {strides = array<i32>} : memref<64x1xf32, #tpu.memory_space<vmem>>, vector<64x1xf32>,
    %get3A_20 = arith.constant 0 : index
    %get3A_21 = arith.constant 0 : index
    %get3A_22 = vector.load %arg0[%get3A_20, %get3A_21] : memref<10000x64xf32, #tpu.memory_space<vmem>>, vector<10000x64xf32>
    %mul3A = vector.broadcast %rsqrt3A : vector<10000x1xf32> to vector<10000x64xf32>
    %mul3A_23 = arith.mulf %get3A_22, %mul3A : vector<10000x64xf32>
    %broadcast_in_dim3A_24 = arith.constant 0.000000e+00 : f32
    %broadcast_in_dim3A_25 = vector.broadcast %broadcast_in_dim3A_24 : f32 to vector<10000x64xf32>
    %concatenate3A_26 = tpu.concatenate %mul3A_23, %broadcast_in_dim3A_25 in 1 : vector<10000x64xf32>, vector<10000x64xf32> -> vector<10000x128xf32>
    %swap3A_27 = arith.constant 0 : index
    %swap3A_28 = arith.constant 0 : index
    %swap3A_29 = vector.load %arg2[%swap3A_27, %swap3A_28] : memref<10000x128xf32, #tpu.memory_space<vmem>>, vector<10000x128xf32>
    tpu.vector_store %arg2[%swap3A_27, %swap3A_28], %concatenate3A_26 {strides = array<i32>} : memref<10000x128xf32, #tpu.memory_space<vmem>>, vector<10000x128xf32>,
    return
  }
}

module attributes {stable_mosaic.version = 14 : i64} {
  func.func @_layer_body(%arg0: memref<2x10112x128xf32, #tpu.memory_space<vmem>>, %arg1: memref<10000x128xf32, #tpu.memory_space<vmem>>, %arg2: memref<10000x1xf32, #tpu.memory_space<vmem>>, %arg3: memref<1x64xf32, #tpu.memory_space<vmem>>, %arg4: memref<64x128xf32, #tpu.memory_space<vmem>>, %arg5: memref<10000x128xf32, #tpu.memory_space<vmem>>) attributes {dimension_semantics = [], scalar_prefetch = 0 : i64, scratch_operands = 0 : i64, tpu.core_type = #tpu.core_type<tc>} {
    %get3A = arith.constant 0 : index
    %get3A_0 = arith.constant 0 : index
    %get3A_1 = arith.constant 0 : index
    %get3A_2 = vector.load %arg0[%get3A, %get3A_0, %get3A_1] : memref<2x10112x128xf32, #tpu.memory_space<vmem>>, vector<2x10112x128xf32>
    %slice3A = vector.extract_strided_slice %get3A_2 {offsets = [0, 0, 0], sizes = [1, 10000, 64], strides = [1, 1, 1]} : vector<2x10112x128xf32> to vector<1x10000x64xf32>
    %squeeze3A = vector.shape_cast %slice3A : vector<1x10000x64xf32> to vector<10000x64xf32>
    %slice3A_3 = vector.extract_strided_slice %get3A_2 {offsets = [1, 0, 0], sizes = [1, 10000, 64], strides = [1, 1, 1]} : vector<2x10112x128xf32> to vector<1x10000x64xf32>
    %squeeze3A_4 = vector.shape_cast %slice3A_3 : vector<1x10000x64xf32> to vector<10000x64xf32>
    %add3A = arith.addf %squeeze3A, %squeeze3A_4 : vector<10000x64xf32>
    %get3A_5 = arith.constant 0 : index
    %get3A_6 = arith.constant 0 : index
    %get3A_7 = vector.load %arg1[%get3A_5, %get3A_6] : memref<10000x128xf32, #tpu.memory_space<vmem>>, vector<10000x64xf32>
    %add3A_8 = arith.addf %add3A, %get3A_7 : vector<10000x64xf32>
    %get3A_9 = arith.constant 0 : index
    %get3A_10 = arith.constant 0 : index
    %get3A_11 = vector.load %arg2[%get3A_9, %get3A_10] : memref<10000x1xf32, #tpu.memory_space<vmem>>, vector<10000x1xf32>
    %mul3A = vector.broadcast %get3A_11 : vector<10000x1xf32> to vector<10000x64xf32>
    %mul3A_12 = arith.mulf %mul3A, %add3A_8 : vector<10000x64xf32>
    %get3A_13 = arith.constant 0 : index
    %get3A_14 = arith.constant 0 : index
    %get3A_15 = vector.load %arg3[%get3A_13, %get3A_14] : memref<1x64xf32, #tpu.memory_space<vmem>>, vector<1x64xf32>
    %add3A_16 = vector.broadcast %get3A_15 : vector<1x64xf32> to vector<10000x64xf32>
    %add3A_17 = arith.addf %mul3A_12, %add3A_16 : vector<10000x64xf32>
    %max3A = arith.constant 0.000000e+00 : f32
    %max3A_18 = vector.broadcast %max3A : f32 to vector<10000x64xf32>
    %max3A_19 = arith.maximumf %add3A_17, %max3A_18 : vector<10000x64xf32>
    %get3A_20 = arith.constant 0 : index
    %get3A_21 = arith.constant 0 : index
    %get3A_22 = vector.load %arg4[%get3A_20, %get3A_21] : memref<64x128xf32, #tpu.memory_space<vmem>>, vector<64x128xf32>
    %dot_general3A = arith.constant dense<0.000000e+00> : vector<10000x128xf32>
    %dot_general3A_23 = tpu.matmul %max3A_19, %get3A_22, %dot_general3A {dimension_numbers = #tpu.dot_dimension_numbers<[1], [0], [0], [1], [0, 0, 1, 1], [], []>, transpose_lhs_hint = false} : vector<10000x64xf32>, vector<64x128xf32>, vector<10000x128xf32> -> vector<10000x128xf32>
    %mul3A_24 = vector.broadcast %get3A_11 : vector<10000x1xf32> to vector<10000x128xf32>
    %mul3A_25 = arith.mulf %dot_general3A_23, %mul3A_24 : vector<10000x128xf32>
    %swap3A = arith.constant 0 : index
    %swap3A_26 = arith.constant 0 : index
    %swap3A_27 = vector.load %arg5[%swap3A, %swap3A_26] : memref<10000x128xf32, #tpu.memory_space<vmem>>, vector<10000x128xf32>
    tpu.vector_store %arg5[%swap3A, %swap3A_26], %mul3A_25 {strides = array<i32>} : memref<10000x128xf32, #tpu.memory_space<vmem>>, vector<10000x128xf32>,
    return
  }
}

module attributes {stable_mosaic.version = 14 : i64} {
  func.func @_layer_body(%arg0: memref<2x10112x128xf32, #tpu.memory_space<vmem>>, %arg1: memref<10000x128xf32, #tpu.memory_space<vmem>>, %arg2: memref<10000x1xf32, #tpu.memory_space<vmem>>, %arg3: memref<1x128xf32, #tpu.memory_space<vmem>>, %arg4: memref<128x128xf32, #tpu.memory_space<vmem>>, %arg5: memref<10000x128xf32, #tpu.memory_space<vmem>>) attributes {dimension_semantics = [], scalar_prefetch = 0 : i64, scratch_operands = 0 : i64, tpu.core_type = #tpu.core_type<tc>} {
    %get3A = arith.constant 0 : index
    %get3A_0 = arith.constant 0 : index
    %get3A_1 = arith.constant 0 : index
    %get3A_2 = vector.load %arg0[%get3A, %get3A_0, %get3A_1] : memref<2x10112x128xf32, #tpu.memory_space<vmem>>, vector<2x10112x128xf32>
    %slice3A = vector.extract_strided_slice %get3A_2 {offsets = [0, 0, 0], sizes = [1, 10000, 128], strides = [1, 1, 1]} : vector<2x10112x128xf32> to vector<1x10000x128xf32>
    %squeeze3A = vector.shape_cast %slice3A : vector<1x10000x128xf32> to vector<10000x128xf32>
    %slice3A_3 = vector.extract_strided_slice %get3A_2 {offsets = [1, 0, 0], sizes = [1, 10000, 128], strides = [1, 1, 1]} : vector<2x10112x128xf32> to vector<1x10000x128xf32>
    %squeeze3A_4 = vector.shape_cast %slice3A_3 : vector<1x10000x128xf32> to vector<10000x128xf32>
    %add3A = arith.addf %squeeze3A, %squeeze3A_4 : vector<10000x128xf32>
    %get3A_5 = arith.constant 0 : index
    %get3A_6 = arith.constant 0 : index
    %get3A_7 = vector.load %arg1[%get3A_5, %get3A_6] : memref<10000x128xf32, #tpu.memory_space<vmem>>, vector<10000x128xf32>
    %add3A_8 = arith.addf %add3A, %get3A_7 : vector<10000x128xf32>
    %get3A_9 = arith.constant 0 : index
    %get3A_10 = arith.constant 0 : index
    %get3A_11 = vector.load %arg2[%get3A_9, %get3A_10] : memref<10000x1xf32, #tpu.memory_space<vmem>>, vector<10000x1xf32>
    %mul3A = vector.broadcast %get3A_11 : vector<10000x1xf32> to vector<10000x128xf32>
    %mul3A_12 = arith.mulf %mul3A, %add3A_8 : vector<10000x128xf32>
    %get3A_13 = arith.constant 0 : index
    %get3A_14 = arith.constant 0 : index
    %get3A_15 = vector.load %arg3[%get3A_13, %get3A_14] : memref<1x128xf32, #tpu.memory_space<vmem>>, vector<1x128xf32>
    %add3A_16 = vector.broadcast %get3A_15 : vector<1x128xf32> to vector<10000x128xf32>
    %add3A_17 = arith.addf %mul3A_12, %add3A_16 : vector<10000x128xf32>
    %max3A = arith.constant 0.000000e+00 : f32
    %max3A_18 = vector.broadcast %max3A : f32 to vector<10000x128xf32>
    %max3A_19 = arith.maximumf %add3A_17, %max3A_18 : vector<10000x128xf32>
    %get3A_20 = arith.constant 0 : index
    %get3A_21 = arith.constant 0 : index
    %get3A_22 = vector.load %arg4[%get3A_20, %get3A_21] : memref<128x128xf32, #tpu.memory_space<vmem>>, vector<128x128xf32>
    %dot_general3A = arith.constant dense<0.000000e+00> : vector<10000x128xf32>
    %dot_general3A_23 = tpu.matmul %max3A_19, %get3A_22, %dot_general3A {dimension_numbers = #tpu.dot_dimension_numbers<[1], [0], [0], [1], [0, 0, 1, 1], [], []>, transpose_lhs_hint = false} : vector<10000x128xf32>, vector<128x128xf32>, vector<10000x128xf32> -> vector<10000x128xf32>
    %mul3A_24 = vector.broadcast %get3A_11 : vector<10000x1xf32> to vector<10000x128xf32>
    %mul3A_25 = arith.mulf %dot_general3A_23, %mul3A_24 : vector<10000x128xf32>
    %swap3A = arith.constant 0 : index
    %swap3A_26 = arith.constant 0 : index
    %swap3A_27 = vector.load %arg5[%swap3A, %swap3A_26] : memref<10000x128xf32, #tpu.memory_space<vmem>>, vector<10000x128xf32>
    tpu.vector_store %arg5[%swap3A, %swap3A_26], %mul3A_25 {strides = array<i32>} : memref<10000x128xf32, #tpu.memory_space<vmem>>, vector<10000x128xf32>,
    return
  }
}

module attributes {stable_mosaic.version = 14 : i64} {
  func.func @_final_body(%arg0: memref<2x10112x128xf32, #tpu.memory_space<vmem>>, %arg1: memref<10000x128xf32, #tpu.memory_space<vmem>>, %arg2: memref<10000x1xf32, #tpu.memory_space<vmem>>, %arg3: memref<1x128xf32, #tpu.memory_space<vmem>>, %arg4: memref<64x1xf32, #tpu.memory_space<vmem>>, %arg5: memref<10000x1xi32, #tpu.memory_space<vmem>>, %arg6: memref<128x64xf32, #tpu.memory_space<vmem>>, %arg7: memref<1x64xf32, #tpu.memory_space<vmem>>, %arg8: memref<64x1xf32, #tpu.memory_space<vmem>>, %arg9: memref<1x1xf32, #tpu.memory_space<vmem>>, %arg10: memref<64x1xf32, #tpu.memory_space<vmem>>) attributes {dimension_semantics = [], scalar_prefetch = 0 : i64, scratch_operands = 0 : i64, tpu.core_type = #tpu.core_type<tc>} {
    %get3A = arith.constant 0 : index
    %get3A_0 = arith.constant 0 : index
    %get3A_1 = arith.constant 0 : index
    %get3A_2 = vector.load %arg0[%get3A, %get3A_0, %get3A_1] : memref<2x10112x128xf32, #tpu.memory_space<vmem>>, vector<2x10112x128xf32>
    %get3A_3 = arith.constant 0 : index
    %get3A_4 = arith.constant 0 : index
    %get3A_5 = vector.load %arg2[%get3A_3, %get3A_4] : memref<10000x1xf32, #tpu.memory_space<vmem>>, vector<10000x1xf32>
    %slice3A = vector.extract_strided_slice %get3A_2 {offsets = [0, 0, 0], sizes = [1, 10000, 128], strides = [1, 1, 1]} : vector<2x10112x128xf32> to vector<1x10000x128xf32>
    %squeeze3A = vector.shape_cast %slice3A : vector<1x10000x128xf32> to vector<10000x128xf32>
    %slice3A_6 = vector.extract_strided_slice %get3A_2 {offsets = [1, 0, 0], sizes = [1, 10000, 128], strides = [1, 1, 1]} : vector<2x10112x128xf32> to vector<1x10000x128xf32>
    %squeeze3A_7 = vector.shape_cast %slice3A_6 : vector<1x10000x128xf32> to vector<10000x128xf32>
    %add3A = arith.addf %squeeze3A, %squeeze3A_7 : vector<10000x128xf32>
    %get3A_8 = arith.constant 0 : index
    %get3A_9 = arith.constant 0 : index
    %get3A_10 = vector.load %arg1[%get3A_8, %get3A_9] : memref<10000x128xf32, #tpu.memory_space<vmem>>, vector<10000x128xf32>
    %add3A_11 = arith.addf %add3A, %get3A_10 : vector<10000x128xf32>
    %mul3A = vector.broadcast %get3A_5 : vector<10000x1xf32> to vector<10000x128xf32>
    %mul3A_12 = arith.mulf %mul3A, %add3A_11 : vector<10000x128xf32>
    %get3A_13 = arith.constant 0 : index
    %get3A_14 = arith.constant 0 : index
    %get3A_15 = vector.load %arg3[%get3A_13, %get3A_14] : memref<1x128xf32, #tpu.memory_space<vmem>>, vector<1x128xf32>
    %add3A_16 = vector.broadcast %get3A_15 : vector<1x128xf32> to vector<10000x128xf32>
    %add3A_17 = arith.addf %mul3A_12, %add3A_16 : vector<10000x128xf32>
    %iota3A = tpu.iota {dimensions = array<i32: 1>} : vector<1x64xi32>
    %get3A_18 = arith.constant 0 : index
    %get3A_19 = arith.constant 0 : index
    %get3A_20 = vector.load %arg5[%get3A_18, %get3A_19] : memref<10000x1xi32, #tpu.memory_space<vmem>>, vector<10000x1xi32>
    %eq3A = vector.broadcast %get3A_20 : vector<10000x1xi32> to vector<10000x64xi32>
    %eq3A_21 = vector.broadcast %iota3A : vector<1x64xi32> to vector<10000x64xi32>
    %eq3A_22 = arith.cmpi eq, %eq3A, %eq3A_21 : vector<10000x64xi32>
    %convert_element_type3A = arith.extui %eq3A_22 : vector<10000x64xi1> to vector<10000x64xi32>
    %convert_element_type3A_23 = arith.sitofp %convert_element_type3A : vector<10000x64xi32> to vector<10000x64xf32>
    %dot_general3A = arith.constant dense<0.000000e+00> : vector<64x128xf32>
    %dot_general3A_24 = tpu.matmul %convert_element_type3A_23, %add3A_17, %dot_general3A {dimension_numbers = #tpu.dot_dimension_numbers<[0], [0], [1], [1], [0, 1, 1, 1], [], []>, precision = #tpu.contract_precision<fp32>, transpose_lhs_hint = false} : vector<10000x64xf32>, vector<10000x128xf32>, vector<64x128xf32> -> vector<64x128xf32>
    %get3A_25 = arith.constant 0 : index
    %get3A_26 = arith.constant 0 : index
    %get3A_27 = vector.load %arg4[%get3A_25, %get3A_26] : memref<64x1xf32, #tpu.memory_space<vmem>>, vector<64x1xf32>
    %max3A = arith.constant 1.000000e+00 : f32
    %max3A_28 = vector.broadcast %max3A : f32 to vector<64x1xf32>
    %max3A_29 = arith.maximumf %get3A_27, %max3A_28 : vector<64x1xf32>
    %div3A = vector.broadcast %max3A_29 : vector<64x1xf32> to vector<64x128xf32>
    %div3A_30 = arith.divf %dot_general3A_24, %div3A : vector<64x128xf32>
    %get3A_31 = arith.constant 0 : index
    %get3A_32 = arith.constant 0 : index
    %get3A_33 = vector.load %arg6[%get3A_31, %get3A_32] : memref<128x64xf32, #tpu.memory_space<vmem>>, vector<128x64xf32>
    %dot_general3A_34 = arith.constant dense<0.000000e+00> : vector<64x64xf32>
    %dot_general3A_35 = tpu.matmul %div3A_30, %get3A_33, %dot_general3A_34 {dimension_numbers = #tpu.dot_dimension_numbers<[1], [0], [0], [1], [0, 0, 1, 1], [], []>, transpose_lhs_hint = false} : vector<64x128xf32>, vector<128x64xf32>, vector<64x64xf32> -> vector<64x64xf32>
    %get3A_36 = arith.constant 0 : index
    %get3A_37 = arith.constant 0 : index
    %get3A_38 = vector.load %arg7[%get3A_36, %get3A_37] : memref<1x64xf32, #tpu.memory_space<vmem>>, vector<1x64xf32>
    %add3A_39 = vector.broadcast %get3A_38 : vector<1x64xf32> to vector<64x64xf32>
    %add3A_40 = arith.addf %dot_general3A_35, %add3A_39 : vector<64x64xf32>
    %max3A_41 = arith.constant 0.000000e+00 : f32
    %max3A_42 = vector.broadcast %max3A_41 : f32 to vector<64x64xf32>
    %max3A_43 = arith.maximumf %add3A_40, %max3A_42 : vector<64x64xf32>
    %get3A_44 = arith.constant 0 : index
    %get3A_45 = arith.constant 0 : index
    %get3A_46 = vector.load %arg8[%get3A_44, %get3A_45] : memref<64x1xf32, #tpu.memory_space<vmem>>, vector<64x1xf32>
    %dot_general3A_47 = arith.constant dense<0.000000e+00> : vector<64x1xf32>
    %dot_general3A_48 = tpu.matmul %max3A_43, %get3A_46, %dot_general3A_47 {dimension_numbers = #tpu.dot_dimension_numbers<[1], [0], [0], [1], [0, 0, 1, 1], [], []>, transpose_lhs_hint = false} : vector<64x64xf32>, vector<64x1xf32>, vector<64x1xf32> -> vector<64x1xf32>
    %get3A_49 = arith.constant 0 : index
    %get3A_50 = arith.constant 0 : index
    %get3A_51 = vector.load %arg9[%get3A_49, %get3A_50] : memref<1x1xf32, #tpu.memory_space<vmem>>, vector<1x1xf32>
    %add3A_52 = vector.broadcast %get3A_51 : vector<1x1xf32> to vector<64x1xf32>
    %add3A_53 = arith.addf %dot_general3A_48, %add3A_52 : vector<64x1xf32>
    %swap3A = arith.constant 0 : index
    %swap3A_54 = arith.constant 0 : index
    %swap3A_55 = vector.load %arg10[%swap3A, %swap3A_54] : memref<64x1xf32, #tpu.memory_space<vmem>>, vector<64x1xf32>
    tpu.vector_store %arg10[%swap3A, %swap3A_54], %add3A_53 {strides = array<i32>} : memref<64x1xf32, #tpu.memory_space<vmem>>, vector<64x1xf32>,
    return
  }
}

</mosaic_0001>

<sc_bundles>
// kernel: kernel.11.cloned.1.call-start
scs
__scs_entry_jumppad:
0x0: {  	(pc) =	sbr.rel $0x88, $3  }
0x1: {  	(tag) =	ssettag $0x0;
	lr =	simm.s32 $0x1  }
0x2: {  	[smem:$0x3F94] =	sst lr;
	_ =	strace $0xD0000000  }
0x3: {  	_ = 	snop  }
0x4: {  	_ = 	snop  }
0x5: {  	_ = 	snop  }
0x6: {  	_ = 	snop  }
0x7: {  	_ = 	snop  }
__scs_overlays_trampoline_lowered:
0x8: {  	[smem:$0x3FA3] =	sst s0  }
0x9: {  	[smem:$0x3FA4] =	sst s1  }
0xa: {  	[smem:$0x3FA5] =	sst s2  }
0xb: {  	[smem:$0x3FA6] =	sst s3  }
0xc: {  	[smem:$0x3FA7] =	sst s4  }
0xd: {  	[smem:$0x3FA8] =	sst s5  }
0xe: {  	[smem:$0x3FA9] =	sst s6  }
0xf: {  	[smem:$0x3FAA] =	sst s7  }
0x10: {  	[smem:$0x3FAB] =	sst s8  }
0x11: {  	[smem:$0x3FAC] =	sst s9;
	s0 =	simm.s32 @!p0 $0x0  }
0x12: {  	s1 =	sld [smem:$0x3F92];
	s0 =	simm.s32 @p0 $0x1  }
0x13: {  	[smem:$0x3FAD] =	sst s0;
	s0 =	simm.s32 @!p1 $0x0  }
0x14: {  	s2 =	sld [smem:$0x3F91];
	s0 =	simm.s32 @p1 $0x1  }
0x15: {  	[smem:$0x3FAE] =	sst s0;
	s0 =	simm.s32 @!p2 $0x0  }
0x16: {  	s3 =	sld [smem:$0x3FDB];
	s0 =	simm.s32 @p2 $0x1  }
0x17: {  	s4 =	simm.s32 $0x1BF5;
	[smem:$0x3FB0] =	sst s0  }
0x18: {  	s0 =	sld [smem:$0x3F93];
	_ =	swait.ge [sflag:s4], $0x0  }
0x19: {  	s7 =	sld [smem:$0x3F94]  }
0x1a: {  	s8 =	sadd.s32 $0xFFFFE003, lr  }
0x1b: {  	s9 =	sadd.s32 $0xFFFFFEF7, lr;
	s5 =	simm.s32 $0xFFFFFFFF;
	p2 =	slt.u32 s8, $0xFFFFF086  }
0x1c: {  	p1 =	slt.u32 s9, $0xF7A;
	s5 =	simm.s32 @!p2 $0x0  }
0x1d: {  	s5 =	simm.s32 @p1 $0x1;
	p0 =	seq.s32 s7, s2  }
0x1e: {  	s7 =	smul.u32 @!p0 $0xF7A, s2;
	p2 =	seq.s32 @!p0 s5, $0x0  }
0x1f: {  	s9 =	smul.u32 $0xF7A, s1;
	s8 =	simm.s32 @!p0 $0x1BF5;
	p2 =	por !p2, p0  }
0x20: {  	[sflag:s8] =	ssyncset.s32 @!p0 $0xFFFFF086;
	s6 =	sadd.s32 @!p0 s3, s7;
	s7 =	simm.s32 @!p0 $0x108  }
0x21: {  	s3 =	sadd.s32 s3, s9;
	s6 =	sadd.s32 @!p0 $0x88, s6;
	s7 =	simm.s32 @p2 $0x1082  }
0x22: {  	[simem:s7], [sflag:s8] =	dma.local @!p0 [hbm:s6], $0xF7A  }
0x23: {  	s9 =	sor.u32 $0xD0000000, s2;
	s6 =	simm.s32 $0x108;
	_ =	swait.ge @!p0 [sflag:s8], $0x0  }
0x24: {  	s3 =	sadd.s32 $0x88, s3;
	s6 =	simm.s32 @!p1 $0x1082;
	[sflag:s4] =	ssyncset.s32 $0xFFFFF086  }
0x25: {  	[simem:s6], [sflag:s4] =	dma.local [hbm:s3], $0xF7A  }
0x26: {  	[smem:$0x3F94] =	sst s1;
	(tag) =	ssettag s2;
	_ =	strace s9  }
0x27: {  	s1 =	sld [smem:$0x3FA4]  }
0x28: {  	s2 =	sld [smem:$0x3FA5]  }
0x29: {  	s4 =	sld [smem:$0x3FA7]  }
0x2a: {  	p0 =	seq.s32 s5, $0x0;
	s5 =	sld [smem:$0x3FA8]  }
0x2b: {  	s6 =	sld [smem:$0x3FA9]  }
0x2c: {  	s7 =	sld [smem:$0x3FAA]  }
0x2d: {  	s3 =	simm.s32 $0x108;
	s8 =	sld [smem:$0x3FAB]  }
0x2e: {  	s3 =	simm.s32 @!p0 $0x1082;
	s9 =	sld [smem:$0x3FAC]  }
0x2f: {  	lr =	sadd.s32 s0, s3;
	s0 =	sld [smem:$0x3FA3]  }
0x30: {  	s3 =	sld [smem:$0x3FA6]  }
0x31: {  	[smem:$0x3FAF] =	sst s10  }
0x32: {  	s10 =	sld [smem:$0x3FAD];
	_ =	sdelay $0x3  }
0x33: {  	p0 =	seq.s32 s10, $0x1;
	s10 =	sld [smem:$0x3FAF];
	_ =	sdelay $0x3  }
0x34: {  	[smem:$0x3FAF] =	sst s10  }
0x35: {  	s10 =	sld [smem:$0x3FAE];
	_ =	sdelay $0x3  }
0x36: {  	p1 =	seq.s32 s10, $0x1;
	s10 =	sld [smem:$0x3FAF];
	_ =	sdelay $0x3  }
0x37: {  	[smem:$0x3FAF] =	sst s10  }
0x38: {  	s10 =	sld [smem:$0x3FB0]  }
0x39: {  	_ = 	snop;
	(pc) =	sbr.ind lr, $3  }
0x3a: {  	_ = 	snop  }
0x3b: {  	_ = 	snop  }
0x3c: {  	p2 =	seq.s32 s10, $0x1;
	s10 =	sld [smem:$0x3FAF]  }
0x3d: {  	_ =	shalt  }
0x3e: {  	_ =	shalt  }
0x3f: {  	_ =	shalt  }
0x40: {  	_ =	shalt  }
0x41: {  	_ =	shalt  }
0x42: {  	_ =	shalt  }
0x43: {  	_ =	shalt  }
0x44: {  	_ =	shalt  }
0x45: {  	_ =	shalt  }
0x46: {  	_ =	shalt  }
0x47: {  	_ =	shalt  }
0x48: {  	_ =	shalt  }
0x49: {  	_ =	shalt  }
0x4a: {  	_ =	shalt  }
0x4b: {  	_ =	shalt  }
0x4c: {  	_ =	shalt  }
0x4d: {  	_ =	shalt  }
0x4e: {  	_ =	shalt  }
0x4f: {  	_ =	shalt  }
0x50: {  	_ =	shalt  }
0x51: {  	_ =	shalt  }
0x52: {  	_ =	shalt  }
0x53: {  	_ =	shalt  }
0x54: {  	_ =	shalt  }
0x55: {  	_ =	shalt  }
0x56: {  	_ =	shalt  }
0x57: {  	_ =	shalt  }
0x58: {  	_ =	shalt  }
0x59: {  	_ =	shalt  }
0x5a: {  	_ =	shalt  }
0x5b: {  	_ =	shalt  }
0x5c: {  	_ =	shalt  }
0x5d: {  	_ =	shalt  }
0x5e: {  	_ =	shalt  }
0x5f: {  	_ =	shalt  }
0x60: {  	_ =	shalt  }
0x61: {  	_ =	shalt  }
0x62: {  	_ =	shalt  }
0x63: {  	_ =	shalt  }
0x64: {  	_ =	shalt  }
0x65: {  	_ =	shalt  }
0x66: {  	_ =	shalt  }
0x67: {  	_ =	shalt  }
0x68: {  	_ =	shalt  }
0x69: {  	_ =	shalt  }
0x6a: {  	_ =	shalt  }
0x6b: {  	_ =	shalt  }
0x6c: {  	_ =	shalt  }
0x6d: {  	_ =	shalt  }
0x6e: {  	_ =	shalt  }
0x6f: {  	_ =	shalt  }
0x70: {  	_ =	shalt  }
0x71: {  	_ =	shalt  }
0x72: {  	_ =	shalt  }
0x73: {  	_ =	shalt  }
0x74: {  	_ =	shalt  }
0x75: {  	_ =	shalt  }
0x76: {  	_ =	shalt  }
0x77: {  	_ =	shalt  }
0x78: {  	_ =	shalt  }
0x79: {  	_ =	shalt  }
0x7a: {  	_ =	shalt  }
0x7b: {  	_ =	shalt  }
0x7c: {  	_ =	shalt  }
0x7d: {  	_ =	shalt  }
0x7e: {  	_ =	shalt  }
0x7f: {  	_ =	shalt  }
0x80: {  	_ =	shalt  }
0x81: {  	_ =	shalt  }
0x82: {  	_ =	shalt  }
0x83: {  	_ =	shalt  }
0x84: {  	_ =	shalt  }
0x85: {  	_ =	shalt  }
0x86: {  	_ =	shalt  }
0x87: {  	_ =	shalt  }
.Lfunc_end0:
.L_simem_size_0:
called_computation_lowered:
.L_overlay_start_0:
0x88: {  	s2 =	sld [smem:$0x3FD9]  }
0x89: {  	s3 =	sld [smem:$0x3FFE];
	_ =	sdelay $0x1  }
0x8a: {  	s1 =	srdreg.scid  }
0x8b: {  	s0 =	sand.u32 $0x1, s1  }
0x8c: {  	s16 =	sshll.u32 s0, $0xA;
	s2 =	sadd.s32 s3, s2  }
0x8d: {  	s2 =	sadd.s32 s2, s16  }
0x8e: {  	[smem:$0x3FBB] =	sst s2  }
0x8f: {  	_ = 	snop  }
0x90: {  	(tm) =	ssettm $0x1  }
0x91: {  	s17 =	sld [smem:$0x3FFB];
	_ =	sdelay $0x3  }
0x92: {  	_ =	strace s17  }
0x93: {  	s2 =	sld [smem:$0x3FFC];
	_ =	sdelay $0x3  }
0x94: {  	_ =	strace s2  }
0x95: {  	s2 =	sld [smem:$0x3FFD];
	_ =	sdelay $0x3  }
0x96: {  	_ =	strace s2  }
0x97: {  	_ =	strace $0x8FFFFFFF  }
0x98: {  	s18 =	sld [smem:$0x3FDB];
	_ =	sdelay $0x1  }
0x99: {  	s19 =	simm.s32 $_scs_section_size  }
0x9a: {  	s4 =	simm.s32 $_size__tile_overlayer_lowered;
	s5 =	simm.s32 $_tile_overlayer_lowered  }
0x9b: {  	s22 =	simm.s32 $0x1BFF;
	s21 =	sshll.u32 s5, $0x1;
	s2 =	sadd.s32 s19, s18  }
0x9c: {  	s6 =	simm.s32 $0x0;
	s20 =	sshll.u32 s4, $0x1;
	s4 =	sadd.s32 s21, s2  }
0x9d: {  	[timem:s6], [sflag:s22] =	dma.local [hbm:s4], s20  }
0x9e: {  	_ =	swait.ge [sflag:s22], s20  }
0x9f: {  	s3 =	ssub.s32 $0x0, s20;
	[sflag:s22] =	ssyncset.done $0x0  }
0xa0: {  	[sflag:s22] =	ssyncadd.s32 s3;
	_ =	sdelay $0x1  }
0xa1: {  	s23 =	simm.s32 $0x1B8B  }
0xa2: {  	_ =	swait.ge [sflag:s23], $0x1  }
0xa3: {  	[sflag:s23] =	ssyncset.done $0x0  }
0xa4: {  	s25 =	simm.s32 $0x1B8E;
	s24 =	sld [smem:$0x3FFE];
	[sflag:s23] =	ssyncadd.s32 $0xFFFFFFFF  }
0xa5: {  	s26 =	simm.s32 $execute0_lowered;
	[smem:$0x3FD2] =	sst s25  }
0xa6: {  	s4 =	sshll.u32 s26, $0x1;
	_ =	strace $0x80000046;
	[dreg:$0x1] =	wrdreg $0xFFFFFFFF  }
0xa7: {  	s28 =	simm.s32 $_size_execute0_lowered;
	s2 =	sadd.s32 s2, s4;
	[dreg:$0x0] =	wrdreg $0x0  }
0xa8: {  	s4 =	sshll.u32 s28, $0x1;
	[dreg:$0x2] =	wrdreg s2  }
0xa9: {  	[dreg:$0x3] =	wrdreg s4  }
0xaa: {  	[dreg:$0x4] =	wrdreg $0xC0  }
0xab: {  	_ =	task [dreg:s6], $0x5FFFF  }
0xac: {  	[dreg:$0x1] =	wrdreg $0xFFFFFFFF  }
0xad: {  	[dreg:$0x0] =	wrdreg $0x60  }
0xae: {  	[dreg:$0x2] =	wrdreg s24  }
0xaf: {  	[dreg:$0x3] =	wrdreg $0x9  }
0xb0: {  	_ =	task.clear_ibuf [dreg:s6], $0x4FFFF;
	_ =	strace $0x90000046  }
0xb1: {  	s29 =	simm.s32 $0x9;
	_ =	strace $0x80000048  }
0xb2: {  	_ =	swait.ge [sflag:s29], $0x1  }
0xb3: {  	[sflag:s29] =	ssyncadd.s32 $0xFFFFFFFF  }
0xb4: {  	_ =	strace $0x90000048  }
0xb5: {  	_ =	sfence  }
0xb6: {  	s30 =	sld [smem:$0x0];
	_ =	sdelay $0x2  }
0xb7: {  	s31 =	sshll.u32 s1, $0xD;
	s1 =	sshrl.u32 s1, $0x2  }
0xb8: {  	s3 =	sand.u32 $0x4000, s31;
	s1 =	sadd.s32 s1, s30  }
0xb9: {  	s0 =	sor.u32 s3, s0;
	s1 =	sshll.u32 s1, $0x11  }
0xba: {  	s0 =	sor.u32 s1, s0  }
0xbb: {  	s0 =	sadd.s32 $0x8F2B, s0  }
0xbc: {  	[sflag:s0] =	ssyncadd.remote.s32 $0x1  }
0xbd: {  	_ =	sfence.sel $0xFFFF  }
0xbe: {  	[dreg:$0x0] =	wrdreg $0xFFFFFFFF;
	(pc) =	sbr.abs _section_cstart, $3  }
0xbf: {  	[dreg:$0x1] =	wrdreg $0xFFFFFFFF  }
0xc0: {  	_ =	task.clear_ibuf [dreg:s6], $0x2FFFF;
	_ =	strace $0x9FFFFFFF  }
0xc1: {  	(tm) =	ssettm $0x7FFFFFFF  }
tec
execute0_lowered:
.L_overlay_start_1:
0x0: {  	(tag) =	ssettag $0x1  }
0x1: {  	v0 =	vimm.s32 $0xA380;
	vm0 =	vcmask $0x300  }
0x2: {  	vm14 =	vcmask $0x704;
	v0 =	vsel vm0, $0x0, v0  }
0x3: {  	vm15 =	vcmask $0xB08;
	v0 =	vsel vm14, $0x80, v0  }
0x4: {  	vm4 =	vcmask $0xF0C;
	v0 =	vsel vm15, $0x100, v0  }
0x5: {  	vm5 =	vcmask $0x1310;
	v0 =	vsel vm4, $0x180, v0  }
0x6: {  	vm6 =	vcmask $0x1714;
	v0 =	vsel vm5, $0x200, v0  }
0x7: {  	vm7 =	vcmask $0x1B18;
	v0 =	vsel vm6, $0x280, v0  }
0x8: {  	s0 =	srdreg.scid;
	vm8 =	vcmask $0x1F1C;
	v0 =	vsel vm7, $0x300, v0  }
0x9: {  	vm9 =	vcmask $0x2320;
	s4 =	rddreg [dreg:$0x0];
	s3 =	sand.u32 $0x1, s0;
	v0 =	vsel vm8, $0x380, v0  }
0xa: {  	vm10 =	vcmask $0x2724;
	s2 =	simm.s32 $0x0;
	s0 =	stileid.u32;
	s1 =	sshll.u32 s3, $0x4;
	v0 =	vsel vm9, $0xA000, v0  }
0xb: {  	vm11 =	vcmask $0x2B28;
	s9 =	simm.s32 $0x0;
	[smem:$0x7FF] =	sst s2;
	s5 =	sor.u32 s0, s1;
	v0 =	vsel vm10, $0xA080, v0  }
0xc: {  	vm12 =	vcmask $0x2F2C;
	s7 =	ssub.s32 $0x2, s3;
	s3 =	sadd.s32 $0xEA00, s4;
	s6 =	smul.u32 $0x580, s5;
	v0 =	vsel vm11, $0xA100, v0  }
0xd: {  	vm13 =	vcmask $0x3330;
	s1 =	rddreg [dreg:$0x1];
	s8 =	sshrl.u32 s7, $0x1;
	s5 =	smul.u32 $0x5000, s5;
	v0 =	vsel vm12, $0xA180, v0  }
0xe: {  	vm14 =	vcmask $0x3734;
	_ =	strace $0x80000047;
	s7 =	ssub.s32 s7, s8;
	s6 =	sadd.s32 s6, s4;
	v0 =	vsel vm13, $0xA200, v0  }
0xf: {  	vm15 =	vcmask $0x3B38;
	s8 =	simm.s32 $0x2C00;
	s5 =	sadd.s32 s5, s4;
	s4 =	sadd.s32 $0x3A00, s6;
	v0 =	vsel vm14, $0xA280, v0  }
0x10: {  	v1 =	vimm.f32 $1.000000000e+00;
	s5 =	sadd.s32 $0x11200, s5;
	s6 =	smax.u32 s7, $0x1;
	s7 =	simm.s32 $0x1;
	v0 =	vsel vm15, $0xA300, v0  }
.LBB2_1:
0x11: {  	[tilespmem:s2], [sflag:$0x1] =	stream.linear.gather [hbm4b:s4+s2], $0x2A00, $0x38;
	[tilespmem:$0x16C00] =	vst v63  }
0x12: {  	_ =	swait.ge [sflag:s7], $0x2A00  }
0x13: {  	[sflag:s7] =	ssyncset.done $0x0  }
0x14: {  	p1 =	por $0x1, $0x1;
	s10 =	simm.s32 $0x0;
	[sflag:s7] =	ssyncadd.s32 $0xFFFFD600  }
.LBB2_2:
0x15: {  	s11 =	smul.u32 $0x1400, s10  }
0x16: {  	[tilespmem:s8], [sflag:$0x1] =	stream.linear.gather [hbm4b:s3+s2], $0x14000, $0x38;
	[tilespmem:$0x16C00] =	vst v63  }
0x17: {  	_ =	swait.ge [sflag:s7], $0x14000  }
0x18: {  	[sflag:s7] =	ssyncset.done $0x0;
	s12 =	sadd.s32 $0x1400, s11  }
0x19: {  	p0 =	por p1, p1;
	v2 =	vmov s11;
	s11 =	simm.s32 $0x1C0;
	[sflag:s7] =	ssyncadd.s32 $0xFFFEC000;
	v3 =	vmov s12  }
.LBB2_3:
0x1a: {  	s12 =	sshra.s32 s11, $0x2  }
0x1b: {  	v4 =	vld [tilespmem:s12+$0xFFFFFF90];
	_ =	sdelay $0x4  }
0x1c: {  	v5 =	vsub.s32 v4, v2  }
0x1d: {  	vm0 =	vge.s32 v4, v2;
	v5 =	vshll.u32 v5, $0x3  }
0x1e: {  	vm1 =	vlt.s32 v4, v3;
	v4 =	vand.u32 $0x7F, v4;
	v5 =	vand.u32 $0xFFFFFC00, v5  }
0x1f: {  	vm0 =	vmand vm0, vm1;
	v4 =	vor.u32 v4, v5  }
0x20: {  	v4 =	vadd.s32 v0, v4;
	_ =	sdelay $0x4  }
0x21: {  	[tilespmem:v4+s8+$0x0] =	vst.idx.add.f32.msk vm0, v1  }
0x22: {  	v4 =	vld [tilespmem:s12+$0xFFFFFFA0];
	_ =	sdelay $0x4  }
0x23: {  	v5 =	vsub.s32 v4, v2  }
0x24: {  	vm14 =	vge.s32 v4, v2;
	v5 =	vshll.u32 v5, $0x3  }
0x25: {  	vm15 =	vlt.s32 v4, v3;
	v4 =	vand.u32 $0x7F, v4;
	v5 =	vand.u32 $0xFFFFFC00, v5  }
0x26: {  	vm0 =	vmand vm14, vm15;
	v4 =	vor.u32 v4, v5  }
0x27: {  	v4 =	vadd.s32 v0, v4;
	_ =	sdelay $0x4  }
0x28: {  	[tilespmem:v4+s8+$0x0] =	vst.idx.add.f32.msk vm0, v1  }
0x29: {  	v4 =	vld [tilespmem:s12+$0xFFFFFFB0];
	_ =	sdelay $0x4  }
0x2a: {  	v5 =	vsub.s32 v4, v2  }
0x2b: {  	vm4 =	vge.s32 v4, v2;
	v5 =	vshll.u32 v5, $0x3  }
0x2c: {  	vm5 =	vlt.s32 v4, v3;
	v4 =	vand.u32 $0x7F, v4;
	v5 =	vand.u32 $0xFFFFFC00, v5  }
0x2d: {  	vm0 =	vmand vm4, vm5;
	v4 =	vor.u32 v4, v5  }
0x2e: {  	v4 =	vadd.s32 v0, v4;
	_ =	sdelay $0x4  }
0x2f: {  	[tilespmem:v4+s8+$0x0] =	vst.idx.add.f32.msk vm0, v1  }
0x30: {  	v4 =	vld [tilespmem:s12+$0xFFFFFFC0];
	_ =	sdelay $0x4  }
0x31: {  	v5 =	vsub.s32 v4, v2  }
0x32: {  	vm6 =	vge.s32 v4, v2;
	v5 =	vshll.u32 v5, $0x3  }
0x33: {  	vm7 =	vlt.s32 v4, v3;
	v4 =	vand.u32 $0x7F, v4;
	v5 =	vand.u32 $0xFFFFFC00, v5  }
0x34: {  	vm0 =	vmand vm6, vm7;
	v4 =	vor.u32 v4, v5  }
0x35: {  	v4 =	vadd.s32 v0, v4;
	_ =	sdelay $0x4  }
0x36: {  	[tilespmem:v4+s8+$0x0] =	vst.idx.add.f32.msk vm0, v1  }
0x37: {  	v4 =	vld [tilespmem:s12+$0xFFFFFFD0];
	_ =	sdelay $0x4  }
0x38: {  	v5 =	vsub.s32 v4, v2  }
0x39: {  	vm8 =	vge.s32 v4, v2;
	v5 =	vshll.u32 v5, $0x3  }
0x3a: {  	vm9 =	vlt.s32 v4, v3;
	v4 =	vand.u32 $0x7F, v4;
	v5 =	vand.u32 $0xFFFFFC00, v5  }
0x3b: {  	vm0 =	vmand vm8, vm9;
	v4 =	vor.u32 v4, v5  }
0x3c: {  	v4 =	vadd.s32 v0, v4;
	_ =	sdelay $0x4  }
0x3d: {  	[tilespmem:v4+s8+$0x0] =	vst.idx.add.f32.msk vm0, v1  }
0x3e: {  	v4 =	vld [tilespmem:s12+$0xFFFFFFE0];
	_ =	sdelay $0x4  }
0x3f: {  	v5 =	vsub.s32 v4, v2  }
0x40: {  	vm10 =	vge.s32 v4, v2;
	v5 =	vshll.u32 v5, $0x3  }
0x41: {  	vm11 =	vlt.s32 v4, v3;
	v4 =	vand.u32 $0x7F, v4;
	v5 =	vand.u32 $0xFFFFFC00, v5  }
0x42: {  	vm0 =	vmand vm10, vm11;
	v4 =	vor.u32 v4, v5  }
0x43: {  	v4 =	vadd.s32 v0, v4;
	_ =	sdelay $0x4  }
0x44: {  	[tilespmem:v4+s8+$0x0] =	vst.idx.add.f32.msk vm0, v1  }
0x45: {  	v4 =	vld [tilespmem:s12+$0xFFFFFFF0];
	_ =	sdelay $0x4  }
0x46: {  	v5 =	vsub.s32 v4, v2  }
0x47: {  	vm12 =	vge.s32 v4, v2;
	v5 =	vshll.u32 v5, $0x3  }
0x48: {  	vm13 =	vlt.s32 v4, v3;
	v4 =	vand.u32 $0x7F, v4;
	v5 =	vand.u32 $0xFFFFFC00, v5  }
0x49: {  	vm0 =	vmand vm12, vm13;
	v4 =	vor.u32 v4, v5  }
0x4a: {  	v4 =	vadd.s32 v0, v4;
	_ =	sdelay $0x4  }
0x4b: {  	[tilespmem:v4+s8+$0x0] =	vst.idx.add.f32.msk vm0, v1  }
0x4c: {  	v4 =	vld [tilespmem:s12+$0x0];
	_ =	sdelay $0x4  }
0x4d: {  	v5 =	vsub.s32 v4, v2  }
0x4e: {  	vm14 =	vge.s32 v4, v2;
	v5 =	vshll.u32 v5, $0x3  }
0x4f: {  	vm15 =	vlt.s32 v4, v3;
	v4 =	vand.u32 $0x7F, v4;
	v5 =	vand.u32 $0xFFFFFC00, v5  }
0x50: {  	vm0 =	vmand vm14, vm15;
	v4 =	vor.u32 v4, v5  }
0x51: {  	p1 =	sne.s32 s11, $0xA7C0;
	v4 =	vadd.s32 v0, v4  }
.Ltmp0:
0x52: {  	_ = 	snop;
	(pc) =	sbr.rel @p1 .LBB2_3-.Ltmp0, $2  }
0x53: {  	_ =	sdelay $0x2  }
0x54: {  	s11 =	sadd.s32 $0x200, s11;
	[tilespmem:v4+s8+$0x0] =	vst.idx.add.f32.msk vm0, v1  }
0x55: {  	s10 =	smul.u32 $0x2800, s10;
	_ =	sdelay $0x1  }
0x56: {  	s10 =	sadd.s32 s10, s5  }
0x57: {  	[hbm4b:s10+s2] =	stream.linear.scatter [tilespmem:s8], [sflag:$0x1], $0x14000, $0x38;
	[tilespmem:$0x16C00] =	vst v63  }
.Ltmp1:
0x58: {  	_ = 	snop;
	(pc) =	sbr.rel @p0 .LBB2_2-.Ltmp1, $4  }
0x59: {  	s10 =	simm.s32 $0x1  }
0x5a: {  	_ =	swait.ge [sflag:s10], $0x14000  }
0x5b: {  	[sflag:s10] =	ssyncset.done $0x0  }
0x5c: {  	p1 =	por $0x0, $0x0;
	[sflag:s10] =	ssyncadd.s32 $0xFFFEC000  }
0x5d: {  	s9 =	sadd.s32 $0x1, s9  }
0x5e: {  	p0 =	sne.s32 s9, s6  }
.Ltmp2:
0x5f: {  	_ = 	snop;
	(pc) =	sbr.rel @p0 .LBB2_1-.Ltmp2, $1  }
0x60: {  	_ =	sdelay $0x3  }
0x61: {  	_ =	sfence.sel $0x180000  }
0x62: {  	[bflag:$0x0] =	sbarrier.arrive $0xFFFF  }
0x63: {  	p0 =	sne.s32 s0, $0x0;
	_ =	strace $0x90000047  }
0x64: {  	s0 =	sadd.s32 @!p0 $0x100000, s1;
	[bflag:$0x2] =	sbarrier.arrive $0xFFFF  }
0x65: {  	[sflag:s0] =	ssyncadd.tile.s32 @!p0 $0x1;
	_ =	shalt  }
.Lfunc_end2:
_tile_overlayer_lowered:
.L_overlay_start_2:
0x66: {  	(tag) =	ssettag $0x2  }
0x67: {  	s0 =	rddreg [dreg:$0x0];
	s2 =	stileid.u32  }
0x68: {  	s1 =	rddreg [dreg:$0x1];
	p0 =	sne.s32 s2, $0x0  }
0x69: {  	s3 =	rddreg [dreg:$0x2];
	[bflag:$0x3] =	sbarrier.arrive $0xFFFF;
	s2 =	simm.s32 @!p0 $0x1C01  }
0x6a: {  	[timem:s3], [sflag:s2] =	dma.local @!p0 [hbm:s0], s1  }
0x6b: {  	s0 =	simm.s32 @!p0 $0x1  }
0x6c: {  	_ =	swait.ge @!p0 [sflag:s0], s1  }
0x6d: {  	s1 =	ssub.s32 @!p0 $0x0, s1;
	[sflag:s0] =	ssyncset.done @!p0 $0x0  }
0x6e: {  	[sflag:s0] =	ssyncadd.s32 @!p0 s1  }
0x6f: {  	[bflag:$0x3] =	sbarrier.arrive $0xFFFF  }
0x70: {  	_ =	shalt  }

// kernel: kernel.14.cloned.1.call-start
scs
__scs_entry_jumppad:
0x0: {  	(pc) =	sbr.rel $0x88, $3  }
0x1: {  	(tag) =	ssettag $0x0;
	lr =	simm.s32 $0x1  }
0x2: {  	[smem:$0x3F94] =	sst lr;
	_ =	strace $0xD0000000  }
0x3: {  	_ = 	snop  }
0x4: {  	_ = 	snop  }
0x5: {  	_ = 	snop  }
0x6: {  	_ = 	snop  }
0x7: {  	_ = 	snop  }
__scs_overlays_trampoline_lowered:
0x8: {  	[smem:$0x3FA3] =	sst s0  }
0x9: {  	[smem:$0x3FA4] =	sst s1  }
0xa: {  	[smem:$0x3FA5] =	sst s2  }
0xb: {  	[smem:$0x3FA6] =	sst s3  }
0xc: {  	[smem:$0x3FA7] =	sst s4  }
0xd: {  	[smem:$0x3FA8] =	sst s5  }
0xe: {  	[smem:$0x3FA9] =	sst s6  }
0xf: {  	[smem:$0x3FAA] =	sst s7  }
0x10: {  	[smem:$0x3FAB] =	sst s8  }
0x11: {  	[smem:$0x3FAC] =	sst s9;
	s0 =	simm.s32 @!p0 $0x0  }
0x12: {  	s1 =	sld [smem:$0x3F92];
	s0 =	simm.s32 @p0 $0x1  }
0x13: {  	[smem:$0x3FAD] =	sst s0;
	s0 =	simm.s32 @!p1 $0x0  }
0x14: {  	s2 =	sld [smem:$0x3F91];
	s0 =	simm.s32 @p1 $0x1  }
0x15: {  	[smem:$0x3FAE] =	sst s0;
	s0 =	simm.s32 @!p2 $0x0  }
0x16: {  	s3 =	sld [smem:$0x3FDB];
	s0 =	simm.s32 @p2 $0x1  }
0x17: {  	s4 =	simm.s32 $0x1BF5;
	[smem:$0x3FB0] =	sst s0  }
0x18: {  	s0 =	sld [smem:$0x3F93];
	_ =	swait.ge [sflag:s4], $0x0  }
0x19: {  	s7 =	sld [smem:$0x3F94]  }
0x1a: {  	s8 =	sadd.s32 $0xFFFFE003, lr  }
0x1b: {  	s9 =	sadd.s32 $0xFFFFFEF7, lr;
	s5 =	simm.s32 $0xFFFFFFFF;
	p2 =	slt.u32 s8, $0xFFFFF086  }
0x1c: {  	p1 =	slt.u32 s9, $0xF7A;
	s5 =	simm.s32 @!p2 $0x0  }
0x1d: {  	s5 =	simm.s32 @p1 $0x1;
	p0 =	seq.s32 s7, s2  }
0x1e: {  	s7 =	smul.u32 @!p0 $0xF7A, s2;
	p2 =	seq.s32 @!p0 s5, $0x0  }
0x1f: {  	s9 =	smul.u32 $0xF7A, s1;
	s8 =	simm.s32 @!p0 $0x1BF5;
	p2 =	por !p2, p0  }
0x20: {  	[sflag:s8] =	ssyncset.s32 @!p0 $0xFFFFF086;
	s6 =	sadd.s32 @!p0 s3, s7;
	s7 =	simm.s32 @!p0 $0x108  }
0x21: {  	s3 =	sadd.s32 s3, s9;
	s6 =	sadd.s32 @!p0 $0x88, s6;
	s7 =	simm.s32 @p2 $0x1082  }
0x22: {  	[simem:s7], [sflag:s8] =	dma.local @!p0 [hbm:s6], $0xF7A  }
0x23: {  	s9 =	sor.u32 $0xD0000000, s2;
	s6 =	simm.s32 $0x108;
	_ =	swait.ge @!p0 [sflag:s8], $0x0  }
0x24: {  	s3 =	sadd.s32 $0x88, s3;
	s6 =	simm.s32 @!p1 $0x1082;
	[sflag:s4] =	ssyncset.s32 $0xFFFFF086  }
0x25: {  	[simem:s6], [sflag:s4] =	dma.local [hbm:s3], $0xF7A  }
0x26: {  	[smem:$0x3F94] =	sst s1;
	(tag) =	ssettag s2;
	_ =	strace s9  }
0x27: {  	s1 =	sld [smem:$0x3FA4]  }
0x28: {  	s2 =	sld [smem:$0x3FA5]  }
0x29: {  	s4 =	sld [smem:$0x3FA7]  }
0x2a: {  	p0 =	seq.s32 s5, $0x0;
	s5 =	sld [smem:$0x3FA8]  }
0x2b: {  	s6 =	sld [smem:$0x3FA9]  }
0x2c: {  	s7 =	sld [smem:$0x3FAA]  }
0x2d: {  	s3 =	simm.s32 $0x108;
	s8 =	sld [smem:$0x3FAB]  }
0x2e: {  	s3 =	simm.s32 @!p0 $0x1082;
	s9 =	sld [smem:$0x3FAC]  }
0x2f: {  	lr =	sadd.s32 s0, s3;
	s0 =	sld [smem:$0x3FA3]  }
0x30: {  	s3 =	sld [smem:$0x3FA6]  }
0x31: {  	[smem:$0x3FAF] =	sst s10  }
0x32: {  	s10 =	sld [smem:$0x3FAD];
	_ =	sdelay $0x3  }
0x33: {  	p0 =	seq.s32 s10, $0x1;
	s10 =	sld [smem:$0x3FAF];
	_ =	sdelay $0x3  }
0x34: {  	[smem:$0x3FAF] =	sst s10  }
0x35: {  	s10 =	sld [smem:$0x3FAE];
	_ =	sdelay $0x3  }
0x36: {  	p1 =	seq.s32 s10, $0x1;
	s10 =	sld [smem:$0x3FAF];
	_ =	sdelay $0x3  }
0x37: {  	[smem:$0x3FAF] =	sst s10  }
0x38: {  	s10 =	sld [smem:$0x3FB0]  }
0x39: {  	_ = 	snop;
	(pc) =	sbr.ind lr, $3  }
0x3a: {  	_ = 	snop  }
0x3b: {  	_ = 	snop  }
0x3c: {  	p2 =	seq.s32 s10, $0x1;
	s10 =	sld [smem:$0x3FAF]  }
0x3d: {  	_ =	shalt  }
0x3e: {  	_ =	shalt  }
0x3f: {  	_ =	shalt  }
0x40: {  	_ =	shalt  }
0x41: {  	_ =	shalt  }
0x42: {  	_ =	shalt  }
0x43: {  	_ =	shalt  }
0x44: {  	_ =	shalt  }
0x45: {  	_ =	shalt  }
0x46: {  	_ =	shalt  }
0x47: {  	_ =	shalt  }
0x48: {  	_ =	shalt  }
0x49: {  	_ =	shalt  }
0x4a: {  	_ =	shalt  }
0x4b: {  	_ =	shalt  }
0x4c: {  	_ =	shalt  }
0x4d: {  	_ =	shalt  }
0x4e: {  	_ =	shalt  }
0x4f: {  	_ =	shalt  }
0x50: {  	_ =	shalt  }
0x51: {  	_ =	shalt  }
0x52: {  	_ =	shalt  }
0x53: {  	_ =	shalt  }
0x54: {  	_ =	shalt  }
0x55: {  	_ =	shalt  }
0x56: {  	_ =	shalt  }
0x57: {  	_ =	shalt  }
0x58: {  	_ =	shalt  }
0x59: {  	_ =	shalt  }
0x5a: {  	_ =	shalt  }
0x5b: {  	_ =	shalt  }
0x5c: {  	_ =	shalt  }
0x5d: {  	_ =	shalt  }
0x5e: {  	_ =	shalt  }
0x5f: {  	_ =	shalt  }
0x60: {  	_ =	shalt  }
0x61: {  	_ =	shalt  }
0x62: {  	_ =	shalt  }
0x63: {  	_ =	shalt  }
0x64: {  	_ =	shalt  }
0x65: {  	_ =	shalt  }
0x66: {  	_ =	shalt  }
0x67: {  	_ =	shalt  }
0x68: {  	_ =	shalt  }
0x69: {  	_ =	shalt  }
0x6a: {  	_ =	shalt  }
0x6b: {  	_ =	shalt  }
0x6c: {  	_ =	shalt  }
0x6d: {  	_ =	shalt  }
0x6e: {  	_ =	shalt  }
0x6f: {  	_ =	shalt  }
0x70: {  	_ =	shalt  }
0x71: {  	_ =	shalt  }
0x72: {  	_ =	shalt  }
0x73: {  	_ =	shalt  }
0x74: {  	_ =	shalt  }
0x75: {  	_ =	shalt  }
0x76: {  	_ =	shalt  }
0x77: {  	_ =	shalt  }
0x78: {  	_ =	shalt  }
0x79: {  	_ =	shalt  }
0x7a: {  	_ =	shalt  }
0x7b: {  	_ =	shalt  }
0x7c: {  	_ =	shalt  }
0x7d: {  	_ =	shalt  }
0x7e: {  	_ =	shalt  }
0x7f: {  	_ =	shalt  }
0x80: {  	_ =	shalt  }
0x81: {  	_ =	shalt  }
0x82: {  	_ =	shalt  }
0x83: {  	_ =	shalt  }
0x84: {  	_ =	shalt  }
0x85: {  	_ =	shalt  }
0x86: {  	_ =	shalt  }
0x87: {  	_ =	shalt  }
.Lfunc_end0:
.L_simem_size_0:
called_computation.1_lowered:
.L_overlay_start_0:
0x88: {  	s2 =	sld [smem:$0x3FD9]  }
0x89: {  	s3 =	sld [smem:$0x3FFE];
	_ =	sdelay $0x1  }
0x8a: {  	s1 =	srdreg.scid  }
0x8b: {  	s0 =	sand.u32 $0x1, s1  }
0x8c: {  	s16 =	sshll.u32 s0, $0xA;
	s2 =	sadd.s32 s3, s2  }
0x8d: {  	s2 =	sadd.s32 s2, s16  }
0x8e: {  	[smem:$0x3FBB] =	sst s2  }
0x8f: {  	_ = 	snop  }
0x90: {  	(tm) =	ssettm $0x1  }
0x91: {  	s17 =	sld [smem:$0x3FFB];
	_ =	sdelay $0x3  }
0x92: {  	_ =	strace s17  }
0x93: {  	s2 =	sld [smem:$0x3FFC];
	_ =	sdelay $0x3  }
0x94: {  	_ =	strace s2  }
0x95: {  	s2 =	sld [smem:$0x3FFD];
	_ =	sdelay $0x3  }
0x96: {  	_ =	strace s2  }
0x97: {  	_ =	strace $0x8FFFFFFF  }
0x98: {  	s18 =	sld [smem:$0x3FDB];
	_ =	sdelay $0x1  }
0x99: {  	s19 =	simm.s32 $_scs_section_size  }
0x9a: {  	s4 =	simm.s32 $_size__tile_overlayer_lowered;
	s5 =	simm.s32 $_tile_overlayer_lowered  }
0x9b: {  	s22 =	simm.s32 $0x1BFF;
	s21 =	sshll.u32 s5, $0x1;
	s2 =	sadd.s32 s19, s18  }
0x9c: {  	s6 =	simm.s32 $0x0;
	s20 =	sshll.u32 s4, $0x1;
	s4 =	sadd.s32 s21, s2  }
0x9d: {  	[timem:s6], [sflag:s22] =	dma.local [hbm:s4], s20  }
0x9e: {  	_ =	swait.ge [sflag:s22], s20  }
0x9f: {  	s3 =	ssub.s32 $0x0, s20;
	[sflag:s22] =	ssyncset.done $0x0  }
0xa0: {  	[sflag:s22] =	ssyncadd.s32 s3;
	_ =	sdelay $0x1  }
0xa1: {  	s23 =	simm.s32 $0x1B8B  }
0xa2: {  	_ =	swait.ge [sflag:s23], $0x1  }
0xa3: {  	[sflag:s23] =	ssyncset.done $0x0  }
0xa4: {  	s25 =	simm.s32 $0x1B8E;
	s24 =	sld [smem:$0x3FFE];
	[sflag:s23] =	ssyncadd.s32 $0xFFFFFFFF  }
0xa5: {  	s26 =	simm.s32 $execute0_lowered;
	[smem:$0x3FD2] =	sst s25  }
0xa6: {  	s4 =	sshll.u32 s26, $0x1;
	_ =	strace $0x80000049;
	[dreg:$0x1] =	wrdreg $0xFFFFFFFF  }
0xa7: {  	s28 =	simm.s32 $_size_execute0_lowered;
	s2 =	sadd.s32 s2, s4;
	[dreg:$0x0] =	wrdreg $0x0  }
0xa8: {  	s4 =	sshll.u32 s28, $0x1;
	[dreg:$0x2] =	wrdreg s2  }
0xa9: {  	[dreg:$0x3] =	wrdreg s4  }
0xaa: {  	[dreg:$0x4] =	wrdreg $0xC0  }
0xab: {  	_ =	task [dreg:s6], $0x5FFFF  }
0xac: {  	[dreg:$0x1] =	wrdreg $0xFFFFFFFF  }
0xad: {  	[dreg:$0x0] =	wrdreg $0x60  }
0xae: {  	[dreg:$0x2] =	wrdreg s24  }
0xaf: {  	[dreg:$0x3] =	wrdreg $0x30000  }
0xb0: {  	[dreg:$0x4] =	wrdreg $0x9  }
0xb1: {  	_ =	task.clear_ibuf [dreg:s6], $0x5FFFF;
	_ =	strace $0x90000049  }
0xb2: {  	s29 =	simm.s32 $0x9;
	_ =	strace $0x8000004B  }
0xb3: {  	_ =	swait.ge [sflag:s29], $0x1  }
0xb4: {  	[sflag:s29] =	ssyncadd.s32 $0xFFFFFFFF  }
0xb5: {  	_ =	strace $0x9000004B  }
0xb6: {  	_ =	sfence  }
0xb7: {  	s30 =	sld [smem:$0x0];
	_ =	sdelay $0x2  }
0xb8: {  	s31 =	sshll.u32 s1, $0xD;
	s1 =	sshrl.u32 s1, $0x2  }
0xb9: {  	s3 =	sand.u32 $0x4000, s31;
	s1 =	sadd.s32 s1, s30  }
0xba: {  	s0 =	sor.u32 s3, s0;
	s1 =	sshll.u32 s1, $0x11  }
0xbb: {  	s0 =	sor.u32 s1, s0  }
0xbc: {  	s0 =	sadd.s32 $0x8F2B, s0  }
0xbd: {  	[sflag:s0] =	ssyncadd.remote.s32 $0x1  }
0xbe: {  	_ =	sfence.sel $0xFFFF  }
0xbf: {  	[dreg:$0x0] =	wrdreg $0xFFFFFFFF;
	(pc) =	sbr.abs _section_cstart, $3  }
0xc0: {  	[dreg:$0x1] =	wrdreg $0xFFFFFFFF  }
0xc1: {  	_ =	task.clear_ibuf [dreg:s6], $0x2FFFF;
	_ =	strace $0x9FFFFFFF  }
0xc2: {  	(tm) =	ssettm $0x7FFFFFFF  }
0xc3: {  	_ =	shalt  }
tec
execute0_lowered:
.L_overlay_start_1:
0x0: {  	(tag) =	ssettag $0x1  }
0x1: {  	s0 =	rddreg [dreg:$0x0]  }
0x2: {  	s1 =	rddreg [dreg:$0x1]  }
0x3: {  	s2 =	simm.s32 $0x0;
	s3 =	srdreg.scid;
	s28 =	simm.s32 $0x1  }
0x4: {  	s29 =	simm.s32 $0x2;
	s31 =	simm.s32 $0x3;
	s17 =	simm.s32 $0x2F80  }
0x5: {  	s30 =	simm.s32 $0x0;
	[smem:$0x7FF] =	sst s2;
	s12 =	sand.u32 $0x1, s3  }
0x6: {  	s3 =	stileid.u32;
	s4 =	sadd.s32 $0x3A00, s0;
	s7 =	smul.u32 $0x27800, s12  }
0x7: {  	s5 =	sadd.s32 $0xBB200, s0;
	s6 =	sadd.s32 $0xB1200, s0;
	s8 =	smul.u32 $0x4F000, s3  }
0x8: {  	_ =	strace $0x8000004A;
	s9 =	ssub.s32 $0x2, s12;
	s13 =	smul.u32 $0x980, s3  }
0x9: {  	s15 =	smul.u32 $0x4C00, s3;
	p0 =	seq.s32 s12, $0x1;
	s25 =	sshll.u32 s3, $0x7  }
0xa: {  	s26 =	smul.u32 $0x2780, s3;
	s19 =	sshrl.u32 s9, $0x1;
	s0 =	sadd.s32 s7, s0  }
0xb: {  	s18 =	sshrl.u32 s8, $0x2;
	s14 =	ssub.s32 s9, s19;
	s20 =	sadd.s32 s5, s13  }
0xc: {  	s21 =	sshrl.u32 s15, $0x3;
	s13 =	sadd.s32 s6, s13;
	s19 =	sor.u32 $0x9800, s25  }
0xd: {  	s25 =	simm.s32 $0x80;
	s7 =	sadd.s32 s18, s1;
	[dreg:$0x3] =	wrdreg s20  }
0xe: {  	[dreg:$0x4] =	wrdreg s13;
	s22 =	sadd.s32 $0x300, s21;
	s15 =	sadd.s32 $0x600, s21  }
0xf: {  	s12 =	sadd.s32 $0x900, s21;
	s0 =	sadd.s32 $0x2AC00, s0;
	s20 =	smax.u32 s14, $0x1  }
0x10: {  	s21 =	simm.s32 $0x16C00;
	s18 =	simm.s32 $0x1880;
	s14 =	simm.s32 $0x1B00  }
0x11: {  	s8 =	sadd.s32 $0x4000, s7;
	s9 =	sadd.s32 $0x8000, s7;
	s10 =	sadd.s32 $0xC000, s7  }
0x12: {  	s11 =	sadd.s32 $0x10000, s7;
	s16 =	sadd.s32 s5, s22;
	[dreg:$0x9] =	wrdreg s12  }
.Ltmp0:
0x13: {  	s13 =	sadd.s32 s6, s22;
	[dreg:$0x5] =	wrdreg s16;
	(pc) =	sbr.rel .LBB2_1-.Ltmp0, $4  }
0x14: {  	s23 =	sadd.s32 s5, s15;
	s24 =	sadd.s32 s6, s15;
	[dreg:$0x6] =	wrdreg s13  }
0x15: {  	s22 =	simm.s32 $0x5;
	s12 =	simm.s32 $0x4;
	[dreg:$0x7] =	wrdreg s23  }
0x16: {  	s15 =	simm.s32 $0x1B80;
	[dreg:$0x8] =	wrdreg s24;
	s23 =	simm.s32 $0x1800  }
0x17: {  	v0 =	vimm.f32 $0.0e+00;
	s24 =	sadd.s32 s26, s0;
	s26 =	simm.s32 $0x1AC00;
	s16 =	simm.s32 $0x2F00  }
.LBB2_10:
0x18: {  	[tilespmem:s26], [sflag:$0x2] =	stream.indirect.gather [hbm4b:s4+s25], $0x80, s13, s25, $0xb8;
	[tilespmem:$0x1EC00] =	vst v63  }
0x19: {  	_ =	swait.ge [sflag:s28], $0x4000  }
0x1a: {  	[sflag:s28] =	ssyncset.done $0x0  }
0x1b: {  	[sflag:s28] =	ssyncadd.s32 $0xFFFFC000  }
0x1c: {  	[spmem:s1] =	stream.indirect.scatter.add.f32 [tilespmem:s21], [sflag:$0x3], $0x80, s16, s25, $0xb8;
	[tilespmem:$0x1EC00] =	vst v63  }
0x1d: {  	_ =	swait.ge [sflag:s29], $0x4000  }
0x1e: {  	[sflag:s29] =	ssyncset.done $0x0  }
0x1f: {  	[sflag:s29] =	ssyncadd.s32 $0xFFFFC000  }
0x20: {  	[spmem:s1] =	stream.indirect.scatter.add.f32 [tilespmem:s26], [sflag:$0x4], $0x80, s17, s25, $0xb8;
	[tilespmem:$0x1EC00] =	vst v63  }
0x21: {  	_ =	swait.ge [sflag:s31], $0x4000  }
0x22: {  	[sflag:s31] =	ssyncset.done $0x0  }
0x23: {  	[sflag:s31] =	ssyncadd.s32 $0xFFFFC000  }
0x24: {  	_ =	swait.ge [sflag:s12], $0x4000  }
0x25: {  	[sflag:s12] =	ssyncset.done $0x0  }
0x26: {  	s18 =	simm.s32 $0x1880;
	s0 =	rddreg [dreg:$0x9];
	[sflag:s12] =	ssyncadd.s32 $0xFFFFC000  }
.LBB2_11:
0x27: {  	s13 =	sadd.s32 s5, s0  }
0x28: {  	[tilespmem:s2], [sflag:$0x5] =	stream.linear.gather [hbm4b:s13+s2], $0x400, $0x38;
	[tilespmem:$0x1EC00] =	vst v63  }
0x29: {  	_ =	swait.ge [sflag:s22], $0x400  }
0x2a: {  	[sflag:s22] =	ssyncset.done $0x0  }
0x2b: {  	s13 =	sadd.s32 s6, s0;
	[sflag:s22] =	ssyncadd.s32 $0xFFFFFC00  }
0x2c: {  	[tilespmem:s23], [sflag:$0x5] =	stream.linear.gather [hbm4b:s13+s2], $0x400, $0x38;
	[tilespmem:$0x1EC00] =	vst v63  }
0x2d: {  	_ =	swait.ge [sflag:s22], $0x400  }
0x2e: {  	[sflag:s22] =	ssyncset.done $0x0  }
0x2f: {  	[sflag:s22] =	ssyncadd.s32 $0xFFFFFC00  }
0x30: {  	[tilespmem:s21], [sflag:$0x1] =	stream.indirect.gather [hbm4b:s4+s25], $0x80, s2, s25, $0xb8;
	[tilespmem:$0x1EC00] =	vst v63  }
0x31: {  	_ = 	snop  }
0x32: {  	[tilespmem:s26], [sflag:$0x2] =	stream.indirect.gather [hbm4b:s4+s25], $0x80, s25, s25, $0xb8;
	[tilespmem:$0x1EC00] =	vst v63  }
0x33: {  	_ =	swait.ge [sflag:s28], $0x4000  }
0x34: {  	[sflag:s28] =	ssyncset.done $0x0  }
0x35: {  	[sflag:s28] =	ssyncadd.s32 $0xFFFFC000  }
0x36: {  	[spmem:s1] =	stream.indirect.scatter.add.f32 [tilespmem:s21], [sflag:$0x3], $0x80, s23, s25, $0xb8;
	[tilespmem:$0x1EC00] =	vst v63  }
0x37: {  	_ =	swait.ge [sflag:s29], $0x4000  }
0x38: {  	[sflag:s29] =	ssyncset.done $0x0  }
0x39: {  	[sflag:s29] =	ssyncadd.s32 $0xFFFFC000  }
0x3a: {  	[spmem:s1] =	stream.indirect.scatter.add.f32 [tilespmem:s26], [sflag:$0x4], $0x80, s18, s25, $0xb8;
	[tilespmem:$0x1EC00] =	vst v63  }
0x3b: {  	_ =	swait.ge [sflag:s31], $0x4000  }
0x3c: {  	[sflag:s31] =	ssyncset.done $0x0  }
0x3d: {  	s13 =	simm.s32 $0x100;
	[sflag:s31] =	ssyncadd.s32 $0xFFFFC000  }
0x3e: {  	[tilespmem:s21], [sflag:$0x1] =	stream.indirect.gather [hbm4b:s4+s25], $0x80, s13, s25, $0xb8;
	[tilespmem:$0x1EC00] =	vst v63  }
0x3f: {  	_ =	swait.ge [sflag:s12], $0x4000  }
0x40: {  	[sflag:s12] =	ssyncset.done $0x0  }
0x41: {  	s13 =	simm.s32 $0x180;
	[sflag:s12] =	ssyncadd.s32 $0xFFFFC000  }
0x42: {  	[tilespmem:s26], [sflag:$0x2] =	stream.indirect.gather [hbm4b:s4+s25], $0x80, s13, s25, $0xb8;
	[tilespmem:$0x1EC00] =	vst v63  }
0x43: {  	_ =	swait.ge [sflag:s28], $0x4000  }
0x44: {  	[sflag:s28] =	ssyncset.done $0x0  }
0x45: {  	s13 =	simm.s32 $0x1900;
	[sflag:s28] =	ssyncadd.s32 $0xFFFFC000  }
0x46: {  	[spmem:s1] =	stream.indirect.scatter.add.f32 [tilespmem:s21], [sflag:$0x3], $0x80, s13, s25, $0xb8;
	[tilespmem:$0x1EC00] =	vst v63  }
0x47: {  	_ =	swait.ge [sflag:s29], $0x4000  }
0x48: {  	[sflag:s29] =	ssyncset.done $0x0  }
0x49: {  	s13 =	simm.s32 $0x1980;
	[sflag:s29] =	ssyncadd.s32 $0xFFFFC000  }
0x4a: {  	[spmem:s1] =	stream.indirect.scatter.add.f32 [tilespmem:s26], [sflag:$0x4], $0x80, s13, s25, $0xb8;
	[tilespmem:$0x1EC00] =	vst v63  }
0x4b: {  	_ =	swait.ge [sflag:s31], $0x4000  }
0x4c: {  	[sflag:s31] =	ssyncset.done $0x0  }
0x4d: {  	s13 =	simm.s32 $0x200;
	[sflag:s31] =	ssyncadd.s32 $0xFFFFC000  }
0x4e: {  	[tilespmem:s21], [sflag:$0x1] =	stream.indirect.gather [hbm4b:s4+s25], $0x80, s13, s25, $0xb8;
	[tilespmem:$0x1EC00] =	vst v63  }
0x4f: {  	_ =	swait.ge [sflag:s12], $0x4000  }
0x50: {  	[sflag:s12] =	ssyncset.done $0x0  }
0x51: {  	s13 =	simm.s32 $0x280;
	[sflag:s12] =	ssyncadd.s32 $0xFFFFC000  }
0x52: {  	[tilespmem:s26], [sflag:$0x2] =	stream.indirect.gather [hbm4b:s4+s25], $0x80, s13, s25, $0xb8;
	[tilespmem:$0x1EC00] =	vst v63  }
0x53: {  	_ =	swait.ge [sflag:s28], $0x4000  }
0x54: {  	[sflag:s28] =	ssyncset.done $0x0  }
0x55: {  	s13 =	simm.s32 $0x1A00;
	[sflag:s28] =	ssyncadd.s32 $0xFFFFC000  }
0x56: {  	[spmem:s1] =	stream.indirect.scatter.add.f32 [tilespmem:s21], [sflag:$0x3], $0x80, s13, s25, $0xb8;
	[tilespmem:$0x1EC00] =	vst v63  }
0x57: {  	_ =	swait.ge [sflag:s29], $0x4000  }
0x58: {  	[sflag:s29] =	ssyncset.done $0x0  }
0x59: {  	s13 =	simm.s32 $0x1A80;
	[sflag:s29] =	ssyncadd.s32 $0xFFFFC000  }
0x5a: {  	[spmem:s1] =	stream.indirect.scatter.add.f32 [tilespmem:s26], [sflag:$0x4], $0x80, s13, s25, $0xb8;
	[tilespmem:$0x1EC00] =	vst v63  }
0x5b: {  	_ =	swait.ge [sflag:s31], $0x4000  }
0x5c: {  	[sflag:s31] =	ssyncset.done $0x0  }
0x5d: {  	s13 =	simm.s32 $0x300;
	[sflag:s31] =	ssyncadd.s32 $0xFFFFC000  }
0x5e: {  	[tilespmem:s21], [sflag:$0x1] =	stream.indirect.gather [hbm4b:s4+s25], $0x80, s13, s25, $0xb8;
	[tilespmem:$0x1EC00] =	vst v63  }
0x5f: {  	_ =	swait.ge [sflag:s12], $0x4000  }
0x60: {  	[sflag:s12] =	ssyncset.done $0x0  }
0x61: {  	s13 =	simm.s32 $0x380;
	[sflag:s12] =	ssyncadd.s32 $0xFFFFC000  }
0x62: {  	[tilespmem:s26], [sflag:$0x2] =	stream.indirect.gather [hbm4b:s4+s25], $0x80, s13, s25, $0xb8;
	[tilespmem:$0x1EC00] =	vst v63  }
0x63: {  	_ =	swait.ge [sflag:s28], $0x4000  }
0x64: {  	[sflag:s28] =	ssyncset.done $0x0  }
0x65: {  	[sflag:s28] =	ssyncadd.s32 $0xFFFFC000  }
0x66: {  	[spmem:s1] =	stream.indirect.scatter.add.f32 [tilespmem:s21], [sflag:$0x3], $0x80, s14, s25, $0xb8;
	[tilespmem:$0x1EC00] =	vst v63  }
0x67: {  	_ =	swait.ge [sflag:s29], $0x4000  }
0x68: {  	[sflag:s29] =	ssyncset.done $0x0  }
0x69: {  	[sflag:s29] =	ssyncadd.s32 $0xFFFFC000  }
0x6a: {  	[spmem:s1] =	stream.indirect.scatter.add.f32 [tilespmem:s26], [sflag:$0x4], $0x80, s15, s25, $0xb8;
	[tilespmem:$0x1EC00] =	vst v63  }
0x6b: {  	_ =	swait.ge [sflag:s31], $0x4000  }
0x6c: {  	[sflag:s31] =	ssyncset.done $0x0  }
0x6d: {  	[sflag:s31] =	ssyncadd.s32 $0xFFFFC000  }
0x6e: {  	_ =	swait.ge [sflag:s12], $0x4000  }
0x6f: {  	s30 =	sadd.s32 $0x1, s30;
	s13 =	sshll.u32 s3, $0x6;
	[sflag:s12] =	ssyncset.done $0x0  }
0x70: {  	p1 =	sne.s32 s30, s20;
	s0 =	sor.u32 $0x1C05, s13;
	[sflag:s12] =	ssyncadd.s32 $0xFFFFC000  }
.Ltmp1:
0x71: {  	s13 =	sshrl.u32 s7, $0x3;
	[bflag:$0x0] =	sbarrier.arrive $0xFFFF;
	(pc) =	sbr.rel @!p1 .LBB2_12-.Ltmp1, $4  }
0x72: {  	[hbm:s24], [sflag:s0] =	dma.local [spmem:s13], $0x2780  }
0x73: {  	_ =	swait.ge [sflag:s22], $0x2780  }
0x74: {  	[sflag:s22] =	ssyncset.done $0x0  }
0x75: {  	[sflag:s22] =	ssyncadd.s32 $0xFFFFD880  }
.LBB2_1:
0x76: {  	s0 =	simm.s32 $0x0;
	s13 =	simm.s32 $0x200  }
.LBB2_2:
0x77: {  	p1 =	sne.s32 s13, $0xFE00;
	[tilespmem:s0+$0x16C70] =	vst v0  }
0x78: {  	[tilespmem:s0+$0x16C00] =	vst v0  }
0x79: {  	[tilespmem:s0+$0x16C10] =	vst v0  }
.Ltmp2:
0x7a: {  	[tilespmem:s0+$0x16C20] =	vst v0;
	(pc) =	sbr.rel @p1 .LBB2_2-.Ltmp2, $4  }
0x7b: {  	[tilespmem:s0+$0x16C30] =	vst v0  }
0x7c: {  	[tilespmem:s0+$0x16C40] =	vst v0  }
0x7d: {  	[tilespmem:s0+$0x16C50] =	vst v0  }
0x7e: {  	[tilespmem:s0+$0x16C60] =	vst v0;
	s0 =	sshra.s32 s13, $0x2;
	s13 =	sadd.s32 $0x200, s13  }
0x7f: {  	[tilespmem:s0+$0x16C70] =	vst v0  }
0x80: {  	[tilespmem:s0+$0x16C00] =	vst v0  }
0x81: {  	[tilespmem:s0+$0x16C10] =	vst v0  }
0x82: {  	[tilespmem:s0+$0x16C20] =	vst v0  }
0x83: {  	[tilespmem:s0+$0x16C30] =	vst v0  }
0x84: {  	[tilespmem:s0+$0x16C40] =	vst v0  }
0x85: {  	[tilespmem:s0+$0x16C50] =	vst v0  }
0x86: {  	[tilespmem:s0+$0x16C60] =	vst v0  }
0x87: {  	[spmem:s7] =	stream.linear.scatter [tilespmem:s21], [sflag:$0x5], $0x4000, $0x38;
	[tilespmem:$0x1EC00] =	vst v63  }
0x88: {  	_ =	swait.ge [sflag:s22], $0x4000  }
0x89: {  	[sflag:s22] =	ssyncset.done $0x0  }
0x8a: {  	[sflag:s22] =	ssyncadd.s32 $0xFFFFC000  }
0x8b: {  	[spmem:s8] =	stream.linear.scatter [tilespmem:s21], [sflag:$0x5], $0x4000, $0x38;
	[tilespmem:$0x1EC00] =	vst v63  }
0x8c: {  	_ =	swait.ge [sflag:s22], $0x4000  }
0x8d: {  	[sflag:s22] =	ssyncset.done $0x0  }
0x8e: {  	[sflag:s22] =	ssyncadd.s32 $0xFFFFC000  }
0x8f: {  	[spmem:s9] =	stream.linear.scatter [tilespmem:s21], [sflag:$0x5], $0x4000, $0x38;
	[tilespmem:$0x1EC00] =	vst v63  }
0x90: {  	_ =	swait.ge [sflag:s22], $0x4000  }
0x91: {  	[sflag:s22] =	ssyncset.done $0x0  }
0x92: {  	[sflag:s22] =	ssyncadd.s32 $0xFFFFC000  }
0x93: {  	[spmem:s10] =	stream.linear.scatter [tilespmem:s21], [sflag:$0x5], $0x4000, $0x38;
	[tilespmem:$0x1EC00] =	vst v63  }
0x94: {  	_ =	swait.ge [sflag:s22], $0x4000  }
0x95: {  	[sflag:s22] =	ssyncset.done $0x0  }
0x96: {  	[sflag:s22] =	ssyncadd.s32 $0xFFFFC000  }
0x97: {  	[spmem:s11] =	stream.linear.scatter [tilespmem:s21], [sflag:$0x5], $0x3C00, $0x38;
	[tilespmem:$0x1EC00] =	vst v63  }
.Ltmp3:
0x98: {  	_ =	swait.ge [sflag:s22], $0x3C00;
	(pc) =	sbr.rel @p0 .LBB2_11-.Ltmp3, $4  }
0x99: {  	[sflag:s22] =	ssyncset.done $0x0  }
0x9a: {  	[sflag:s22] =	ssyncadd.s32 $0xFFFFC400  }
0x9b: {  	[bflag:$0x0] =	sbarrier.arrive $0xFFFF  }
0x9c: {  	s0 =	smov.u32 s19  }
0x9d: {  	s0 =	simm.s32 $0x0;
	s13 =	rddreg [dreg:$0x3]  }
0x9e: {  	[tilespmem:s0], [sflag:$0x5] =	stream.linear.gather [hbm4b:s13+s0], $0x1800, $0x38;
	[tilespmem:$0x1EC00] =	vst v63  }
0x9f: {  	_ =	swait.ge [sflag:s22], $0x1800  }
0xa0: {  	[sflag:s22] =	ssyncset.done $0x0  }
0xa1: {  	s18 =	rddreg [dreg:$0x4];
	[sflag:s22] =	ssyncadd.s32 $0xFFFFE800  }
0xa2: {  	[tilespmem:s23], [sflag:$0x5] =	stream.linear.gather [hbm4b:s18+s0], $0x1800, $0x38;
	[tilespmem:$0x1EC00] =	vst v63  }
0xa3: {  	_ =	swait.ge [sflag:s22], $0x1800  }
0xa4: {  	[sflag:s22] =	ssyncset.done $0x0  }
0xa5: {  	[sflag:s22] =	ssyncadd.s32 $0xFFFFE800  }
0xa6: {  	[tilespmem:s21], [sflag:$0x1] =	stream.indirect.gather [hbm4b:s4+s25], $0x80, s0, s25, $0xb8;
	[tilespmem:$0x1EC00] =	vst v63  }
0xa7: {  	_ = 	snop  }
0xa8: {  	[tilespmem:s26], [sflag:$0x2] =	stream.indirect.gather [hbm4b:s4+s25], $0x80, s25, s25, $0xb8;
	[tilespmem:$0x1EC00] =	vst v63  }
0xa9: {  	_ =	swait.ge [sflag:s28], $0x4000  }
0xaa: {  	[sflag:s28] =	ssyncset.done $0x0  }
0xab: {  	s18 =	simm.s32 $0x1800;
	[sflag:s28] =	ssyncadd.s32 $0xFFFFC000  }
0xac: {  	[spmem:s1] =	stream.indirect.scatter.add.f32 [tilespmem:s21], [sflag:$0x3], $0x80, s18, s25, $0xb8;
	[tilespmem:$0x1EC00] =	vst v63  }
0xad: {  	_ =	swait.ge [sflag:s29], $0x4000  }
0xae: {  	[sflag:s29] =	ssyncset.done $0x0  }
0xaf: {  	s13 =	simm.s32 $0x1880;
	[sflag:s29] =	ssyncadd.s32 $0xFFFFC000  }
0xb0: {  	[spmem:s1] =	stream.indirect.scatter.add.f32 [tilespmem:s26], [sflag:$0x4], $0x80, s13, s25, $0xb8;
	[tilespmem:$0x1EC00] =	vst v63  }
0xb1: {  	_ =	swait.ge [sflag:s31], $0x4000  }
0xb2: {  	[sflag:s31] =	ssyncset.done $0x0  }
0xb3: {  	s18 =	simm.s32 $0x100;
	[sflag:s31] =	ssyncadd.s32 $0xFFFFC000  }
0xb4: {  	[tilespmem:s21], [sflag:$0x1] =	stream.indirect.gather [hbm4b:s4+s25], $0x80, s18, s25, $0xb8;
	[tilespmem:$0x1EC00] =	vst v63  }
0xb5: {  	_ =	swait.ge [sflag:s12], $0x4000  }
0xb6: {  	[sflag:s12] =	ssyncset.done $0x0  }
0xb7: {  	s0 =	simm.s32 $0x400;
	s13 =	simm.s32 $0x180;
	[sflag:s12] =	ssyncadd.s32 $0xFFFFC000  }
.LBB2_5:
0xb8: {  	[tilespmem:s26], [sflag:$0x2] =	stream.indirect.gather [hbm4b:s4+s25], $0x80, s13, s25, $0xb8;
	[tilespmem:$0x1EC00] =	vst v63  }
0xb9: {  	s13 =	smov.u32 s0  }
0xba: {  	p1 =	sne.s32 s0, $0x5800;
	s0 =	sadd.s32 $0x400, s0;
	_ =	swait.ge [sflag:s28], $0x4000  }
0xbb: {  	s13 =	sshra.s32 s13, $0x2;
	[sflag:s28] =	ssyncset.done $0x0  }
0xbc: {  	s18 =	sadd.s32 $0x1800, s13;
	[sflag:s28] =	ssyncadd.s32 $0xFFFFC000  }
0xbd: {  	[spmem:s1] =	stream.indirect.scatter.add.f32 [tilespmem:s21], [sflag:$0x3], $0x80, s18, s25, $0xb8;
	[tilespmem:$0x1EC00] =	vst v63  }
0xbe: {  	_ =	swait.ge [sflag:s29], $0x4000  }
0xbf: {  	[sflag:s29] =	ssyncset.done $0x0  }
0xc0: {  	s18 =	sadd.s32 $0x1880, s13;
	[sflag:s29] =	ssyncadd.s32 $0xFFFFC000  }
0xc1: {  	[spmem:s1] =	stream.indirect.scatter.add.f32 [tilespmem:s26], [sflag:$0x4], $0x80, s18, s25, $0xb8;
	[tilespmem:$0x1EC00] =	vst v63  }
0xc2: {  	_ =	swait.ge [sflag:s31], $0x4000  }
0xc3: {  	[sflag:s31] =	ssyncset.done $0x0  }
.Ltmp4:
0xc4: {  	s18 =	sadd.s32 $0x100, s13;
	[sflag:s31] =	ssyncadd.s32 $0xFFFFC000;
	(pc) =	sbr.rel @p1 .LBB2_5-.Ltmp4, $4  }
0xc5: {  	[tilespmem:s21], [sflag:$0x1] =	stream.indirect.gather [hbm4b:s4+s25], $0x80, s18, s25, $0xb8;
	[tilespmem:$0x1EC00] =	vst v63  }
0xc6: {  	_ =	swait.ge [sflag:s12], $0x4000  }
0xc7: {  	[sflag:s12] =	ssyncset.done $0x0  }
0xc8: {  	s13 =	sadd.s32 $0x180, s13;
	[sflag:s12] =	ssyncadd.s32 $0xFFFFC000  }
0xc9: {  	[tilespmem:s26], [sflag:$0x2] =	stream.indirect.gather [hbm4b:s4+s25], $0x80, s13, s25, $0xb8;
	[tilespmem:$0x1EC00] =	vst v63  }
0xca: {  	_ =	swait.ge [sflag:s28], $0x4000  }
0xcb: {  	[sflag:s28] =	ssyncset.done $0x0  }
0xcc: {  	[sflag:s28] =	ssyncadd.s32 $0xFFFFC000  }
0xcd: {  	[spmem:s1] =	stream.indirect.scatter.add.f32 [tilespmem:s21], [sflag:$0x3], $0x80, s16, s25, $0xb8;
	[tilespmem:$0x1EC00] =	vst v63  }
0xce: {  	_ =	swait.ge [sflag:s29], $0x4000  }
0xcf: {  	[sflag:s29] =	ssyncset.done $0x0  }
0xd0: {  	[sflag:s29] =	ssyncadd.s32 $0xFFFFC000  }
0xd1: {  	[spmem:s1] =	stream.indirect.scatter.add.f32 [tilespmem:s26], [sflag:$0x4], $0x80, s17, s25, $0xb8;
	[tilespmem:$0x1EC00] =	vst v63  }
0xd2: {  	_ =	swait.ge [sflag:s31], $0x4000  }
0xd3: {  	[sflag:s31] =	ssyncset.done $0x0  }
0xd4: {  	[sflag:s31] =	ssyncadd.s32 $0xFFFFC000  }
0xd5: {  	_ =	swait.ge [sflag:s12], $0x4000  }
0xd6: {  	[sflag:s12] =	ssyncset.done $0x0  }
0xd7: {  	s0 =	simm.s32 $0x0;
	s18 =	rddreg [dreg:$0x5];
	[sflag:s12] =	ssyncadd.s32 $0xFFFFC000  }
0xd8: {  	[tilespmem:s0], [sflag:$0x5] =	stream.linear.gather [hbm4b:s18+s0], $0x1800, $0x38;
	[tilespmem:$0x1EC00] =	vst v63  }
0xd9: {  	_ =	swait.ge [sflag:s22], $0x1800  }
0xda: {  	[sflag:s22] =	ssyncset.done $0x0  }
0xdb: {  	s18 =	rddreg [dreg:$0x6];
	[sflag:s22] =	ssyncadd.s32 $0xFFFFE800  }
0xdc: {  	[tilespmem:s23], [sflag:$0x5] =	stream.linear.gather [hbm4b:s18+s0], $0x1800, $0x38;
	[tilespmem:$0x1EC00] =	vst v63  }
0xdd: {  	_ =	swait.ge [sflag:s22], $0x1800  }
0xde: {  	[sflag:s22] =	ssyncset.done $0x0  }
0xdf: {  	[sflag:s22] =	ssyncadd.s32 $0xFFFFE800  }
0xe0: {  	[tilespmem:s21], [sflag:$0x1] =	stream.indirect.gather [hbm4b:s4+s25], $0x80, s0, s25, $0xb8;
	[tilespmem:$0x1EC00] =	vst v63  }
0xe1: {  	_ = 	snop  }
0xe2: {  	[tilespmem:s26], [sflag:$0x2] =	stream.indirect.gather [hbm4b:s4+s25], $0x80, s25, s25, $0xb8;
	[tilespmem:$0x1EC00] =	vst v63  }
0xe3: {  	_ =	swait.ge [sflag:s28], $0x4000  }
0xe4: {  	[sflag:s28] =	ssyncset.done $0x0  }
0xe5: {  	s18 =	simm.s32 $0x1800;
	[sflag:s28] =	ssyncadd.s32 $0xFFFFC000  }
0xe6: {  	[spmem:s1] =	stream.indirect.scatter.add.f32 [tilespmem:s21], [sflag:$0x3], $0x80, s18, s25, $0xb8;
	[tilespmem:$0x1EC00] =	vst v63  }
0xe7: {  	_ =	swait.ge [sflag:s29], $0x4000  }
0xe8: {  	[sflag:s29] =	ssyncset.done $0x0  }
0xe9: {  	s13 =	simm.s32 $0x1880;
	[sflag:s29] =	ssyncadd.s32 $0xFFFFC000  }
0xea: {  	[spmem:s1] =	stream.indirect.scatter.add.f32 [tilespmem:s26], [sflag:$0x4], $0x80, s13, s25, $0xb8;
	[tilespmem:$0x1EC00] =	vst v63  }
0xeb: {  	_ =	swait.ge [sflag:s31], $0x4000  }
0xec: {  	[sflag:s31] =	ssyncset.done $0x0  }
0xed: {  	s18 =	simm.s32 $0x100;
	[sflag:s31] =	ssyncadd.s32 $0xFFFFC000  }
0xee: {  	[tilespmem:s21], [sflag:$0x1] =	stream.indirect.gather [hbm4b:s4+s25], $0x80, s18, s25, $0xb8;
	[tilespmem:$0x1EC00] =	vst v63  }
0xef: {  	_ =	swait.ge [sflag:s12], $0x4000  }
0xf0: {  	[sflag:s12] =	ssyncset.done $0x0  }
0xf1: {  	s0 =	simm.s32 $0x400;
	s13 =	simm.s32 $0x180;
	[sflag:s12] =	ssyncadd.s32 $0xFFFFC000  }
.LBB2_7:
0xf2: {  	[tilespmem:s26], [sflag:$0x2] =	stream.indirect.gather [hbm4b:s4+s25], $0x80, s13, s25, $0xb8;
	[tilespmem:$0x1EC00] =	vst v63  }
0xf3: {  	s13 =	smov.u32 s0  }
0xf4: {  	p1 =	sne.s32 s0, $0x5800;
	s0 =	sadd.s32 $0x400, s0;
	_ =	swait.ge [sflag:s28], $0x4000  }
0xf5: {  	s13 =	sshra.s32 s13, $0x2;
	[sflag:s28] =	ssyncset.done $0x0  }
0xf6: {  	s18 =	sadd.s32 $0x1800, s13;
	[sflag:s28] =	ssyncadd.s32 $0xFFFFC000  }
0xf7: {  	[spmem:s1] =	stream.indirect.scatter.add.f32 [tilespmem:s21], [sflag:$0x3], $0x80, s18, s25, $0xb8;
	[tilespmem:$0x1EC00] =	vst v63  }
0xf8: {  	_ =	swait.ge [sflag:s29], $0x4000  }
0xf9: {  	[sflag:s29] =	ssyncset.done $0x0  }
0xfa: {  	s18 =	sadd.s32 $0x1880, s13;
	[sflag:s29] =	ssyncadd.s32 $0xFFFFC000  }
0xfb: {  	[spmem:s1] =	stream.indirect.scatter.add.f32 [tilespmem:s26], [sflag:$0x4], $0x80, s18, s25, $0xb8;
	[tilespmem:$0x1EC00] =	vst v63  }
0xfc: {  	_ =	swait.ge [sflag:s31], $0x4000  }
0xfd: {  	[sflag:s31] =	ssyncset.done $0x0  }
.Ltmp5:
0xfe: {  	s18 =	sadd.s32 $0x100, s13;
	[sflag:s31] =	ssyncadd.s32 $0xFFFFC000;
	(pc) =	sbr.rel @p1 .LBB2_7-.Ltmp5, $4  }
0xff: {  	[tilespmem:s21], [sflag:$0x1] =	stream.indirect.gather [hbm4b:s4+s25], $0x80, s18, s25, $0xb8;
	[tilespmem:$0x1EC00] =	vst v63  }
0x100: {  	_ =	swait.ge [sflag:s12], $0x4000  }
0x101: {  	[sflag:s12] =	ssyncset.done $0x0  }
0x102: {  	s13 =	sadd.s32 $0x180, s13;
	[sflag:s12] =	ssyncadd.s32 $0xFFFFC000  }
0x103: {  	[tilespmem:s26], [sflag:$0x2] =	stream.indirect.gather [hbm4b:s4+s25], $0x80, s13, s25, $0xb8;
	[tilespmem:$0x1EC00] =	vst v63  }
0x104: {  	_ =	swait.ge [sflag:s28], $0x4000  }
0x105: {  	[sflag:s28] =	ssyncset.done $0x0  }
0x106: {  	[sflag:s28] =	ssyncadd.s32 $0xFFFFC000  }
0x107: {  	[spmem:s1] =	stream.indirect.scatter.add.f32 [tilespmem:s21], [sflag:$0x3], $0x80, s16, s25, $0xb8;
	[tilespmem:$0x1EC00] =	vst v63  }
0x108: {  	_ =	swait.ge [sflag:s29], $0x4000  }
0x109: {  	[sflag:s29] =	ssyncset.done $0x0  }
0x10a: {  	[sflag:s29] =	ssyncadd.s32 $0xFFFFC000  }
0x10b: {  	[spmem:s1] =	stream.indirect.scatter.add.f32 [tilespmem:s26], [sflag:$0x4], $0x80, s17, s25, $0xb8;
	[tilespmem:$0x1EC00] =	vst v63  }
0x10c: {  	_ =	swait.ge [sflag:s31], $0x4000  }
0x10d: {  	[sflag:s31] =	ssyncset.done $0x0  }
0x10e: {  	[sflag:s31] =	ssyncadd.s32 $0xFFFFC000  }
0x10f: {  	_ =	swait.ge [sflag:s12], $0x4000  }
0x110: {  	[sflag:s12] =	ssyncset.done $0x0  }
0x111: {  	s0 =	simm.s32 $0x0;
	s18 =	rddreg [dreg:$0x7];
	[sflag:s12] =	ssyncadd.s32 $0xFFFFC000  }
0x112: {  	[tilespmem:s0], [sflag:$0x5] =	stream.linear.gather [hbm4b:s18+s0], $0x1800, $0x38;
	[tilespmem:$0x1EC00] =	vst v63  }
0x113: {  	_ =	swait.ge [sflag:s22], $0x1800  }
0x114: {  	[sflag:s22] =	ssyncset.done $0x0  }
0x115: {  	s18 =	rddreg [dreg:$0x8];
	[sflag:s22] =	ssyncadd.s32 $0xFFFFE800  }
0x116: {  	[tilespmem:s23], [sflag:$0x5] =	stream.linear.gather [hbm4b:s18+s0], $0x1800, $0x38;
	[tilespmem:$0x1EC00] =	vst v63  }
0x117: {  	_ =	swait.ge [sflag:s22], $0x1800  }
0x118: {  	[sflag:s22] =	ssyncset.done $0x0  }
0x119: {  	[sflag:s22] =	ssyncadd.s32 $0xFFFFE800  }
0x11a: {  	[tilespmem:s21], [sflag:$0x1] =	stream.indirect.gather [hbm4b:s4+s25], $0x80, s0, s25, $0xb8;
	[tilespmem:$0x1EC00] =	vst v63  }
0x11b: {  	_ = 	snop  }
0x11c: {  	[tilespmem:s26], [sflag:$0x2] =	stream.indirect.gather [hbm4b:s4+s25], $0x80, s25, s25, $0xb8;
	[tilespmem:$0x1EC00] =	vst v63  }
0x11d: {  	_ =	swait.ge [sflag:s28], $0x4000  }
0x11e: {  	[sflag:s28] =	ssyncset.done $0x0  }
0x11f: {  	s18 =	simm.s32 $0x1800;
	[sflag:s28] =	ssyncadd.s32 $0xFFFFC000  }
0x120: {  	[spmem:s1] =	stream.indirect.scatter.add.f32 [tilespmem:s21], [sflag:$0x3], $0x80, s18, s25, $0xb8;
	[tilespmem:$0x1EC00] =	vst v63  }
0x121: {  	_ =	swait.ge [sflag:s29], $0x4000  }
0x122: {  	[sflag:s29] =	ssyncset.done $0x0  }
0x123: {  	s13 =	simm.s32 $0x1880;
	[sflag:s29] =	ssyncadd.s32 $0xFFFFC000  }
0x124: {  	[spmem:s1] =	stream.indirect.scatter.add.f32 [tilespmem:s26], [sflag:$0x4], $0x80, s13, s25, $0xb8;
	[tilespmem:$0x1EC00] =	vst v63  }
0x125: {  	_ =	swait.ge [sflag:s31], $0x4000  }
0x126: {  	[sflag:s31] =	ssyncset.done $0x0  }
0x127: {  	s18 =	simm.s32 $0x100;
	[sflag:s31] =	ssyncadd.s32 $0xFFFFC000  }
0x128: {  	[tilespmem:s21], [sflag:$0x1] =	stream.indirect.gather [hbm4b:s4+s25], $0x80, s18, s25, $0xb8;
	[tilespmem:$0x1EC00] =	vst v63  }
0x129: {  	_ =	swait.ge [sflag:s12], $0x4000  }
0x12a: {  	[sflag:s12] =	ssyncset.done $0x0  }
0x12b: {  	s0 =	simm.s32 $0x400;
	s13 =	simm.s32 $0x180;
	[sflag:s12] =	ssyncadd.s32 $0xFFFFC000  }
.LBB2_9:
0x12c: {  	[tilespmem:s26], [sflag:$0x2] =	stream.indirect.gather [hbm4b:s4+s25], $0x80, s13, s25, $0xb8;
	[tilespmem:$0x1EC00] =	vst v63  }
0x12d: {  	s13 =	smov.u32 s0  }
0x12e: {  	p1 =	sne.s32 s0, $0x5800;
	s0 =	sadd.s32 $0x400, s0;
	_ =	swait.ge [sflag:s28], $0x4000  }
0x12f: {  	s13 =	sshra.s32 s13, $0x2;
	[sflag:s28] =	ssyncset.done $0x0  }
0x130: {  	s18 =	sadd.s32 $0x1800, s13;
	[sflag:s28] =	ssyncadd.s32 $0xFFFFC000  }
0x131: {  	[spmem:s1] =	stream.indirect.scatter.add.f32 [tilespmem:s21], [sflag:$0x3], $0x80, s18, s25, $0xb8;
	[tilespmem:$0x1EC00] =	vst v63  }
0x132: {  	_ =	swait.ge [sflag:s29], $0x4000  }
0x133: {  	[sflag:s29] =	ssyncset.done $0x0  }
0x134: {  	s18 =	sadd.s32 $0x1880, s13;
	[sflag:s29] =	ssyncadd.s32 $0xFFFFC000  }
0x135: {  	[spmem:s1] =	stream.indirect.scatter.add.f32 [tilespmem:s26], [sflag:$0x4], $0x80, s18, s25, $0xb8;
	[tilespmem:$0x1EC00] =	vst v63  }
0x136: {  	_ =	swait.ge [sflag:s31], $0x4000  }
0x137: {  	[sflag:s31] =	ssyncset.done $0x0  }
.Ltmp6:
0x138: {  	s18 =	sadd.s32 $0x100, s13;
	[sflag:s31] =	ssyncadd.s32 $0xFFFFC000;
	(pc) =	sbr.rel @p1 .LBB2_9-.Ltmp6, $4  }
0x139: {  	[tilespmem:s21], [sflag:$0x1] =	stream.indirect.gather [hbm4b:s4+s25], $0x80, s18, s25, $0xb8;
	[tilespmem:$0x1EC00] =	vst v63  }
0x13a: {  	_ =	swait.ge [sflag:s12], $0x4000  }
0x13b: {  	[sflag:s12] =	ssyncset.done $0x0  }
0x13c: {  	s13 =	sadd.s32 $0x180, s13;
	[sflag:s12] =	ssyncadd.s32 $0xFFFFC000  }
.Ltmp7:
0x13d: {  	_ = 	snop;
	(pc) =	sbr.rel .LBB2_10-.Ltmp7, $1  }
0x13e: {  	_ =	sdelay $0x3  }
.LBB2_12:
0x13f: {  	_ =	sfence.sel $0x180000  }
0x140: {  	[bflag:$0x0] =	sbarrier.arrive $0xFFFF  }
0x141: {  	_ =	strace $0x9000004A  }
0x142: {  	[bflag:$0x2] =	sbarrier.arrive $0xFFFF  }
0x143: {  	p0 =	sne.s32 s3, $0x0;
	s0 =	rddreg [dreg:$0x2]  }
0x144: {  	s0 =	sadd.s32 @!p0 $0x100000, s0  }
0x145: {  	[sflag:s0] =	ssyncadd.tile.s32 @!p0 $0x1;
	_ =	shalt  }
.Lfunc_end2:
_tile_overlayer_lowered:
.L_overlay_start_2:
0x146: {  	(tag) =	ssettag $0x2  }
0x147: {  	s0 =	rddreg [dreg:$0x0];
	s2 =	stileid.u32  }
0x148: {  	s1 =	rddreg [dreg:$0x1];
	p0 =	sne.s32 s2, $0x0  }
0x149: {  	s3 =	rddreg [dreg:$0x2];
	[bflag:$0x3] =	sbarrier.arrive $0xFFFF;
	s2 =	simm.s32 @!p0 $0x1C05  }
0x14a: {  	[timem:s3], [sflag:s2] =	dma.local @!p0 [hbm:s0], s1  }
0x14b: {  	s0 =	simm.s32 @!p0 $0x5  }
0x14c: {  	_ =	swait.ge @!p0 [sflag:s0], s1  }
0x14d: {  	s1 =	ssub.s32 @!p0 $0x0, s1;
	[sflag:s0] =	ssyncset.done @!p0 $0x0  }
0x14e: {  	[sflag:s0] =	ssyncadd.s32 @!p0 s1  }
0x14f: {  	[bflag:$0x3] =	sbarrier.arrive $0xFFFF  }
0x150: {  	_ =	shalt  }

// kernel: kernel.17.cloned.1.call-start
scs
__scs_entry_jumppad:
0x0: {  	(pc) =	sbr.rel $0x88, $3  }
0x1: {  	(tag) =	ssettag $0x0;
	lr =	simm.s32 $0x1  }
0x2: {  	[smem:$0x3F94] =	sst lr;
	_ =	strace $0xD0000000  }
0x3: {  	_ = 	snop  }
0x4: {  	_ = 	snop  }
0x5: {  	_ = 	snop  }
0x6: {  	_ = 	snop  }
0x7: {  	_ = 	snop  }
__scs_overlays_trampoline_lowered:
0x8: {  	[smem:$0x3FA3] =	sst s0  }
0x9: {  	[smem:$0x3FA4] =	sst s1  }
0xa: {  	[smem:$0x3FA5] =	sst s2  }
0xb: {  	[smem:$0x3FA6] =	sst s3  }
0xc: {  	[smem:$0x3FA7] =	sst s4  }
0xd: {  	[smem:$0x3FA8] =	sst s5  }
0xe: {  	[smem:$0x3FA9] =	sst s6  }
0xf: {  	[smem:$0x3FAA] =	sst s7  }
0x10: {  	[smem:$0x3FAB] =	sst s8  }
0x11: {  	[smem:$0x3FAC] =	sst s9;
	s0 =	simm.s32 @!p0 $0x0  }
0x12: {  	s1 =	sld [smem:$0x3F92];
	s0 =	simm.s32 @p0 $0x1  }
0x13: {  	[smem:$0x3FAD] =	sst s0;
	s0 =	simm.s32 @!p1 $0x0  }
0x14: {  	s2 =	sld [smem:$0x3F91];
	s0 =	simm.s32 @p1 $0x1  }
0x15: {  	[smem:$0x3FAE] =	sst s0;
	s0 =	simm.s32 @!p2 $0x0  }
0x16: {  	s3 =	sld [smem:$0x3FDB];
	s0 =	simm.s32 @p2 $0x1  }
0x17: {  	s4 =	simm.s32 $0x1BF5;
	[smem:$0x3FB0] =	sst s0  }
0x18: {  	s0 =	sld [smem:$0x3F93];
	_ =	swait.ge [sflag:s4], $0x0  }
0x19: {  	s7 =	sld [smem:$0x3F94]  }
0x1a: {  	s8 =	sadd.s32 $0xFFFFE003, lr  }
0x1b: {  	s9 =	sadd.s32 $0xFFFFFEF7, lr;
	s5 =	simm.s32 $0xFFFFFFFF;
	p2 =	slt.u32 s8, $0xFFFFF086  }
0x1c: {  	p1 =	slt.u32 s9, $0xF7A;
	s5 =	simm.s32 @!p2 $0x0  }
0x1d: {  	s5 =	simm.s32 @p1 $0x1;
	p0 =	seq.s32 s7, s2  }
0x1e: {  	s7 =	smul.u32 @!p0 $0xF7A, s2;
	p2 =	seq.s32 @!p0 s5, $0x0  }
0x1f: {  	s9 =	smul.u32 $0xF7A, s1;
	s8 =	simm.s32 @!p0 $0x1BF5;
	p2 =	por !p2, p0  }
0x20: {  	[sflag:s8] =	ssyncset.s32 @!p0 $0xFFFFF086;
	s6 =	sadd.s32 @!p0 s3, s7;
	s7 =	simm.s32 @!p0 $0x108  }
0x21: {  	s3 =	sadd.s32 s3, s9;
	s6 =	sadd.s32 @!p0 $0x88, s6;
	s7 =	simm.s32 @p2 $0x1082  }
0x22: {  	[simem:s7], [sflag:s8] =	dma.local @!p0 [hbm:s6], $0xF7A  }
0x23: {  	s9 =	sor.u32 $0xD0000000, s2;
	s6 =	simm.s32 $0x108;
	_ =	swait.ge @!p0 [sflag:s8], $0x0  }
0x24: {  	s3 =	sadd.s32 $0x88, s3;
	s6 =	simm.s32 @!p1 $0x1082;
	[sflag:s4] =	ssyncset.s32 $0xFFFFF086  }
0x25: {  	[simem:s6], [sflag:s4] =	dma.local [hbm:s3], $0xF7A  }
0x26: {  	[smem:$0x3F94] =	sst s1;
	(tag) =	ssettag s2;
	_ =	strace s9  }
0x27: {  	s1 =	sld [smem:$0x3FA4]  }
0x28: {  	s2 =	sld [smem:$0x3FA5]  }
0x29: {  	s4 =	sld [smem:$0x3FA7]  }
0x2a: {  	p0 =	seq.s32 s5, $0x0;
	s5 =	sld [smem:$0x3FA8]  }
0x2b: {  	s6 =	sld [smem:$0x3FA9]  }
0x2c: {  	s7 =	sld [smem:$0x3FAA]  }
0x2d: {  	s3 =	simm.s32 $0x108;
	s8 =	sld [smem:$0x3FAB]  }
0x2e: {  	s3 =	simm.s32 @!p0 $0x1082;
	s9 =	sld [smem:$0x3FAC]  }
0x2f: {  	lr =	sadd.s32 s0, s3;
	s0 =	sld [smem:$0x3FA3]  }
0x30: {  	s3 =	sld [smem:$0x3FA6]  }
0x31: {  	[smem:$0x3FAF] =	sst s10  }
0x32: {  	s10 =	sld [smem:$0x3FAD];
	_ =	sdelay $0x3  }
0x33: {  	p0 =	seq.s32 s10, $0x1;
	s10 =	sld [smem:$0x3FAF];
	_ =	sdelay $0x3  }
0x34: {  	[smem:$0x3FAF] =	sst s10  }
0x35: {  	s10 =	sld [smem:$0x3FAE];
	_ =	sdelay $0x3  }
0x36: {  	p1 =	seq.s32 s10, $0x1;
	s10 =	sld [smem:$0x3FAF];
	_ =	sdelay $0x3  }
0x37: {  	[smem:$0x3FAF] =	sst s10  }
0x38: {  	s10 =	sld [smem:$0x3FB0]  }
0x39: {  	_ = 	snop;
	(pc) =	sbr.ind lr, $3  }
0x3a: {  	_ = 	snop  }
0x3b: {  	_ = 	snop  }
0x3c: {  	p2 =	seq.s32 s10, $0x1;
	s10 =	sld [smem:$0x3FAF]  }
0x3d: {  	_ =	shalt  }
0x3e: {  	_ =	shalt  }
0x3f: {  	_ =	shalt  }
0x40: {  	_ =	shalt  }
0x41: {  	_ =	shalt  }
0x42: {  	_ =	shalt  }
0x43: {  	_ =	shalt  }
0x44: {  	_ =	shalt  }
0x45: {  	_ =	shalt  }
0x46: {  	_ =	shalt  }
0x47: {  	_ =	shalt  }
0x48: {  	_ =	shalt  }
0x49: {  	_ =	shalt  }
0x4a: {  	_ =	shalt  }
0x4b: {  	_ =	shalt  }
0x4c: {  	_ =	shalt  }
0x4d: {  	_ =	shalt  }
0x4e: {  	_ =	shalt  }
0x4f: {  	_ =	shalt  }
0x50: {  	_ =	shalt  }
0x51: {  	_ =	shalt  }
0x52: {  	_ =	shalt  }
0x53: {  	_ =	shalt  }
0x54: {  	_ =	shalt  }
0x55: {  	_ =	shalt  }
0x56: {  	_ =	shalt  }
0x57: {  	_ =	shalt  }
0x58: {  	_ =	shalt  }
0x59: {  	_ =	shalt  }
0x5a: {  	_ =	shalt  }
0x5b: {  	_ =	shalt  }
0x5c: {  	_ =	shalt  }
0x5d: {  	_ =	shalt  }
0x5e: {  	_ =	shalt  }
0x5f: {  	_ =	shalt  }
0x60: {  	_ =	shalt  }
0x61: {  	_ =	shalt  }
0x62: {  	_ =	shalt  }
0x63: {  	_ =	shalt  }
0x64: {  	_ =	shalt  }
0x65: {  	_ =	shalt  }
0x66: {  	_ =	shalt  }
0x67: {  	_ =	shalt  }
0x68: {  	_ =	shalt  }
0x69: {  	_ =	shalt  }
0x6a: {  	_ =	shalt  }
0x6b: {  	_ =	shalt  }
0x6c: {  	_ =	shalt  }
0x6d: {  	_ =	shalt  }
0x6e: {  	_ =	shalt  }
0x6f: {  	_ =	shalt  }
0x70: {  	_ =	shalt  }
0x71: {  	_ =	shalt  }
0x72: {  	_ =	shalt  }
0x73: {  	_ =	shalt  }
0x74: {  	_ =	shalt  }
0x75: {  	_ =	shalt  }
0x76: {  	_ =	shalt  }
0x77: {  	_ =	shalt  }
0x78: {  	_ =	shalt  }
0x79: {  	_ =	shalt  }
0x7a: {  	_ =	shalt  }
0x7b: {  	_ =	shalt  }
0x7c: {  	_ =	shalt  }
0x7d: {  	_ =	shalt  }
0x7e: {  	_ =	shalt  }
0x7f: {  	_ =	shalt  }
0x80: {  	_ =	shalt  }
0x81: {  	_ =	shalt  }
0x82: {  	_ =	shalt  }
0x83: {  	_ =	shalt  }
0x84: {  	_ =	shalt  }
0x85: {  	_ =	shalt  }
0x86: {  	_ =	shalt  }
0x87: {  	_ =	shalt  }
.Lfunc_end0:
.L_simem_size_0:
called_computation.2_lowered:
.L_overlay_start_0:
0x88: {  	s2 =	sld [smem:$0x3FD9]  }
0x89: {  	s3 =	sld [smem:$0x3FFE];
	_ =	sdelay $0x1  }
0x8a: {  	s1 =	srdreg.scid  }
0x8b: {  	s0 =	sand.u32 $0x1, s1  }
0x8c: {  	s16 =	sshll.u32 s0, $0xA;
	s2 =	sadd.s32 s3, s2  }
0x8d: {  	s2 =	sadd.s32 s2, s16  }
0x8e: {  	[smem:$0x3FBB] =	sst s2  }
0x8f: {  	_ = 	snop  }
0x90: {  	(tm) =	ssettm $0x1  }
0x91: {  	s17 =	sld [smem:$0x3FFB];
	_ =	sdelay $0x3  }
0x92: {  	_ =	strace s17  }
0x93: {  	s2 =	sld [smem:$0x3FFC];
	_ =	sdelay $0x3  }
0x94: {  	_ =	strace s2  }
0x95: {  	s2 =	sld [smem:$0x3FFD];
	_ =	sdelay $0x3  }
0x96: {  	_ =	strace s2  }
0x97: {  	_ =	strace $0x8FFFFFFF  }
0x98: {  	s18 =	sld [smem:$0x3FDB];
	_ =	sdelay $0x1  }
0x99: {  	s19 =	simm.s32 $_scs_section_size  }
0x9a: {  	s4 =	simm.s32 $_size__tile_overlayer_lowered;
	s5 =	simm.s32 $_tile_overlayer_lowered  }
0x9b: {  	s22 =	simm.s32 $0x1BFF;
	s21 =	sshll.u32 s5, $0x1;
	s2 =	sadd.s32 s19, s18  }
0x9c: {  	s6 =	simm.s32 $0x0;
	s20 =	sshll.u32 s4, $0x1;
	s4 =	sadd.s32 s21, s2  }
0x9d: {  	[timem:s6], [sflag:s22] =	dma.local [hbm:s4], s20  }
0x9e: {  	_ =	swait.ge [sflag:s22], s20  }
0x9f: {  	s3 =	ssub.s32 $0x0, s20;
	[sflag:s22] =	ssyncset.done $0x0  }
0xa0: {  	[sflag:s22] =	ssyncadd.s32 s3;
	_ =	sdelay $0x1  }
0xa1: {  	s23 =	simm.s32 $0x1B8B  }
0xa2: {  	_ =	swait.ge [sflag:s23], $0x1  }
0xa3: {  	[sflag:s23] =	ssyncset.done $0x0  }
0xa4: {  	s25 =	simm.s32 $0x1B8E;
	s24 =	sld [smem:$0x3FFE];
	[sflag:s23] =	ssyncadd.s32 $0xFFFFFFFF  }
0xa5: {  	s26 =	simm.s32 $execute0_lowered;
	[smem:$0x3FD2] =	sst s25  }
0xa6: {  	s4 =	sshll.u32 s26, $0x1;
	_ =	strace $0x8000004C;
	[dreg:$0x1] =	wrdreg $0xFFFFFFFF  }
0xa7: {  	s28 =	simm.s32 $_size_execute0_lowered;
	s2 =	sadd.s32 s2, s4;
	[dreg:$0x0] =	wrdreg $0x0  }
0xa8: {  	s4 =	sshll.u32 s28, $0x1;
	[dreg:$0x2] =	wrdreg s2  }
0xa9: {  	[dreg:$0x3] =	wrdreg s4  }
0xaa: {  	[dreg:$0x4] =	wrdreg $0xC0  }
0xab: {  	_ =	task [dreg:s6], $0x5FFFF  }
0xac: {  	[dreg:$0x1] =	wrdreg $0xFFFFFFFF  }
0xad: {  	[dreg:$0x0] =	wrdreg $0x60  }
0xae: {  	[dreg:$0x2] =	wrdreg s24  }
0xaf: {  	[dreg:$0x3] =	wrdreg $0x30000  }
0xb0: {  	[dreg:$0x4] =	wrdreg $0x9  }
0xb1: {  	_ =	task.clear_ibuf [dreg:s6], $0x5FFFF;
	_ =	strace $0x9000004C  }
0xb2: {  	s29 =	simm.s32 $0x9;
	_ =	strace $0x8000004E  }
0xb3: {  	_ =	swait.ge [sflag:s29], $0x1  }
0xb4: {  	[sflag:s29] =	ssyncadd.s32 $0xFFFFFFFF  }
0xb5: {  	_ =	strace $0x9000004E  }
0xb6: {  	_ =	sfence  }
0xb7: {  	s30 =	sld [smem:$0x0];
	_ =	sdelay $0x2  }
0xb8: {  	s31 =	sshll.u32 s1, $0xD;
	s1 =	sshrl.u32 s1, $0x2  }
0xb9: {  	s3 =	sand.u32 $0x4000, s31;
	s1 =	sadd.s32 s1, s30  }
0xba: {  	s0 =	sor.u32 s3, s0;
	s1 =	sshll.u32 s1, $0x11  }
0xbb: {  	s0 =	sor.u32 s1, s0  }
0xbc: {  	s0 =	sadd.s32 $0x8F2B, s0  }
0xbd: {  	[sflag:s0] =	ssyncadd.remote.s32 $0x1  }
0xbe: {  	_ =	sfence.sel $0xFFFF  }
0xbf: {  	[dreg:$0x0] =	wrdreg $0xFFFFFFFF;
	(pc) =	sbr.abs _section_cstart, $3  }
0xc0: {  	[dreg:$0x1] =	wrdreg $0xFFFFFFFF  }
0xc1: {  	_ =	task.clear_ibuf [dreg:s6], $0x2FFFF;
	_ =	strace $0x9FFFFFFF  }
0xc2: {  	(tm) =	ssettm $0x7FFFFFFF  }
0xc3: {  	_ =	shalt  }
tec
execute0_lowered:
.L_overlay_start_1:
0x0: {  	(tag) =	ssettag $0x1  }
0x1: {  	s0 =	rddreg [dreg:$0x0]  }
0x2: {  	s1 =	rddreg [dreg:$0x1]  }
0x3: {  	s2 =	simm.s32 $0x0;
	s3 =	srdreg.scid;
	s28 =	simm.s32 $0x1  }
0x4: {  	s29 =	simm.s32 $0x2;
	s31 =	simm.s32 $0x3;
	s17 =	simm.s32 $0x2F80  }
0x5: {  	s30 =	simm.s32 $0x0;
	[smem:$0x7FF] =	sst s2;
	s12 =	sand.u32 $0x1, s3  }
0x6: {  	s3 =	stileid.u32;
	s4 =	sadd.s32 $0x3A00, s0;
	s7 =	smul.u32 $0x27800, s12  }
0x7: {  	s5 =	sadd.s32 $0xBB200, s0;
	s6 =	sadd.s32 $0xB1200, s0;
	s8 =	smul.u32 $0x4F000, s3  }
0x8: {  	_ =	strace $0x8000004D;
	s9 =	ssub.s32 $0x2, s12;
	s13 =	smul.u32 $0x980, s3  }
0x9: {  	s15 =	smul.u32 $0x4C00, s3;
	p0 =	seq.s32 s12, $0x1;
	s25 =	sshll.u32 s3, $0x7  }
0xa: {  	s26 =	smul.u32 $0x2780, s3;
	s19 =	sshrl.u32 s9, $0x1;
	s0 =	sadd.s32 s7, s0  }
0xb: {  	s18 =	sshrl.u32 s8, $0x2;
	s14 =	ssub.s32 s9, s19;
	s20 =	sadd.s32 s5, s13  }
0xc: {  	s21 =	sshrl.u32 s15, $0x3;
	s13 =	sadd.s32 s6, s13;
	s19 =	sor.u32 $0x9800, s25  }
0xd: {  	s25 =	simm.s32 $0x80;
	s7 =	sadd.s32 s18, s1;
	[dreg:$0x3] =	wrdreg s20  }
0xe: {  	[dreg:$0x4] =	wrdreg s13;
	s22 =	sadd.s32 $0x300, s21;
	s15 =	sadd.s32 $0x600, s21  }
0xf: {  	s12 =	sadd.s32 $0x900, s21;
	s0 =	sadd.s32 $0x2AC00, s0;
	s20 =	smax.u32 s14, $0x1  }
0x10: {  	s21 =	simm.s32 $0x16C00;
	s18 =	simm.s32 $0x1880;
	s14 =	simm.s32 $0x1B00  }
0x11: {  	s8 =	sadd.s32 $0x4000, s7;
	s9 =	sadd.s32 $0x8000, s7;
	s10 =	sadd.s32 $0xC000, s7  }
0x12: {  	s11 =	sadd.s32 $0x10000, s7;
	s16 =	sadd.s32 s5, s22;
	[dreg:$0x9] =	wrdreg s12  }
.Ltmp0:
0x13: {  	s13 =	sadd.s32 s6, s22;
	[dreg:$0x5] =	wrdreg s16;
	(pc) =	sbr.rel .LBB2_1-.Ltmp0, $4  }
0x14: {  	s23 =	sadd.s32 s5, s15;
	s24 =	sadd.s32 s6, s15;
	[dreg:$0x6] =	wrdreg s13  }
0x15: {  	s22 =	simm.s32 $0x5;
	s12 =	simm.s32 $0x4;
	[dreg:$0x7] =	wrdreg s23  }
0x16: {  	s15 =	simm.s32 $0x1B80;
	[dreg:$0x8] =	wrdreg s24;
	s23 =	simm.s32 $0x1800  }
0x17: {  	v0 =	vimm.f32 $0.0e+00;
	s24 =	sadd.s32 s26, s0;
	s26 =	simm.s32 $0x1AC00;
	s16 =	simm.s32 $0x2F00  }
.LBB2_10:
0x18: {  	[tilespmem:s26], [sflag:$0x2] =	stream.indirect.gather [hbm4b:s4+s25], $0x80, s13, s25, $0xb8;
	[tilespmem:$0x1EC00] =	vst v63  }
0x19: {  	_ =	swait.ge [sflag:s28], $0x4000  }
0x1a: {  	[sflag:s28] =	ssyncset.done $0x0  }
0x1b: {  	[sflag:s28] =	ssyncadd.s32 $0xFFFFC000  }
0x1c: {  	[spmem:s1] =	stream.indirect.scatter.add.f32 [tilespmem:s21], [sflag:$0x3], $0x80, s16, s25, $0xb8;
	[tilespmem:$0x1EC00] =	vst v63  }
0x1d: {  	_ =	swait.ge [sflag:s29], $0x4000  }
0x1e: {  	[sflag:s29] =	ssyncset.done $0x0  }
0x1f: {  	[sflag:s29] =	ssyncadd.s32 $0xFFFFC000  }
0x20: {  	[spmem:s1] =	stream.indirect.scatter.add.f32 [tilespmem:s26], [sflag:$0x4], $0x80, s17, s25, $0xb8;
	[tilespmem:$0x1EC00] =	vst v63  }
0x21: {  	_ =	swait.ge [sflag:s31], $0x4000  }
0x22: {  	[sflag:s31] =	ssyncset.done $0x0  }
0x23: {  	[sflag:s31] =	ssyncadd.s32 $0xFFFFC000  }
0x24: {  	_ =	swait.ge [sflag:s12], $0x4000  }
0x25: {  	[sflag:s12] =	ssyncset.done $0x0  }
0x26: {  	s18 =	simm.s32 $0x1880;
	s0 =	rddreg [dreg:$0x9];
	[sflag:s12] =	ssyncadd.s32 $0xFFFFC000  }
.LBB2_11:
0x27: {  	s13 =	sadd.s32 s5, s0  }
0x28: {  	[tilespmem:s2], [sflag:$0x5] =	stream.linear.gather [hbm4b:s13+s2], $0x400, $0x38;
	[tilespmem:$0x1EC00] =	vst v63  }
0x29: {  	_ =	swait.ge [sflag:s22], $0x400  }
0x2a: {  	[sflag:s22] =	ssyncset.done $0x0  }
0x2b: {  	s13 =	sadd.s32 s6, s0;
	[sflag:s22] =	ssyncadd.s32 $0xFFFFFC00  }
0x2c: {  	[tilespmem:s23], [sflag:$0x5] =	stream.linear.gather [hbm4b:s13+s2], $0x400, $0x38;
	[tilespmem:$0x1EC00] =	vst v63  }
0x2d: {  	_ =	swait.ge [sflag:s22], $0x400  }
0x2e: {  	[sflag:s22] =	ssyncset.done $0x0  }
0x2f: {  	[sflag:s22] =	ssyncadd.s32 $0xFFFFFC00  }
0x30: {  	[tilespmem:s21], [sflag:$0x1] =	stream.indirect.gather [hbm4b:s4+s25], $0x80, s2, s25, $0xb8;
	[tilespmem:$0x1EC00] =	vst v63  }
0x31: {  	_ = 	snop  }
0x32: {  	[tilespmem:s26], [sflag:$0x2] =	stream.indirect.gather [hbm4b:s4+s25], $0x80, s25, s25, $0xb8;
	[tilespmem:$0x1EC00] =	vst v63  }
0x33: {  	_ =	swait.ge [sflag:s28], $0x4000  }
0x34: {  	[sflag:s28] =	ssyncset.done $0x0  }
0x35: {  	[sflag:s28] =	ssyncadd.s32 $0xFFFFC000  }
0x36: {  	[spmem:s1] =	stream.indirect.scatter.add.f32 [tilespmem:s21], [sflag:$0x3], $0x80, s23, s25, $0xb8;
	[tilespmem:$0x1EC00] =	vst v63  }
0x37: {  	_ =	swait.ge [sflag:s29], $0x4000  }
0x38: {  	[sflag:s29] =	ssyncset.done $0x0  }
0x39: {  	[sflag:s29] =	ssyncadd.s32 $0xFFFFC000  }
0x3a: {  	[spmem:s1] =	stream.indirect.scatter.add.f32 [tilespmem:s26], [sflag:$0x4], $0x80, s18, s25, $0xb8;
	[tilespmem:$0x1EC00] =	vst v63  }
0x3b: {  	_ =	swait.ge [sflag:s31], $0x4000  }
0x3c: {  	[sflag:s31] =	ssyncset.done $0x0  }
0x3d: {  	s13 =	simm.s32 $0x100;
	[sflag:s31] =	ssyncadd.s32 $0xFFFFC000  }
0x3e: {  	[tilespmem:s21], [sflag:$0x1] =	stream.indirect.gather [hbm4b:s4+s25], $0x80, s13, s25, $0xb8;
	[tilespmem:$0x1EC00] =	vst v63  }
0x3f: {  	_ =	swait.ge [sflag:s12], $0x4000  }
0x40: {  	[sflag:s12] =	ssyncset.done $0x0  }
0x41: {  	s13 =	simm.s32 $0x180;
	[sflag:s12] =	ssyncadd.s32 $0xFFFFC000  }
0x42: {  	[tilespmem:s26], [sflag:$0x2] =	stream.indirect.gather [hbm4b:s4+s25], $0x80, s13, s25, $0xb8;
	[tilespmem:$0x1EC00] =	vst v63  }
0x43: {  	_ =	swait.ge [sflag:s28], $0x4000  }
0x44: {  	[sflag:s28] =	ssyncset.done $0x0  }
0x45: {  	s13 =	simm.s32 $0x1900;
	[sflag:s28] =	ssyncadd.s32 $0xFFFFC000  }
0x46: {  	[spmem:s1] =	stream.indirect.scatter.add.f32 [tilespmem:s21], [sflag:$0x3], $0x80, s13, s25, $0xb8;
	[tilespmem:$0x1EC00] =	vst v63  }
0x47: {  	_ =	swait.ge [sflag:s29], $0x4000  }
0x48: {  	[sflag:s29] =	ssyncset.done $0x0  }
0x49: {  	s13 =	simm.s32 $0x1980;
	[sflag:s29] =	ssyncadd.s32 $0xFFFFC000  }
0x4a: {  	[spmem:s1] =	stream.indirect.scatter.add.f32 [tilespmem:s26], [sflag:$0x4], $0x80, s13, s25, $0xb8;
	[tilespmem:$0x1EC00] =	vst v63  }
0x4b: {  	_ =	swait.ge [sflag:s31], $0x4000  }
0x4c: {  	[sflag:s31] =	ssyncset.done $0x0  }
0x4d: {  	s13 =	simm.s32 $0x200;
	[sflag:s31] =	ssyncadd.s32 $0xFFFFC000  }
0x4e: {  	[tilespmem:s21], [sflag:$0x1] =	stream.indirect.gather [hbm4b:s4+s25], $0x80, s13, s25, $0xb8;
	[tilespmem:$0x1EC00] =	vst v63  }
0x4f: {  	_ =	swait.ge [sflag:s12], $0x4000  }
0x50: {  	[sflag:s12] =	ssyncset.done $0x0  }
0x51: {  	s13 =	simm.s32 $0x280;
	[sflag:s12] =	ssyncadd.s32 $0xFFFFC000  }
0x52: {  	[tilespmem:s26], [sflag:$0x2] =	stream.indirect.gather [hbm4b:s4+s25], $0x80, s13, s25, $0xb8;
	[tilespmem:$0x1EC00] =	vst v63  }
0x53: {  	_ =	swait.ge [sflag:s28], $0x4000  }
0x54: {  	[sflag:s28] =	ssyncset.done $0x0  }
0x55: {  	s13 =	simm.s32 $0x1A00;
	[sflag:s28] =	ssyncadd.s32 $0xFFFFC000  }
0x56: {  	[spmem:s1] =	stream.indirect.scatter.add.f32 [tilespmem:s21], [sflag:$0x3], $0x80, s13, s25, $0xb8;
	[tilespmem:$0x1EC00] =	vst v63  }
0x57: {  	_ =	swait.ge [sflag:s29], $0x4000  }
0x58: {  	[sflag:s29] =	ssyncset.done $0x0  }
0x59: {  	s13 =	simm.s32 $0x1A80;
	[sflag:s29] =	ssyncadd.s32 $0xFFFFC000  }
0x5a: {  	[spmem:s1] =	stream.indirect.scatter.add.f32 [tilespmem:s26], [sflag:$0x4], $0x80, s13, s25, $0xb8;
	[tilespmem:$0x1EC00] =	vst v63  }
0x5b: {  	_ =	swait.ge [sflag:s31], $0x4000  }
0x5c: {  	[sflag:s31] =	ssyncset.done $0x0  }
0x5d: {  	s13 =	simm.s32 $0x300;
	[sflag:s31] =	ssyncadd.s32 $0xFFFFC000  }
0x5e: {  	[tilespmem:s21], [sflag:$0x1] =	stream.indirect.gather [hbm4b:s4+s25], $0x80, s13, s25, $0xb8;
	[tilespmem:$0x1EC00] =	vst v63  }
0x5f: {  	_ =	swait.ge [sflag:s12], $0x4000  }
0x60: {  	[sflag:s12] =	ssyncset.done $0x0  }
0x61: {  	s13 =	simm.s32 $0x380;
	[sflag:s12] =	ssyncadd.s32 $0xFFFFC000  }
0x62: {  	[tilespmem:s26], [sflag:$0x2] =	stream.indirect.gather [hbm4b:s4+s25], $0x80, s13, s25, $0xb8;
	[tilespmem:$0x1EC00] =	vst v63  }
0x63: {  	_ =	swait.ge [sflag:s28], $0x4000  }
0x64: {  	[sflag:s28] =	ssyncset.done $0x0  }
0x65: {  	[sflag:s28] =	ssyncadd.s32 $0xFFFFC000  }
0x66: {  	[spmem:s1] =	stream.indirect.scatter.add.f32 [tilespmem:s21], [sflag:$0x3], $0x80, s14, s25, $0xb8;
	[tilespmem:$0x1EC00] =	vst v63  }
0x67: {  	_ =	swait.ge [sflag:s29], $0x4000  }
0x68: {  	[sflag:s29] =	ssyncset.done $0x0  }
0x69: {  	[sflag:s29] =	ssyncadd.s32 $0xFFFFC000  }
0x6a: {  	[spmem:s1] =	stream.indirect.scatter.add.f32 [tilespmem:s26], [sflag:$0x4], $0x80, s15, s25, $0xb8;
	[tilespmem:$0x1EC00] =	vst v63  }
0x6b: {  	_ =	swait.ge [sflag:s31], $0x4000  }
0x6c: {  	[sflag:s31] =	ssyncset.done $0x0  }
0x6d: {  	[sflag:s31] =	ssyncadd.s32 $0xFFFFC000  }
0x6e: {  	_ =	swait.ge [sflag:s12], $0x4000  }
0x6f: {  	s30 =	sadd.s32 $0x1, s30;
	s13 =	sshll.u32 s3, $0x6;
	[sflag:s12] =	ssyncset.done $0x0  }
0x70: {  	p1 =	sne.s32 s30, s20;
	s0 =	sor.u32 $0x1C05, s13;
	[sflag:s12] =	ssyncadd.s32 $0xFFFFC000  }
.Ltmp1:
0x71: {  	s13 =	sshrl.u32 s7, $0x3;
	[bflag:$0x0] =	sbarrier.arrive $0xFFFF;
	(pc) =	sbr.rel @!p1 .LBB2_12-.Ltmp1, $4  }
0x72: {  	[hbm:s24], [sflag:s0] =	dma.local [spmem:s13], $0x2780  }
0x73: {  	_ =	swait.ge [sflag:s22], $0x2780  }
0x74: {  	[sflag:s22] =	ssyncset.done $0x0  }
0x75: {  	[sflag:s22] =	ssyncadd.s32 $0xFFFFD880  }
.LBB2_1:
0x76: {  	s0 =	simm.s32 $0x0;
	s13 =	simm.s32 $0x200  }
.LBB2_2:
0x77: {  	p1 =	sne.s32 s13, $0xFE00;
	[tilespmem:s0+$0x16C70] =	vst v0  }
0x78: {  	[tilespmem:s0+$0x16C00] =	vst v0  }
0x79: {  	[tilespmem:s0+$0x16C10] =	vst v0  }
.Ltmp2:
0x7a: {  	[tilespmem:s0+$0x16C20] =	vst v0;
	(pc) =	sbr.rel @p1 .LBB2_2-.Ltmp2, $4  }
0x7b: {  	[tilespmem:s0+$0x16C30] =	vst v0  }
0x7c: {  	[tilespmem:s0+$0x16C40] =	vst v0  }
0x7d: {  	[tilespmem:s0+$0x16C50] =	vst v0  }
0x7e: {  	[tilespmem:s0+$0x16C60] =	vst v0;
	s0 =	sshra.s32 s13, $0x2;
	s13 =	sadd.s32 $0x200, s13  }
0x7f: {  	[tilespmem:s0+$0x16C70] =	vst v0  }
0x80: {  	[tilespmem:s0+$0x16C00] =	vst v0  }
0x81: {  	[tilespmem:s0+$0x16C10] =	vst v0  }
0x82: {  	[tilespmem:s0+$0x16C20] =	vst v0  }
0x83: {  	[tilespmem:s0+$0x16C30] =	vst v0  }
0x84: {  	[tilespmem:s0+$0x16C40] =	vst v0  }
0x85: {  	[tilespmem:s0+$0x16C50] =	vst v0  }
0x86: {  	[tilespmem:s0+$0x16C60] =	vst v0  }
0x87: {  	[spmem:s7] =	stream.linear.scatter [tilespmem:s21], [sflag:$0x5], $0x4000, $0x38;
	[tilespmem:$0x1EC00] =	vst v63  }
0x88: {  	_ =	swait.ge [sflag:s22], $0x4000  }
0x89: {  	[sflag:s22] =	ssyncset.done $0x0  }
0x8a: {  	[sflag:s22] =	ssyncadd.s32 $0xFFFFC000  }
0x8b: {  	[spmem:s8] =	stream.linear.scatter [tilespmem:s21], [sflag:$0x5], $0x4000, $0x38;
	[tilespmem:$0x1EC00] =	vst v63  }
0x8c: {  	_ =	swait.ge [sflag:s22], $0x4000  }
0x8d: {  	[sflag:s22] =	ssyncset.done $0x0  }
0x8e: {  	[sflag:s22] =	ssyncadd.s32 $0xFFFFC000  }
0x8f: {  	[spmem:s9] =	stream.linear.scatter [tilespmem:s21], [sflag:$0x5], $0x4000, $0x38;
	[tilespmem:$0x1EC00] =	vst v63  }
0x90: {  	_ =	swait.ge [sflag:s22], $0x4000  }
0x91: {  	[sflag:s22] =	ssyncset.done $0x0  }
0x92: {  	[sflag:s22] =	ssyncadd.s32 $0xFFFFC000  }
0x93: {  	[spmem:s10] =	stream.linear.scatter [tilespmem:s21], [sflag:$0x5], $0x4000, $0x38;
	[tilespmem:$0x1EC00] =	vst v63  }
0x94: {  	_ =	swait.ge [sflag:s22], $0x4000  }
0x95: {  	[sflag:s22] =	ssyncset.done $0x0  }
0x96: {  	[sflag:s22] =	ssyncadd.s32 $0xFFFFC000  }
0x97: {  	[spmem:s11] =	stream.linear.scatter [tilespmem:s21], [sflag:$0x5], $0x3C00, $0x38;
	[tilespmem:$0x1EC00] =	vst v63  }
.Ltmp3:
0x98: {  	_ =	swait.ge [sflag:s22], $0x3C00;
	(pc) =	sbr.rel @p0 .LBB2_11-.Ltmp3, $4  }
0x99: {  	[sflag:s22] =	ssyncset.done $0x0  }
0x9a: {  	[sflag:s22] =	ssyncadd.s32 $0xFFFFC400  }
0x9b: {  	[bflag:$0x0] =	sbarrier.arrive $0xFFFF  }
0x9c: {  	s0 =	smov.u32 s19  }
0x9d: {  	s0 =	simm.s32 $0x0;
	s13 =	rddreg [dreg:$0x3]  }
0x9e: {  	[tilespmem:s0], [sflag:$0x5] =	stream.linear.gather [hbm4b:s13+s0], $0x1800, $0x38;
	[tilespmem:$0x1EC00] =	vst v63  }
0x9f: {  	_ =	swait.ge [sflag:s22], $0x1800  }
0xa0: {  	[sflag:s22] =	ssyncset.done $0x0  }
0xa1: {  	s18 =	rddreg [dreg:$0x4];
	[sflag:s22] =	ssyncadd.s32 $0xFFFFE800  }
0xa2: {  	[tilespmem:s23], [sflag:$0x5] =	stream.linear.gather [hbm4b:s18+s0], $0x1800, $0x38;
	[tilespmem:$0x1EC00] =	vst v63  }
0xa3: {  	_ =	swait.ge [sflag:s22], $0x1800  }
0xa4: {  	[sflag:s22] =	ssyncset.done $0x0  }
0xa5: {  	[sflag:s22] =	ssyncadd.s32 $0xFFFFE800  }
0xa6: {  	[tilespmem:s21], [sflag:$0x1] =	stream.indirect.gather [hbm4b:s4+s25], $0x80, s0, s25, $0xb8;
	[tilespmem:$0x1EC00] =	vst v63  }
0xa7: {  	_ = 	snop  }
0xa8: {  	[tilespmem:s26], [sflag:$0x2] =	stream.indirect.gather [hbm4b:s4+s25], $0x80, s25, s25, $0xb8;
	[tilespmem:$0x1EC00] =	vst v63  }
0xa9: {  	_ =	swait.ge [sflag:s28], $0x4000  }
0xaa: {  	[sflag:s28] =	ssyncset.done $0x0  }
0xab: {  	s18 =	simm.s32 $0x1800;
	[sflag:s28] =	ssyncadd.s32 $0xFFFFC000  }
0xac: {  	[spmem:s1] =	stream.indirect.scatter.add.f32 [tilespmem:s21], [sflag:$0x3], $0x80, s18, s25, $0xb8;
	[tilespmem:$0x1EC00] =	vst v63  }
0xad: {  	_ =	swait.ge [sflag:s29], $0x4000  }
0xae: {  	[sflag:s29] =	ssyncset.done $0x0  }
0xaf: {  	s13 =	simm.s32 $0x1880;
	[sflag:s29] =	ssyncadd.s32 $0xFFFFC000  }
0xb0: {  	[spmem:s1] =	stream.indirect.scatter.add.f32 [tilespmem:s26], [sflag:$0x4], $0x80, s13, s25, $0xb8;
	[tilespmem:$0x1EC00] =	vst v63  }
0xb1: {  	_ =	swait.ge [sflag:s31], $0x4000  }
0xb2: {  	[sflag:s31] =	ssyncset.done $0x0  }
0xb3: {  	s18 =	simm.s32 $0x100;
	[sflag:s31] =	ssyncadd.s32 $0xFFFFC000  }
0xb4: {  	[tilespmem:s21], [sflag:$0x1] =	stream.indirect.gather [hbm4b:s4+s25], $0x80, s18, s25, $0xb8;
	[tilespmem:$0x1EC00] =	vst v63  }
0xb5: {  	_ =	swait.ge [sflag:s12], $0x4000  }
0xb6: {  	[sflag:s12] =	ssyncset.done $0x0  }
0xb7: {  	s0 =	simm.s32 $0x400;
	s13 =	simm.s32 $0x180;
	[sflag:s12] =	ssyncadd.s32 $0xFFFFC000  }
.LBB2_5:
0xb8: {  	[tilespmem:s26], [sflag:$0x2] =	stream.indirect.gather [hbm4b:s4+s25], $0x80, s13, s25, $0xb8;
	[tilespmem:$0x1EC00] =	vst v63  }
0xb9: {  	s13 =	smov.u32 s0  }
0xba: {  	p1 =	sne.s32 s0, $0x5800;
	s0 =	sadd.s32 $0x400, s0;
	_ =	swait.ge [sflag:s28], $0x4000  }
0xbb: {  	s13 =	sshra.s32 s13, $0x2;
	[sflag:s28] =	ssyncset.done $0x0  }
0xbc: {  	s18 =	sadd.s32 $0x1800, s13;
	[sflag:s28] =	ssyncadd.s32 $0xFFFFC000  }
0xbd: {  	[spmem:s1] =	stream.indirect.scatter.add.f32 [tilespmem:s21], [sflag:$0x3], $0x80, s18, s25, $0xb8;
	[tilespmem:$0x1EC00] =	vst v63  }
0xbe: {  	_ =	swait.ge [sflag:s29], $0x4000  }
0xbf: {  	[sflag:s29] =	ssyncset.done $0x0  }
0xc0: {  	s18 =	sadd.s32 $0x1880, s13;
	[sflag:s29] =	ssyncadd.s32 $0xFFFFC000  }
0xc1: {  	[spmem:s1] =	stream.indirect.scatter.add.f32 [tilespmem:s26], [sflag:$0x4], $0x80, s18, s25, $0xb8;
	[tilespmem:$0x1EC00] =	vst v63  }
0xc2: {  	_ =	swait.ge [sflag:s31], $0x4000  }
0xc3: {  	[sflag:s31] =	ssyncset.done $0x0  }
.Ltmp4:
0xc4: {  	s18 =	sadd.s32 $0x100, s13;
	[sflag:s31] =	ssyncadd.s32 $0xFFFFC000;
	(pc) =	sbr.rel @p1 .LBB2_5-.Ltmp4, $4  }
0xc5: {  	[tilespmem:s21], [sflag:$0x1] =	stream.indirect.gather [hbm4b:s4+s25], $0x80, s18, s25, $0xb8;
	[tilespmem:$0x1EC00] =	vst v63  }
0xc6: {  	_ =	swait.ge [sflag:s12], $0x4000  }
0xc7: {  	[sflag:s12] =	ssyncset.done $0x0  }
0xc8: {  	s13 =	sadd.s32 $0x180, s13;
	[sflag:s12] =	ssyncadd.s32 $0xFFFFC000  }
0xc9: {  	[tilespmem:s26], [sflag:$0x2] =	stream.indirect.gather [hbm4b:s4+s25], $0x80, s13, s25, $0xb8;
	[tilespmem:$0x1EC00] =	vst v63  }
0xca: {  	_ =	swait.ge [sflag:s28], $0x4000  }
0xcb: {  	[sflag:s28] =	ssyncset.done $0x0  }
0xcc: {  	[sflag:s28] =	ssyncadd.s32 $0xFFFFC000  }
0xcd: {  	[spmem:s1] =	stream.indirect.scatter.add.f32 [tilespmem:s21], [sflag:$0x3], $0x80, s16, s25, $0xb8;
	[tilespmem:$0x1EC00] =	vst v63  }
0xce: {  	_ =	swait.ge [sflag:s29], $0x4000  }
0xcf: {  	[sflag:s29] =	ssyncset.done $0x0  }
0xd0: {  	[sflag:s29] =	ssyncadd.s32 $0xFFFFC000  }
0xd1: {  	[spmem:s1] =	stream.indirect.scatter.add.f32 [tilespmem:s26], [sflag:$0x4], $0x80, s17, s25, $0xb8;
	[tilespmem:$0x1EC00] =	vst v63  }
0xd2: {  	_ =	swait.ge [sflag:s31], $0x4000  }
0xd3: {  	[sflag:s31] =	ssyncset.done $0x0  }
0xd4: {  	[sflag:s31] =	ssyncadd.s32 $0xFFFFC000  }
0xd5: {  	_ =	swait.ge [sflag:s12], $0x4000  }
0xd6: {  	[sflag:s12] =	ssyncset.done $0x0  }
0xd7: {  	s0 =	simm.s32 $0x0;
	s18 =	rddreg [dreg:$0x5];
	[sflag:s12] =	ssyncadd.s32 $0xFFFFC000  }
0xd8: {  	[tilespmem:s0], [sflag:$0x5] =	stream.linear.gather [hbm4b:s18+s0], $0x1800, $0x38;
	[tilespmem:$0x1EC00] =	vst v63  }
0xd9: {  	_ =	swait.ge [sflag:s22], $0x1800  }
0xda: {  	[sflag:s22] =	ssyncset.done $0x0  }
0xdb: {  	s18 =	rddreg [dreg:$0x6];
	[sflag:s22] =	ssyncadd.s32 $0xFFFFE800  }
0xdc: {  	[tilespmem:s23], [sflag:$0x5] =	stream.linear.gather [hbm4b:s18+s0], $0x1800, $0x38;
	[tilespmem:$0x1EC00] =	vst v63  }
0xdd: {  	_ =	swait.ge [sflag:s22], $0x1800  }
0xde: {  	[sflag:s22] =	ssyncset.done $0x0  }
0xdf: {  	[sflag:s22] =	ssyncadd.s32 $0xFFFFE800  }
0xe0: {  	[tilespmem:s21], [sflag:$0x1] =	stream.indirect.gather [hbm4b:s4+s25], $0x80, s0, s25, $0xb8;
	[tilespmem:$0x1EC00] =	vst v63  }
0xe1: {  	_ = 	snop  }
0xe2: {  	[tilespmem:s26], [sflag:$0x2] =	stream.indirect.gather [hbm4b:s4+s25], $0x80, s25, s25, $0xb8;
	[tilespmem:$0x1EC00] =	vst v63  }
0xe3: {  	_ =	swait.ge [sflag:s28], $0x4000  }
0xe4: {  	[sflag:s28] =	ssyncset.done $0x0  }
0xe5: {  	s18 =	simm.s32 $0x1800;
	[sflag:s28] =	ssyncadd.s32 $0xFFFFC000  }
0xe6: {  	[spmem:s1] =	stream.indirect.scatter.add.f32 [tilespmem:s21], [sflag:$0x3], $0x80, s18, s25, $0xb8;
	[tilespmem:$0x1EC00] =	vst v63  }
0xe7: {  	_ =	swait.ge [sflag:s29], $0x4000  }
0xe8: {  	[sflag:s29] =	ssyncset.done $0x0  }
0xe9: {  	s13 =	simm.s32 $0x1880;
	[sflag:s29] =	ssyncadd.s32 $0xFFFFC000  }
0xea: {  	[spmem:s1] =	stream.indirect.scatter.add.f32 [tilespmem:s26], [sflag:$0x4], $0x80, s13, s25, $0xb8;
	[tilespmem:$0x1EC00] =	vst v63  }
0xeb: {  	_ =	swait.ge [sflag:s31], $0x4000  }
0xec: {  	[sflag:s31] =	ssyncset.done $0x0  }
0xed: {  	s18 =	simm.s32 $0x100;
	[sflag:s31] =	ssyncadd.s32 $0xFFFFC000  }
0xee: {  	[tilespmem:s21], [sflag:$0x1] =	stream.indirect.gather [hbm4b:s4+s25], $0x80, s18, s25, $0xb8;
	[tilespmem:$0x1EC00] =	vst v63  }
0xef: {  	_ =	swait.ge [sflag:s12], $0x4000  }
0xf0: {  	[sflag:s12] =	ssyncset.done $0x0  }
0xf1: {  	s0 =	simm.s32 $0x400;
	s13 =	simm.s32 $0x180;
	[sflag:s12] =	ssyncadd.s32 $0xFFFFC000  }
.LBB2_7:
0xf2: {  	[tilespmem:s26], [sflag:$0x2] =	stream.indirect.gather [hbm4b:s4+s25], $0x80, s13, s25, $0xb8;
	[tilespmem:$0x1EC00] =	vst v63  }
0xf3: {  	s13 =	smov.u32 s0  }
0xf4: {  	p1 =	sne.s32 s0, $0x5800;
	s0 =	sadd.s32 $0x400, s0;
	_ =	swait.ge [sflag:s28], $0x4000  }
0xf5: {  	s13 =	sshra.s32 s13, $0x2;
	[sflag:s28] =	ssyncset.done $0x0  }
0xf6: {  	s18 =	sadd.s32 $0x1800, s13;
	[sflag:s28] =	ssyncadd.s32 $0xFFFFC000  }
0xf7: {  	[spmem:s1] =	stream.indirect.scatter.add.f32 [tilespmem:s21], [sflag:$0x3], $0x80, s18, s25, $0xb8;
	[tilespmem:$0x1EC00] =	vst v63  }
0xf8: {  	_ =	swait.ge [sflag:s29], $0x4000  }
0xf9: {  	[sflag:s29] =	ssyncset.done $0x0  }
0xfa: {  	s18 =	sadd.s32 $0x1880, s13;
	[sflag:s29] =	ssyncadd.s32 $0xFFFFC000  }
0xfb: {  	[spmem:s1] =	stream.indirect.scatter.add.f32 [tilespmem:s26], [sflag:$0x4], $0x80, s18, s25, $0xb8;
	[tilespmem:$0x1EC00] =	vst v63  }
0xfc: {  	_ =	swait.ge [sflag:s31], $0x4000  }
0xfd: {  	[sflag:s31] =	ssyncset.done $0x0  }
.Ltmp5:
0xfe: {  	s18 =	sadd.s32 $0x100, s13;
	[sflag:s31] =	ssyncadd.s32 $0xFFFFC000;
	(pc) =	sbr.rel @p1 .LBB2_7-.Ltmp5, $4  }
0xff: {  	[tilespmem:s21], [sflag:$0x1] =	stream.indirect.gather [hbm4b:s4+s25], $0x80, s18, s25, $0xb8;
	[tilespmem:$0x1EC00] =	vst v63  }
0x100: {  	_ =	swait.ge [sflag:s12], $0x4000  }
0x101: {  	[sflag:s12] =	ssyncset.done $0x0  }
0x102: {  	s13 =	sadd.s32 $0x180, s13;
	[sflag:s12] =	ssyncadd.s32 $0xFFFFC000  }
0x103: {  	[tilespmem:s26], [sflag:$0x2] =	stream.indirect.gather [hbm4b:s4+s25], $0x80, s13, s25, $0xb8;
	[tilespmem:$0x1EC00] =	vst v63  }
0x104: {  	_ =	swait.ge [sflag:s28], $0x4000  }
0x105: {  	[sflag:s28] =	ssyncset.done $0x0  }
0x106: {  	[sflag:s28] =	ssyncadd.s32 $0xFFFFC000  }
0x107: {  	[spmem:s1] =	stream.indirect.scatter.add.f32 [tilespmem:s21], [sflag:$0x3], $0x80, s16, s25, $0xb8;
	[tilespmem:$0x1EC00] =	vst v63  }
0x108: {  	_ =	swait.ge [sflag:s29], $0x4000  }
0x109: {  	[sflag:s29] =	ssyncset.done $0x0  }
0x10a: {  	[sflag:s29] =	ssyncadd.s32 $0xFFFFC000  }
0x10b: {  	[spmem:s1] =	stream.indirect.scatter.add.f32 [tilespmem:s26], [sflag:$0x4], $0x80, s17, s25, $0xb8;
	[tilespmem:$0x1EC00] =	vst v63  }
0x10c: {  	_ =	swait.ge [sflag:s31], $0x4000  }
0x10d: {  	[sflag:s31] =	ssyncset.done $0x0  }
0x10e: {  	[sflag:s31] =	ssyncadd.s32 $0xFFFFC000  }
0x10f: {  	_ =	swait.ge [sflag:s12], $0x4000  }
0x110: {  	[sflag:s12] =	ssyncset.done $0x0  }
0x111: {  	s0 =	simm.s32 $0x0;
	s18 =	rddreg [dreg:$0x7];
	[sflag:s12] =	ssyncadd.s32 $0xFFFFC000  }
0x112: {  	[tilespmem:s0], [sflag:$0x5] =	stream.linear.gather [hbm4b:s18+s0], $0x1800, $0x38;
	[tilespmem:$0x1EC00] =	vst v63  }
0x113: {  	_ =	swait.ge [sflag:s22], $0x1800  }
0x114: {  	[sflag:s22] =	ssyncset.done $0x0  }
0x115: {  	s18 =	rddreg [dreg:$0x8];
	[sflag:s22] =	ssyncadd.s32 $0xFFFFE800  }
0x116: {  	[tilespmem:s23], [sflag:$0x5] =	stream.linear.gather [hbm4b:s18+s0], $0x1800, $0x38;
	[tilespmem:$0x1EC00] =	vst v63  }
0x117: {  	_ =	swait.ge [sflag:s22], $0x1800  }
0x118: {  	[sflag:s22] =	ssyncset.done $0x0  }
0x119: {  	[sflag:s22] =	ssyncadd.s32 $0xFFFFE800  }
0x11a: {  	[tilespmem:s21], [sflag:$0x1] =	stream.indirect.gather [hbm4b:s4+s25], $0x80, s0, s25, $0xb8;
	[tilespmem:$0x1EC00] =	vst v63  }
0x11b: {  	_ = 	snop  }
0x11c: {  	[tilespmem:s26], [sflag:$0x2] =	stream.indirect.gather [hbm4b:s4+s25], $0x80, s25, s25, $0xb8;
	[tilespmem:$0x1EC00] =	vst v63  }
0x11d: {  	_ =	swait.ge [sflag:s28], $0x4000  }
0x11e: {  	[sflag:s28] =	ssyncset.done $0x0  }
0x11f: {  	s18 =	simm.s32 $0x1800;
	[sflag:s28] =	ssyncadd.s32 $0xFFFFC000  }
0x120: {  	[spmem:s1] =	stream.indirect.scatter.add.f32 [tilespmem:s21], [sflag:$0x3], $0x80, s18, s25, $0xb8;
	[tilespmem:$0x1EC00] =	vst v63  }
0x121: {  	_ =	swait.ge [sflag:s29], $0x4000  }
0x122: {  	[sflag:s29] =	ssyncset.done $0x0  }
0x123: {  	s13 =	simm.s32 $0x1880;
	[sflag:s29] =	ssyncadd.s32 $0xFFFFC000  }
0x124: {  	[spmem:s1] =	stream.indirect.scatter.add.f32 [tilespmem:s26], [sflag:$0x4], $0x80, s13, s25, $0xb8;
	[tilespmem:$0x1EC00] =	vst v63  }
0x125: {  	_ =	swait.ge [sflag:s31], $0x4000  }
0x126: {  	[sflag:s31] =	ssyncset.done $0x0  }
0x127: {  	s18 =	simm.s32 $0x100;
	[sflag:s31] =	ssyncadd.s32 $0xFFFFC000  }
0x128: {  	[tilespmem:s21], [sflag:$0x1] =	stream.indirect.gather [hbm4b:s4+s25], $0x80, s18, s25, $0xb8;
	[tilespmem:$0x1EC00] =	vst v63  }
0x129: {  	_ =	swait.ge [sflag:s12], $0x4000  }
0x12a: {  	[sflag:s12] =	ssyncset.done $0x0  }
0x12b: {  	s0 =	simm.s32 $0x400;
	s13 =	simm.s32 $0x180;
	[sflag:s12] =	ssyncadd.s32 $0xFFFFC000  }
.LBB2_9:
0x12c: {  	[tilespmem:s26], [sflag:$0x2] =	stream.indirect.gather [hbm4b:s4+s25], $0x80, s13, s25, $0xb8;
	[tilespmem:$0x1EC00] =	vst v63  }
0x12d: {  	s13 =	smov.u32 s0  }
0x12e: {  	p1 =	sne.s32 s0, $0x5800;
	s0 =	sadd.s32 $0x400, s0;
	_ =	swait.ge [sflag:s28], $0x4000  }
0x12f: {  	s13 =	sshra.s32 s13, $0x2;
	[sflag:s28] =	ssyncset.done $0x0  }
0x130: {  	s18 =	sadd.s32 $0x1800, s13;
	[sflag:s28] =	ssyncadd.s32 $0xFFFFC000  }
0x131: {  	[spmem:s1] =	stream.indirect.scatter.add.f32 [tilespmem:s21], [sflag:$0x3], $0x80, s18, s25, $0xb8;
	[tilespmem:$0x1EC00] =	vst v63  }
0x132: {  	_ =	swait.ge [sflag:s29], $0x4000  }
0x133: {  	[sflag:s29] =	ssyncset.done $0x0  }
0x134: {  	s18 =	sadd.s32 $0x1880, s13;
	[sflag:s29] =	ssyncadd.s32 $0xFFFFC000  }
0x135: {  	[spmem:s1] =	stream.indirect.scatter.add.f32 [tilespmem:s26], [sflag:$0x4], $0x80, s18, s25, $0xb8;
	[tilespmem:$0x1EC00] =	vst v63  }
0x136: {  	_ =	swait.ge [sflag:s31], $0x4000  }
0x137: {  	[sflag:s31] =	ssyncset.done $0x0  }
.Ltmp6:
0x138: {  	s18 =	sadd.s32 $0x100, s13;
	[sflag:s31] =	ssyncadd.s32 $0xFFFFC000;
	(pc) =	sbr.rel @p1 .LBB2_9-.Ltmp6, $4  }
0x139: {  	[tilespmem:s21], [sflag:$0x1] =	stream.indirect.gather [hbm4b:s4+s25], $0x80, s18, s25, $0xb8;
	[tilespmem:$0x1EC00] =	vst v63  }
0x13a: {  	_ =	swait.ge [sflag:s12], $0x4000  }
0x13b: {  	[sflag:s12] =	ssyncset.done $0x0  }
0x13c: {  	s13 =	sadd.s32 $0x180, s13;
	[sflag:s12] =	ssyncadd.s32 $0xFFFFC000  }
.Ltmp7:
0x13d: {  	_ = 	snop;
	(pc) =	sbr.rel .LBB2_10-.Ltmp7, $1  }
0x13e: {  	_ =	sdelay $0x3  }
.LBB2_12:
0x13f: {  	_ =	sfence.sel $0x180000  }
0x140: {  	[bflag:$0x0] =	sbarrier.arrive $0xFFFF  }
0x141: {  	_ =	strace $0x9000004D  }
0x142: {  	[bflag:$0x2] =	sbarrier.arrive $0xFFFF  }
0x143: {  	p0 =	sne.s32 s3, $0x0;
	s0 =	rddreg [dreg:$0x2]  }
0x144: {  	s0 =	sadd.s32 @!p0 $0x100000, s0  }
0x145: {  	[sflag:s0] =	ssyncadd.tile.s32 @!p0 $0x1;
	_ =	shalt  }
.Lfunc_end2:
_tile_overlayer_lowered:
.L_overlay_start_2:
0x146: {  	(tag) =	ssettag $0x2  }
0x147: {  	s0 =	rddreg [dreg:$0x0];
	s2 =	stileid.u32  }
0x148: {  	s1 =	rddreg [dreg:$0x1];
	p0 =	sne.s32 s2, $0x0  }
0x149: {  	s3 =	rddreg [dreg:$0x2];
	[bflag:$0x3] =	sbarrier.arrive $0xFFFF;
	s2 =	simm.s32 @!p0 $0x1C05  }
0x14a: {  	[timem:s3], [sflag:s2] =	dma.local @!p0 [hbm:s0], s1  }
0x14b: {  	s0 =	simm.s32 @!p0 $0x5  }
0x14c: {  	_ =	swait.ge @!p0 [sflag:s0], s1  }
0x14d: {  	s1 =	ssub.s32 @!p0 $0x0, s1;
	[sflag:s0] =	ssyncset.done @!p0 $0x0  }
0x14e: {  	[sflag:s0] =	ssyncadd.s32 @!p0 s1  }
0x14f: {  	[bflag:$0x3] =	sbarrier.arrive $0xFFFF  }
0x150: {  	_ =	shalt  }

// kernel: kernel.20.cloned.1.call-start
scs
__scs_entry_jumppad:
0x0: {  	(pc) =	sbr.rel $0x88, $3  }
0x1: {  	(tag) =	ssettag $0x0;
	lr =	simm.s32 $0x1  }
0x2: {  	[smem:$0x3F94] =	sst lr;
	_ =	strace $0xD0000000  }
0x3: {  	_ = 	snop  }
0x4: {  	_ = 	snop  }
0x5: {  	_ = 	snop  }
0x6: {  	_ = 	snop  }
0x7: {  	_ = 	snop  }
__scs_overlays_trampoline_lowered:
0x8: {  	[smem:$0x3FA3] =	sst s0  }
0x9: {  	[smem:$0x3FA4] =	sst s1  }
0xa: {  	[smem:$0x3FA5] =	sst s2  }
0xb: {  	[smem:$0x3FA6] =	sst s3  }
0xc: {  	[smem:$0x3FA7] =	sst s4  }
0xd: {  	[smem:$0x3FA8] =	sst s5  }
0xe: {  	[smem:$0x3FA9] =	sst s6  }
0xf: {  	[smem:$0x3FAA] =	sst s7  }
0x10: {  	[smem:$0x3FAB] =	sst s8  }
0x11: {  	[smem:$0x3FAC] =	sst s9;
	s0 =	simm.s32 @!p0 $0x0  }
0x12: {  	s1 =	sld [smem:$0x3F92];
	s0 =	simm.s32 @p0 $0x1  }
0x13: {  	[smem:$0x3FAD] =	sst s0;
	s0 =	simm.s32 @!p1 $0x0  }
0x14: {  	s2 =	sld [smem:$0x3F91];
	s0 =	simm.s32 @p1 $0x1  }
0x15: {  	[smem:$0x3FAE] =	sst s0;
	s0 =	simm.s32 @!p2 $0x0  }
0x16: {  	s3 =	sld [smem:$0x3FDB];
	s0 =	simm.s32 @p2 $0x1  }
0x17: {  	s4 =	simm.s32 $0x1BF5;
	[smem:$0x3FB0] =	sst s0  }
0x18: {  	s0 =	sld [smem:$0x3F93];
	_ =	swait.ge [sflag:s4], $0x0  }
0x19: {  	s7 =	sld [smem:$0x3F94]  }
0x1a: {  	s8 =	sadd.s32 $0xFFFFE003, lr  }
0x1b: {  	s9 =	sadd.s32 $0xFFFFFEF7, lr;
	s5 =	simm.s32 $0xFFFFFFFF;
	p2 =	slt.u32 s8, $0xFFFFF086  }
0x1c: {  	p1 =	slt.u32 s9, $0xF7A;
	s5 =	simm.s32 @!p2 $0x0  }
0x1d: {  	s5 =	simm.s32 @p1 $0x1;
	p0 =	seq.s32 s7, s2  }
0x1e: {  	s7 =	smul.u32 @!p0 $0xF7A, s2;
	p2 =	seq.s32 @!p0 s5, $0x0  }
0x1f: {  	s9 =	smul.u32 $0xF7A, s1;
	s8 =	simm.s32 @!p0 $0x1BF5;
	p2 =	por !p2, p0  }
0x20: {  	[sflag:s8] =	ssyncset.s32 @!p0 $0xFFFFF086;
	s6 =	sadd.s32 @!p0 s3, s7;
	s7 =	simm.s32 @!p0 $0x108  }
0x21: {  	s3 =	sadd.s32 s3, s9;
	s6 =	sadd.s32 @!p0 $0x88, s6;
	s7 =	simm.s32 @p2 $0x1082  }
0x22: {  	[simem:s7], [sflag:s8] =	dma.local @!p0 [hbm:s6], $0xF7A  }
0x23: {  	s9 =	sor.u32 $0xD0000000, s2;
	s6 =	simm.s32 $0x108;
	_ =	swait.ge @!p0 [sflag:s8], $0x0  }
0x24: {  	s3 =	sadd.s32 $0x88, s3;
	s6 =	simm.s32 @!p1 $0x1082;
	[sflag:s4] =	ssyncset.s32 $0xFFFFF086  }
0x25: {  	[simem:s6], [sflag:s4] =	dma.local [hbm:s3], $0xF7A  }
0x26: {  	[smem:$0x3F94] =	sst s1;
	(tag) =	ssettag s2;
	_ =	strace s9  }
0x27: {  	s1 =	sld [smem:$0x3FA4]  }
0x28: {  	s2 =	sld [smem:$0x3FA5]  }
0x29: {  	s4 =	sld [smem:$0x3FA7]  }
0x2a: {  	p0 =	seq.s32 s5, $0x0;
	s5 =	sld [smem:$0x3FA8]  }
0x2b: {  	s6 =	sld [smem:$0x3FA9]  }
0x2c: {  	s7 =	sld [smem:$0x3FAA]  }
0x2d: {  	s3 =	simm.s32 $0x108;
	s8 =	sld [smem:$0x3FAB]  }
0x2e: {  	s3 =	simm.s32 @!p0 $0x1082;
	s9 =	sld [smem:$0x3FAC]  }
0x2f: {  	lr =	sadd.s32 s0, s3;
	s0 =	sld [smem:$0x3FA3]  }
0x30: {  	s3 =	sld [smem:$0x3FA6]  }
0x31: {  	[smem:$0x3FAF] =	sst s10  }
0x32: {  	s10 =	sld [smem:$0x3FAD];
	_ =	sdelay $0x3  }
0x33: {  	p0 =	seq.s32 s10, $0x1;
	s10 =	sld [smem:$0x3FAF];
	_ =	sdelay $0x3  }
0x34: {  	[smem:$0x3FAF] =	sst s10  }
0x35: {  	s10 =	sld [smem:$0x3FAE];
	_ =	sdelay $0x3  }
0x36: {  	p1 =	seq.s32 s10, $0x1;
	s10 =	sld [smem:$0x3FAF];
	_ =	sdelay $0x3  }
0x37: {  	[smem:$0x3FAF] =	sst s10  }
0x38: {  	s10 =	sld [smem:$0x3FB0]  }
0x39: {  	_ = 	snop;
	(pc) =	sbr.ind lr, $3  }
0x3a: {  	_ = 	snop  }
0x3b: {  	_ = 	snop  }
0x3c: {  	p2 =	seq.s32 s10, $0x1;
	s10 =	sld [smem:$0x3FAF]  }
0x3d: {  	_ =	shalt  }
0x3e: {  	_ =	shalt  }
0x3f: {  	_ =	shalt  }
0x40: {  	_ =	shalt  }
0x41: {  	_ =	shalt  }
0x42: {  	_ =	shalt  }
0x43: {  	_ =	shalt  }
0x44: {  	_ =	shalt  }
0x45: {  	_ =	shalt  }
0x46: {  	_ =	shalt  }
0x47: {  	_ =	shalt  }
0x48: {  	_ =	shalt  }
0x49: {  	_ =	shalt  }
0x4a: {  	_ =	shalt  }
0x4b: {  	_ =	shalt  }
0x4c: {  	_ =	shalt  }
0x4d: {  	_ =	shalt  }
0x4e: {  	_ =	shalt  }
0x4f: {  	_ =	shalt  }
0x50: {  	_ =	shalt  }
0x51: {  	_ =	shalt  }
0x52: {  	_ =	shalt  }
0x53: {  	_ =	shalt  }
0x54: {  	_ =	shalt  }
0x55: {  	_ =	shalt  }
0x56: {  	_ =	shalt  }
0x57: {  	_ =	shalt  }
0x58: {  	_ =	shalt  }
0x59: {  	_ =	shalt  }
0x5a: {  	_ =	shalt  }
0x5b: {  	_ =	shalt  }
0x5c: {  	_ =	shalt  }
0x5d: {  	_ =	shalt  }
0x5e: {  	_ =	shalt  }
0x5f: {  	_ =	shalt  }
0x60: {  	_ =	shalt  }
0x61: {  	_ =	shalt  }
0x62: {  	_ =	shalt  }
0x63: {  	_ =	shalt  }
0x64: {  	_ =	shalt  }
0x65: {  	_ =	shalt  }
0x66: {  	_ =	shalt  }
0x67: {  	_ =	shalt  }
0x68: {  	_ =	shalt  }
0x69: {  	_ =	shalt  }
0x6a: {  	_ =	shalt  }
0x6b: {  	_ =	shalt  }
0x6c: {  	_ =	shalt  }
0x6d: {  	_ =	shalt  }
0x6e: {  	_ =	shalt  }
0x6f: {  	_ =	shalt  }
0x70: {  	_ =	shalt  }
0x71: {  	_ =	shalt  }
0x72: {  	_ =	shalt  }
0x73: {  	_ =	shalt  }
0x74: {  	_ =	shalt  }
0x75: {  	_ =	shalt  }
0x76: {  	_ =	shalt  }
0x77: {  	_ =	shalt  }
0x78: {  	_ =	shalt  }
0x79: {  	_ =	shalt  }
0x7a: {  	_ =	shalt  }
0x7b: {  	_ =	shalt  }
0x7c: {  	_ =	shalt  }
0x7d: {  	_ =	shalt  }
0x7e: {  	_ =	shalt  }
0x7f: {  	_ =	shalt  }
0x80: {  	_ =	shalt  }
0x81: {  	_ =	shalt  }
0x82: {  	_ =	shalt  }
0x83: {  	_ =	shalt  }
0x84: {  	_ =	shalt  }
0x85: {  	_ =	shalt  }
0x86: {  	_ =	shalt  }
0x87: {  	_ =	shalt  }
.Lfunc_end0:
.L_simem_size_0:
called_computation.3_lowered:
.L_overlay_start_0:
0x88: {  	s2 =	sld [smem:$0x3FD9]  }
0x89: {  	s3 =	sld [smem:$0x3FFE];
	_ =	sdelay $0x1  }
0x8a: {  	s1 =	srdreg.scid  }
0x8b: {  	s0 =	sand.u32 $0x1, s1  }
0x8c: {  	s16 =	sshll.u32 s0, $0xA;
	s2 =	sadd.s32 s3, s2  }
0x8d: {  	s2 =	sadd.s32 s2, s16  }
0x8e: {  	[smem:$0x3FBB] =	sst s2  }
0x8f: {  	_ = 	snop  }
0x90: {  	(tm) =	ssettm $0x1  }
0x91: {  	s17 =	sld [smem:$0x3FFB];
	_ =	sdelay $0x3  }
0x92: {  	_ =	strace s17  }
0x93: {  	s2 =	sld [smem:$0x3FFC];
	_ =	sdelay $0x3  }
0x94: {  	_ =	strace s2  }
0x95: {  	s2 =	sld [smem:$0x3FFD];
	_ =	sdelay $0x3  }
0x96: {  	_ =	strace s2  }
0x97: {  	_ =	strace $0x8FFFFFFF  }
0x98: {  	s18 =	sld [smem:$0x3FDB];
	_ =	sdelay $0x1  }
0x99: {  	s19 =	simm.s32 $_scs_section_size  }
0x9a: {  	s4 =	simm.s32 $_size__tile_overlayer_lowered;
	s5 =	simm.s32 $_tile_overlayer_lowered  }
0x9b: {  	s22 =	simm.s32 $0x1BFF;
	s21 =	sshll.u32 s5, $0x1;
	s2 =	sadd.s32 s19, s18  }
0x9c: {  	s6 =	simm.s32 $0x0;
	s20 =	sshll.u32 s4, $0x1;
	s4 =	sadd.s32 s21, s2  }
0x9d: {  	[timem:s6], [sflag:s22] =	dma.local [hbm:s4], s20  }
0x9e: {  	_ =	swait.ge [sflag:s22], s20  }
0x9f: {  	s3 =	ssub.s32 $0x0, s20;
	[sflag:s22] =	ssyncset.done $0x0  }
0xa0: {  	[sflag:s22] =	ssyncadd.s32 s3;
	_ =	sdelay $0x1  }
0xa1: {  	s23 =	simm.s32 $0x1B8B  }
0xa2: {  	_ =	swait.ge [sflag:s23], $0x1  }
0xa3: {  	[sflag:s23] =	ssyncset.done $0x0  }
0xa4: {  	s25 =	simm.s32 $0x1B8E;
	s24 =	sld [smem:$0x3FFE];
	[sflag:s23] =	ssyncadd.s32 $0xFFFFFFFF  }
0xa5: {  	s26 =	simm.s32 $execute0_lowered;
	[smem:$0x3FD2] =	sst s25  }
0xa6: {  	s4 =	sshll.u32 s26, $0x1;
	_ =	strace $0x8000004F;
	[dreg:$0x1] =	wrdreg $0xFFFFFFFF  }
0xa7: {  	s28 =	simm.s32 $_size_execute0_lowered;
	s2 =	sadd.s32 s2, s4;
	[dreg:$0x0] =	wrdreg $0x0  }
0xa8: {  	s4 =	sshll.u32 s28, $0x1;
	[dreg:$0x2] =	wrdreg s2  }
0xa9: {  	[dreg:$0x3] =	wrdreg s4  }
0xaa: {  	[dreg:$0x4] =	wrdreg $0xC0  }
0xab: {  	_ =	task [dreg:s6], $0x5FFFF  }
0xac: {  	[dreg:$0x1] =	wrdreg $0xFFFFFFFF  }
0xad: {  	[dreg:$0x0] =	wrdreg $0x60  }
0xae: {  	[dreg:$0x2] =	wrdreg s24  }
0xaf: {  	[dreg:$0x3] =	wrdreg $0x30000  }
0xb0: {  	[dreg:$0x4] =	wrdreg $0x9  }
0xb1: {  	_ =	task.clear_ibuf [dreg:s6], $0x5FFFF;
	_ =	strace $0x9000004F  }
0xb2: {  	s29 =	simm.s32 $0x9;
	_ =	strace $0x80000051  }
0xb3: {  	_ =	swait.ge [sflag:s29], $0x1  }
0xb4: {  	[sflag:s29] =	ssyncadd.s32 $0xFFFFFFFF  }
0xb5: {  	_ =	strace $0x90000051  }
0xb6: {  	_ =	sfence  }
0xb7: {  	s30 =	sld [smem:$0x0];
	_ =	sdelay $0x2  }
0xb8: {  	s31 =	sshll.u32 s1, $0xD;
	s1 =	sshrl.u32 s1, $0x2  }
0xb9: {  	s3 =	sand.u32 $0x4000, s31;
	s1 =	sadd.s32 s1, s30  }
0xba: {  	s0 =	sor.u32 s3, s0;
	s1 =	sshll.u32 s1, $0x11  }
0xbb: {  	s0 =	sor.u32 s1, s0  }
0xbc: {  	s0 =	sadd.s32 $0x8F2B, s0  }
0xbd: {  	[sflag:s0] =	ssyncadd.remote.s32 $0x1  }
0xbe: {  	_ =	sfence.sel $0xFFFF  }
0xbf: {  	[dreg:$0x0] =	wrdreg $0xFFFFFFFF;
	(pc) =	sbr.abs _section_cstart, $3  }
0xc0: {  	[dreg:$0x1] =	wrdreg $0xFFFFFFFF  }
0xc1: {  	_ =	task.clear_ibuf [dreg:s6], $0x2FFFF;
	_ =	strace $0x9FFFFFFF  }
0xc2: {  	(tm) =	ssettm $0x7FFFFFFF  }
0xc3: {  	_ =	shalt  }
tec
execute0_lowered:
.L_overlay_start_1:
0x0: {  	(tag) =	ssettag $0x1  }
0x1: {  	s0 =	rddreg [dreg:$0x0]  }
0x2: {  	s1 =	rddreg [dreg:$0x1]  }
0x3: {  	s2 =	simm.s32 $0x0;
	s3 =	srdreg.scid;
	s28 =	simm.s32 $0x1  }
0x4: {  	s29 =	simm.s32 $0x2;
	s31 =	simm.s32 $0x3;
	s17 =	simm.s32 $0x2F80  }
0x5: {  	s30 =	simm.s32 $0x0;
	[smem:$0x7FF] =	sst s2;
	s12 =	sand.u32 $0x1, s3  }
0x6: {  	s3 =	stileid.u32;
	s4 =	sadd.s32 $0x3A00, s0;
	s7 =	smul.u32 $0x27800, s12  }
0x7: {  	s5 =	sadd.s32 $0xBB200, s0;
	s6 =	sadd.s32 $0xB1200, s0;
	s8 =	smul.u32 $0x4F000, s3  }
0x8: {  	_ =	strace $0x80000050;
	s9 =	ssub.s32 $0x2, s12;
	s13 =	smul.u32 $0x980, s3  }
0x9: {  	s15 =	smul.u32 $0x4C00, s3;
	p0 =	seq.s32 s12, $0x1;
	s25 =	sshll.u32 s3, $0x7  }
0xa: {  	s26 =	smul.u32 $0x2780, s3;
	s19 =	sshrl.u32 s9, $0x1;
	s0 =	sadd.s32 s7, s0  }
0xb: {  	s18 =	sshrl.u32 s8, $0x2;
	s14 =	ssub.s32 s9, s19;
	s20 =	sadd.s32 s5, s13  }
0xc: {  	s21 =	sshrl.u32 s15, $0x3;
	s13 =	sadd.s32 s6, s13;
	s19 =	sor.u32 $0x9800, s25  }
0xd: {  	s25 =	simm.s32 $0x80;
	s7 =	sadd.s32 s18, s1;
	[dreg:$0x3] =	wrdreg s20  }
0xe: {  	[dreg:$0x4] =	wrdreg s13;
	s22 =	sadd.s32 $0x300, s21;
	s15 =	sadd.s32 $0x600, s21  }
0xf: {  	s12 =	sadd.s32 $0x900, s21;
	s0 =	sadd.s32 $0x2AC00, s0;
	s20 =	smax.u32 s14, $0x1  }
0x10: {  	s21 =	simm.s32 $0x16C00;
	s18 =	simm.s32 $0x1880;
	s14 =	simm.s32 $0x1B00  }
0x11: {  	s8 =	sadd.s32 $0x4000, s7;
	s9 =	sadd.s32 $0x8000, s7;
	s10 =	sadd.s32 $0xC000, s7  }
0x12: {  	s11 =	sadd.s32 $0x10000, s7;
	s16 =	sadd.s32 s5, s22;
	[dreg:$0x9] =	wrdreg s12  }
.Ltmp0:
0x13: {  	s13 =	sadd.s32 s6, s22;
	[dreg:$0x5] =	wrdreg s16;
	(pc) =	sbr.rel .LBB2_1-.Ltmp0, $4  }
0x14: {  	s23 =	sadd.s32 s5, s15;
	s24 =	sadd.s32 s6, s15;
	[dreg:$0x6] =	wrdreg s13  }
0x15: {  	s22 =	simm.s32 $0x5;
	s12 =	simm.s32 $0x4;
	[dreg:$0x7] =	wrdreg s23  }
0x16: {  	s15 =	simm.s32 $0x1B80;
	[dreg:$0x8] =	wrdreg s24;
	s23 =	simm.s32 $0x1800  }
0x17: {  	v0 =	vimm.f32 $0.0e+00;
	s24 =	sadd.s32 s26, s0;
	s26 =	simm.s32 $0x1AC00;
	s16 =	simm.s32 $0x2F00  }
.LBB2_10:
0x18: {  	[tilespmem:s26], [sflag:$0x2] =	stream.indirect.gather [hbm4b:s4+s25], $0x80, s13, s25, $0xb8;
	[tilespmem:$0x1EC00] =	vst v63  }
0x19: {  	_ =	swait.ge [sflag:s28], $0x4000  }
0x1a: {  	[sflag:s28] =	ssyncset.done $0x0  }
0x1b: {  	[sflag:s28] =	ssyncadd.s32 $0xFFFFC000  }
0x1c: {  	[spmem:s1] =	stream.indirect.scatter.add.f32 [tilespmem:s21], [sflag:$0x3], $0x80, s16, s25, $0xb8;
	[tilespmem:$0x1EC00] =	vst v63  }
0x1d: {  	_ =	swait.ge [sflag:s29], $0x4000  }
0x1e: {  	[sflag:s29] =	ssyncset.done $0x0  }
0x1f: {  	[sflag:s29] =	ssyncadd.s32 $0xFFFFC000  }
0x20: {  	[spmem:s1] =	stream.indirect.scatter.add.f32 [tilespmem:s26], [sflag:$0x4], $0x80, s17, s25, $0xb8;
	[tilespmem:$0x1EC00] =	vst v63  }
0x21: {  	_ =	swait.ge [sflag:s31], $0x4000  }
0x22: {  	[sflag:s31] =	ssyncset.done $0x0  }
0x23: {  	[sflag:s31] =	ssyncadd.s32 $0xFFFFC000  }
0x24: {  	_ =	swait.ge [sflag:s12], $0x4000  }
0x25: {  	[sflag:s12] =	ssyncset.done $0x0  }
0x26: {  	s18 =	simm.s32 $0x1880;
	s0 =	rddreg [dreg:$0x9];
	[sflag:s12] =	ssyncadd.s32 $0xFFFFC000  }
.LBB2_11:
0x27: {  	s13 =	sadd.s32 s5, s0  }
0x28: {  	[tilespmem:s2], [sflag:$0x5] =	stream.linear.gather [hbm4b:s13+s2], $0x400, $0x38;
	[tilespmem:$0x1EC00] =	vst v63  }
0x29: {  	_ =	swait.ge [sflag:s22], $0x400  }
0x2a: {  	[sflag:s22] =	ssyncset.done $0x0  }
0x2b: {  	s13 =	sadd.s32 s6, s0;
	[sflag:s22] =	ssyncadd.s32 $0xFFFFFC00  }
0x2c: {  	[tilespmem:s23], [sflag:$0x5] =	stream.linear.gather [hbm4b:s13+s2], $0x400, $0x38;
	[tilespmem:$0x1EC00] =	vst v63  }
0x2d: {  	_ =	swait.ge [sflag:s22], $0x400  }
0x2e: {  	[sflag:s22] =	ssyncset.done $0x0  }
0x2f: {  	[sflag:s22] =	ssyncadd.s32 $0xFFFFFC00  }
0x30: {  	[tilespmem:s21], [sflag:$0x1] =	stream.indirect.gather [hbm4b:s4+s25], $0x80, s2, s25, $0xb8;
	[tilespmem:$0x1EC00] =	vst v63  }
0x31: {  	_ = 	snop  }
0x32: {  	[tilespmem:s26], [sflag:$0x2] =	stream.indirect.gather [hbm4b:s4+s25], $0x80, s25, s25, $0xb8;
	[tilespmem:$0x1EC00] =	vst v63  }
0x33: {  	_ =	swait.ge [sflag:s28], $0x4000  }
0x34: {  	[sflag:s28] =	ssyncset.done $0x0  }
0x35: {  	[sflag:s28] =	ssyncadd.s32 $0xFFFFC000  }
0x36: {  	[spmem:s1] =	stream.indirect.scatter.add.f32 [tilespmem:s21], [sflag:$0x3], $0x80, s23, s25, $0xb8;
	[tilespmem:$0x1EC00] =	vst v63  }
0x37: {  	_ =	swait.ge [sflag:s29], $0x4000  }
0x38: {  	[sflag:s29] =	ssyncset.done $0x0  }
0x39: {  	[sflag:s29] =	ssyncadd.s32 $0xFFFFC000  }
0x3a: {  	[spmem:s1] =	stream.indirect.scatter.add.f32 [tilespmem:s26], [sflag:$0x4], $0x80, s18, s25, $0xb8;
	[tilespmem:$0x1EC00] =	vst v63  }
0x3b: {  	_ =	swait.ge [sflag:s31], $0x4000  }
0x3c: {  	[sflag:s31] =	ssyncset.done $0x0  }
0x3d: {  	s13 =	simm.s32 $0x100;
	[sflag:s31] =	ssyncadd.s32 $0xFFFFC000  }
0x3e: {  	[tilespmem:s21], [sflag:$0x1] =	stream.indirect.gather [hbm4b:s4+s25], $0x80, s13, s25, $0xb8;
	[tilespmem:$0x1EC00] =	vst v63  }
0x3f: {  	_ =	swait.ge [sflag:s12], $0x4000  }
0x40: {  	[sflag:s12] =	ssyncset.done $0x0  }
0x41: {  	s13 =	simm.s32 $0x180;
	[sflag:s12] =	ssyncadd.s32 $0xFFFFC000  }
0x42: {  	[tilespmem:s26], [sflag:$0x2] =	stream.indirect.gather [hbm4b:s4+s25], $0x80, s13, s25, $0xb8;
	[tilespmem:$0x1EC00] =	vst v63  }
0x43: {  	_ =	swait.ge [sflag:s28], $0x4000  }
0x44: {  	[sflag:s28] =	ssyncset.done $0x0  }
0x45: {  	s13 =	simm.s32 $0x1900;
	[sflag:s28] =	ssyncadd.s32 $0xFFFFC000  }
0x46: {  	[spmem:s1] =	stream.indirect.scatter.add.f32 [tilespmem:s21], [sflag:$0x3], $0x80, s13, s25, $0xb8;
	[tilespmem:$0x1EC00] =	vst v63  }
0x47: {  	_ =	swait.ge [sflag:s29], $0x4000  }
0x48: {  	[sflag:s29] =	ssyncset.done $0x0  }
0x49: {  	s13 =	simm.s32 $0x1980;
	[sflag:s29] =	ssyncadd.s32 $0xFFFFC000  }
0x4a: {  	[spmem:s1] =	stream.indirect.scatter.add.f32 [tilespmem:s26], [sflag:$0x4], $0x80, s13, s25, $0xb8;
	[tilespmem:$0x1EC00] =	vst v63  }
0x4b: {  	_ =	swait.ge [sflag:s31], $0x4000  }
0x4c: {  	[sflag:s31] =	ssyncset.done $0x0  }
0x4d: {  	s13 =	simm.s32 $0x200;
	[sflag:s31] =	ssyncadd.s32 $0xFFFFC000  }
0x4e: {  	[tilespmem:s21], [sflag:$0x1] =	stream.indirect.gather [hbm4b:s4+s25], $0x80, s13, s25, $0xb8;
	[tilespmem:$0x1EC00] =	vst v63  }
0x4f: {  	_ =	swait.ge [sflag:s12], $0x4000  }
0x50: {  	[sflag:s12] =	ssyncset.done $0x0  }
0x51: {  	s13 =	simm.s32 $0x280;
	[sflag:s12] =	ssyncadd.s32 $0xFFFFC000  }
0x52: {  	[tilespmem:s26], [sflag:$0x2] =	stream.indirect.gather [hbm4b:s4+s25], $0x80, s13, s25, $0xb8;
	[tilespmem:$0x1EC00] =	vst v63  }
0x53: {  	_ =	swait.ge [sflag:s28], $0x4000  }
0x54: {  	[sflag:s28] =	ssyncset.done $0x0  }
0x55: {  	s13 =	simm.s32 $0x1A00;
	[sflag:s28] =	ssyncadd.s32 $0xFFFFC000  }
0x56: {  	[spmem:s1] =	stream.indirect.scatter.add.f32 [tilespmem:s21], [sflag:$0x3], $0x80, s13, s25, $0xb8;
	[tilespmem:$0x1EC00] =	vst v63  }
0x57: {  	_ =	swait.ge [sflag:s29], $0x4000  }
0x58: {  	[sflag:s29] =	ssyncset.done $0x0  }
0x59: {  	s13 =	simm.s32 $0x1A80;
	[sflag:s29] =	ssyncadd.s32 $0xFFFFC000  }
0x5a: {  	[spmem:s1] =	stream.indirect.scatter.add.f32 [tilespmem:s26], [sflag:$0x4], $0x80, s13, s25, $0xb8;
	[tilespmem:$0x1EC00] =	vst v63  }
0x5b: {  	_ =	swait.ge [sflag:s31], $0x4000  }
0x5c: {  	[sflag:s31] =	ssyncset.done $0x0  }
0x5d: {  	s13 =	simm.s32 $0x300;
	[sflag:s31] =	ssyncadd.s32 $0xFFFFC000  }
0x5e: {  	[tilespmem:s21], [sflag:$0x1] =	stream.indirect.gather [hbm4b:s4+s25], $0x80, s13, s25, $0xb8;
	[tilespmem:$0x1EC00] =	vst v63  }
0x5f: {  	_ =	swait.ge [sflag:s12], $0x4000  }
0x60: {  	[sflag:s12] =	ssyncset.done $0x0  }
0x61: {  	s13 =	simm.s32 $0x380;
	[sflag:s12] =	ssyncadd.s32 $0xFFFFC000  }
0x62: {  	[tilespmem:s26], [sflag:$0x2] =	stream.indirect.gather [hbm4b:s4+s25], $0x80, s13, s25, $0xb8;
	[tilespmem:$0x1EC00] =	vst v63  }
0x63: {  	_ =	swait.ge [sflag:s28], $0x4000  }
0x64: {  	[sflag:s28] =	ssyncset.done $0x0  }
0x65: {  	[sflag:s28] =	ssyncadd.s32 $0xFFFFC000  }
0x66: {  	[spmem:s1] =	stream.indirect.scatter.add.f32 [tilespmem:s21], [sflag:$0x3], $0x80, s14, s25, $0xb8;
	[tilespmem:$0x1EC00] =	vst v63  }
0x67: {  	_ =	swait.ge [sflag:s29], $0x4000  }
0x68: {  	[sflag:s29] =	ssyncset.done $0x0  }
0x69: {  	[sflag:s29] =	ssyncadd.s32 $0xFFFFC000  }
0x6a: {  	[spmem:s1] =	stream.indirect.scatter.add.f32 [tilespmem:s26], [sflag:$0x4], $0x80, s15, s25, $0xb8;
	[tilespmem:$0x1EC00] =	vst v63  }
0x6b: {  	_ =	swait.ge [sflag:s31], $0x4000  }
0x6c: {  	[sflag:s31] =	ssyncset.done $0x0  }
0x6d: {  	[sflag:s31] =	ssyncadd.s32 $0xFFFFC000  }
0x6e: {  	_ =	swait.ge [sflag:s12], $0x4000  }
0x6f: {  	s30 =	sadd.s32 $0x1, s30;
	s13 =	sshll.u32 s3, $0x6;
	[sflag:s12] =	ssyncset.done $0x0  }
0x70: {  	p1 =	sne.s32 s30, s20;
	s0 =	sor.u32 $0x1C05, s13;
	[sflag:s12] =	ssyncadd.s32 $0xFFFFC000  }
.Ltmp1:
0x71: {  	s13 =	sshrl.u32 s7, $0x3;
	[bflag:$0x0] =	sbarrier.arrive $0xFFFF;
	(pc) =	sbr.rel @!p1 .LBB2_12-.Ltmp1, $4  }
0x72: {  	[hbm:s24], [sflag:s0] =	dma.local [spmem:s13], $0x2780  }
0x73: {  	_ =	swait.ge [sflag:s22], $0x2780  }
0x74: {  	[sflag:s22] =	ssyncset.done $0x0  }
0x75: {  	[sflag:s22] =	ssyncadd.s32 $0xFFFFD880  }
.LBB2_1:
0x76: {  	s0 =	simm.s32 $0x0;
	s13 =	simm.s32 $0x200  }
.LBB2_2:
0x77: {  	p1 =	sne.s32 s13, $0xFE00;
	[tilespmem:s0+$0x16C70] =	vst v0  }
0x78: {  	[tilespmem:s0+$0x16C00] =	vst v0  }
0x79: {  	[tilespmem:s0+$0x16C10] =	vst v0  }
.Ltmp2:
0x7a: {  	[tilespmem:s0+$0x16C20] =	vst v0;
	(pc) =	sbr.rel @p1 .LBB2_2-.Ltmp2, $4  }
0x7b: {  	[tilespmem:s0+$0x16C30] =	vst v0  }
0x7c: {  	[tilespmem:s0+$0x16C40] =	vst v0  }
0x7d: {  	[tilespmem:s0+$0x16C50] =	vst v0  }
0x7e: {  	[tilespmem:s0+$0x16C60] =	vst v0;
	s0 =	sshra.s32 s13, $0x2;
	s13 =	sadd.s32 $0x200, s13  }
0x7f: {  	[tilespmem:s0+$0x16C70] =	vst v0  }
0x80: {  	[tilespmem:s0+$0x16C00] =	vst v0  }
0x81: {  	[tilespmem:s0+$0x16C10] =	vst v0  }
0x82: {  	[tilespmem:s0+$0x16C20] =	vst v0  }
0x83: {  	[tilespmem:s0+$0x16C30] =	vst v0  }
0x84: {  	[tilespmem:s0+$0x16C40] =	vst v0  }
0x85: {  	[tilespmem:s0+$0x16C50] =	vst v0  }
0x86: {  	[tilespmem:s0+$0x16C60] =	vst v0  }
0x87: {  	[spmem:s7] =	stream.linear.scatter [tilespmem:s21], [sflag:$0x5], $0x4000, $0x38;
	[tilespmem:$0x1EC00] =	vst v63  }
0x88: {  	_ =	swait.ge [sflag:s22], $0x4000  }
0x89: {  	[sflag:s22] =	ssyncset.done $0x0  }
0x8a: {  	[sflag:s22] =	ssyncadd.s32 $0xFFFFC000  }
0x8b: {  	[spmem:s8] =	stream.linear.scatter [tilespmem:s21], [sflag:$0x5], $0x4000, $0x38;
	[tilespmem:$0x1EC00] =	vst v63  }
0x8c: {  	_ =	swait.ge [sflag:s22], $0x4000  }
0x8d: {  	[sflag:s22] =	ssyncset.done $0x0  }
0x8e: {  	[sflag:s22] =	ssyncadd.s32 $0xFFFFC000  }
0x8f: {  	[spmem:s9] =	stream.linear.scatter [tilespmem:s21], [sflag:$0x5], $0x4000, $0x38;
	[tilespmem:$0x1EC00] =	vst v63  }
0x90: {  	_ =	swait.ge [sflag:s22], $0x4000  }
0x91: {  	[sflag:s22] =	ssyncset.done $0x0  }
0x92: {  	[sflag:s22] =	ssyncadd.s32 $0xFFFFC000  }
0x93: {  	[spmem:s10] =	stream.linear.scatter [tilespmem:s21], [sflag:$0x5], $0x4000, $0x38;
	[tilespmem:$0x1EC00] =	vst v63  }
0x94: {  	_ =	swait.ge [sflag:s22], $0x4000  }
0x95: {  	[sflag:s22] =	ssyncset.done $0x0  }
0x96: {  	[sflag:s22] =	ssyncadd.s32 $0xFFFFC000  }
0x97: {  	[spmem:s11] =	stream.linear.scatter [tilespmem:s21], [sflag:$0x5], $0x3C00, $0x38;
	[tilespmem:$0x1EC00] =	vst v63  }
.Ltmp3:
0x98: {  	_ =	swait.ge [sflag:s22], $0x3C00;
	(pc) =	sbr.rel @p0 .LBB2_11-.Ltmp3, $4  }
0x99: {  	[sflag:s22] =	ssyncset.done $0x0  }
0x9a: {  	[sflag:s22] =	ssyncadd.s32 $0xFFFFC400  }
0x9b: {  	[bflag:$0x0] =	sbarrier.arrive $0xFFFF  }
0x9c: {  	s0 =	smov.u32 s19  }
0x9d: {  	s0 =	simm.s32 $0x0;
	s13 =	rddreg [dreg:$0x3]  }
0x9e: {  	[tilespmem:s0], [sflag:$0x5] =	stream.linear.gather [hbm4b:s13+s0], $0x1800, $0x38;
	[tilespmem:$0x1EC00] =	vst v63  }
0x9f: {  	_ =	swait.ge [sflag:s22], $0x1800  }
0xa0: {  	[sflag:s22] =	ssyncset.done $0x0  }
0xa1: {  	s18 =	rddreg [dreg:$0x4];
	[sflag:s22] =	ssyncadd.s32 $0xFFFFE800  }
0xa2: {  	[tilespmem:s23], [sflag:$0x5] =	stream.linear.gather [hbm4b:s18+s0], $0x1800, $0x38;
	[tilespmem:$0x1EC00] =	vst v63  }
0xa3: {  	_ =	swait.ge [sflag:s22], $0x1800  }
0xa4: {  	[sflag:s22] =	ssyncset.done $0x0  }
0xa5: {  	[sflag:s22] =	ssyncadd.s32 $0xFFFFE800  }
0xa6: {  	[tilespmem:s21], [sflag:$0x1] =	stream.indirect.gather [hbm4b:s4+s25], $0x80, s0, s25, $0xb8;
	[tilespmem:$0x1EC00] =	vst v63  }
0xa7: {  	_ = 	snop  }
0xa8: {  	[tilespmem:s26], [sflag:$0x2] =	stream.indirect.gather [hbm4b:s4+s25], $0x80, s25, s25, $0xb8;
	[tilespmem:$0x1EC00] =	vst v63  }
0xa9: {  	_ =	swait.ge [sflag:s28], $0x4000  }
0xaa: {  	[sflag:s28] =	ssyncset.done $0x0  }
0xab: {  	s18 =	simm.s32 $0x1800;
	[sflag:s28] =	ssyncadd.s32 $0xFFFFC000  }
0xac: {  	[spmem:s1] =	stream.indirect.scatter.add.f32 [tilespmem:s21], [sflag:$0x3], $0x80, s18, s25, $0xb8;
	[tilespmem:$0x1EC00] =	vst v63  }
0xad: {  	_ =	swait.ge [sflag:s29], $0x4000  }
0xae: {  	[sflag:s29] =	ssyncset.done $0x0  }
0xaf: {  	s13 =	simm.s32 $0x1880;
	[sflag:s29] =	ssyncadd.s32 $0xFFFFC000  }
0xb0: {  	[spmem:s1] =	stream.indirect.scatter.add.f32 [tilespmem:s26], [sflag:$0x4], $0x80, s13, s25, $0xb8;
	[tilespmem:$0x1EC00] =	vst v63  }
0xb1: {  	_ =	swait.ge [sflag:s31], $0x4000  }
0xb2: {  	[sflag:s31] =	ssyncset.done $0x0  }
0xb3: {  	s18 =	simm.s32 $0x100;
	[sflag:s31] =	ssyncadd.s32 $0xFFFFC000  }
0xb4: {  	[tilespmem:s21], [sflag:$0x1] =	stream.indirect.gather [hbm4b:s4+s25], $0x80, s18, s25, $0xb8;
	[tilespmem:$0x1EC00] =	vst v63  }
0xb5: {  	_ =	swait.ge [sflag:s12], $0x4000  }
0xb6: {  	[sflag:s12] =	ssyncset.done $0x0  }
0xb7: {  	s0 =	simm.s32 $0x400;
	s13 =	simm.s32 $0x180;
	[sflag:s12] =	ssyncadd.s32 $0xFFFFC000  }
.LBB2_5:
0xb8: {  	[tilespmem:s26], [sflag:$0x2] =	stream.indirect.gather [hbm4b:s4+s25], $0x80, s13, s25, $0xb8;
	[tilespmem:$0x1EC00] =	vst v63  }
0xb9: {  	s13 =	smov.u32 s0  }
0xba: {  	p1 =	sne.s32 s0, $0x5800;
	s0 =	sadd.s32 $0x400, s0;
	_ =	swait.ge [sflag:s28], $0x4000  }
0xbb: {  	s13 =	sshra.s32 s13, $0x2;
	[sflag:s28] =	ssyncset.done $0x0  }
0xbc: {  	s18 =	sadd.s32 $0x1800, s13;
	[sflag:s28] =	ssyncadd.s32 $0xFFFFC000  }
0xbd: {  	[spmem:s1] =	stream.indirect.scatter.add.f32 [tilespmem:s21], [sflag:$0x3], $0x80, s18, s25, $0xb8;
	[tilespmem:$0x1EC00] =	vst v63  }
0xbe: {  	_ =	swait.ge [sflag:s29], $0x4000  }
0xbf: {  	[sflag:s29] =	ssyncset.done $0x0  }
0xc0: {  	s18 =	sadd.s32 $0x1880, s13;
	[sflag:s29] =	ssyncadd.s32 $0xFFFFC000  }
0xc1: {  	[spmem:s1] =	stream.indirect.scatter.add.f32 [tilespmem:s26], [sflag:$0x4], $0x80, s18, s25, $0xb8;
	[tilespmem:$0x1EC00] =	vst v63  }
0xc2: {  	_ =	swait.ge [sflag:s31], $0x4000  }
0xc3: {  	[sflag:s31] =	ssyncset.done $0x0  }
.Ltmp4:
0xc4: {  	s18 =	sadd.s32 $0x100, s13;
	[sflag:s31] =	ssyncadd.s32 $0xFFFFC000;
	(pc) =	sbr.rel @p1 .LBB2_5-.Ltmp4, $4  }
0xc5: {  	[tilespmem:s21], [sflag:$0x1] =	stream.indirect.gather [hbm4b:s4+s25], $0x80, s18, s25, $0xb8;
	[tilespmem:$0x1EC00] =	vst v63  }
0xc6: {  	_ =	swait.ge [sflag:s12], $0x4000  }
0xc7: {  	[sflag:s12] =	ssyncset.done $0x0  }
0xc8: {  	s13 =	sadd.s32 $0x180, s13;
	[sflag:s12] =	ssyncadd.s32 $0xFFFFC000  }
0xc9: {  	[tilespmem:s26], [sflag:$0x2] =	stream.indirect.gather [hbm4b:s4+s25], $0x80, s13, s25, $0xb8;
	[tilespmem:$0x1EC00] =	vst v63  }
0xca: {  	_ =	swait.ge [sflag:s28], $0x4000  }
0xcb: {  	[sflag:s28] =	ssyncset.done $0x0  }
0xcc: {  	[sflag:s28] =	ssyncadd.s32 $0xFFFFC000  }
0xcd: {  	[spmem:s1] =	stream.indirect.scatter.add.f32 [tilespmem:s21], [sflag:$0x3], $0x80, s16, s25, $0xb8;
	[tilespmem:$0x1EC00] =	vst v63  }
0xce: {  	_ =	swait.ge [sflag:s29], $0x4000  }
0xcf: {  	[sflag:s29] =	ssyncset.done $0x0  }
0xd0: {  	[sflag:s29] =	ssyncadd.s32 $0xFFFFC000  }
0xd1: {  	[spmem:s1] =	stream.indirect.scatter.add.f32 [tilespmem:s26], [sflag:$0x4], $0x80, s17, s25, $0xb8;
	[tilespmem:$0x1EC00] =	vst v63  }
0xd2: {  	_ =	swait.ge [sflag:s31], $0x4000  }
0xd3: {  	[sflag:s31] =	ssyncset.done $0x0  }
0xd4: {  	[sflag:s31] =	ssyncadd.s32 $0xFFFFC000  }
0xd5: {  	_ =	swait.ge [sflag:s12], $0x4000  }
0xd6: {  	[sflag:s12] =	ssyncset.done $0x0  }
0xd7: {  	s0 =	simm.s32 $0x0;
	s18 =	rddreg [dreg:$0x5];
	[sflag:s12] =	ssyncadd.s32 $0xFFFFC000  }
0xd8: {  	[tilespmem:s0], [sflag:$0x5] =	stream.linear.gather [hbm4b:s18+s0], $0x1800, $0x38;
	[tilespmem:$0x1EC00] =	vst v63  }
0xd9: {  	_ =	swait.ge [sflag:s22], $0x1800  }
0xda: {  	[sflag:s22] =	ssyncset.done $0x0  }
0xdb: {  	s18 =	rddreg [dreg:$0x6];
	[sflag:s22] =	ssyncadd.s32 $0xFFFFE800  }
0xdc: {  	[tilespmem:s23], [sflag:$0x5] =	stream.linear.gather [hbm4b:s18+s0], $0x1800, $0x38;
	[tilespmem:$0x1EC00] =	vst v63  }
0xdd: {  	_ =	swait.ge [sflag:s22], $0x1800  }
0xde: {  	[sflag:s22] =	ssyncset.done $0x0  }
0xdf: {  	[sflag:s22] =	ssyncadd.s32 $0xFFFFE800  }
0xe0: {  	[tilespmem:s21], [sflag:$0x1] =	stream.indirect.gather [hbm4b:s4+s25], $0x80, s0, s25, $0xb8;
	[tilespmem:$0x1EC00] =	vst v63  }
0xe1: {  	_ = 	snop  }
0xe2: {  	[tilespmem:s26], [sflag:$0x2] =	stream.indirect.gather [hbm4b:s4+s25], $0x80, s25, s25, $0xb8;
	[tilespmem:$0x1EC00] =	vst v63  }
0xe3: {  	_ =	swait.ge [sflag:s28], $0x4000  }
0xe4: {  	[sflag:s28] =	ssyncset.done $0x0  }
0xe5: {  	s18 =	simm.s32 $0x1800;
	[sflag:s28] =	ssyncadd.s32 $0xFFFFC000  }
0xe6: {  	[spmem:s1] =	stream.indirect.scatter.add.f32 [tilespmem:s21], [sflag:$0x3], $0x80, s18, s25, $0xb8;
	[tilespmem:$0x1EC00] =	vst v63  }
0xe7: {  	_ =	swait.ge [sflag:s29], $0x4000  }
0xe8: {  	[sflag:s29] =	ssyncset.done $0x0  }
0xe9: {  	s13 =	simm.s32 $0x1880;
	[sflag:s29] =	ssyncadd.s32 $0xFFFFC000  }
0xea: {  	[spmem:s1] =	stream.indirect.scatter.add.f32 [tilespmem:s26], [sflag:$0x4], $0x80, s13, s25, $0xb8;
	[tilespmem:$0x1EC00] =	vst v63  }
0xeb: {  	_ =	swait.ge [sflag:s31], $0x4000  }
0xec: {  	[sflag:s31] =	ssyncset.done $0x0  }
0xed: {  	s18 =	simm.s32 $0x100;
	[sflag:s31] =	ssyncadd.s32 $0xFFFFC000  }
0xee: {  	[tilespmem:s21], [sflag:$0x1] =	stream.indirect.gather [hbm4b:s4+s25], $0x80, s18, s25, $0xb8;
	[tilespmem:$0x1EC00] =	vst v63  }
0xef: {  	_ =	swait.ge [sflag:s12], $0x4000  }
0xf0: {  	[sflag:s12] =	ssyncset.done $0x0  }
0xf1: {  	s0 =	simm.s32 $0x400;
	s13 =	simm.s32 $0x180;
	[sflag:s12] =	ssyncadd.s32 $0xFFFFC000  }
.LBB2_7:
0xf2: {  	[tilespmem:s26], [sflag:$0x2] =	stream.indirect.gather [hbm4b:s4+s25], $0x80, s13, s25, $0xb8;
	[tilespmem:$0x1EC00] =	vst v63  }
0xf3: {  	s13 =	smov.u32 s0  }
0xf4: {  	p1 =	sne.s32 s0, $0x5800;
	s0 =	sadd.s32 $0x400, s0;
	_ =	swait.ge [sflag:s28], $0x4000  }
0xf5: {  	s13 =	sshra.s32 s13, $0x2;
	[sflag:s28] =	ssyncset.done $0x0  }
0xf6: {  	s18 =	sadd.s32 $0x1800, s13;
	[sflag:s28] =	ssyncadd.s32 $0xFFFFC000  }
0xf7: {  	[spmem:s1] =	stream.indirect.scatter.add.f32 [tilespmem:s21], [sflag:$0x3], $0x80, s18, s25, $0xb8;
	[tilespmem:$0x1EC00] =	vst v63  }
0xf8: {  	_ =	swait.ge [sflag:s29], $0x4000  }
0xf9: {  	[sflag:s29] =	ssyncset.done $0x0  }
0xfa: {  	s18 =	sadd.s32 $0x1880, s13;
	[sflag:s29] =	ssyncadd.s32 $0xFFFFC000  }
0xfb: {  	[spmem:s1] =	stream.indirect.scatter.add.f32 [tilespmem:s26], [sflag:$0x4], $0x80, s18, s25, $0xb8;
	[tilespmem:$0x1EC00] =	vst v63  }
0xfc: {  	_ =	swait.ge [sflag:s31], $0x4000  }
0xfd: {  	[sflag:s31] =	ssyncset.done $0x0  }
.Ltmp5:
0xfe: {  	s18 =	sadd.s32 $0x100, s13;
	[sflag:s31] =	ssyncadd.s32 $0xFFFFC000;
	(pc) =	sbr.rel @p1 .LBB2_7-.Ltmp5, $4  }
0xff: {  	[tilespmem:s21], [sflag:$0x1] =	stream.indirect.gather [hbm4b:s4+s25], $0x80, s18, s25, $0xb8;
	[tilespmem:$0x1EC00] =	vst v63  }
0x100: {  	_ =	swait.ge [sflag:s12], $0x4000  }
0x101: {  	[sflag:s12] =	ssyncset.done $0x0  }
0x102: {  	s13 =	sadd.s32 $0x180, s13;
	[sflag:s12] =	ssyncadd.s32 $0xFFFFC000  }
0x103: {  	[tilespmem:s26], [sflag:$0x2] =	stream.indirect.gather [hbm4b:s4+s25], $0x80, s13, s25, $0xb8;
	[tilespmem:$0x1EC00] =	vst v63  }
0x104: {  	_ =	swait.ge [sflag:s28], $0x4000  }
0x105: {  	[sflag:s28] =	ssyncset.done $0x0  }
0x106: {  	[sflag:s28] =	ssyncadd.s32 $0xFFFFC000  }
0x107: {  	[spmem:s1] =	stream.indirect.scatter.add.f32 [tilespmem:s21], [sflag:$0x3], $0x80, s16, s25, $0xb8;
	[tilespmem:$0x1EC00] =	vst v63  }
0x108: {  	_ =	swait.ge [sflag:s29], $0x4000  }
0x109: {  	[sflag:s29] =	ssyncset.done $0x0  }
0x10a: {  	[sflag:s29] =	ssyncadd.s32 $0xFFFFC000  }
0x10b: {  	[spmem:s1] =	stream.indirect.scatter.add.f32 [tilespmem:s26], [sflag:$0x4], $0x80, s17, s25, $0xb8;
	[tilespmem:$0x1EC00] =	vst v63  }
0x10c: {  	_ =	swait.ge [sflag:s31], $0x4000  }
0x10d: {  	[sflag:s31] =	ssyncset.done $0x0  }
0x10e: {  	[sflag:s31] =	ssyncadd.s32 $0xFFFFC000  }
0x10f: {  	_ =	swait.ge [sflag:s12], $0x4000  }
0x110: {  	[sflag:s12] =	ssyncset.done $0x0  }
0x111: {  	s0 =	simm.s32 $0x0;
	s18 =	rddreg [dreg:$0x7];
	[sflag:s12] =	ssyncadd.s32 $0xFFFFC000  }
0x112: {  	[tilespmem:s0], [sflag:$0x5] =	stream.linear.gather [hbm4b:s18+s0], $0x1800, $0x38;
	[tilespmem:$0x1EC00] =	vst v63  }
0x113: {  	_ =	swait.ge [sflag:s22], $0x1800  }
0x114: {  	[sflag:s22] =	ssyncset.done $0x0  }
0x115: {  	s18 =	rddreg [dreg:$0x8];
	[sflag:s22] =	ssyncadd.s32 $0xFFFFE800  }
0x116: {  	[tilespmem:s23], [sflag:$0x5] =	stream.linear.gather [hbm4b:s18+s0], $0x1800, $0x38;
	[tilespmem:$0x1EC00] =	vst v63  }
0x117: {  	_ =	swait.ge [sflag:s22], $0x1800  }
0x118: {  	[sflag:s22] =	ssyncset.done $0x0  }
0x119: {  	[sflag:s22] =	ssyncadd.s32 $0xFFFFE800  }
0x11a: {  	[tilespmem:s21], [sflag:$0x1] =	stream.indirect.gather [hbm4b:s4+s25], $0x80, s0, s25, $0xb8;
	[tilespmem:$0x1EC00] =	vst v63  }
0x11b: {  	_ = 	snop  }
0x11c: {  	[tilespmem:s26], [sflag:$0x2] =	stream.indirect.gather [hbm4b:s4+s25], $0x80, s25, s25, $0xb8;
	[tilespmem:$0x1EC00] =	vst v63  }
0x11d: {  	_ =	swait.ge [sflag:s28], $0x4000  }
0x11e: {  	[sflag:s28] =	ssyncset.done $0x0  }
0x11f: {  	s18 =	simm.s32 $0x1800;
	[sflag:s28] =	ssyncadd.s32 $0xFFFFC000  }
0x120: {  	[spmem:s1] =	stream.indirect.scatter.add.f32 [tilespmem:s21], [sflag:$0x3], $0x80, s18, s25, $0xb8;
	[tilespmem:$0x1EC00] =	vst v63  }
0x121: {  	_ =	swait.ge [sflag:s29], $0x4000  }
0x122: {  	[sflag:s29] =	ssyncset.done $0x0  }
0x123: {  	s13 =	simm.s32 $0x1880;
	[sflag:s29] =	ssyncadd.s32 $0xFFFFC000  }
0x124: {  	[spmem:s1] =	stream.indirect.scatter.add.f32 [tilespmem:s26], [sflag:$0x4], $0x80, s13, s25, $0xb8;
	[tilespmem:$0x1EC00] =	vst v63  }
0x125: {  	_ =	swait.ge [sflag:s31], $0x4000  }
0x126: {  	[sflag:s31] =	ssyncset.done $0x0  }
0x127: {  	s18 =	simm.s32 $0x100;
	[sflag:s31] =	ssyncadd.s32 $0xFFFFC000  }
0x128: {  	[tilespmem:s21], [sflag:$0x1] =	stream.indirect.gather [hbm4b:s4+s25], $0x80, s18, s25, $0xb8;
	[tilespmem:$0x1EC00] =	vst v63  }
0x129: {  	_ =	swait.ge [sflag:s12], $0x4000  }
0x12a: {  	[sflag:s12] =	ssyncset.done $0x0  }
0x12b: {  	s0 =	simm.s32 $0x400;
	s13 =	simm.s32 $0x180;
	[sflag:s12] =	ssyncadd.s32 $0xFFFFC000  }
.LBB2_9:
0x12c: {  	[tilespmem:s26], [sflag:$0x2] =	stream.indirect.gather [hbm4b:s4+s25], $0x80, s13, s25, $0xb8;
	[tilespmem:$0x1EC00] =	vst v63  }
0x12d: {  	s13 =	smov.u32 s0  }
0x12e: {  	p1 =	sne.s32 s0, $0x5800;
	s0 =	sadd.s32 $0x400, s0;
	_ =	swait.ge [sflag:s28], $0x4000  }
0x12f: {  	s13 =	sshra.s32 s13, $0x2;
	[sflag:s28] =	ssyncset.done $0x0  }
0x130: {  	s18 =	sadd.s32 $0x1800, s13;
	[sflag:s28] =	ssyncadd.s32 $0xFFFFC000  }
0x131: {  	[spmem:s1] =	stream.indirect.scatter.add.f32 [tilespmem:s21], [sflag:$0x3], $0x80, s18, s25, $0xb8;
	[tilespmem:$0x1EC00] =	vst v63  }
0x132: {  	_ =	swait.ge [sflag:s29], $0x4000  }
0x133: {  	[sflag:s29] =	ssyncset.done $0x0  }
0x134: {  	s18 =	sadd.s32 $0x1880, s13;
	[sflag:s29] =	ssyncadd.s32 $0xFFFFC000  }
0x135: {  	[spmem:s1] =	stream.indirect.scatter.add.f32 [tilespmem:s26], [sflag:$0x4], $0x80, s18, s25, $0xb8;
	[tilespmem:$0x1EC00] =	vst v63  }
0x136: {  	_ =	swait.ge [sflag:s31], $0x4000  }
0x137: {  	[sflag:s31] =	ssyncset.done $0x0  }
.Ltmp6:
0x138: {  	s18 =	sadd.s32 $0x100, s13;
	[sflag:s31] =	ssyncadd.s32 $0xFFFFC000;
	(pc) =	sbr.rel @p1 .LBB2_9-.Ltmp6, $4  }
0x139: {  	[tilespmem:s21], [sflag:$0x1] =	stream.indirect.gather [hbm4b:s4+s25], $0x80, s18, s25, $0xb8;
	[tilespmem:$0x1EC00] =	vst v63  }
0x13a: {  	_ =	swait.ge [sflag:s12], $0x4000  }
0x13b: {  	[sflag:s12] =	ssyncset.done $0x0  }
0x13c: {  	s13 =	sadd.s32 $0x180, s13;
	[sflag:s12] =	ssyncadd.s32 $0xFFFFC000  }
.Ltmp7:
0x13d: {  	_ = 	snop;
	(pc) =	sbr.rel .LBB2_10-.Ltmp7, $1  }
0x13e: {  	_ =	sdelay $0x3  }
.LBB2_12:
0x13f: {  	_ =	sfence.sel $0x180000  }
0x140: {  	[bflag:$0x0] =	sbarrier.arrive $0xFFFF  }
0x141: {  	_ =	strace $0x90000050  }
0x142: {  	[bflag:$0x2] =	sbarrier.arrive $0xFFFF  }
0x143: {  	p0 =	sne.s32 s3, $0x0;
	s0 =	rddreg [dreg:$0x2]  }
0x144: {  	s0 =	sadd.s32 @!p0 $0x100000, s0  }
0x145: {  	[sflag:s0] =	ssyncadd.tile.s32 @!p0 $0x1;
	_ =	shalt  }
.Lfunc_end2:
_tile_overlayer_lowered:
.L_overlay_start_2:
0x146: {  	(tag) =	ssettag $0x2  }
0x147: {  	s0 =	rddreg [dreg:$0x0];
	s2 =	stileid.u32  }
0x148: {  	s1 =	rddreg [dreg:$0x1];
	p0 =	sne.s32 s2, $0x0  }
0x149: {  	s3 =	rddreg [dreg:$0x2];
	[bflag:$0x3] =	sbarrier.arrive $0xFFFF;
	s2 =	simm.s32 @!p0 $0x1C05  }
0x14a: {  	[timem:s3], [sflag:s2] =	dma.local @!p0 [hbm:s0], s1  }
0x14b: {  	s0 =	simm.s32 @!p0 $0x5  }
0x14c: {  	_ =	swait.ge @!p0 [sflag:s0], s1  }
0x14d: {  	s1 =	ssub.s32 @!p0 $0x0, s1;
	[sflag:s0] =	ssyncset.done @!p0 $0x0  }
0x14e: {  	[sflag:s0] =	ssyncadd.s32 @!p0 s1  }
0x14f: {  	[bflag:$0x3] =	sbarrier.arrive $0xFFFF  }
0x150: {  	_ =	shalt  }

</sc_bundles>
